<compile_context>
chip_gen: v7x
topology: tpu7x:2x2x1
jax: 0.10.2.dev20260603
libtpu: 0.0.44.dev20260713+nightly
codegen_flags: <defaults>
</compile_context>

<pallas_src>
import functools

import jax
import jax.numpy as jnp
import numpy as np
from jax import lax
from jax.experimental import pallas as pl
from jax.experimental.pallas import tpu as pltpu
from jax.experimental.pallas import tpu_sc as plsc

_NEG = 0.2
_F32 = jnp.float32


def _leaky(v):
    return jnp.where(v > 0, v, _NEG * v)


def _dot(a, b):
    return jnp.dot(a, b, preferred_element_type=_F32)



def _knn16(pos8, posT):
    N = pos8.shape[0]
    Bq = 256

    def body(p_ref, qt_ref, o_ref):
        P = p_ref[...]
        p2 = jnp.sum(P * P, axis=1, keepdims=True)
        qt = qt_ref[...]
        q2 = jnp.sum(qt * qt, axis=0, keepdims=True)
        d = (q2 - 2.0 * _dot(P, qt)) + p2
        iota0 = lax.broadcasted_iota(jnp.int32, (N, Bq), 0)
        inf = jnp.float32(np.inf)
        for t in range(16):
            am = jnp.argmin(d, axis=0).astype(jnp.int32)
            o_ref[t, :] = am
            d = jnp.where(iota0 == am[None, :], inf, d)

    grid = (pl.cdiv(N, Bq),)
    return pl.pallas_call(
        body,
        grid=grid,
        in_specs=[
            pl.BlockSpec((N, 8), lambda i: (0, 0)),
            pl.BlockSpec((8, Bq), lambda i: (0, i)),
        ],
        out_specs=pl.BlockSpec((16, Bq), lambda i: (0, i)),
        out_shape=jax.ShapeDtypeStruct((16, N), jnp.int32),
    )(pos8, posT)



def _gather_rows(table, idx):
    V, D = table.shape
    B = idx.shape[0]
    NW = 32
    bpw = B // NW
    c = next(cc for cc in (512, 256, 128, 64, 32, 16, 8)
             if bpw % cc == 0 and 2 * cc * D * 4 <= 460 * 1024)
    nch = bpw // c
    npair = nch // 2
    mesh = plsc.VectorSubcoreMesh(core_axis_name="c", subcore_axis_name="s")

    @functools.partial(
        pl.kernel,
        mesh=mesh,
        out_type=jax.ShapeDtypeStruct((B, D), _F32),
        scratch_types=[
            pltpu.VMEM((bpw,), jnp.int32),
            pltpu.VMEM((c, D), _F32),
            pltpu.VMEM((c, D), _F32),
            pltpu.SemaphoreType.DMA,
            pltpu.SemaphoreType.DMA,
            pltpu.SemaphoreType.DMA,
            pltpu.SemaphoreType.DMA,
        ],
    )
    def k(tab_hbm, idx_hbm, out_hbm, idx_v, r0, r1, s0, s1, p0, p1):
        wid = lax.axis_index("s") * 2 + lax.axis_index("c")
        base = wid * bpw
        pltpu.sync_copy(idx_hbm.at[pl.ds(base, bpw)], idx_v)

        def gather(j, buf, sem):
            return pltpu.async_copy(
                tab_hbm.at[idx_v.at[pl.ds(j * c, c)]], buf, sem)

        def put(j, buf, sem):
            pltpu.async_copy(buf, out_hbm.at[pl.ds(base + j * c, c)], sem)

        def drain(buf, sem):
            pltpu.make_async_copy(tab_hbm.at[pl.ds(0, c)], buf, sem).wait()

        def pair(i2, carry):
            j0 = 2 * i2

            @pl.when(i2 > 0)
            def _():
                drain(r0, p0)
            cp0 = gather(j0, r0, s0)

            @pl.when(i2 > 0)
            def _():
                drain(r1, p1)
            cp1 = gather(j0 + 1, r1, s1)

            cp0.wait()
            put(j0, r0, p0)
            cp1.wait()
            put(j0 + 1, r1, p1)
            return carry

        lax.fori_loop(0, npair, pair, 0)
        if npair:
            drain(r0, p0)
            drain(r1, p1)
        if nch % 2:
            cp = gather(nch - 1, r0, s0)
            cp.wait()
            put(nch - 1, r0, p0)
            drain(r0, p0)

    return k(table, idx)



def _tc_gather(table, idx):
    V, D = table.shape
    K = idx.shape[0]
    B = 256

    def body(i_ref, t_ref, o_ref):
        ii = i_ref[...]
        iota = lax.broadcasted_iota(jnp.int32, (B, V), 1)
        oh = (iota == ii).astype(_F32)
        o_ref[...] = _dot(oh, t_ref[...])

    return pl.pallas_call(
        body,
        grid=(pl.cdiv(K, B),),
        in_specs=[pl.BlockSpec((B, 1), lambda i: (i, 0)),
                  pl.BlockSpec((V, D), lambda i: (0, 0))],
        out_specs=pl.BlockSpec((B, D), lambda i: (i, 0)),
        out_shape=jax.ShapeDtypeStruct((K, D), _F32),
    )(idx.reshape(-1, 1), table)



def _stage0_a(xr, Wm, bm, Wsc, bsc, Win, bin_):
    N = xr.shape[0]
    E = Wsc.shape[1]
    F1 = Win.shape[1]
    B = 512

    def body(x_ref, Wm_ref, bm_ref, Ws_ref, bs_ref, Wi_ref, bi_ref,
             sc_ref, h1_ref):
        xm = _dot(x_ref[...], Wm_ref[...]) + bm_ref[...]
        sc_ref[...] = _dot(xm, Ws_ref[...]) + bs_ref[...]
        h1_ref[...] = _leaky(_dot(xm, Wi_ref[...]) + bi_ref[...])

    full = lambda a: pl.BlockSpec(a.shape, lambda i: (0, 0))
    return pl.pallas_call(
        body,
        grid=(pl.cdiv(N, B),),
        in_specs=[pl.BlockSpec((B, xr.shape[1]), lambda i: (i, 0)),
                  full(Wm), full(bm), full(Wsc), full(bsc), full(Win),
                  full(bin_)],
        out_specs=[pl.BlockSpec((B, E), lambda i: (i, 0)),
                   pl.BlockSpec((B, F1), lambda i: (i, 0))],
        out_shape=[jax.ShapeDtypeStruct((N, E), _F32),
                   jax.ShapeDtypeStruct((N, F1), _F32)],
    )(xr, Wm, bm, Wsc, bsc, Win, bin_)


def _stage_a(x, s, Wsc, bsc, Win, bin_):
    N, I = x.shape
    E = Wsc.shape[1]
    F1 = Win.shape[1]
    B = 512

    def body(x_ref, s_ref, Ws_ref, bs_ref, Wi_ref, bi_ref, sc_ref, h1_ref):
        xm = x_ref[...] * jnp.tanh(s_ref[...])
        sc_ref[...] = _dot(xm, Ws_ref[...]) + bs_ref[...]
        h1_ref[...] = _leaky(_dot(xm, Wi_ref[...]) + bi_ref[...])

    full = lambda a: pl.BlockSpec(a.shape, lambda i: (0, 0))
    return pl.pallas_call(
        body,
        grid=(pl.cdiv(N, B),),
        in_specs=[pl.BlockSpec((B, I), lambda i: (i, 0)),
                  pl.BlockSpec((B, 1), lambda i: (i, 0)),
                  full(Wsc), full(bsc), full(Win), full(bin_)],
        out_specs=[pl.BlockSpec((B, E), lambda i: (i, 0)),
                   pl.BlockSpec((B, F1), lambda i: (i, 0))],
        out_shape=[jax.ShapeDtypeStruct((N, E), _F32),
                   jax.ShapeDtypeStruct((N, F1), _F32)],
    )(x, s, Wsc, bsc, Win, bin_)


def _aggr(tab, g, Wd, Wg, b):
    N, Dp = tab.shape
    Ds = g.shape[2]
    Fo = Wd.shape[1]
    B = 512

    def body(t_ref, g_ref, Wd_ref, Wg_ref, b_ref, o_ref):
        dpart = _dot(t_ref[...], Wd_ref[...]) + b_ref[...]
        Wgv = Wg_ref[...]
        acc = None
        for t in range(16):
            v = _leaky(_dot(g_ref[t], Wgv) + dpart)
            acc = v if acc is None else jnp.maximum(acc, v)
        o_ref[...] = acc

    full = lambda a: pl.BlockSpec(a.shape, lambda i: (0, 0))
    return pl.pallas_call(
        body,
        grid=(pl.cdiv(N, B),),
        in_specs=[pl.BlockSpec((B, Dp), lambda i: (i, 0)),
                  pl.BlockSpec((16, B, Ds), lambda i: (0, i, 0)),
                  full(Wd), full(Wg), full(b)],
        out_specs=pl.BlockSpec((B, Fo), lambda i: (i, 0)),
        out_shape=jax.ShapeDtypeStruct((N, Fo), _F32),
    )(tab, g, Wd, Wg, b)


def _stage_b(h3, sc, Wout, bout, pcol, cnorm):
    N, F3 = h3.shape
    E = Wout.shape[1]
    B = 512

    def body(h_ref, s_ref, W_ref, b_ref, p_ref, c_ref, x_ref, sco_ref):
        x = _leaky(_dot(h_ref[...], W_ref[...]) + b_ref[...] + s_ref[...])
        x_ref[...] = x
        sco_ref[...] = _dot(x, p_ref[...]) / c_ref[0, 0]

    full = lambda a: pl.BlockSpec(a.shape, lambda i: (0, 0))
    return pl.pallas_call(
        body,
        grid=(pl.cdiv(N, B),),
        in_specs=[pl.BlockSpec((B, F3), lambda i: (i, 0)),
                  pl.BlockSpec((B, E), lambda i: (i, 0)),
                  full(Wout), full(bout), full(pcol), full(cnorm)],
        out_specs=[pl.BlockSpec((B, E), lambda i: (i, 0)),
                   pl.BlockSpec((B, 1), lambda i: (i, 0))],
        out_shape=[jax.ShapeDtypeStruct((N, E), _F32),
                   jax.ShapeDtypeStruct((N, 1), _F32)],
    )(h3, sc, Wout, bout, pcol, cnorm)


def _head(x, s, Wm, bm, Wc, bc, Wf, bf):
    K = x.shape[0]

    def body(x_ref, s_ref, Wm_ref, bm_ref, Wc_ref, bc_ref, Wf_ref, bf_ref,
             o_ref):
        xm = x_ref[...] * jnp.tanh(s_ref[...])
        h = _leaky(_dot(xm, Wm_ref[...]) + bm_ref[...])
        g = jnp.max(h, axis=0, keepdims=True)
        g = _leaky(_dot(g, Wc_ref[...]) + bc_ref[...])
        o_ref[...] = _dot(g, Wf_ref[...]) + bf_ref[...]

    full = lambda a: pl.BlockSpec(a.shape, lambda i: (0, 0))
    return pl.pallas_call(
        body,
        grid=(1,),
        in_specs=[full(x), full(s), full(Wm), full(bm), full(Wc), full(bc),
                  full(Wf), full(bf)],
        out_specs=pl.BlockSpec((1, 40), lambda i: (0, 0)),
        out_shape=jax.ShapeDtypeStruct((1, 40), _F32),
    )(x, s, Wm, bm, Wc, bc, Wf, bf)



def _pad_cols(a, n):
    return jnp.pad(a, ((0, 0), (0, n - a.shape[1])))


def _round128(n):
    return (n + 127) // 128 * 128


def _row(v):
    return v.reshape(1, -1)


def _split_edge_w(W, F, Dp):
    W1, W2, W3 = W[:F], W[F:2 * F], W[2 * F:]
    Wd = jnp.concatenate([W1 - W2, -W3], axis=0)
    Wg = jnp.concatenate([W2, W3], axis=0)
    pad = ((0, Dp - (F + 3)), (0, 0))
    return jnp.pad(Wd, pad), jnp.pad(Wg, pad)


def _aggr_step(h, pos, nbr, W, b, use_sc):
    N, F = h.shape
    Npad = nbr.shape[1]
    if use_sc:
        Dp = _round128(F + 3)
        tab = _pad_cols(jnp.concatenate([h, pos], axis=1), Dp)
        g = _gather_rows(tab, nbr.reshape(-1))
    else:
        Dp = (F + 3 + 7) // 8 * 8
        tab = _pad_cols(jnp.concatenate([h, pos], axis=1), Dp)
        g = _tc_gather(tab, nbr.reshape(-1))
    Wd, Wg = _split_edge_w(W, F, Dp)
    g = g.reshape(16, Npad, Dp)
    return _aggr(tab, g, Wd, Wg, _row(b))


def kernel(x, pos, batch, params):
    xr = x[:, :4, :, :].reshape(x.shape[0], -1)
    ratios = [0.5, 0.5, 0.25, 0.25]
    s = None
    cur_x = xr
    for i, st in enumerate(params["stages"]):
        N = cur_x.shape[0]
        E = st["W_sc"].shape[1]
        pos8 = _pad_cols(pos, 8)
        nbr = _knn16(pos8, pos8.T)
        use_sc = i < 2
        if use_sc:
            Npad = (N + 255) // 256 * 256
            nbr = jnp.pad(nbr, ((0, 0), (0, Npad - N)))
        if i == 0:
            sc, h1 = _stage0_a(cur_x, params["W_map"], _row(params["b_map"]),
                               st["W_sc"], _row(st["b_sc"]),
                               st["W_in"], _row(st["b_in"]))
        else:
            sc, h1 = _stage_a(cur_x, s, st["W_sc"], _row(st["b_sc"]),
                              st["W_in"], _row(st["b_in"]))
        h2 = _aggr_step(h1, pos, nbr, st["W_b0"], st["b_b0"], use_sc)
        h3 = _aggr_step(h2, pos, nbr, st["W_b1"], st["b_b1"], use_sc)
        cnorm = (jnp.linalg.norm(st["p"]) + 1e-16).reshape(1, 1)
        xs, score = _stage_b(h3, sc, st["W_out"], _row(st["b_out"]),
                             st["p"].reshape(-1, 1), cnorm)
        k = int(np.ceil(ratios[i] * N))
        _, idx = lax.top_k(score[:, 0], k)
        tab = jnp.concatenate([xs, pos, score], axis=1)
        rows = _tc_gather(tab, idx)
        cur_x = rows[:, :E]
        pos = rows[:, E:E + 3]
        s = rows[:, E + 3:E + 4]
    return _head(cur_x, s, params["W_mlp"], _row(params["b_mlp"]),
                 params["W_cls"], _row(params["b_cls"]),
                 params["W_fc"], _row(params["b_fc"]))

# --- scband reference (transcript-rebuilt; emitter-appended) ---
"""Pipeline reference for scband-net-31147102830923 (READ-ONLY COPY).

The authoritative reference and input builder live on the scoring server;
editing this copy changes nothing except your own understanding.
"""

import jax, jax.numpy as jnp
import numpy as np

NEG_SLOPE = 0.2

def leaky(x):
    return jnp.where(x > 0, x, NEG_SLOPE * x)

def knn_graph(pos, k, chunk=2000):
    # knn indices are non-differentiable (like torch_geometric.knn_graph)
    P = jax.lax.stop_gradient(pos)
    N = P.shape[0]
    p2 = jnp.sum(P * P, axis=1)
    idx_list = []
    for start in range(0, N, chunk):
        q = P[start:start + chunk]
        d = jnp.sum(q * q, axis=1)[:, None] - 2.0 * (q @ P.T) + p2[None, :]
        _, idx = jax.lax.top_k(-d, k)  # includes self (loop=True), dist 0 is max of -d
        idx_list.append(idx)
    src = jnp.concatenate(idx_list, axis=0).reshape(-1)
    dst = jnp.repeat(jnp.arange(N), k)
    return src, dst

def local_feat_aggr(src, dst, x, pos, W, b, N):
    xi = x[dst]
    xj = x[src]
    m = jnp.concatenate([xi, xj - xi, pos[src] - pos[dst]], axis=-1)
    h = leaky(m @ W + b)
    # every node has a self loop so no empty segments
    return jax.ops.segment_max(h, dst, num_segments=N)

def topk_pool(x, pos, batch, p, ratio):
    N = x.shape[0]
    k = int(np.ceil(ratio * N))
    score = (x @ p) / (jnp.linalg.norm(p) + 1e-16)
    _, idx = jax.lax.top_k(score, k)
    idx = jnp.sort(idx)
    x = x[idx] * jnp.tanh(score[idx])[:, None]
    return x, pos[idx], batch[idx]

def _forward(x, pos, batch, params):
    # feats_map (is_feats_map=False): flatten voxel features then Linear(in_feats=64 -> embed_dim=32)
    x = x[:, :4, :, :].reshape(x.shape[0], -1)
    x = x @ params["W_map"] + params["b_map"]
    ratios = [0.5, 0.5, 0.25, 0.25]
    for i, st in enumerate(params["stages"]):
        N = x.shape[0]
        src, dst = knn_graph(pos, 16)
        sc = x @ st["W_sc"] + st["b_sc"]  # shortcut, no act
        h = leaky(x @ st["W_in"] + st["b_in"])  # mlp_in
        h = local_feat_aggr(src, dst, h, pos, st["W_b0"], st["b_b0"], N)
        h = local_feat_aggr(src, dst, h, pos, st["W_b1"], st["b_b1"], N)
        h = h @ st["W_out"] + st["b_out"]  # mlp_out, no act
        x = leaky(h + sc)
        x, pos, batch = topk_pool(x, pos, batch, st["p"], ratios[i])
    # head: mlp (512->256, leaky), global max aggregation over batch, mlp_cls (256->128), fc (128->40)
    x = leaky(x @ params["W_mlp"] + params["b_mlp"])
    g = jax.ops.segment_max(x, batch, num_segments=1)
    g = leaky(g @ params["W_cls"] + params["b_cls"])
    return g @ params["W_fc"] + params["b_fc"]


def setup_inputs(seed: int = 0) -> dict:
    key = jax.random.key(seed)
    keys = jax.random.split(key, 40)
    kit = iter(keys)
    N = 10000
    x = jax.random.normal(next(kit), (N, 4, 4, 4), dtype=jnp.float32)
    pos = jax.random.uniform(next(kit), (N, 3), dtype=jnp.float32)
    batch = jnp.zeros((N,), dtype=jnp.int32)

    def lin(k, fi, fo):
        k1, k2 = jax.random.split(k)
        s = 1.0 / np.sqrt(fi)
        W = jax.random.uniform(k1, (fi, fo), jnp.float32, -s, s)
        b = jax.random.uniform(k2, (fo,), jnp.float32, -s, s)
        return W, b

    enc_chs = [32, 64, 128, 256, 512]
    stages = []
    for i in range(4):
        I, E = enc_chs[i], enc_chs[i + 1]
        st = {}
        st["W_sc"], st["b_sc"] = lin(next(kit), I, E)
        st["W_in"], st["b_in"] = lin(next(kit), I, E // 8)
        st["W_b0"], st["b_b0"] = lin(next(kit), 2 * (E // 8) + 3, E // 4)
        st["W_b1"], st["b_b1"] = lin(next(kit), 2 * (E // 4) + 3, E // 2)
        st["W_out"], st["b_out"] = lin(next(kit), E // 2, E)
        st["p"] = jax.random.normal(next(kit), (E,), jnp.float32) * 0.1
        stages.append(st)
    params = {"stages": stages}
    params["W_map"], params["b_map"] = lin(next(kit), 64, 32)
    params["W_mlp"], params["b_mlp"] = lin(next(kit), 512, 256)
    params["W_cls"], params["b_cls"] = lin(next(kit), 256, 128)
    params["W_fc"], params["b_fc"] = lin(next(kit), 128, 40)
    return {"x": x, "pos": pos, "batch": batch, "params": params}


def reference(x, pos, batch, params):
    return _forward(x, pos, batch, params)

if __name__ == "__main__":
    import jax
    _d = setup_inputs()
    print(jax.jit(kernel)(*tuple(_d.values())))

</pallas_src>

<mosaic_0001>
#map = affine_map<(d0, d1) -> (0, 0)>
#map1 = affine_map<(d0, d1) -> (0)>
module attributes {stable_mosaic.version = 14 : i64} {
  func.func @k(%arg0: i32, %arg1: i32, %arg2: memref<5000x128xf32, #tpu.memory_space<hbm>>, %arg3: memref<81920xi32, #tpu.memory_space<hbm>>, %arg4: memref<81920x128xf32, #tpu.memory_space<hbm>>, %arg5: memref<2560xi32, #tpu.memory_space<vmem>>, %arg6: memref<256x128xf32, #tpu.memory_space<vmem>>, %arg7: memref<256x128xf32, #tpu.memory_space<vmem>>, %arg8: memref<!tpu.dma_semaphore, #tpu.memory_space<semaphore_mem>>, %arg9: memref<!tpu.dma_semaphore, #tpu.memory_space<semaphore_mem>>, %arg10: memref<!tpu.dma_semaphore, #tpu.memory_space<semaphore_mem>>, %arg11: memref<!tpu.dma_semaphore, #tpu.memory_space<semaphore_mem>>) attributes {dimension_semantics = [#tpu.dimension_semantics<core_parallel>, #tpu.dimension_semantics<subcore_parallel>], iteration_bounds = array<i64: 2, 16>, scalar_prefetch = 0 : i64, scratch_operands = 7 : i64, tpu.core_type = #tpu.core_type<sc_vector_subcore>, window_params = [{transform_indices = #map}, {transform_indices = #map1}, {transform_indices = #map}]} {
    %mul3A = arith.constant 2 : i32
    %mul3A_0 = arith.muli %arg1, %mul3A : i32
    %add3A = arith.addi %mul3A_0, %arg0 : i32
    %mul3A_1 = arith.constant 2560 : i32
    %mul3A_2 = arith.muli %add3A, %mul3A_1 : i32
    "tpu.region"() ({
      %run_scoped3A = tpu.sem_alloc : memref<!tpu.dma_semaphore, #tpu.memory_space<semaphore_mem>>
      %dma_start3A = tpu.memref_slice %arg3[%mul3A_2] : memref<81920xi32, #tpu.memory_space<hbm>> -> memref<2560xi32, #tpu.memory_space<hbm>>
      %dma_start3A_19 = tpu.memref_slice %arg3[%mul3A_2] : memref<81920xi32, #tpu.memory_space<hbm>> -> memref<2560xi32, #tpu.memory_space<hbm>>
      tpu.enqueue_dma source(%dma_start3A_19 : memref<2560xi32, #tpu.memory_space<hbm>>) target(%arg5 : memref<2560xi32, #tpu.memory_space<vmem>>) target_semaphore(%run_scoped3A : memref<!tpu.dma_semaphore, #tpu.memory_space<semaphore_mem>>)
      %dma_wait3A_20 = tpu.memref_slice %arg3[%mul3A_2] : memref<81920xi32, #tpu.memory_space<hbm>> -> memref<2560xi32, #tpu.memory_space<hbm>>
      %dma_wait3A_21 = tpu.memref_slice %arg3[%mul3A_2] : memref<81920xi32, #tpu.memory_space<hbm>> -> memref<2560xi32, #tpu.memory_space<hbm>>
      tpu.wait_dma2 semaphore(%run_scoped3A : memref<!tpu.dma_semaphore, #tpu.memory_space<semaphore_mem>>) src(%dma_wait3A_21 : memref<2560xi32, #tpu.memory_space<hbm>>) dst(%arg5 : memref<2560xi32, #tpu.memory_space<vmem>>)
      tpu.yield
    }) : () -> ()
    %scan3A = arith.constant 0 : i32
    %scan3A_3 = arith.constant 0 : i32
    %scan3A_4 = arith.constant 5 : i32
    %scan3A_5 = arith.addi %scan3A_3, %scan3A_4 : i32
    %scan3A_6 = arith.constant 1 : i32
    scf.for %scan3A_19 = %scan3A_3 to %scan3A_5 step %scan3A_6  : i32 {
      %mul3A_20 = arith.constant 2 : i32
      %mul3A_21 = arith.muli %mul3A_20, %scan3A_19 : i32
      %gt3A = arith.constant 0 : i32
      %gt3A_22 = arith.cmpi sgt, %scan3A_19, %gt3A : i32
      %convert_element_type3A = arith.extui %gt3A_22 : i1 to i32
      %cond3A = arith.constant 0 : i32
      %cond3A_23 = arith.cmpi ne, %convert_element_type3A, %cond3A : i32
      scf.if %cond3A_23 {
        %dma_wait3A_66 = arith.constant 0 : i32
        %dma_wait3A_67 = arith.constant 0 : i32
        %dma_wait3A_68 = tpu.memref_slice %arg2[%dma_wait3A_66, %dma_wait3A_67] : memref<5000x128xf32, #tpu.memory_space<hbm>> -> memref<256x128xf32, #tpu.memory_space<hbm>>
        %dma_wait3A_69 = arith.constant 0 : i32
        %dma_wait3A_70 = arith.constant 0 : i32
        %dma_wait3A_71 = tpu.memref_slice %arg2[%dma_wait3A_69, %dma_wait3A_70] : memref<5000x128xf32, #tpu.memory_space<hbm>> -> memref<256x128xf32, #tpu.memory_space<hbm>>
        tpu.wait_dma2 semaphore(%arg10 : memref<!tpu.dma_semaphore, #tpu.memory_space<semaphore_mem>>) src(%dma_wait3A_71 : memref<256x128xf32, #tpu.memory_space<hbm>>) dst(%arg6 : memref<256x128xf32, #tpu.memory_space<vmem>>)
      } else {
      }
      %mul3A_24 = arith.constant 256 : i32
      %mul3A_25 = arith.muli %mul3A_21, %mul3A_24 : i32
      %dma_start3A = tpu.memref_slice %arg5[%mul3A_25] : memref<2560xi32, #tpu.memory_space<vmem>> -> memref<256xi32, #tpu.memory_space<vmem>>
      %dma_start3A_26 = arith.constant 0 : i32
      %dma_start3A_27 = arith.constant 0 : i32
      %dma_start3A_28 = tpu.memref_slice %arg2[%dma_start3A_26, %dma_start3A_27] : memref<5000x128xf32, #tpu.memory_space<hbm>> -> memref<5000x128xf32, #tpu.memory_space<hbm>>
      tpu.enqueue_indirect_dma source(%dma_start3A_28 : memref<5000x128xf32, #tpu.memory_space<hbm>>) target(%arg6 : memref<256x128xf32, #tpu.memory_space<vmem>>) offsets(%dma_start3A : memref<256xi32, #tpu.memory_space<vmem>>) semaphore(%arg8 : memref<!tpu.dma_semaphore, #tpu.memory_space<semaphore_mem>>)
      %gt3A_29 = arith.constant 0 : i32
      %gt3A_30 = arith.cmpi sgt, %scan3A_19, %gt3A_29 : i32
      %convert_element_type3A_31 = arith.extui %gt3A_30 : i1 to i32
      %cond3A_32 = arith.constant 0 : i32
      %cond3A_33 = arith.cmpi ne, %convert_element_type3A_31, %cond3A_32 : i32
      scf.if %cond3A_33 {
        %dma_wait3A_66 = arith.constant 0 : i32
        %dma_wait3A_67 = arith.constant 0 : i32
        %dma_wait3A_68 = tpu.memref_slice %arg2[%dma_wait3A_66, %dma_wait3A_67] : memref<5000x128xf32, #tpu.memory_space<hbm>> -> memref<256x128xf32, #tpu.memory_space<hbm>>
        %dma_wait3A_69 = arith.constant 0 : i32
        %dma_wait3A_70 = arith.constant 0 : i32
        %dma_wait3A_71 = tpu.memref_slice %arg2[%dma_wait3A_69, %dma_wait3A_70] : memref<5000x128xf32, #tpu.memory_space<hbm>> -> memref<256x128xf32, #tpu.memory_space<hbm>>
        tpu.wait_dma2 semaphore(%arg11 : memref<!tpu.dma_semaphore, #tpu.memory_space<semaphore_mem>>) src(%dma_wait3A_71 : memref<256x128xf32, #tpu.memory_space<hbm>>) dst(%arg7 : memref<256x128xf32, #tpu.memory_space<vmem>>)
      } else {
      }
      %add3A_34 = arith.constant 1 : i32
      %add3A_35 = arith.addi %mul3A_21, %add3A_34 : i32
      %mul3A_36 = arith.constant 256 : i32
      %mul3A_37 = arith.muli %add3A_35, %mul3A_36 : i32
      %dma_start3A_38 = tpu.memref_slice %arg5[%mul3A_37] : memref<2560xi32, #tpu.memory_space<vmem>> -> memref<256xi32, #tpu.memory_space<vmem>>
      %dma_start3A_39 = arith.constant 0 : i32
      %dma_start3A_40 = arith.constant 0 : i32
      %dma_start3A_41 = tpu.memref_slice %arg2[%dma_start3A_39, %dma_start3A_40] : memref<5000x128xf32, #tpu.memory_space<hbm>> -> memref<5000x128xf32, #tpu.memory_space<hbm>>
      tpu.enqueue_indirect_dma source(%dma_start3A_41 : memref<5000x128xf32, #tpu.memory_space<hbm>>) target(%arg7 : memref<256x128xf32, #tpu.memory_space<vmem>>) offsets(%dma_start3A_38 : memref<256xi32, #tpu.memory_space<vmem>>) semaphore(%arg9 : memref<!tpu.dma_semaphore, #tpu.memory_space<semaphore_mem>>)
      %dma_wait3A_42 = tpu.memref_slice %arg5[%mul3A_25] : memref<2560xi32, #tpu.memory_space<vmem>> -> memref<256xi32, #tpu.memory_space<vmem>>
      %dma_wait3A_43 = arith.constant 0 : i32
      %dma_wait3A_44 = arith.constant 0 : i32
      %dma_wait3A_45 = tpu.memref_slice %arg2[%dma_wait3A_43, %dma_wait3A_44] : memref<5000x128xf32, #tpu.memory_space<hbm>> -> memref<5000x128xf32, #tpu.memory_space<hbm>>
      tpu.wait_indirect_dma semaphore(%arg8 : memref<!tpu.dma_semaphore, #tpu.memory_space<semaphore_mem>>) src(%dma_wait3A_45 : memref<5000x128xf32, #tpu.memory_space<hbm>>) dst(%arg6 : memref<256x128xf32, #tpu.memory_space<vmem>>)
      %mul3A_46 = arith.constant 256 : i32
      %mul3A_47 = arith.muli %mul3A_21, %mul3A_46 : i32
      %add3A_48 = arith.addi %mul3A_2, %mul3A_47 : i32
      %dma_start3A_49 = arith.constant 0 : i32
      %dma_start3A_50 = tpu.memref_slice %arg4[%add3A_48, %dma_start3A_49] : memref<81920x128xf32, #tpu.memory_space<hbm>> -> memref<256x128xf32, #tpu.memory_space<hbm>>
      %dma_start3A_51 = arith.constant 0 : i32
      %dma_start3A_52 = tpu.memref_slice %arg4[%add3A_48, %dma_start3A_51] : memref<81920x128xf32, #tpu.memory_space<hbm>> -> memref<256x128xf32, #tpu.memory_space<hbm>>
      tpu.enqueue_dma source(%arg6 : memref<256x128xf32, #tpu.memory_space<vmem>>) target(%dma_start3A_52 : memref<256x128xf32, #tpu.memory_space<hbm>>) target_semaphore(%arg10 : memref<!tpu.dma_semaphore, #tpu.memory_space<semaphore_mem>>)
      %dma_wait3A_53 = tpu.memref_slice %arg5[%mul3A_37] : memref<2560xi32, #tpu.memory_space<vmem>> -> memref<256xi32, #tpu.memory_space<vmem>>
      %dma_wait3A_54 = arith.constant 0 : i32
      %dma_wait3A_55 = arith.constant 0 : i32
      %dma_wait3A_56 = tpu.memref_slice %arg2[%dma_wait3A_54, %dma_wait3A_55] : memref<5000x128xf32, #tpu.memory_space<hbm>> -> memref<5000x128xf32, #tpu.memory_space<hbm>>
      tpu.wait_indirect_dma semaphore(%arg9 : memref<!tpu.dma_semaphore, #tpu.memory_space<semaphore_mem>>) src(%dma_wait3A_56 : memref<5000x128xf32, #tpu.memory_space<hbm>>) dst(%arg7 : memref<256x128xf32, #tpu.memory_space<vmem>>)
      %add3A_57 = arith.constant 1 : i32
      %add3A_58 = arith.addi %mul3A_21, %add3A_57 : i32
      %mul3A_59 = arith.constant 256 : i32
      %mul3A_60 = arith.muli %add3A_58, %mul3A_59 : i32
      %add3A_61 = arith.addi %mul3A_2, %mul3A_60 : i32
      %dma_start3A_62 = arith.constant 0 : i32
      %dma_start3A_63 = tpu.memref_slice %arg4[%add3A_61, %dma_start3A_62] : memref<81920x128xf32, #tpu.memory_space<hbm>> -> memref<256x128xf32, #tpu.memory_space<hbm>>
      %dma_start3A_64 = arith.constant 0 : i32
      %dma_start3A_65 = tpu.memref_slice %arg4[%add3A_61, %dma_start3A_64] : memref<81920x128xf32, #tpu.memory_space<hbm>> -> memref<256x128xf32, #tpu.memory_space<hbm>>
      tpu.enqueue_dma source(%arg7 : memref<256x128xf32, #tpu.memory_space<vmem>>) target(%dma_start3A_65 : memref<256x128xf32, #tpu.memory_space<hbm>>) target_semaphore(%arg11 : memref<!tpu.dma_semaphore, #tpu.memory_space<semaphore_mem>>)
    }
    %scan3A_7 = arith.constant 5 : i32
    %dma_wait3A = arith.constant 0 : i32
    %dma_wait3A_8 = arith.constant 0 : i32
    %dma_wait3A_9 = tpu.memref_slice %arg2[%dma_wait3A, %dma_wait3A_8] : memref<5000x128xf32, #tpu.memory_space<hbm>> -> memref<256x128xf32, #tpu.memory_space<hbm>>
    %dma_wait3A_10 = arith.constant 0 : i32
    %dma_wait3A_11 = arith.constant 0 : i32
    %dma_wait3A_12 = tpu.memref_slice %arg2[%dma_wait3A_10, %dma_wait3A_11] : memref<5000x128xf32, #tpu.memory_space<hbm>> -> memref<256x128xf32, #tpu.memory_space<hbm>>
    tpu.wait_dma2 semaphore(%arg10 : memref<!tpu.dma_semaphore, #tpu.memory_space<semaphore_mem>>) src(%dma_wait3A_12 : memref<256x128xf32, #tpu.memory_space<hbm>>) dst(%arg6 : memref<256x128xf32, #tpu.memory_space<vmem>>)
    %dma_wait3A_13 = arith.constant 0 : i32
    %dma_wait3A_14 = arith.constant 0 : i32
    %dma_wait3A_15 = tpu.memref_slice %arg2[%dma_wait3A_13, %dma_wait3A_14] : memref<5000x128xf32, #tpu.memory_space<hbm>> -> memref<256x128xf32, #tpu.memory_space<hbm>>
    %dma_wait3A_16 = arith.constant 0 : i32
    %dma_wait3A_17 = arith.constant 0 : i32
    %dma_wait3A_18 = tpu.memref_slice %arg2[%dma_wait3A_16, %dma_wait3A_17] : memref<5000x128xf32, #tpu.memory_space<hbm>> -> memref<256x128xf32, #tpu.memory_space<hbm>>
    tpu.wait_dma2 semaphore(%arg11 : memref<!tpu.dma_semaphore, #tpu.memory_space<semaphore_mem>>) src(%dma_wait3A_18 : memref<256x128xf32, #tpu.memory_space<hbm>>) dst(%arg7 : memref<256x128xf32, #tpu.memory_space<vmem>>)
    return
  }
}

#map = affine_map<(d0, d1) -> (0, 0)>
#map1 = affine_map<(d0, d1) -> (0)>
module attributes {stable_mosaic.version = 14 : i64} {
  func.func @k(%arg0: i32, %arg1: i32, %arg2: memref<10000x128xf32, #tpu.memory_space<hbm>>, %arg3: memref<163840xi32, #tpu.memory_space<hbm>>, %arg4: memref<163840x128xf32, #tpu.memory_space<hbm>>, %arg5: memref<5120xi32, #tpu.memory_space<vmem>>, %arg6: memref<256x128xf32, #tpu.memory_space<vmem>>, %arg7: memref<256x128xf32, #tpu.memory_space<vmem>>, %arg8: memref<!tpu.dma_semaphore, #tpu.memory_space<semaphore_mem>>, %arg9: memref<!tpu.dma_semaphore, #tpu.memory_space<semaphore_mem>>, %arg10: memref<!tpu.dma_semaphore, #tpu.memory_space<semaphore_mem>>, %arg11: memref<!tpu.dma_semaphore, #tpu.memory_space<semaphore_mem>>) attributes {dimension_semantics = [#tpu.dimension_semantics<core_parallel>, #tpu.dimension_semantics<subcore_parallel>], iteration_bounds = array<i64: 2, 16>, scalar_prefetch = 0 : i64, scratch_operands = 7 : i64, tpu.core_type = #tpu.core_type<sc_vector_subcore>, window_params = [{transform_indices = #map}, {transform_indices = #map1}, {transform_indices = #map}]} {
    %mul3A = arith.constant 2 : i32
    %mul3A_0 = arith.muli %arg1, %mul3A : i32
    %add3A = arith.addi %mul3A_0, %arg0 : i32
    %mul3A_1 = arith.constant 5120 : i32
    %mul3A_2 = arith.muli %add3A, %mul3A_1 : i32
    "tpu.region"() ({
      %run_scoped3A = tpu.sem_alloc : memref<!tpu.dma_semaphore, #tpu.memory_space<semaphore_mem>>
      %dma_start3A = tpu.memref_slice %arg3[%mul3A_2] : memref<163840xi32, #tpu.memory_space<hbm>> -> memref<5120xi32, #tpu.memory_space<hbm>>
      %dma_start3A_19 = tpu.memref_slice %arg3[%mul3A_2] : memref<163840xi32, #tpu.memory_space<hbm>> -> memref<5120xi32, #tpu.memory_space<hbm>>
      tpu.enqueue_dma source(%dma_start3A_19 : memref<5120xi32, #tpu.memory_space<hbm>>) target(%arg5 : memref<5120xi32, #tpu.memory_space<vmem>>) target_semaphore(%run_scoped3A : memref<!tpu.dma_semaphore, #tpu.memory_space<semaphore_mem>>)
      %dma_wait3A_20 = tpu.memref_slice %arg3[%mul3A_2] : memref<163840xi32, #tpu.memory_space<hbm>> -> memref<5120xi32, #tpu.memory_space<hbm>>
      %dma_wait3A_21 = tpu.memref_slice %arg3[%mul3A_2] : memref<163840xi32, #tpu.memory_space<hbm>> -> memref<5120xi32, #tpu.memory_space<hbm>>
      tpu.wait_dma2 semaphore(%run_scoped3A : memref<!tpu.dma_semaphore, #tpu.memory_space<semaphore_mem>>) src(%dma_wait3A_21 : memref<5120xi32, #tpu.memory_space<hbm>>) dst(%arg5 : memref<5120xi32, #tpu.memory_space<vmem>>)
      tpu.yield
    }) : () -> ()
    %scan3A = arith.constant 0 : i32
    %scan3A_3 = arith.constant 0 : i32
    %scan3A_4 = arith.constant 10 : i32
    %scan3A_5 = arith.addi %scan3A_3, %scan3A_4 : i32
    %scan3A_6 = arith.constant 1 : i32
    scf.for %scan3A_19 = %scan3A_3 to %scan3A_5 step %scan3A_6  : i32 {
      %mul3A_20 = arith.constant 2 : i32
      %mul3A_21 = arith.muli %mul3A_20, %scan3A_19 : i32
      %gt3A = arith.constant 0 : i32
      %gt3A_22 = arith.cmpi sgt, %scan3A_19, %gt3A : i32
      %convert_element_type3A = arith.extui %gt3A_22 : i1 to i32
      %cond3A = arith.constant 0 : i32
      %cond3A_23 = arith.cmpi ne, %convert_element_type3A, %cond3A : i32
      scf.if %cond3A_23 {
        %dma_wait3A_66 = arith.constant 0 : i32
        %dma_wait3A_67 = arith.constant 0 : i32
        %dma_wait3A_68 = tpu.memref_slice %arg2[%dma_wait3A_66, %dma_wait3A_67] : memref<10000x128xf32, #tpu.memory_space<hbm>> -> memref<256x128xf32, #tpu.memory_space<hbm>>
        %dma_wait3A_69 = arith.constant 0 : i32
        %dma_wait3A_70 = arith.constant 0 : i32
        %dma_wait3A_71 = tpu.memref_slice %arg2[%dma_wait3A_69, %dma_wait3A_70] : memref<10000x128xf32, #tpu.memory_space<hbm>> -> memref<256x128xf32, #tpu.memory_space<hbm>>
        tpu.wait_dma2 semaphore(%arg10 : memref<!tpu.dma_semaphore, #tpu.memory_space<semaphore_mem>>) src(%dma_wait3A_71 : memref<256x128xf32, #tpu.memory_space<hbm>>) dst(%arg6 : memref<256x128xf32, #tpu.memory_space<vmem>>)
      } else {
      }
      %mul3A_24 = arith.constant 256 : i32
      %mul3A_25 = arith.muli %mul3A_21, %mul3A_24 : i32
      %dma_start3A = tpu.memref_slice %arg5[%mul3A_25] : memref<5120xi32, #tpu.memory_space<vmem>> -> memref<256xi32, #tpu.memory_space<vmem>>
      %dma_start3A_26 = arith.constant 0 : i32
      %dma_start3A_27 = arith.constant 0 : i32
      %dma_start3A_28 = tpu.memref_slice %arg2[%dma_start3A_26, %dma_start3A_27] : memref<10000x128xf32, #tpu.memory_space<hbm>> -> memref<10000x128xf32, #tpu.memory_space<hbm>>
      tpu.enqueue_indirect_dma source(%dma_start3A_28 : memref<10000x128xf32, #tpu.memory_space<hbm>>) target(%arg6 : memref<256x128xf32, #tpu.memory_space<vmem>>) offsets(%dma_start3A : memref<256xi32, #tpu.memory_space<vmem>>) semaphore(%arg8 : memref<!tpu.dma_semaphore, #tpu.memory_space<semaphore_mem>>)
      %gt3A_29 = arith.constant 0 : i32
      %gt3A_30 = arith.cmpi sgt, %scan3A_19, %gt3A_29 : i32
      %convert_element_type3A_31 = arith.extui %gt3A_30 : i1 to i32
      %cond3A_32 = arith.constant 0 : i32
      %cond3A_33 = arith.cmpi ne, %convert_element_type3A_31, %cond3A_32 : i32
      scf.if %cond3A_33 {
        %dma_wait3A_66 = arith.constant 0 : i32
        %dma_wait3A_67 = arith.constant 0 : i32
        %dma_wait3A_68 = tpu.memref_slice %arg2[%dma_wait3A_66, %dma_wait3A_67] : memref<10000x128xf32, #tpu.memory_space<hbm>> -> memref<256x128xf32, #tpu.memory_space<hbm>>
        %dma_wait3A_69 = arith.constant 0 : i32
        %dma_wait3A_70 = arith.constant 0 : i32
        %dma_wait3A_71 = tpu.memref_slice %arg2[%dma_wait3A_69, %dma_wait3A_70] : memref<10000x128xf32, #tpu.memory_space<hbm>> -> memref<256x128xf32, #tpu.memory_space<hbm>>
        tpu.wait_dma2 semaphore(%arg11 : memref<!tpu.dma_semaphore, #tpu.memory_space<semaphore_mem>>) src(%dma_wait3A_71 : memref<256x128xf32, #tpu.memory_space<hbm>>) dst(%arg7 : memref<256x128xf32, #tpu.memory_space<vmem>>)
      } else {
      }
      %add3A_34 = arith.constant 1 : i32
      %add3A_35 = arith.addi %mul3A_21, %add3A_34 : i32
      %mul3A_36 = arith.constant 256 : i32
      %mul3A_37 = arith.muli %add3A_35, %mul3A_36 : i32
      %dma_start3A_38 = tpu.memref_slice %arg5[%mul3A_37] : memref<5120xi32, #tpu.memory_space<vmem>> -> memref<256xi32, #tpu.memory_space<vmem>>
      %dma_start3A_39 = arith.constant 0 : i32
      %dma_start3A_40 = arith.constant 0 : i32
      %dma_start3A_41 = tpu.memref_slice %arg2[%dma_start3A_39, %dma_start3A_40] : memref<10000x128xf32, #tpu.memory_space<hbm>> -> memref<10000x128xf32, #tpu.memory_space<hbm>>
      tpu.enqueue_indirect_dma source(%dma_start3A_41 : memref<10000x128xf32, #tpu.memory_space<hbm>>) target(%arg7 : memref<256x128xf32, #tpu.memory_space<vmem>>) offsets(%dma_start3A_38 : memref<256xi32, #tpu.memory_space<vmem>>) semaphore(%arg9 : memref<!tpu.dma_semaphore, #tpu.memory_space<semaphore_mem>>)
      %dma_wait3A_42 = tpu.memref_slice %arg5[%mul3A_25] : memref<5120xi32, #tpu.memory_space<vmem>> -> memref<256xi32, #tpu.memory_space<vmem>>
      %dma_wait3A_43 = arith.constant 0 : i32
      %dma_wait3A_44 = arith.constant 0 : i32
      %dma_wait3A_45 = tpu.memref_slice %arg2[%dma_wait3A_43, %dma_wait3A_44] : memref<10000x128xf32, #tpu.memory_space<hbm>> -> memref<10000x128xf32, #tpu.memory_space<hbm>>
      tpu.wait_indirect_dma semaphore(%arg8 : memref<!tpu.dma_semaphore, #tpu.memory_space<semaphore_mem>>) src(%dma_wait3A_45 : memref<10000x128xf32, #tpu.memory_space<hbm>>) dst(%arg6 : memref<256x128xf32, #tpu.memory_space<vmem>>)
      %mul3A_46 = arith.constant 256 : i32
      %mul3A_47 = arith.muli %mul3A_21, %mul3A_46 : i32
      %add3A_48 = arith.addi %mul3A_2, %mul3A_47 : i32
      %dma_start3A_49 = arith.constant 0 : i32
      %dma_start3A_50 = tpu.memref_slice %arg4[%add3A_48, %dma_start3A_49] : memref<163840x128xf32, #tpu.memory_space<hbm>> -> memref<256x128xf32, #tpu.memory_space<hbm>>
      %dma_start3A_51 = arith.constant 0 : i32
      %dma_start3A_52 = tpu.memref_slice %arg4[%add3A_48, %dma_start3A_51] : memref<163840x128xf32, #tpu.memory_space<hbm>> -> memref<256x128xf32, #tpu.memory_space<hbm>>
      tpu.enqueue_dma source(%arg6 : memref<256x128xf32, #tpu.memory_space<vmem>>) target(%dma_start3A_52 : memref<256x128xf32, #tpu.memory_space<hbm>>) target_semaphore(%arg10 : memref<!tpu.dma_semaphore, #tpu.memory_space<semaphore_mem>>)
      %dma_wait3A_53 = tpu.memref_slice %arg5[%mul3A_37] : memref<5120xi32, #tpu.memory_space<vmem>> -> memref<256xi32, #tpu.memory_space<vmem>>
      %dma_wait3A_54 = arith.constant 0 : i32
      %dma_wait3A_55 = arith.constant 0 : i32
      %dma_wait3A_56 = tpu.memref_slice %arg2[%dma_wait3A_54, %dma_wait3A_55] : memref<10000x128xf32, #tpu.memory_space<hbm>> -> memref<10000x128xf32, #tpu.memory_space<hbm>>
      tpu.wait_indirect_dma semaphore(%arg9 : memref<!tpu.dma_semaphore, #tpu.memory_space<semaphore_mem>>) src(%dma_wait3A_56 : memref<10000x128xf32, #tpu.memory_space<hbm>>) dst(%arg7 : memref<256x128xf32, #tpu.memory_space<vmem>>)
      %add3A_57 = arith.constant 1 : i32
      %add3A_58 = arith.addi %mul3A_21, %add3A_57 : i32
      %mul3A_59 = arith.constant 256 : i32
      %mul3A_60 = arith.muli %add3A_58, %mul3A_59 : i32
      %add3A_61 = arith.addi %mul3A_2, %mul3A_60 : i32
      %dma_start3A_62 = arith.constant 0 : i32
      %dma_start3A_63 = tpu.memref_slice %arg4[%add3A_61, %dma_start3A_62] : memref<163840x128xf32, #tpu.memory_space<hbm>> -> memref<256x128xf32, #tpu.memory_space<hbm>>
      %dma_start3A_64 = arith.constant 0 : i32
      %dma_start3A_65 = tpu.memref_slice %arg4[%add3A_61, %dma_start3A_64] : memref<163840x128xf32, #tpu.memory_space<hbm>> -> memref<256x128xf32, #tpu.memory_space<hbm>>
      tpu.enqueue_dma source(%arg7 : memref<256x128xf32, #tpu.memory_space<vmem>>) target(%dma_start3A_65 : memref<256x128xf32, #tpu.memory_space<hbm>>) target_semaphore(%arg11 : memref<!tpu.dma_semaphore, #tpu.memory_space<semaphore_mem>>)
    }
    %scan3A_7 = arith.constant 10 : i32
    %dma_wait3A = arith.constant 0 : i32
    %dma_wait3A_8 = arith.constant 0 : i32
    %dma_wait3A_9 = tpu.memref_slice %arg2[%dma_wait3A, %dma_wait3A_8] : memref<10000x128xf32, #tpu.memory_space<hbm>> -> memref<256x128xf32, #tpu.memory_space<hbm>>
    %dma_wait3A_10 = arith.constant 0 : i32
    %dma_wait3A_11 = arith.constant 0 : i32
    %dma_wait3A_12 = tpu.memref_slice %arg2[%dma_wait3A_10, %dma_wait3A_11] : memref<10000x128xf32, #tpu.memory_space<hbm>> -> memref<256x128xf32, #tpu.memory_space<hbm>>
    tpu.wait_dma2 semaphore(%arg10 : memref<!tpu.dma_semaphore, #tpu.memory_space<semaphore_mem>>) src(%dma_wait3A_12 : memref<256x128xf32, #tpu.memory_space<hbm>>) dst(%arg6 : memref<256x128xf32, #tpu.memory_space<vmem>>)
    %dma_wait3A_13 = arith.constant 0 : i32
    %dma_wait3A_14 = arith.constant 0 : i32
    %dma_wait3A_15 = tpu.memref_slice %arg2[%dma_wait3A_13, %dma_wait3A_14] : memref<10000x128xf32, #tpu.memory_space<hbm>> -> memref<256x128xf32, #tpu.memory_space<hbm>>
    %dma_wait3A_16 = arith.constant 0 : i32
    %dma_wait3A_17 = arith.constant 0 : i32
    %dma_wait3A_18 = tpu.memref_slice %arg2[%dma_wait3A_16, %dma_wait3A_17] : memref<10000x128xf32, #tpu.memory_space<hbm>> -> memref<256x128xf32, #tpu.memory_space<hbm>>
    tpu.wait_dma2 semaphore(%arg11 : memref<!tpu.dma_semaphore, #tpu.memory_space<semaphore_mem>>) src(%dma_wait3A_18 : memref<256x128xf32, #tpu.memory_space<hbm>>) dst(%arg7 : memref<256x128xf32, #tpu.memory_space<vmem>>)
    return
  }
}

#map = affine_map<(d0, d1) -> (0, 0)>
#map1 = affine_map<(d0, d1) -> (0)>
module attributes {stable_mosaic.version = 14 : i64} {
  func.func @k(%arg0: i32, %arg1: i32, %arg2: memref<5000x128xf32, #tpu.memory_space<hbm>>, %arg3: memref<81920xi32, #tpu.memory_space<hbm>>, %arg4: memref<81920x128xf32, #tpu.memory_space<hbm>>, %arg5: memref<2560xi32, #tpu.memory_space<vmem>>, %arg6: memref<256x128xf32, #tpu.memory_space<vmem>>, %arg7: memref<256x128xf32, #tpu.memory_space<vmem>>, %arg8: memref<!tpu.dma_semaphore, #tpu.memory_space<semaphore_mem>>, %arg9: memref<!tpu.dma_semaphore, #tpu.memory_space<semaphore_mem>>, %arg10: memref<!tpu.dma_semaphore, #tpu.memory_space<semaphore_mem>>, %arg11: memref<!tpu.dma_semaphore, #tpu.memory_space<semaphore_mem>>) attributes {dimension_semantics = [#tpu.dimension_semantics<core_parallel>, #tpu.dimension_semantics<subcore_parallel>], iteration_bounds = array<i64: 2, 16>, scalar_prefetch = 0 : i64, scratch_operands = 7 : i64, tpu.core_type = #tpu.core_type<sc_vector_subcore>, window_params = [{transform_indices = #map}, {transform_indices = #map1}, {transform_indices = #map}]} {
    %mul3A = arith.constant 2 : i32
    %mul3A_0 = arith.muli %arg1, %mul3A : i32
    %add3A = arith.addi %mul3A_0, %arg0 : i32
    %mul3A_1 = arith.constant 2560 : i32
    %mul3A_2 = arith.muli %add3A, %mul3A_1 : i32
    "tpu.region"() ({
      %run_scoped3A = tpu.sem_alloc : memref<!tpu.dma_semaphore, #tpu.memory_space<semaphore_mem>>
      %dma_start3A = tpu.memref_slice %arg3[%mul3A_2] : memref<81920xi32, #tpu.memory_space<hbm>> -> memref<2560xi32, #tpu.memory_space<hbm>>
      %dma_start3A_19 = tpu.memref_slice %arg3[%mul3A_2] : memref<81920xi32, #tpu.memory_space<hbm>> -> memref<2560xi32, #tpu.memory_space<hbm>>
      tpu.enqueue_dma source(%dma_start3A_19 : memref<2560xi32, #tpu.memory_space<hbm>>) target(%arg5 : memref<2560xi32, #tpu.memory_space<vmem>>) target_semaphore(%run_scoped3A : memref<!tpu.dma_semaphore, #tpu.memory_space<semaphore_mem>>)
      %dma_wait3A_20 = tpu.memref_slice %arg3[%mul3A_2] : memref<81920xi32, #tpu.memory_space<hbm>> -> memref<2560xi32, #tpu.memory_space<hbm>>
      %dma_wait3A_21 = tpu.memref_slice %arg3[%mul3A_2] : memref<81920xi32, #tpu.memory_space<hbm>> -> memref<2560xi32, #tpu.memory_space<hbm>>
      tpu.wait_dma2 semaphore(%run_scoped3A : memref<!tpu.dma_semaphore, #tpu.memory_space<semaphore_mem>>) src(%dma_wait3A_21 : memref<2560xi32, #tpu.memory_space<hbm>>) dst(%arg5 : memref<2560xi32, #tpu.memory_space<vmem>>)
      tpu.yield
    }) : () -> ()
    %scan3A = arith.constant 0 : i32
    %scan3A_3 = arith.constant 0 : i32
    %scan3A_4 = arith.constant 5 : i32
    %scan3A_5 = arith.addi %scan3A_3, %scan3A_4 : i32
    %scan3A_6 = arith.constant 1 : i32
    scf.for %scan3A_19 = %scan3A_3 to %scan3A_5 step %scan3A_6  : i32 {
      %mul3A_20 = arith.constant 2 : i32
      %mul3A_21 = arith.muli %mul3A_20, %scan3A_19 : i32
      %gt3A = arith.constant 0 : i32
      %gt3A_22 = arith.cmpi sgt, %scan3A_19, %gt3A : i32
      %convert_element_type3A = arith.extui %gt3A_22 : i1 to i32
      %cond3A = arith.constant 0 : i32
      %cond3A_23 = arith.cmpi ne, %convert_element_type3A, %cond3A : i32
      scf.if %cond3A_23 {
        %dma_wait3A_66 = arith.constant 0 : i32
        %dma_wait3A_67 = arith.constant 0 : i32
        %dma_wait3A_68 = tpu.memref_slice %arg2[%dma_wait3A_66, %dma_wait3A_67] : memref<5000x128xf32, #tpu.memory_space<hbm>> -> memref<256x128xf32, #tpu.memory_space<hbm>>
        %dma_wait3A_69 = arith.constant 0 : i32
        %dma_wait3A_70 = arith.constant 0 : i32
        %dma_wait3A_71 = tpu.memref_slice %arg2[%dma_wait3A_69, %dma_wait3A_70] : memref<5000x128xf32, #tpu.memory_space<hbm>> -> memref<256x128xf32, #tpu.memory_space<hbm>>
        tpu.wait_dma2 semaphore(%arg10 : memref<!tpu.dma_semaphore, #tpu.memory_space<semaphore_mem>>) src(%dma_wait3A_71 : memref<256x128xf32, #tpu.memory_space<hbm>>) dst(%arg6 : memref<256x128xf32, #tpu.memory_space<vmem>>)
      } else {
      }
      %mul3A_24 = arith.constant 256 : i32
      %mul3A_25 = arith.muli %mul3A_21, %mul3A_24 : i32
      %dma_start3A = tpu.memref_slice %arg5[%mul3A_25] : memref<2560xi32, #tpu.memory_space<vmem>> -> memref<256xi32, #tpu.memory_space<vmem>>
      %dma_start3A_26 = arith.constant 0 : i32
      %dma_start3A_27 = arith.constant 0 : i32
      %dma_start3A_28 = tpu.memref_slice %arg2[%dma_start3A_26, %dma_start3A_27] : memref<5000x128xf32, #tpu.memory_space<hbm>> -> memref<5000x128xf32, #tpu.memory_space<hbm>>
      tpu.enqueue_indirect_dma source(%dma_start3A_28 : memref<5000x128xf32, #tpu.memory_space<hbm>>) target(%arg6 : memref<256x128xf32, #tpu.memory_space<vmem>>) offsets(%dma_start3A : memref<256xi32, #tpu.memory_space<vmem>>) semaphore(%arg8 : memref<!tpu.dma_semaphore, #tpu.memory_space<semaphore_mem>>)
      %gt3A_29 = arith.constant 0 : i32
      %gt3A_30 = arith.cmpi sgt, %scan3A_19, %gt3A_29 : i32
      %convert_element_type3A_31 = arith.extui %gt3A_30 : i1 to i32
      %cond3A_32 = arith.constant 0 : i32
      %cond3A_33 = arith.cmpi ne, %convert_element_type3A_31, %cond3A_32 : i32
      scf.if %cond3A_33 {
        %dma_wait3A_66 = arith.constant 0 : i32
        %dma_wait3A_67 = arith.constant 0 : i32
        %dma_wait3A_68 = tpu.memref_slice %arg2[%dma_wait3A_66, %dma_wait3A_67] : memref<5000x128xf32, #tpu.memory_space<hbm>> -> memref<256x128xf32, #tpu.memory_space<hbm>>
        %dma_wait3A_69 = arith.constant 0 : i32
        %dma_wait3A_70 = arith.constant 0 : i32
        %dma_wait3A_71 = tpu.memref_slice %arg2[%dma_wait3A_69, %dma_wait3A_70] : memref<5000x128xf32, #tpu.memory_space<hbm>> -> memref<256x128xf32, #tpu.memory_space<hbm>>
        tpu.wait_dma2 semaphore(%arg11 : memref<!tpu.dma_semaphore, #tpu.memory_space<semaphore_mem>>) src(%dma_wait3A_71 : memref<256x128xf32, #tpu.memory_space<hbm>>) dst(%arg7 : memref<256x128xf32, #tpu.memory_space<vmem>>)
      } else {
      }
      %add3A_34 = arith.constant 1 : i32
      %add3A_35 = arith.addi %mul3A_21, %add3A_34 : i32
      %mul3A_36 = arith.constant 256 : i32
      %mul3A_37 = arith.muli %add3A_35, %mul3A_36 : i32
      %dma_start3A_38 = tpu.memref_slice %arg5[%mul3A_37] : memref<2560xi32, #tpu.memory_space<vmem>> -> memref<256xi32, #tpu.memory_space<vmem>>
      %dma_start3A_39 = arith.constant 0 : i32
      %dma_start3A_40 = arith.constant 0 : i32
      %dma_start3A_41 = tpu.memref_slice %arg2[%dma_start3A_39, %dma_start3A_40] : memref<5000x128xf32, #tpu.memory_space<hbm>> -> memref<5000x128xf32, #tpu.memory_space<hbm>>
      tpu.enqueue_indirect_dma source(%dma_start3A_41 : memref<5000x128xf32, #tpu.memory_space<hbm>>) target(%arg7 : memref<256x128xf32, #tpu.memory_space<vmem>>) offsets(%dma_start3A_38 : memref<256xi32, #tpu.memory_space<vmem>>) semaphore(%arg9 : memref<!tpu.dma_semaphore, #tpu.memory_space<semaphore_mem>>)
      %dma_wait3A_42 = tpu.memref_slice %arg5[%mul3A_25] : memref<2560xi32, #tpu.memory_space<vmem>> -> memref<256xi32, #tpu.memory_space<vmem>>
      %dma_wait3A_43 = arith.constant 0 : i32
      %dma_wait3A_44 = arith.constant 0 : i32
      %dma_wait3A_45 = tpu.memref_slice %arg2[%dma_wait3A_43, %dma_wait3A_44] : memref<5000x128xf32, #tpu.memory_space<hbm>> -> memref<5000x128xf32, #tpu.memory_space<hbm>>
      tpu.wait_indirect_dma semaphore(%arg8 : memref<!tpu.dma_semaphore, #tpu.memory_space<semaphore_mem>>) src(%dma_wait3A_45 : memref<5000x128xf32, #tpu.memory_space<hbm>>) dst(%arg6 : memref<256x128xf32, #tpu.memory_space<vmem>>)
      %mul3A_46 = arith.constant 256 : i32
      %mul3A_47 = arith.muli %mul3A_21, %mul3A_46 : i32
      %add3A_48 = arith.addi %mul3A_2, %mul3A_47 : i32
      %dma_start3A_49 = arith.constant 0 : i32
      %dma_start3A_50 = tpu.memref_slice %arg4[%add3A_48, %dma_start3A_49] : memref<81920x128xf32, #tpu.memory_space<hbm>> -> memref<256x128xf32, #tpu.memory_space<hbm>>
      %dma_start3A_51 = arith.constant 0 : i32
      %dma_start3A_52 = tpu.memref_slice %arg4[%add3A_48, %dma_start3A_51] : memref<81920x128xf32, #tpu.memory_space<hbm>> -> memref<256x128xf32, #tpu.memory_space<hbm>>
      tpu.enqueue_dma source(%arg6 : memref<256x128xf32, #tpu.memory_space<vmem>>) target(%dma_start3A_52 : memref<256x128xf32, #tpu.memory_space<hbm>>) target_semaphore(%arg10 : memref<!tpu.dma_semaphore, #tpu.memory_space<semaphore_mem>>)
      %dma_wait3A_53 = tpu.memref_slice %arg5[%mul3A_37] : memref<2560xi32, #tpu.memory_space<vmem>> -> memref<256xi32, #tpu.memory_space<vmem>>
      %dma_wait3A_54 = arith.constant 0 : i32
      %dma_wait3A_55 = arith.constant 0 : i32
      %dma_wait3A_56 = tpu.memref_slice %arg2[%dma_wait3A_54, %dma_wait3A_55] : memref<5000x128xf32, #tpu.memory_space<hbm>> -> memref<5000x128xf32, #tpu.memory_space<hbm>>
      tpu.wait_indirect_dma semaphore(%arg9 : memref<!tpu.dma_semaphore, #tpu.memory_space<semaphore_mem>>) src(%dma_wait3A_56 : memref<5000x128xf32, #tpu.memory_space<hbm>>) dst(%arg7 : memref<256x128xf32, #tpu.memory_space<vmem>>)
      %add3A_57 = arith.constant 1 : i32
      %add3A_58 = arith.addi %mul3A_21, %add3A_57 : i32
      %mul3A_59 = arith.constant 256 : i32
      %mul3A_60 = arith.muli %add3A_58, %mul3A_59 : i32
      %add3A_61 = arith.addi %mul3A_2, %mul3A_60 : i32
      %dma_start3A_62 = arith.constant 0 : i32
      %dma_start3A_63 = tpu.memref_slice %arg4[%add3A_61, %dma_start3A_62] : memref<81920x128xf32, #tpu.memory_space<hbm>> -> memref<256x128xf32, #tpu.memory_space<hbm>>
      %dma_start3A_64 = arith.constant 0 : i32
      %dma_start3A_65 = tpu.memref_slice %arg4[%add3A_61, %dma_start3A_64] : memref<81920x128xf32, #tpu.memory_space<hbm>> -> memref<256x128xf32, #tpu.memory_space<hbm>>
      tpu.enqueue_dma source(%arg7 : memref<256x128xf32, #tpu.memory_space<vmem>>) target(%dma_start3A_65 : memref<256x128xf32, #tpu.memory_space<hbm>>) target_semaphore(%arg11 : memref<!tpu.dma_semaphore, #tpu.memory_space<semaphore_mem>>)
    }
    %scan3A_7 = arith.constant 5 : i32
    %dma_wait3A = arith.constant 0 : i32
    %dma_wait3A_8 = arith.constant 0 : i32
    %dma_wait3A_9 = tpu.memref_slice %arg2[%dma_wait3A, %dma_wait3A_8] : memref<5000x128xf32, #tpu.memory_space<hbm>> -> memref<256x128xf32, #tpu.memory_space<hbm>>
    %dma_wait3A_10 = arith.constant 0 : i32
    %dma_wait3A_11 = arith.constant 0 : i32
    %dma_wait3A_12 = tpu.memref_slice %arg2[%dma_wait3A_10, %dma_wait3A_11] : memref<5000x128xf32, #tpu.memory_space<hbm>> -> memref<256x128xf32, #tpu.memory_space<hbm>>
    tpu.wait_dma2 semaphore(%arg10 : memref<!tpu.dma_semaphore, #tpu.memory_space<semaphore_mem>>) src(%dma_wait3A_12 : memref<256x128xf32, #tpu.memory_space<hbm>>) dst(%arg6 : memref<256x128xf32, #tpu.memory_space<vmem>>)
    %dma_wait3A_13 = arith.constant 0 : i32
    %dma_wait3A_14 = arith.constant 0 : i32
    %dma_wait3A_15 = tpu.memref_slice %arg2[%dma_wait3A_13, %dma_wait3A_14] : memref<5000x128xf32, #tpu.memory_space<hbm>> -> memref<256x128xf32, #tpu.memory_space<hbm>>
    %dma_wait3A_16 = arith.constant 0 : i32
    %dma_wait3A_17 = arith.constant 0 : i32
    %dma_wait3A_18 = tpu.memref_slice %arg2[%dma_wait3A_16, %dma_wait3A_17] : memref<5000x128xf32, #tpu.memory_space<hbm>> -> memref<256x128xf32, #tpu.memory_space<hbm>>
    tpu.wait_dma2 semaphore(%arg11 : memref<!tpu.dma_semaphore, #tpu.memory_space<semaphore_mem>>) src(%dma_wait3A_18 : memref<256x128xf32, #tpu.memory_space<hbm>>) dst(%arg7 : memref<256x128xf32, #tpu.memory_space<vmem>>)
    return
  }
}

#map = affine_map<(d0, d1) -> (0, 0)>
#map1 = affine_map<(d0, d1) -> (0)>
module attributes {stable_mosaic.version = 14 : i64} {
  func.func @k(%arg0: i32, %arg1: i32, %arg2: memref<10000x128xf32, #tpu.memory_space<hbm>>, %arg3: memref<163840xi32, #tpu.memory_space<hbm>>, %arg4: memref<163840x128xf32, #tpu.memory_space<hbm>>, %arg5: memref<5120xi32, #tpu.memory_space<vmem>>, %arg6: memref<256x128xf32, #tpu.memory_space<vmem>>, %arg7: memref<256x128xf32, #tpu.memory_space<vmem>>, %arg8: memref<!tpu.dma_semaphore, #tpu.memory_space<semaphore_mem>>, %arg9: memref<!tpu.dma_semaphore, #tpu.memory_space<semaphore_mem>>, %arg10: memref<!tpu.dma_semaphore, #tpu.memory_space<semaphore_mem>>, %arg11: memref<!tpu.dma_semaphore, #tpu.memory_space<semaphore_mem>>) attributes {dimension_semantics = [#tpu.dimension_semantics<core_parallel>, #tpu.dimension_semantics<subcore_parallel>], iteration_bounds = array<i64: 2, 16>, scalar_prefetch = 0 : i64, scratch_operands = 7 : i64, tpu.core_type = #tpu.core_type<sc_vector_subcore>, window_params = [{transform_indices = #map}, {transform_indices = #map1}, {transform_indices = #map}]} {
    %mul3A = arith.constant 2 : i32
    %mul3A_0 = arith.muli %arg1, %mul3A : i32
    %add3A = arith.addi %mul3A_0, %arg0 : i32
    %mul3A_1 = arith.constant 5120 : i32
    %mul3A_2 = arith.muli %add3A, %mul3A_1 : i32
    "tpu.region"() ({
      %run_scoped3A = tpu.sem_alloc : memref<!tpu.dma_semaphore, #tpu.memory_space<semaphore_mem>>
      %dma_start3A = tpu.memref_slice %arg3[%mul3A_2] : memref<163840xi32, #tpu.memory_space<hbm>> -> memref<5120xi32, #tpu.memory_space<hbm>>
      %dma_start3A_19 = tpu.memref_slice %arg3[%mul3A_2] : memref<163840xi32, #tpu.memory_space<hbm>> -> memref<5120xi32, #tpu.memory_space<hbm>>
      tpu.enqueue_dma source(%dma_start3A_19 : memref<5120xi32, #tpu.memory_space<hbm>>) target(%arg5 : memref<5120xi32, #tpu.memory_space<vmem>>) target_semaphore(%run_scoped3A : memref<!tpu.dma_semaphore, #tpu.memory_space<semaphore_mem>>)
      %dma_wait3A_20 = tpu.memref_slice %arg3[%mul3A_2] : memref<163840xi32, #tpu.memory_space<hbm>> -> memref<5120xi32, #tpu.memory_space<hbm>>
      %dma_wait3A_21 = tpu.memref_slice %arg3[%mul3A_2] : memref<163840xi32, #tpu.memory_space<hbm>> -> memref<5120xi32, #tpu.memory_space<hbm>>
      tpu.wait_dma2 semaphore(%run_scoped3A : memref<!tpu.dma_semaphore, #tpu.memory_space<semaphore_mem>>) src(%dma_wait3A_21 : memref<5120xi32, #tpu.memory_space<hbm>>) dst(%arg5 : memref<5120xi32, #tpu.memory_space<vmem>>)
      tpu.yield
    }) : () -> ()
    %scan3A = arith.constant 0 : i32
    %scan3A_3 = arith.constant 0 : i32
    %scan3A_4 = arith.constant 10 : i32
    %scan3A_5 = arith.addi %scan3A_3, %scan3A_4 : i32
    %scan3A_6 = arith.constant 1 : i32
    scf.for %scan3A_19 = %scan3A_3 to %scan3A_5 step %scan3A_6  : i32 {
      %mul3A_20 = arith.constant 2 : i32
      %mul3A_21 = arith.muli %mul3A_20, %scan3A_19 : i32
      %gt3A = arith.constant 0 : i32
      %gt3A_22 = arith.cmpi sgt, %scan3A_19, %gt3A : i32
      %convert_element_type3A = arith.extui %gt3A_22 : i1 to i32
      %cond3A = arith.constant 0 : i32
      %cond3A_23 = arith.cmpi ne, %convert_element_type3A, %cond3A : i32
      scf.if %cond3A_23 {
        %dma_wait3A_66 = arith.constant 0 : i32
        %dma_wait3A_67 = arith.constant 0 : i32
        %dma_wait3A_68 = tpu.memref_slice %arg2[%dma_wait3A_66, %dma_wait3A_67] : memref<10000x128xf32, #tpu.memory_space<hbm>> -> memref<256x128xf32, #tpu.memory_space<hbm>>
        %dma_wait3A_69 = arith.constant 0 : i32
        %dma_wait3A_70 = arith.constant 0 : i32
        %dma_wait3A_71 = tpu.memref_slice %arg2[%dma_wait3A_69, %dma_wait3A_70] : memref<10000x128xf32, #tpu.memory_space<hbm>> -> memref<256x128xf32, #tpu.memory_space<hbm>>
        tpu.wait_dma2 semaphore(%arg10 : memref<!tpu.dma_semaphore, #tpu.memory_space<semaphore_mem>>) src(%dma_wait3A_71 : memref<256x128xf32, #tpu.memory_space<hbm>>) dst(%arg6 : memref<256x128xf32, #tpu.memory_space<vmem>>)
      } else {
      }
      %mul3A_24 = arith.constant 256 : i32
      %mul3A_25 = arith.muli %mul3A_21, %mul3A_24 : i32
      %dma_start3A = tpu.memref_slice %arg5[%mul3A_25] : memref<5120xi32, #tpu.memory_space<vmem>> -> memref<256xi32, #tpu.memory_space<vmem>>
      %dma_start3A_26 = arith.constant 0 : i32
      %dma_start3A_27 = arith.constant 0 : i32
      %dma_start3A_28 = tpu.memref_slice %arg2[%dma_start3A_26, %dma_start3A_27] : memref<10000x128xf32, #tpu.memory_space<hbm>> -> memref<10000x128xf32, #tpu.memory_space<hbm>>
      tpu.enqueue_indirect_dma source(%dma_start3A_28 : memref<10000x128xf32, #tpu.memory_space<hbm>>) target(%arg6 : memref<256x128xf32, #tpu.memory_space<vmem>>) offsets(%dma_start3A : memref<256xi32, #tpu.memory_space<vmem>>) semaphore(%arg8 : memref<!tpu.dma_semaphore, #tpu.memory_space<semaphore_mem>>)
      %gt3A_29 = arith.constant 0 : i32
      %gt3A_30 = arith.cmpi sgt, %scan3A_19, %gt3A_29 : i32
      %convert_element_type3A_31 = arith.extui %gt3A_30 : i1 to i32
      %cond3A_32 = arith.constant 0 : i32
      %cond3A_33 = arith.cmpi ne, %convert_element_type3A_31, %cond3A_32 : i32
      scf.if %cond3A_33 {
        %dma_wait3A_66 = arith.constant 0 : i32
        %dma_wait3A_67 = arith.constant 0 : i32
        %dma_wait3A_68 = tpu.memref_slice %arg2[%dma_wait3A_66, %dma_wait3A_67] : memref<10000x128xf32, #tpu.memory_space<hbm>> -> memref<256x128xf32, #tpu.memory_space<hbm>>
        %dma_wait3A_69 = arith.constant 0 : i32
        %dma_wait3A_70 = arith.constant 0 : i32
        %dma_wait3A_71 = tpu.memref_slice %arg2[%dma_wait3A_69, %dma_wait3A_70] : memref<10000x128xf32, #tpu.memory_space<hbm>> -> memref<256x128xf32, #tpu.memory_space<hbm>>
        tpu.wait_dma2 semaphore(%arg11 : memref<!tpu.dma_semaphore, #tpu.memory_space<semaphore_mem>>) src(%dma_wait3A_71 : memref<256x128xf32, #tpu.memory_space<hbm>>) dst(%arg7 : memref<256x128xf32, #tpu.memory_space<vmem>>)
      } else {
      }
      %add3A_34 = arith.constant 1 : i32
      %add3A_35 = arith.addi %mul3A_21, %add3A_34 : i32
      %mul3A_36 = arith.constant 256 : i32
      %mul3A_37 = arith.muli %add3A_35, %mul3A_36 : i32
      %dma_start3A_38 = tpu.memref_slice %arg5[%mul3A_37] : memref<5120xi32, #tpu.memory_space<vmem>> -> memref<256xi32, #tpu.memory_space<vmem>>
      %dma_start3A_39 = arith.constant 0 : i32
      %dma_start3A_40 = arith.constant 0 : i32
      %dma_start3A_41 = tpu.memref_slice %arg2[%dma_start3A_39, %dma_start3A_40] : memref<10000x128xf32, #tpu.memory_space<hbm>> -> memref<10000x128xf32, #tpu.memory_space<hbm>>
      tpu.enqueue_indirect_dma source(%dma_start3A_41 : memref<10000x128xf32, #tpu.memory_space<hbm>>) target(%arg7 : memref<256x128xf32, #tpu.memory_space<vmem>>) offsets(%dma_start3A_38 : memref<256xi32, #tpu.memory_space<vmem>>) semaphore(%arg9 : memref<!tpu.dma_semaphore, #tpu.memory_space<semaphore_mem>>)
      %dma_wait3A_42 = tpu.memref_slice %arg5[%mul3A_25] : memref<5120xi32, #tpu.memory_space<vmem>> -> memref<256xi32, #tpu.memory_space<vmem>>
      %dma_wait3A_43 = arith.constant 0 : i32
      %dma_wait3A_44 = arith.constant 0 : i32
      %dma_wait3A_45 = tpu.memref_slice %arg2[%dma_wait3A_43, %dma_wait3A_44] : memref<10000x128xf32, #tpu.memory_space<hbm>> -> memref<10000x128xf32, #tpu.memory_space<hbm>>
      tpu.wait_indirect_dma semaphore(%arg8 : memref<!tpu.dma_semaphore, #tpu.memory_space<semaphore_mem>>) src(%dma_wait3A_45 : memref<10000x128xf32, #tpu.memory_space<hbm>>) dst(%arg6 : memref<256x128xf32, #tpu.memory_space<vmem>>)
      %mul3A_46 = arith.constant 256 : i32
      %mul3A_47 = arith.muli %mul3A_21, %mul3A_46 : i32
      %add3A_48 = arith.addi %mul3A_2, %mul3A_47 : i32
      %dma_start3A_49 = arith.constant 0 : i32
      %dma_start3A_50 = tpu.memref_slice %arg4[%add3A_48, %dma_start3A_49] : memref<163840x128xf32, #tpu.memory_space<hbm>> -> memref<256x128xf32, #tpu.memory_space<hbm>>
      %dma_start3A_51 = arith.constant 0 : i32
      %dma_start3A_52 = tpu.memref_slice %arg4[%add3A_48, %dma_start3A_51] : memref<163840x128xf32, #tpu.memory_space<hbm>> -> memref<256x128xf32, #tpu.memory_space<hbm>>
      tpu.enqueue_dma source(%arg6 : memref<256x128xf32, #tpu.memory_space<vmem>>) target(%dma_start3A_52 : memref<256x128xf32, #tpu.memory_space<hbm>>) target_semaphore(%arg10 : memref<!tpu.dma_semaphore, #tpu.memory_space<semaphore_mem>>)
      %dma_wait3A_53 = tpu.memref_slice %arg5[%mul3A_37] : memref<5120xi32, #tpu.memory_space<vmem>> -> memref<256xi32, #tpu.memory_space<vmem>>
      %dma_wait3A_54 = arith.constant 0 : i32
      %dma_wait3A_55 = arith.constant 0 : i32
      %dma_wait3A_56 = tpu.memref_slice %arg2[%dma_wait3A_54, %dma_wait3A_55] : memref<10000x128xf32, #tpu.memory_space<hbm>> -> memref<10000x128xf32, #tpu.memory_space<hbm>>
      tpu.wait_indirect_dma semaphore(%arg9 : memref<!tpu.dma_semaphore, #tpu.memory_space<semaphore_mem>>) src(%dma_wait3A_56 : memref<10000x128xf32, #tpu.memory_space<hbm>>) dst(%arg7 : memref<256x128xf32, #tpu.memory_space<vmem>>)
      %add3A_57 = arith.constant 1 : i32
      %add3A_58 = arith.addi %mul3A_21, %add3A_57 : i32
      %mul3A_59 = arith.constant 256 : i32
      %mul3A_60 = arith.muli %add3A_58, %mul3A_59 : i32
      %add3A_61 = arith.addi %mul3A_2, %mul3A_60 : i32
      %dma_start3A_62 = arith.constant 0 : i32
      %dma_start3A_63 = tpu.memref_slice %arg4[%add3A_61, %dma_start3A_62] : memref<163840x128xf32, #tpu.memory_space<hbm>> -> memref<256x128xf32, #tpu.memory_space<hbm>>
      %dma_start3A_64 = arith.constant 0 : i32
      %dma_start3A_65 = tpu.memref_slice %arg4[%add3A_61, %dma_start3A_64] : memref<163840x128xf32, #tpu.memory_space<hbm>> -> memref<256x128xf32, #tpu.memory_space<hbm>>
      tpu.enqueue_dma source(%arg7 : memref<256x128xf32, #tpu.memory_space<vmem>>) target(%dma_start3A_65 : memref<256x128xf32, #tpu.memory_space<hbm>>) target_semaphore(%arg11 : memref<!tpu.dma_semaphore, #tpu.memory_space<semaphore_mem>>)
    }
    %scan3A_7 = arith.constant 10 : i32
    %dma_wait3A = arith.constant 0 : i32
    %dma_wait3A_8 = arith.constant 0 : i32
    %dma_wait3A_9 = tpu.memref_slice %arg2[%dma_wait3A, %dma_wait3A_8] : memref<10000x128xf32, #tpu.memory_space<hbm>> -> memref<256x128xf32, #tpu.memory_space<hbm>>
    %dma_wait3A_10 = arith.constant 0 : i32
    %dma_wait3A_11 = arith.constant 0 : i32
    %dma_wait3A_12 = tpu.memref_slice %arg2[%dma_wait3A_10, %dma_wait3A_11] : memref<10000x128xf32, #tpu.memory_space<hbm>> -> memref<256x128xf32, #tpu.memory_space<hbm>>
    tpu.wait_dma2 semaphore(%arg10 : memref<!tpu.dma_semaphore, #tpu.memory_space<semaphore_mem>>) src(%dma_wait3A_12 : memref<256x128xf32, #tpu.memory_space<hbm>>) dst(%arg6 : memref<256x128xf32, #tpu.memory_space<vmem>>)
    %dma_wait3A_13 = arith.constant 0 : i32
    %dma_wait3A_14 = arith.constant 0 : i32
    %dma_wait3A_15 = tpu.memref_slice %arg2[%dma_wait3A_13, %dma_wait3A_14] : memref<10000x128xf32, #tpu.memory_space<hbm>> -> memref<256x128xf32, #tpu.memory_space<hbm>>
    %dma_wait3A_16 = arith.constant 0 : i32
    %dma_wait3A_17 = arith.constant 0 : i32
    %dma_wait3A_18 = tpu.memref_slice %arg2[%dma_wait3A_16, %dma_wait3A_17] : memref<10000x128xf32, #tpu.memory_space<hbm>> -> memref<256x128xf32, #tpu.memory_space<hbm>>
    tpu.wait_dma2 semaphore(%arg11 : memref<!tpu.dma_semaphore, #tpu.memory_space<semaphore_mem>>) src(%dma_wait3A_18 : memref<256x128xf32, #tpu.memory_space<hbm>>) dst(%arg7 : memref<256x128xf32, #tpu.memory_space<vmem>>)
    return
  }
}

module attributes {stable_mosaic.version = 14 : i64} {
  func.func @body(%arg0: i32, %arg1: memref<512x64xf32, #tpu.memory_space<vmem>>, %arg2: memref<64x32xf32, #tpu.memory_space<vmem>>, %arg3: memref<1x32xf32, #tpu.memory_space<vmem>>, %arg4: memref<32x64xf32, #tpu.memory_space<vmem>>, %arg5: memref<1x64xf32, #tpu.memory_space<vmem>>, %arg6: memref<32x8xf32, #tpu.memory_space<vmem>>, %arg7: memref<1x8xf32, #tpu.memory_space<vmem>>, %arg8: memref<512x64xf32, #tpu.memory_space<vmem>>, %arg9: memref<512x8xf32, #tpu.memory_space<vmem>>) attributes {dimension_semantics = [#tpu.dimension_semantics<arbitrary>], iteration_bounds = array<i64: 20>, scalar_prefetch = 0 : i64, scratch_operands = 0 : i64, tpu.core_type = #tpu.core_type<tc>, window_params = [{transform_indices = @transform_0, window_bounds = array<i64: 512, 64>}, {pipeline_mode = #tpu.pipeline_mode<synchronous>, transform_indices = @transform_1, window_bounds = array<i64: 64, 32>}, {pipeline_mode = #tpu.pipeline_mode<synchronous>, transform_indices = @transform_2, window_bounds = array<i64: 1, 32>}, {pipeline_mode = #tpu.pipeline_mode<synchronous>, transform_indices = @transform_3, window_bounds = array<i64: 32, 64>}, {pipeline_mode = #tpu.pipeline_mode<synchronous>, transform_indices = @transform_4, window_bounds = array<i64: 1, 64>}, {pipeline_mode = #tpu.pipeline_mode<synchronous>, transform_indices = @transform_5, window_bounds = array<i64: 32, 8>}, {pipeline_mode = #tpu.pipeline_mode<synchronous>, transform_indices = @transform_6, window_bounds = array<i64: 1, 8>}, {transform_indices = @transform_7, window_bounds = array<i64: 512, 64>}, {transform_indices = @transform_8, window_bounds = array<i64: 512, 8>}]} {
    %get3A = arith.constant 0 : index
    %get3A_0 = arith.constant 0 : index
    %get3A_1 = vector.load %arg1[%get3A, %get3A_0] : memref<512x64xf32, #tpu.memory_space<vmem>>, vector<512x64xf32>
    %get3A_2 = arith.constant 0 : index
    %get3A_3 = arith.constant 0 : index
    %get3A_4 = vector.load %arg2[%get3A_2, %get3A_3] : memref<64x32xf32, #tpu.memory_space<vmem>>, vector<64x32xf32>
    %dot_general3A = arith.constant dense<0.000000e+00> : vector<512x32xf32>
    %dot_general3A_5 = tpu.matmul %get3A_1, %get3A_4, %dot_general3A {dimension_numbers = #tpu.dot_dimension_numbers<[1], [0], [0], [1], [0, 0, 1, 1], [], []>, transpose_lhs_hint = false} : vector<512x64xf32>, vector<64x32xf32>, vector<512x32xf32> -> vector<512x32xf32>
    %get3A_6 = arith.constant 0 : index
    %get3A_7 = arith.constant 0 : index
    %get3A_8 = vector.load %arg3[%get3A_6, %get3A_7] : memref<1x32xf32, #tpu.memory_space<vmem>>, vector<1x32xf32>
    %add3A = vector.broadcast %get3A_8 : vector<1x32xf32> to vector<512x32xf32>
    %add3A_9 = arith.addf %dot_general3A_5, %add3A : vector<512x32xf32>
    %get3A_10 = arith.constant 0 : index
    %get3A_11 = arith.constant 0 : index
    %get3A_12 = vector.load %arg4[%get3A_10, %get3A_11] : memref<32x64xf32, #tpu.memory_space<vmem>>, vector<32x64xf32>
    %dot_general3A_13 = arith.constant dense<0.000000e+00> : vector<512x64xf32>
    %dot_general3A_14 = tpu.matmul %add3A_9, %get3A_12, %dot_general3A_13 {dimension_numbers = #tpu.dot_dimension_numbers<[1], [0], [0], [1], [0, 0, 1, 1], [], []>, transpose_lhs_hint = false} : vector<512x32xf32>, vector<32x64xf32>, vector<512x64xf32> -> vector<512x64xf32>
    %get3A_15 = arith.constant 0 : index
    %get3A_16 = arith.constant 0 : index
    %get3A_17 = vector.load %arg5[%get3A_15, %get3A_16] : memref<1x64xf32, #tpu.memory_space<vmem>>, vector<1x64xf32>
    %add3A_18 = vector.broadcast %get3A_17 : vector<1x64xf32> to vector<512x64xf32>
    %add3A_19 = arith.addf %dot_general3A_14, %add3A_18 : vector<512x64xf32>
    %swap3A = arith.constant 0 : index
    %swap3A_20 = arith.constant 0 : index
    %swap3A_21 = vector.load %arg8[%swap3A, %swap3A_20] : memref<512x64xf32, #tpu.memory_space<vmem>>, vector<512x64xf32>
    tpu.vector_store %arg8[%swap3A, %swap3A_20], %add3A_19 {strides = array<i32>} : memref<512x64xf32, #tpu.memory_space<vmem>>, vector<512x64xf32>,
    %get3A_22 = arith.constant 0 : index
    %get3A_23 = arith.constant 0 : index
    %get3A_24 = vector.load %arg6[%get3A_22, %get3A_23] : memref<32x8xf32, #tpu.memory_space<vmem>>, vector<32x8xf32>
    %dot_general3A_25 = arith.constant dense<0.000000e+00> : vector<512x8xf32>
    %dot_general3A_26 = tpu.matmul %add3A_9, %get3A_24, %dot_general3A_25 {dimension_numbers = #tpu.dot_dimension_numbers<[1], [0], [0], [1], [0, 0, 1, 1], [], []>, transpose_lhs_hint = false} : vector<512x32xf32>, vector<32x8xf32>, vector<512x8xf32> -> vector<512x8xf32>
    %get3A_27 = arith.constant 0 : index
    %get3A_28 = arith.constant 0 : index
    %get3A_29 = vector.load %arg7[%get3A_27, %get3A_28] : memref<1x8xf32, #tpu.memory_space<vmem>>, vector<1x8xf32>
    %add3A_30 = vector.broadcast %get3A_29 : vector<1x8xf32> to vector<512x8xf32>
    %add3A_31 = arith.addf %dot_general3A_26, %add3A_30 : vector<512x8xf32>
    %gt3A = arith.constant 0.000000e+00 : f32
    %gt3A_32 = vector.broadcast %gt3A : f32 to vector<512x8xf32>
    %gt3A_33 = arith.cmpf ogt, %add3A_31, %gt3A_32 : vector<512x8xf32>
    %mul3A = arith.constant 2.000000e-01 : f32
    %mul3A_34 = vector.broadcast %mul3A : f32 to vector<512x8xf32>
    %mul3A_35 = arith.mulf %mul3A_34, %add3A_31 : vector<512x8xf32>
    %select_n3A = arith.select %gt3A_33, %add3A_31, %mul3A_35 : vector<512x8xi1>, vector<512x8xf32>
    %swap3A_36 = arith.constant 0 : index
    %swap3A_37 = arith.constant 0 : index
    %swap3A_38 = vector.load %arg9[%swap3A_36, %swap3A_37] : memref<512x8xf32, #tpu.memory_space<vmem>>, vector<512x8xf32>
    tpu.vector_store %arg9[%swap3A_36, %swap3A_37], %select_n3A {strides = array<i32>} : memref<512x8xf32, #tpu.memory_space<vmem>>, vector<512x8xf32>,
    return
  }
  func.func @transform_0(%arg0: i32) -> (i32, i32) {
    %c0_i32 = arith.constant 0 : i32
    %c0_i32_0 = arith.constant 0 : i32
    return %arg0, %c0_i32 : i32, i32
  }
  func.func @transform_1(%arg0: i32) -> (i32, i32) {
    %c0_i32 = arith.constant 0 : i32
    %c0_i32_0 = arith.constant 0 : i32
    %c0_i32_1 = arith.constant 0 : i32
    return %c0_i32, %c0_i32_0 : i32, i32
  }
  func.func @transform_2(%arg0: i32) -> (i32, i32) {
    %c0_i32 = arith.constant 0 : i32
    %c0_i32_0 = arith.constant 0 : i32
    %c0_i32_1 = arith.constant 0 : i32
    return %c0_i32, %c0_i32_0 : i32, i32
  }
  func.func @transform_3(%arg0: i32) -> (i32, i32) {
    %c0_i32 = arith.constant 0 : i32
    %c0_i32_0 = arith.constant 0 : i32
    %c0_i32_1 = arith.constant 0 : i32
    return %c0_i32, %c0_i32_0 : i32, i32
  }
  func.func @transform_4(%arg0: i32) -> (i32, i32) {
    %c0_i32 = arith.constant 0 : i32
    %c0_i32_0 = arith.constant 0 : i32
    %c0_i32_1 = arith.constant 0 : i32
    return %c0_i32, %c0_i32_0 : i32, i32
  }
  func.func @transform_5(%arg0: i32) -> (i32, i32) {
    %c0_i32 = arith.constant 0 : i32
    %c0_i32_0 = arith.constant 0 : i32
    %c0_i32_1 = arith.constant 0 : i32
    return %c0_i32, %c0_i32_0 : i32, i32
  }
  func.func @transform_6(%arg0: i32) -> (i32, i32) {
    %c0_i32 = arith.constant 0 : i32
    %c0_i32_0 = arith.constant 0 : i32
    %c0_i32_1 = arith.constant 0 : i32
    return %c0_i32, %c0_i32_0 : i32, i32
  }
  func.func @transform_7(%arg0: i32) -> (i32, i32) {
    %c0_i32 = arith.constant 0 : i32
    %c0_i32_0 = arith.constant 0 : i32
    return %arg0, %c0_i32 : i32, i32
  }
  func.func @transform_8(%arg0: i32) -> (i32, i32) {
    %c0_i32 = arith.constant 0 : i32
    %c0_i32_0 = arith.constant 0 : i32
    return %arg0, %c0_i32 : i32, i32
  }
}

module attributes {stable_mosaic.version = 14 : i64} {
  func.func @body(%arg0: i32, %arg1: memref<10000x8xf32, #tpu.memory_space<vmem>>, %arg2: memref<8x256xf32, #tpu.memory_space<vmem>>, %arg3: memref<16x256xi32, #tpu.memory_space<vmem>>) attributes {dimension_semantics = [#tpu.dimension_semantics<arbitrary>], iteration_bounds = array<i64: 40>, scalar_prefetch = 0 : i64, scratch_operands = 0 : i64, tpu.core_type = #tpu.core_type<tc>, window_params = [{pipeline_mode = #tpu.pipeline_mode<synchronous>, transform_indices = @transform_0, window_bounds = array<i64: 10000, 8>}, {transform_indices = @transform_1, window_bounds = array<i64: 8, 256>}, {transform_indices = @transform_2, window_bounds = array<i64: 16, 256>}]} {
    %get3A = arith.constant 0 : index
    %get3A_0 = arith.constant 0 : index
    %get3A_1 = vector.load %arg1[%get3A, %get3A_0] : memref<10000x8xf32, #tpu.memory_space<vmem>>, vector<10000x8xf32>
    %mul3A = arith.mulf %get3A_1, %get3A_1 : vector<10000x8xf32>
    %reduce_sum3A = arith.constant dense<0.000000e+00> : vector<10000xf32>
    %reduce_sum3A_2 = vector.multi_reduction <add>, %mul3A, %reduce_sum3A [1] : vector<10000x8xf32> to vector<10000xf32>
    %broadcast_in_dim3A = vector.shape_cast %reduce_sum3A_2 : vector<10000xf32> to vector<10000x1xf32>
    %get3A_3 = arith.constant 0 : index
    %get3A_4 = arith.constant 0 : index
    %get3A_5 = vector.load %arg2[%get3A_3, %get3A_4] : memref<8x256xf32, #tpu.memory_space<vmem>>, vector<8x256xf32>
    %mul3A_6 = arith.mulf %get3A_5, %get3A_5 : vector<8x256xf32>
    %reduce_sum3A_7 = arith.constant dense<0.000000e+00> : vector<256xf32>
    %reduce_sum3A_8 = vector.multi_reduction <add>, %mul3A_6, %reduce_sum3A_7 [0] : vector<8x256xf32> to vector<256xf32>
    %broadcast_in_dim3A_9 = vector.shape_cast %reduce_sum3A_8 : vector<256xf32> to vector<1x256xf32>
    %dot_general3A = arith.constant dense<0.000000e+00> : vector<10000x256xf32>
    %dot_general3A_10 = tpu.matmul %get3A_1, %get3A_5, %dot_general3A {dimension_numbers = #tpu.dot_dimension_numbers<[1], [0], [0], [1], [0, 0, 1, 1], [], []>, transpose_lhs_hint = false} : vector<10000x8xf32>, vector<8x256xf32>, vector<10000x256xf32> -> vector<10000x256xf32>
    %mul3A_11 = arith.constant 2.000000e+00 : f32
    %mul3A_12 = vector.broadcast %mul3A_11 : f32 to vector<10000x256xf32>
    %mul3A_13 = arith.mulf %mul3A_12, %dot_general3A_10 : vector<10000x256xf32>
    %sub3A = vector.broadcast %broadcast_in_dim3A_9 : vector<1x256xf32> to vector<10000x256xf32>
    %sub3A_14 = arith.subf %sub3A, %mul3A_13 : vector<10000x256xf32>
    %add3A = vector.broadcast %broadcast_in_dim3A : vector<10000x1xf32> to vector<10000x256xf32>
    %add3A_15 = arith.addf %sub3A_14, %add3A : vector<10000x256xf32>
    %iota3A = tpu.iota {dimensions = array<i32: 0>} : vector<10000x256xi32>
    %argmin3A = tpu.reduce_index %add3A_15 {axis = 0 : i32, kind = #tpu.reduction_kind<arg_min>} : vector<10000x256xf32> -> vector<256xi32>
    %swap3A = arith.constant 0 : index
    %swap3A_16 = arith.constant 0 : index
    %swap3A_17 = vector.load %arg3[%swap3A, %swap3A_16] : memref<16x256xi32, #tpu.memory_space<vmem>>, vector<1x256xi32>
    %swap3A_18 = vector.shape_cast %swap3A_17 : vector<1x256xi32> to vector<256xi32>
    %swap3A_19 = vector.shape_cast %argmin3A : vector<256xi32> to vector<1x256xi32>
    tpu.vector_store %arg3[%swap3A, %swap3A_16], %swap3A_19 {strides = array<i32>} : memref<16x256xi32, #tpu.memory_space<vmem>>, vector<1x256xi32>,
    %broadcast_in_dim3A_20 = vector.shape_cast %argmin3A : vector<256xi32> to vector<1x256xi32>
    %eq3A = vector.broadcast %broadcast_in_dim3A_20 : vector<1x256xi32> to vector<10000x256xi32>
    %eq3A_21 = arith.cmpi eq, %iota3A, %eq3A : vector<10000x256xi32>
    %jit3A = arith.constant 0x7F800000 : f32
    %broadcast_in_dim3A_22 = vector.broadcast %jit3A : f32 to vector<10000x256xf32>
    %select_n3A = arith.select %eq3A_21, %broadcast_in_dim3A_22, %add3A_15 : vector<10000x256xi1>, vector<10000x256xf32>
    %argmin3A_23 = tpu.reduce_index %select_n3A {axis = 0 : i32, kind = #tpu.reduction_kind<arg_min>} : vector<10000x256xf32> -> vector<256xi32>
    %swap3A_24 = arith.constant 1 : index
    %swap3A_25 = arith.constant 0 : index
    %swap3A_26 = vector.load %arg3[%swap3A_24, %swap3A_25] : memref<16x256xi32, #tpu.memory_space<vmem>>, vector<1x256xi32>
    %swap3A_27 = vector.shape_cast %swap3A_26 : vector<1x256xi32> to vector<256xi32>
    %swap3A_28 = vector.shape_cast %argmin3A_23 : vector<256xi32> to vector<1x256xi32>
    tpu.vector_store %arg3[%swap3A_24, %swap3A_25], %swap3A_28 {strides = array<i32>} : memref<16x256xi32, #tpu.memory_space<vmem>>, vector<1x256xi32>,
    %broadcast_in_dim3A_29 = vector.shape_cast %argmin3A_23 : vector<256xi32> to vector<1x256xi32>
    %eq3A_30 = vector.broadcast %broadcast_in_dim3A_29 : vector<1x256xi32> to vector<10000x256xi32>
    %eq3A_31 = arith.cmpi eq, %iota3A, %eq3A_30 : vector<10000x256xi32>
    %jit3A_32 = arith.constant 0x7F800000 : f32
    %broadcast_in_dim3A_33 = vector.broadcast %jit3A_32 : f32 to vector<10000x256xf32>
    %select_n3A_34 = arith.select %eq3A_31, %broadcast_in_dim3A_33, %select_n3A : vector<10000x256xi1>, vector<10000x256xf32>
    %argmin3A_35 = tpu.reduce_index %select_n3A_34 {axis = 0 : i32, kind = #tpu.reduction_kind<arg_min>} : vector<10000x256xf32> -> vector<256xi32>
    %swap3A_36 = arith.constant 2 : index
    %swap3A_37 = arith.constant 0 : index
    %swap3A_38 = vector.load %arg3[%swap3A_36, %swap3A_37] : memref<16x256xi32, #tpu.memory_space<vmem>>, vector<1x256xi32>
    %swap3A_39 = vector.shape_cast %swap3A_38 : vector<1x256xi32> to vector<256xi32>
    %swap3A_40 = vector.shape_cast %argmin3A_35 : vector<256xi32> to vector<1x256xi32>
    tpu.vector_store %arg3[%swap3A_36, %swap3A_37], %swap3A_40 {strides = array<i32>} : memref<16x256xi32, #tpu.memory_space<vmem>>, vector<1x256xi32>,
    %broadcast_in_dim3A_41 = vector.shape_cast %argmin3A_35 : vector<256xi32> to vector<1x256xi32>
    %eq3A_42 = vector.broadcast %broadcast_in_dim3A_41 : vector<1x256xi32> to vector<10000x256xi32>
    %eq3A_43 = arith.cmpi eq, %iota3A, %eq3A_42 : vector<10000x256xi32>
    %jit3A_44 = arith.constant 0x7F800000 : f32
    %broadcast_in_dim3A_45 = vector.broadcast %jit3A_44 : f32 to vector<10000x256xf32>
    %select_n3A_46 = arith.select %eq3A_43, %broadcast_in_dim3A_45, %select_n3A_34 : vector<10000x256xi1>, vector<10000x256xf32>
    %argmin3A_47 = tpu.reduce_index %select_n3A_46 {axis = 0 : i32, kind = #tpu.reduction_kind<arg_min>} : vector<10000x256xf32> -> vector<256xi32>
    %swap3A_48 = arith.constant 3 : index
    %swap3A_49 = arith.constant 0 : index
    %swap3A_50 = vector.load %arg3[%swap3A_48, %swap3A_49] : memref<16x256xi32, #tpu.memory_space<vmem>>, vector<1x256xi32>
    %swap3A_51 = vector.shape_cast %swap3A_50 : vector<1x256xi32> to vector<256xi32>
    %swap3A_52 = vector.shape_cast %argmin3A_47 : vector<256xi32> to vector<1x256xi32>
    tpu.vector_store %arg3[%swap3A_48, %swap3A_49], %swap3A_52 {strides = array<i32>} : memref<16x256xi32, #tpu.memory_space<vmem>>, vector<1x256xi32>,
    %broadcast_in_dim3A_53 = vector.shape_cast %argmin3A_47 : vector<256xi32> to vector<1x256xi32>
    %eq3A_54 = vector.broadcast %broadcast_in_dim3A_53 : vector<1x256xi32> to vector<10000x256xi32>
    %eq3A_55 = arith.cmpi eq, %iota3A, %eq3A_54 : vector<10000x256xi32>
    %jit3A_56 = arith.constant 0x7F800000 : f32
    %broadcast_in_dim3A_57 = vector.broadcast %jit3A_56 : f32 to vector<10000x256xf32>
    %select_n3A_58 = arith.select %eq3A_55, %broadcast_in_dim3A_57, %select_n3A_46 : vector<10000x256xi1>, vector<10000x256xf32>
    %argmin3A_59 = tpu.reduce_index %select_n3A_58 {axis = 0 : i32, kind = #tpu.reduction_kind<arg_min>} : vector<10000x256xf32> -> vector<256xi32>
    %swap3A_60 = arith.constant 4 : index
    %swap3A_61 = arith.constant 0 : index
    %swap3A_62 = vector.load %arg3[%swap3A_60, %swap3A_61] : memref<16x256xi32, #tpu.memory_space<vmem>>, vector<1x256xi32>
    %swap3A_63 = vector.shape_cast %swap3A_62 : vector<1x256xi32> to vector<256xi32>
    %swap3A_64 = vector.shape_cast %argmin3A_59 : vector<256xi32> to vector<1x256xi32>
    tpu.vector_store %arg3[%swap3A_60, %swap3A_61], %swap3A_64 {strides = array<i32>} : memref<16x256xi32, #tpu.memory_space<vmem>>, vector<1x256xi32>,
    %broadcast_in_dim3A_65 = vector.shape_cast %argmin3A_59 : vector<256xi32> to vector<1x256xi32>
    %eq3A_66 = vector.broadcast %broadcast_in_dim3A_65 : vector<1x256xi32> to vector<10000x256xi32>
    %eq3A_67 = arith.cmpi eq, %iota3A, %eq3A_66 : vector<10000x256xi32>
    %jit3A_68 = arith.constant 0x7F800000 : f32
    %broadcast_in_dim3A_69 = vector.broadcast %jit3A_68 : f32 to vector<10000x256xf32>
    %select_n3A_70 = arith.select %eq3A_67, %broadcast_in_dim3A_69, %select_n3A_58 : vector<10000x256xi1>, vector<10000x256xf32>
    %argmin3A_71 = tpu.reduce_index %select_n3A_70 {axis = 0 : i32, kind = #tpu.reduction_kind<arg_min>} : vector<10000x256xf32> -> vector<256xi32>
    %swap3A_72 = arith.constant 5 : index
    %swap3A_73 = arith.constant 0 : index
    %swap3A_74 = vector.load %arg3[%swap3A_72, %swap3A_73] : memref<16x256xi32, #tpu.memory_space<vmem>>, vector<1x256xi32>
    %swap3A_75 = vector.shape_cast %swap3A_74 : vector<1x256xi32> to vector<256xi32>
    %swap3A_76 = vector.shape_cast %argmin3A_71 : vector<256xi32> to vector<1x256xi32>
    tpu.vector_store %arg3[%swap3A_72, %swap3A_73], %swap3A_76 {strides = array<i32>} : memref<16x256xi32, #tpu.memory_space<vmem>>, vector<1x256xi32>,
    %broadcast_in_dim3A_77 = vector.shape_cast %argmin3A_71 : vector<256xi32> to vector<1x256xi32>
    %eq3A_78 = vector.broadcast %broadcast_in_dim3A_77 : vector<1x256xi32> to vector<10000x256xi32>
    %eq3A_79 = arith.cmpi eq, %iota3A, %eq3A_78 : vector<10000x256xi32>
    %jit3A_80 = arith.constant 0x7F800000 : f32
    %broadcast_in_dim3A_81 = vector.broadcast %jit3A_80 : f32 to vector<10000x256xf32>
    %select_n3A_82 = arith.select %eq3A_79, %broadcast_in_dim3A_81, %select_n3A_70 : vector<10000x256xi1>, vector<10000x256xf32>
    %argmin3A_83 = tpu.reduce_index %select_n3A_82 {axis = 0 : i32, kind = #tpu.reduction_kind<arg_min>} : vector<10000x256xf32> -> vector<256xi32>
    %swap3A_84 = arith.constant 6 : index
    %swap3A_85 = arith.constant 0 : index
    %swap3A_86 = vector.load %arg3[%swap3A_84, %swap3A_85] : memref<16x256xi32, #tpu.memory_space<vmem>>, vector<1x256xi32>
    %swap3A_87 = vector.shape_cast %swap3A_86 : vector<1x256xi32> to vector<256xi32>
    %swap3A_88 = vector.shape_cast %argmin3A_83 : vector<256xi32> to vector<1x256xi32>
    tpu.vector_store %arg3[%swap3A_84, %swap3A_85], %swap3A_88 {strides = array<i32>} : memref<16x256xi32, #tpu.memory_space<vmem>>, vector<1x256xi32>,
    %broadcast_in_dim3A_89 = vector.shape_cast %argmin3A_83 : vector<256xi32> to vector<1x256xi32>
    %eq3A_90 = vector.broadcast %broadcast_in_dim3A_89 : vector<1x256xi32> to vector<10000x256xi32>
    %eq3A_91 = arith.cmpi eq, %iota3A, %eq3A_90 : vector<10000x256xi32>
    %jit3A_92 = arith.constant 0x7F800000 : f32
    %broadcast_in_dim3A_93 = vector.broadcast %jit3A_92 : f32 to vector<10000x256xf32>
    %select_n3A_94 = arith.select %eq3A_91, %broadcast_in_dim3A_93, %select_n3A_82 : vector<10000x256xi1>, vector<10000x256xf32>
    %argmin3A_95 = tpu.reduce_index %select_n3A_94 {axis = 0 : i32, kind = #tpu.reduction_kind<arg_min>} : vector<10000x256xf32> -> vector<256xi32>
    %swap3A_96 = arith.constant 7 : index
    %swap3A_97 = arith.constant 0 : index
    %swap3A_98 = vector.load %arg3[%swap3A_96, %swap3A_97] : memref<16x256xi32, #tpu.memory_space<vmem>>, vector<1x256xi32>
    %swap3A_99 = vector.shape_cast %swap3A_98 : vector<1x256xi32> to vector<256xi32>
    %swap3A_100 = vector.shape_cast %argmin3A_95 : vector<256xi32> to vector<1x256xi32>
    tpu.vector_store %arg3[%swap3A_96, %swap3A_97], %swap3A_100 {strides = array<i32>} : memref<16x256xi32, #tpu.memory_space<vmem>>, vector<1x256xi32>,
    %broadcast_in_dim3A_101 = vector.shape_cast %argmin3A_95 : vector<256xi32> to vector<1x256xi32>
    %eq3A_102 = vector.broadcast %broadcast_in_dim3A_101 : vector<1x256xi32> to vector<10000x256xi32>
    %eq3A_103 = arith.cmpi eq, %iota3A, %eq3A_102 : vector<10000x256xi32>
    %jit3A_104 = arith.constant 0x7F800000 : f32
    %broadcast_in_dim3A_105 = vector.broadcast %jit3A_104 : f32 to vector<10000x256xf32>
    %select_n3A_106 = arith.select %eq3A_103, %broadcast_in_dim3A_105, %select_n3A_94 : vector<10000x256xi1>, vector<10000x256xf32>
    %argmin3A_107 = tpu.reduce_index %select_n3A_106 {axis = 0 : i32, kind = #tpu.reduction_kind<arg_min>} : vector<10000x256xf32> -> vector<256xi32>
    %swap3A_108 = arith.constant 8 : index
    %swap3A_109 = arith.constant 0 : index
    %swap3A_110 = vector.load %arg3[%swap3A_108, %swap3A_109] : memref<16x256xi32, #tpu.memory_space<vmem>>, vector<1x256xi32>
    %swap3A_111 = vector.shape_cast %swap3A_110 : vector<1x256xi32> to vector<256xi32>
    %swap3A_112 = vector.shape_cast %argmin3A_107 : vector<256xi32> to vector<1x256xi32>
    tpu.vector_store %arg3[%swap3A_108, %swap3A_109], %swap3A_112 {strides = array<i32>} : memref<16x256xi32, #tpu.memory_space<vmem>>, vector<1x256xi32>,
    %broadcast_in_dim3A_113 = vector.shape_cast %argmin3A_107 : vector<256xi32> to vector<1x256xi32>
    %eq3A_114 = vector.broadcast %broadcast_in_dim3A_113 : vector<1x256xi32> to vector<10000x256xi32>
    %eq3A_115 = arith.cmpi eq, %iota3A, %eq3A_114 : vector<10000x256xi32>
    %jit3A_116 = arith.constant 0x7F800000 : f32
    %broadcast_in_dim3A_117 = vector.broadcast %jit3A_116 : f32 to vector<10000x256xf32>
    %select_n3A_118 = arith.select %eq3A_115, %broadcast_in_dim3A_117, %select_n3A_106 : vector<10000x256xi1>, vector<10000x256xf32>
    %argmin3A_119 = tpu.reduce_index %select_n3A_118 {axis = 0 : i32, kind = #tpu.reduction_kind<arg_min>} : vector<10000x256xf32> -> vector<256xi32>
    %swap3A_120 = arith.constant 9 : index
    %swap3A_121 = arith.constant 0 : index
    %swap3A_122 = vector.load %arg3[%swap3A_120, %swap3A_121] : memref<16x256xi32, #tpu.memory_space<vmem>>, vector<1x256xi32>
    %swap3A_123 = vector.shape_cast %swap3A_122 : vector<1x256xi32> to vector<256xi32>
    %swap3A_124 = vector.shape_cast %argmin3A_119 : vector<256xi32> to vector<1x256xi32>
    tpu.vector_store %arg3[%swap3A_120, %swap3A_121], %swap3A_124 {strides = array<i32>} : memref<16x256xi32, #tpu.memory_space<vmem>>, vector<1x256xi32>,
    %broadcast_in_dim3A_125 = vector.shape_cast %argmin3A_119 : vector<256xi32> to vector<1x256xi32>
    %eq3A_126 = vector.broadcast %broadcast_in_dim3A_125 : vector<1x256xi32> to vector<10000x256xi32>
    %eq3A_127 = arith.cmpi eq, %iota3A, %eq3A_126 : vector<10000x256xi32>
    %jit3A_128 = arith.constant 0x7F800000 : f32
    %broadcast_in_dim3A_129 = vector.broadcast %jit3A_128 : f32 to vector<10000x256xf32>
    %select_n3A_130 = arith.select %eq3A_127, %broadcast_in_dim3A_129, %select_n3A_118 : vector<10000x256xi1>, vector<10000x256xf32>
    %argmin3A_131 = tpu.reduce_index %select_n3A_130 {axis = 0 : i32, kind = #tpu.reduction_kind<arg_min>} : vector<10000x256xf32> -> vector<256xi32>
    %swap3A_132 = arith.constant 10 : index
    %swap3A_133 = arith.constant 0 : index
    %swap3A_134 = vector.load %arg3[%swap3A_132, %swap3A_133] : memref<16x256xi32, #tpu.memory_space<vmem>>, vector<1x256xi32>
    %swap3A_135 = vector.shape_cast %swap3A_134 : vector<1x256xi32> to vector<256xi32>
    %swap3A_136 = vector.shape_cast %argmin3A_131 : vector<256xi32> to vector<1x256xi32>
    tpu.vector_store %arg3[%swap3A_132, %swap3A_133], %swap3A_136 {strides = array<i32>} : memref<16x256xi32, #tpu.memory_space<vmem>>, vector<1x256xi32>,
    %broadcast_in_dim3A_137 = vector.shape_cast %argmin3A_131 : vector<256xi32> to vector<1x256xi32>
    %eq3A_138 = vector.broadcast %broadcast_in_dim3A_137 : vector<1x256xi32> to vector<10000x256xi32>
    %eq3A_139 = arith.cmpi eq, %iota3A, %eq3A_138 : vector<10000x256xi32>
    %jit3A_140 = arith.constant 0x7F800000 : f32
    %broadcast_in_dim3A_141 = vector.broadcast %jit3A_140 : f32 to vector<10000x256xf32>
    %select_n3A_142 = arith.select %eq3A_139, %broadcast_in_dim3A_141, %select_n3A_130 : vector<10000x256xi1>, vector<10000x256xf32>
    %argmin3A_143 = tpu.reduce_index %select_n3A_142 {axis = 0 : i32, kind = #tpu.reduction_kind<arg_min>} : vector<10000x256xf32> -> vector<256xi32>
    %swap3A_144 = arith.constant 11 : index
    %swap3A_145 = arith.constant 0 : index
    %swap3A_146 = vector.load %arg3[%swap3A_144, %swap3A_145] : memref<16x256xi32, #tpu.memory_space<vmem>>, vector<1x256xi32>
    %swap3A_147 = vector.shape_cast %swap3A_146 : vector<1x256xi32> to vector<256xi32>
    %swap3A_148 = vector.shape_cast %argmin3A_143 : vector<256xi32> to vector<1x256xi32>
    tpu.vector_store %arg3[%swap3A_144, %swap3A_145], %swap3A_148 {strides = array<i32>} : memref<16x256xi32, #tpu.memory_space<vmem>>, vector<1x256xi32>,
    %broadcast_in_dim3A_149 = vector.shape_cast %argmin3A_143 : vector<256xi32> to vector<1x256xi32>
    %eq3A_150 = vector.broadcast %broadcast_in_dim3A_149 : vector<1x256xi32> to vector<10000x256xi32>
    %eq3A_151 = arith.cmpi eq, %iota3A, %eq3A_150 : vector<10000x256xi32>
    %jit3A_152 = arith.constant 0x7F800000 : f32
    %broadcast_in_dim3A_153 = vector.broadcast %jit3A_152 : f32 to vector<10000x256xf32>
    %select_n3A_154 = arith.select %eq3A_151, %broadcast_in_dim3A_153, %select_n3A_142 : vector<10000x256xi1>, vector<10000x256xf32>
    %argmin3A_155 = tpu.reduce_index %select_n3A_154 {axis = 0 : i32, kind = #tpu.reduction_kind<arg_min>} : vector<10000x256xf32> -> vector<256xi32>
    %swap3A_156 = arith.constant 12 : index
    %swap3A_157 = arith.constant 0 : index
    %swap3A_158 = vector.load %arg3[%swap3A_156, %swap3A_157] : memref<16x256xi32, #tpu.memory_space<vmem>>, vector<1x256xi32>
    %swap3A_159 = vector.shape_cast %swap3A_158 : vector<1x256xi32> to vector<256xi32>
    %swap3A_160 = vector.shape_cast %argmin3A_155 : vector<256xi32> to vector<1x256xi32>
    tpu.vector_store %arg3[%swap3A_156, %swap3A_157], %swap3A_160 {strides = array<i32>} : memref<16x256xi32, #tpu.memory_space<vmem>>, vector<1x256xi32>,
    %broadcast_in_dim3A_161 = vector.shape_cast %argmin3A_155 : vector<256xi32> to vector<1x256xi32>
    %eq3A_162 = vector.broadcast %broadcast_in_dim3A_161 : vector<1x256xi32> to vector<10000x256xi32>
    %eq3A_163 = arith.cmpi eq, %iota3A, %eq3A_162 : vector<10000x256xi32>
    %jit3A_164 = arith.constant 0x7F800000 : f32
    %broadcast_in_dim3A_165 = vector.broadcast %jit3A_164 : f32 to vector<10000x256xf32>
    %select_n3A_166 = arith.select %eq3A_163, %broadcast_in_dim3A_165, %select_n3A_154 : vector<10000x256xi1>, vector<10000x256xf32>
    %argmin3A_167 = tpu.reduce_index %select_n3A_166 {axis = 0 : i32, kind = #tpu.reduction_kind<arg_min>} : vector<10000x256xf32> -> vector<256xi32>
    %swap3A_168 = arith.constant 13 : index
    %swap3A_169 = arith.constant 0 : index
    %swap3A_170 = vector.load %arg3[%swap3A_168, %swap3A_169] : memref<16x256xi32, #tpu.memory_space<vmem>>, vector<1x256xi32>
    %swap3A_171 = vector.shape_cast %swap3A_170 : vector<1x256xi32> to vector<256xi32>
    %swap3A_172 = vector.shape_cast %argmin3A_167 : vector<256xi32> to vector<1x256xi32>
    tpu.vector_store %arg3[%swap3A_168, %swap3A_169], %swap3A_172 {strides = array<i32>} : memref<16x256xi32, #tpu.memory_space<vmem>>, vector<1x256xi32>,
    %broadcast_in_dim3A_173 = vector.shape_cast %argmin3A_167 : vector<256xi32> to vector<1x256xi32>
    %eq3A_174 = vector.broadcast %broadcast_in_dim3A_173 : vector<1x256xi32> to vector<10000x256xi32>
    %eq3A_175 = arith.cmpi eq, %iota3A, %eq3A_174 : vector<10000x256xi32>
    %jit3A_176 = arith.constant 0x7F800000 : f32
    %broadcast_in_dim3A_177 = vector.broadcast %jit3A_176 : f32 to vector<10000x256xf32>
    %select_n3A_178 = arith.select %eq3A_175, %broadcast_in_dim3A_177, %select_n3A_166 : vector<10000x256xi1>, vector<10000x256xf32>
    %argmin3A_179 = tpu.reduce_index %select_n3A_178 {axis = 0 : i32, kind = #tpu.reduction_kind<arg_min>} : vector<10000x256xf32> -> vector<256xi32>
    %swap3A_180 = arith.constant 14 : index
    %swap3A_181 = arith.constant 0 : index
    %swap3A_182 = vector.load %arg3[%swap3A_180, %swap3A_181] : memref<16x256xi32, #tpu.memory_space<vmem>>, vector<1x256xi32>
    %swap3A_183 = vector.shape_cast %swap3A_182 : vector<1x256xi32> to vector<256xi32>
    %swap3A_184 = vector.shape_cast %argmin3A_179 : vector<256xi32> to vector<1x256xi32>
    tpu.vector_store %arg3[%swap3A_180, %swap3A_181], %swap3A_184 {strides = array<i32>} : memref<16x256xi32, #tpu.memory_space<vmem>>, vector<1x256xi32>,
    %broadcast_in_dim3A_185 = vector.shape_cast %argmin3A_179 : vector<256xi32> to vector<1x256xi32>
    %eq3A_186 = vector.broadcast %broadcast_in_dim3A_185 : vector<1x256xi32> to vector<10000x256xi32>
    %eq3A_187 = arith.cmpi eq, %iota3A, %eq3A_186 : vector<10000x256xi32>
    %jit3A_188 = arith.constant 0x7F800000 : f32
    %broadcast_in_dim3A_189 = vector.broadcast %jit3A_188 : f32 to vector<10000x256xf32>
    %select_n3A_190 = arith.select %eq3A_187, %broadcast_in_dim3A_189, %select_n3A_178 : vector<10000x256xi1>, vector<10000x256xf32>
    %argmin3A_191 = tpu.reduce_index %select_n3A_190 {axis = 0 : i32, kind = #tpu.reduction_kind<arg_min>} : vector<10000x256xf32> -> vector<256xi32>
    %swap3A_192 = arith.constant 15 : index
    %swap3A_193 = arith.constant 0 : index
    %swap3A_194 = vector.load %arg3[%swap3A_192, %swap3A_193] : memref<16x256xi32, #tpu.memory_space<vmem>>, vector<1x256xi32>
    %swap3A_195 = vector.shape_cast %swap3A_194 : vector<1x256xi32> to vector<256xi32>
    %swap3A_196 = vector.shape_cast %argmin3A_191 : vector<256xi32> to vector<1x256xi32>
    tpu.vector_store %arg3[%swap3A_192, %swap3A_193], %swap3A_196 {strides = array<i32>} : memref<16x256xi32, #tpu.memory_space<vmem>>, vector<1x256xi32>,
    return
  }
  func.func @transform_0(%arg0: i32) -> (i32, i32) {
    %c0_i32 = arith.constant 0 : i32
    %c0_i32_0 = arith.constant 0 : i32
    %c0_i32_1 = arith.constant 0 : i32
    return %c0_i32, %c0_i32_0 : i32, i32
  }
  func.func @transform_1(%arg0: i32) -> (i32, i32) {
    %c0_i32 = arith.constant 0 : i32
    %c0_i32_0 = arith.constant 0 : i32
    return %c0_i32, %arg0 : i32, i32
  }
  func.func @transform_2(%arg0: i32) -> (i32, i32) {
    %c0_i32 = arith.constant 0 : i32
    %c0_i32_0 = arith.constant 0 : i32
    return %c0_i32, %arg0 : i32, i32
  }
}

module attributes {stable_mosaic.version = 14 : i64} {
  func.func @body(%arg0: i32, %arg1: memref<512x128xf32, #tpu.memory_space<vmem>>, %arg2: memref<16x512x128xf32, #tpu.memory_space<vmem>>, %arg3: memref<128x16xf32, #tpu.memory_space<vmem>>, %arg4: memref<128x16xf32, #tpu.memory_space<vmem>>, %arg5: memref<1x16xf32, #tpu.memory_space<vmem>>, %arg6: memref<512x16xf32, #tpu.memory_space<vmem>>) attributes {dimension_semantics = [#tpu.dimension_semantics<arbitrary>], iteration_bounds = array<i64: 20>, scalar_prefetch = 0 : i64, scratch_operands = 0 : i64, tpu.core_type = #tpu.core_type<tc>, window_params = [{transform_indices = @transform_0, window_bounds = array<i64: 512, 128>}, {transform_indices = @transform_1, window_bounds = array<i64: 16, 512, 128>}, {pipeline_mode = #tpu.pipeline_mode<synchronous>, transform_indices = @transform_2, window_bounds = array<i64: 128, 16>}, {pipeline_mode = #tpu.pipeline_mode<synchronous>, transform_indices = @transform_3, window_bounds = array<i64: 128, 16>}, {pipeline_mode = #tpu.pipeline_mode<synchronous>, transform_indices = @transform_4, window_bounds = array<i64: 1, 16>}, {transform_indices = @transform_5, window_bounds = array<i64: 512, 16>}]} {
    %get3A = arith.constant 0 : index
    %get3A_0 = arith.constant 0 : index
    %get3A_1 = vector.load %arg1[%get3A, %get3A_0] : memref<512x128xf32, #tpu.memory_space<vmem>>, vector<512x128xf32>
    %get3A_2 = arith.constant 0 : index
    %get3A_3 = arith.constant 0 : index
    %get3A_4 = vector.load %arg3[%get3A_2, %get3A_3] : memref<128x16xf32, #tpu.memory_space<vmem>>, vector<128x16xf32>
    %dot_general3A = arith.constant dense<0.000000e+00> : vector<512x16xf32>
    %dot_general3A_5 = tpu.matmul %get3A_1, %get3A_4, %dot_general3A {dimension_numbers = #tpu.dot_dimension_numbers<[1], [0], [0], [1], [0, 0, 1, 1], [], []>, transpose_lhs_hint = false} : vector<512x128xf32>, vector<128x16xf32>, vector<512x16xf32> -> vector<512x16xf32>
    %get3A_6 = arith.constant 0 : index
    %get3A_7 = arith.constant 0 : index
    %get3A_8 = vector.load %arg5[%get3A_6, %get3A_7] : memref<1x16xf32, #tpu.memory_space<vmem>>, vector<1x16xf32>
    %add3A = vector.broadcast %get3A_8 : vector<1x16xf32> to vector<512x16xf32>
    %add3A_9 = arith.addf %dot_general3A_5, %add3A : vector<512x16xf32>
    %get3A_10 = arith.constant 0 : index
    %get3A_11 = arith.constant 0 : index
    %get3A_12 = vector.load %arg4[%get3A_10, %get3A_11] : memref<128x16xf32, #tpu.memory_space<vmem>>, vector<128x16xf32>
    %get3A_13 = arith.constant 0 : index
    %get3A_14 = arith.constant 0 : index
    %get3A_15 = arith.constant 0 : index
    %get3A_16 = vector.load %arg2[%get3A_13, %get3A_14, %get3A_15] : memref<16x512x128xf32, #tpu.memory_space<vmem>>, vector<1x512x128xf32>
    %get3A_17 = vector.shape_cast %get3A_16 : vector<1x512x128xf32> to vector<512x128xf32>
    %dot_general3A_18 = arith.constant dense<0.000000e+00> : vector<512x16xf32>
    %dot_general3A_19 = tpu.matmul %get3A_17, %get3A_12, %dot_general3A_18 {dimension_numbers = #tpu.dot_dimension_numbers<[1], [0], [0], [1], [0, 0, 1, 1], [], []>, transpose_lhs_hint = false} : vector<512x128xf32>, vector<128x16xf32>, vector<512x16xf32> -> vector<512x16xf32>
    %add3A_20 = arith.addf %dot_general3A_19, %add3A_9 : vector<512x16xf32>
    %gt3A = arith.constant 0.000000e+00 : f32
    %gt3A_21 = vector.broadcast %gt3A : f32 to vector<512x16xf32>
    %gt3A_22 = arith.cmpf ogt, %add3A_20, %gt3A_21 : vector<512x16xf32>
    %mul3A = arith.constant 2.000000e-01 : f32
    %mul3A_23 = vector.broadcast %mul3A : f32 to vector<512x16xf32>
    %mul3A_24 = arith.mulf %mul3A_23, %add3A_20 : vector<512x16xf32>
    %select_n3A = arith.select %gt3A_22, %add3A_20, %mul3A_24 : vector<512x16xi1>, vector<512x16xf32>
    %get3A_25 = arith.constant 1 : index
    %get3A_26 = arith.constant 0 : index
    %get3A_27 = arith.constant 0 : index
    %get3A_28 = vector.load %arg2[%get3A_25, %get3A_26, %get3A_27] : memref<16x512x128xf32, #tpu.memory_space<vmem>>, vector<1x512x128xf32>
    %get3A_29 = vector.shape_cast %get3A_28 : vector<1x512x128xf32> to vector<512x128xf32>
    %dot_general3A_30 = arith.constant dense<0.000000e+00> : vector<512x16xf32>
    %dot_general3A_31 = tpu.matmul %get3A_29, %get3A_12, %dot_general3A_30 {dimension_numbers = #tpu.dot_dimension_numbers<[1], [0], [0], [1], [0, 0, 1, 1], [], []>, transpose_lhs_hint = false} : vector<512x128xf32>, vector<128x16xf32>, vector<512x16xf32> -> vector<512x16xf32>
    %add3A_32 = arith.addf %dot_general3A_31, %add3A_9 : vector<512x16xf32>
    %gt3A_33 = arith.constant 0.000000e+00 : f32
    %gt3A_34 = vector.broadcast %gt3A_33 : f32 to vector<512x16xf32>
    %gt3A_35 = arith.cmpf ogt, %add3A_32, %gt3A_34 : vector<512x16xf32>
    %mul3A_36 = arith.constant 2.000000e-01 : f32
    %mul3A_37 = vector.broadcast %mul3A_36 : f32 to vector<512x16xf32>
    %mul3A_38 = arith.mulf %mul3A_37, %add3A_32 : vector<512x16xf32>
    %select_n3A_39 = arith.select %gt3A_35, %add3A_32, %mul3A_38 : vector<512x16xi1>, vector<512x16xf32>
    %max3A = arith.maximumf %select_n3A, %select_n3A_39 : vector<512x16xf32>
    %get3A_40 = arith.constant 2 : index
    %get3A_41 = arith.constant 0 : index
    %get3A_42 = arith.constant 0 : index
    %get3A_43 = vector.load %arg2[%get3A_40, %get3A_41, %get3A_42] : memref<16x512x128xf32, #tpu.memory_space<vmem>>, vector<1x512x128xf32>
    %get3A_44 = vector.shape_cast %get3A_43 : vector<1x512x128xf32> to vector<512x128xf32>
    %dot_general3A_45 = arith.constant dense<0.000000e+00> : vector<512x16xf32>
    %dot_general3A_46 = tpu.matmul %get3A_44, %get3A_12, %dot_general3A_45 {dimension_numbers = #tpu.dot_dimension_numbers<[1], [0], [0], [1], [0, 0, 1, 1], [], []>, transpose_lhs_hint = false} : vector<512x128xf32>, vector<128x16xf32>, vector<512x16xf32> -> vector<512x16xf32>
    %add3A_47 = arith.addf %dot_general3A_46, %add3A_9 : vector<512x16xf32>
    %gt3A_48 = arith.constant 0.000000e+00 : f32
    %gt3A_49 = vector.broadcast %gt3A_48 : f32 to vector<512x16xf32>
    %gt3A_50 = arith.cmpf ogt, %add3A_47, %gt3A_49 : vector<512x16xf32>
    %mul3A_51 = arith.constant 2.000000e-01 : f32
    %mul3A_52 = vector.broadcast %mul3A_51 : f32 to vector<512x16xf32>
    %mul3A_53 = arith.mulf %mul3A_52, %add3A_47 : vector<512x16xf32>
    %select_n3A_54 = arith.select %gt3A_50, %add3A_47, %mul3A_53 : vector<512x16xi1>, vector<512x16xf32>
    %max3A_55 = arith.maximumf %max3A, %select_n3A_54 : vector<512x16xf32>
    %get3A_56 = arith.constant 3 : index
    %get3A_57 = arith.constant 0 : index
    %get3A_58 = arith.constant 0 : index
    %get3A_59 = vector.load %arg2[%get3A_56, %get3A_57, %get3A_58] : memref<16x512x128xf32, #tpu.memory_space<vmem>>, vector<1x512x128xf32>
    %get3A_60 = vector.shape_cast %get3A_59 : vector<1x512x128xf32> to vector<512x128xf32>
    %dot_general3A_61 = arith.constant dense<0.000000e+00> : vector<512x16xf32>
    %dot_general3A_62 = tpu.matmul %get3A_60, %get3A_12, %dot_general3A_61 {dimension_numbers = #tpu.dot_dimension_numbers<[1], [0], [0], [1], [0, 0, 1, 1], [], []>, transpose_lhs_hint = false} : vector<512x128xf32>, vector<128x16xf32>, vector<512x16xf32> -> vector<512x16xf32>
    %add3A_63 = arith.addf %dot_general3A_62, %add3A_9 : vector<512x16xf32>
    %gt3A_64 = arith.constant 0.000000e+00 : f32
    %gt3A_65 = vector.broadcast %gt3A_64 : f32 to vector<512x16xf32>
    %gt3A_66 = arith.cmpf ogt, %add3A_63, %gt3A_65 : vector<512x16xf32>
    %mul3A_67 = arith.constant 2.000000e-01 : f32
    %mul3A_68 = vector.broadcast %mul3A_67 : f32 to vector<512x16xf32>
    %mul3A_69 = arith.mulf %mul3A_68, %add3A_63 : vector<512x16xf32>
    %select_n3A_70 = arith.select %gt3A_66, %add3A_63, %mul3A_69 : vector<512x16xi1>, vector<512x16xf32>
    %max3A_71 = arith.maximumf %max3A_55, %select_n3A_70 : vector<512x16xf32>
    %get3A_72 = arith.constant 4 : index
    %get3A_73 = arith.constant 0 : index
    %get3A_74 = arith.constant 0 : index
    %get3A_75 = vector.load %arg2[%get3A_72, %get3A_73, %get3A_74] : memref<16x512x128xf32, #tpu.memory_space<vmem>>, vector<1x512x128xf32>
    %get3A_76 = vector.shape_cast %get3A_75 : vector<1x512x128xf32> to vector<512x128xf32>
    %dot_general3A_77 = arith.constant dense<0.000000e+00> : vector<512x16xf32>
    %dot_general3A_78 = tpu.matmul %get3A_76, %get3A_12, %dot_general3A_77 {dimension_numbers = #tpu.dot_dimension_numbers<[1], [0], [0], [1], [0, 0, 1, 1], [], []>, transpose_lhs_hint = false} : vector<512x128xf32>, vector<128x16xf32>, vector<512x16xf32> -> vector<512x16xf32>
    %add3A_79 = arith.addf %dot_general3A_78, %add3A_9 : vector<512x16xf32>
    %gt3A_80 = arith.constant 0.000000e+00 : f32
    %gt3A_81 = vector.broadcast %gt3A_80 : f32 to vector<512x16xf32>
    %gt3A_82 = arith.cmpf ogt, %add3A_79, %gt3A_81 : vector<512x16xf32>
    %mul3A_83 = arith.constant 2.000000e-01 : f32
    %mul3A_84 = vector.broadcast %mul3A_83 : f32 to vector<512x16xf32>
    %mul3A_85 = arith.mulf %mul3A_84, %add3A_79 : vector<512x16xf32>
    %select_n3A_86 = arith.select %gt3A_82, %add3A_79, %mul3A_85 : vector<512x16xi1>, vector<512x16xf32>
    %max3A_87 = arith.maximumf %max3A_71, %select_n3A_86 : vector<512x16xf32>
    %get3A_88 = arith.constant 5 : index
    %get3A_89 = arith.constant 0 : index
    %get3A_90 = arith.constant 0 : index
    %get3A_91 = vector.load %arg2[%get3A_88, %get3A_89, %get3A_90] : memref<16x512x128xf32, #tpu.memory_space<vmem>>, vector<1x512x128xf32>
    %get3A_92 = vector.shape_cast %get3A_91 : vector<1x512x128xf32> to vector<512x128xf32>
    %dot_general3A_93 = arith.constant dense<0.000000e+00> : vector<512x16xf32>
    %dot_general3A_94 = tpu.matmul %get3A_92, %get3A_12, %dot_general3A_93 {dimension_numbers = #tpu.dot_dimension_numbers<[1], [0], [0], [1], [0, 0, 1, 1], [], []>, transpose_lhs_hint = false} : vector<512x128xf32>, vector<128x16xf32>, vector<512x16xf32> -> vector<512x16xf32>
    %add3A_95 = arith.addf %dot_general3A_94, %add3A_9 : vector<512x16xf32>
    %gt3A_96 = arith.constant 0.000000e+00 : f32
    %gt3A_97 = vector.broadcast %gt3A_96 : f32 to vector<512x16xf32>
    %gt3A_98 = arith.cmpf ogt, %add3A_95, %gt3A_97 : vector<512x16xf32>
    %mul3A_99 = arith.constant 2.000000e-01 : f32
    %mul3A_100 = vector.broadcast %mul3A_99 : f32 to vector<512x16xf32>
    %mul3A_101 = arith.mulf %mul3A_100, %add3A_95 : vector<512x16xf32>
    %select_n3A_102 = arith.select %gt3A_98, %add3A_95, %mul3A_101 : vector<512x16xi1>, vector<512x16xf32>
    %max3A_103 = arith.maximumf %max3A_87, %select_n3A_102 : vector<512x16xf32>
    %get3A_104 = arith.constant 6 : index
    %get3A_105 = arith.constant 0 : index
    %get3A_106 = arith.constant 0 : index
    %get3A_107 = vector.load %arg2[%get3A_104, %get3A_105, %get3A_106] : memref<16x512x128xf32, #tpu.memory_space<vmem>>, vector<1x512x128xf32>
    %get3A_108 = vector.shape_cast %get3A_107 : vector<1x512x128xf32> to vector<512x128xf32>
    %dot_general3A_109 = arith.constant dense<0.000000e+00> : vector<512x16xf32>
    %dot_general3A_110 = tpu.matmul %get3A_108, %get3A_12, %dot_general3A_109 {dimension_numbers = #tpu.dot_dimension_numbers<[1], [0], [0], [1], [0, 0, 1, 1], [], []>, transpose_lhs_hint = false} : vector<512x128xf32>, vector<128x16xf32>, vector<512x16xf32> -> vector<512x16xf32>
    %add3A_111 = arith.addf %dot_general3A_110, %add3A_9 : vector<512x16xf32>
    %gt3A_112 = arith.constant 0.000000e+00 : f32
    %gt3A_113 = vector.broadcast %gt3A_112 : f32 to vector<512x16xf32>
    %gt3A_114 = arith.cmpf ogt, %add3A_111, %gt3A_113 : vector<512x16xf32>
    %mul3A_115 = arith.constant 2.000000e-01 : f32
    %mul3A_116 = vector.broadcast %mul3A_115 : f32 to vector<512x16xf32>
    %mul3A_117 = arith.mulf %mul3A_116, %add3A_111 : vector<512x16xf32>
    %select_n3A_118 = arith.select %gt3A_114, %add3A_111, %mul3A_117 : vector<512x16xi1>, vector<512x16xf32>
    %max3A_119 = arith.maximumf %max3A_103, %select_n3A_118 : vector<512x16xf32>
    %get3A_120 = arith.constant 7 : index
    %get3A_121 = arith.constant 0 : index
    %get3A_122 = arith.constant 0 : index
    %get3A_123 = vector.load %arg2[%get3A_120, %get3A_121, %get3A_122] : memref<16x512x128xf32, #tpu.memory_space<vmem>>, vector<1x512x128xf32>
    %get3A_124 = vector.shape_cast %get3A_123 : vector<1x512x128xf32> to vector<512x128xf32>
    %dot_general3A_125 = arith.constant dense<0.000000e+00> : vector<512x16xf32>
    %dot_general3A_126 = tpu.matmul %get3A_124, %get3A_12, %dot_general3A_125 {dimension_numbers = #tpu.dot_dimension_numbers<[1], [0], [0], [1], [0, 0, 1, 1], [], []>, transpose_lhs_hint = false} : vector<512x128xf32>, vector<128x16xf32>, vector<512x16xf32> -> vector<512x16xf32>
    %add3A_127 = arith.addf %dot_general3A_126, %add3A_9 : vector<512x16xf32>
    %gt3A_128 = arith.constant 0.000000e+00 : f32
    %gt3A_129 = vector.broadcast %gt3A_128 : f32 to vector<512x16xf32>
    %gt3A_130 = arith.cmpf ogt, %add3A_127, %gt3A_129 : vector<512x16xf32>
    %mul3A_131 = arith.constant 2.000000e-01 : f32
    %mul3A_132 = vector.broadcast %mul3A_131 : f32 to vector<512x16xf32>
    %mul3A_133 = arith.mulf %mul3A_132, %add3A_127 : vector<512x16xf32>
    %select_n3A_134 = arith.select %gt3A_130, %add3A_127, %mul3A_133 : vector<512x16xi1>, vector<512x16xf32>
    %max3A_135 = arith.maximumf %max3A_119, %select_n3A_134 : vector<512x16xf32>
    %get3A_136 = arith.constant 8 : index
    %get3A_137 = arith.constant 0 : index
    %get3A_138 = arith.constant 0 : index
    %get3A_139 = vector.load %arg2[%get3A_136, %get3A_137, %get3A_138] : memref<16x512x128xf32, #tpu.memory_space<vmem>>, vector<1x512x128xf32>
    %get3A_140 = vector.shape_cast %get3A_139 : vector<1x512x128xf32> to vector<512x128xf32>
    %dot_general3A_141 = arith.constant dense<0.000000e+00> : vector<512x16xf32>
    %dot_general3A_142 = tpu.matmul %get3A_140, %get3A_12, %dot_general3A_141 {dimension_numbers = #tpu.dot_dimension_numbers<[1], [0], [0], [1], [0, 0, 1, 1], [], []>, transpose_lhs_hint = false} : vector<512x128xf32>, vector<128x16xf32>, vector<512x16xf32> -> vector<512x16xf32>
    %add3A_143 = arith.addf %dot_general3A_142, %add3A_9 : vector<512x16xf32>
    %gt3A_144 = arith.constant 0.000000e+00 : f32
    %gt3A_145 = vector.broadcast %gt3A_144 : f32 to vector<512x16xf32>
    %gt3A_146 = arith.cmpf ogt, %add3A_143, %gt3A_145 : vector<512x16xf32>
    %mul3A_147 = arith.constant 2.000000e-01 : f32
    %mul3A_148 = vector.broadcast %mul3A_147 : f32 to vector<512x16xf32>
    %mul3A_149 = arith.mulf %mul3A_148, %add3A_143 : vector<512x16xf32>
    %select_n3A_150 = arith.select %gt3A_146, %add3A_143, %mul3A_149 : vector<512x16xi1>, vector<512x16xf32>
    %max3A_151 = arith.maximumf %max3A_135, %select_n3A_150 : vector<512x16xf32>
    %get3A_152 = arith.constant 9 : index
    %get3A_153 = arith.constant 0 : index
    %get3A_154 = arith.constant 0 : index
    %get3A_155 = vector.load %arg2[%get3A_152, %get3A_153, %get3A_154] : memref<16x512x128xf32, #tpu.memory_space<vmem>>, vector<1x512x128xf32>
    %get3A_156 = vector.shape_cast %get3A_155 : vector<1x512x128xf32> to vector<512x128xf32>
    %dot_general3A_157 = arith.constant dense<0.000000e+00> : vector<512x16xf32>
    %dot_general3A_158 = tpu.matmul %get3A_156, %get3A_12, %dot_general3A_157 {dimension_numbers = #tpu.dot_dimension_numbers<[1], [0], [0], [1], [0, 0, 1, 1], [], []>, transpose_lhs_hint = false} : vector<512x128xf32>, vector<128x16xf32>, vector<512x16xf32> -> vector<512x16xf32>
    %add3A_159 = arith.addf %dot_general3A_158, %add3A_9 : vector<512x16xf32>
    %gt3A_160 = arith.constant 0.000000e+00 : f32
    %gt3A_161 = vector.broadcast %gt3A_160 : f32 to vector<512x16xf32>
    %gt3A_162 = arith.cmpf ogt, %add3A_159, %gt3A_161 : vector<512x16xf32>
    %mul3A_163 = arith.constant 2.000000e-01 : f32
    %mul3A_164 = vector.broadcast %mul3A_163 : f32 to vector<512x16xf32>
    %mul3A_165 = arith.mulf %mul3A_164, %add3A_159 : vector<512x16xf32>
    %select_n3A_166 = arith.select %gt3A_162, %add3A_159, %mul3A_165 : vector<512x16xi1>, vector<512x16xf32>
    %max3A_167 = arith.maximumf %max3A_151, %select_n3A_166 : vector<512x16xf32>
    %get3A_168 = arith.constant 10 : index
    %get3A_169 = arith.constant 0 : index
    %get3A_170 = arith.constant 0 : index
    %get3A_171 = vector.load %arg2[%get3A_168, %get3A_169, %get3A_170] : memref<16x512x128xf32, #tpu.memory_space<vmem>>, vector<1x512x128xf32>
    %get3A_172 = vector.shape_cast %get3A_171 : vector<1x512x128xf32> to vector<512x128xf32>
    %dot_general3A_173 = arith.constant dense<0.000000e+00> : vector<512x16xf32>
    %dot_general3A_174 = tpu.matmul %get3A_172, %get3A_12, %dot_general3A_173 {dimension_numbers = #tpu.dot_dimension_numbers<[1], [0], [0], [1], [0, 0, 1, 1], [], []>, transpose_lhs_hint = false} : vector<512x128xf32>, vector<128x16xf32>, vector<512x16xf32> -> vector<512x16xf32>
    %add3A_175 = arith.addf %dot_general3A_174, %add3A_9 : vector<512x16xf32>
    %gt3A_176 = arith.constant 0.000000e+00 : f32
    %gt3A_177 = vector.broadcast %gt3A_176 : f32 to vector<512x16xf32>
    %gt3A_178 = arith.cmpf ogt, %add3A_175, %gt3A_177 : vector<512x16xf32>
    %mul3A_179 = arith.constant 2.000000e-01 : f32
    %mul3A_180 = vector.broadcast %mul3A_179 : f32 to vector<512x16xf32>
    %mul3A_181 = arith.mulf %mul3A_180, %add3A_175 : vector<512x16xf32>
    %select_n3A_182 = arith.select %gt3A_178, %add3A_175, %mul3A_181 : vector<512x16xi1>, vector<512x16xf32>
    %max3A_183 = arith.maximumf %max3A_167, %select_n3A_182 : vector<512x16xf32>
    %get3A_184 = arith.constant 11 : index
    %get3A_185 = arith.constant 0 : index
    %get3A_186 = arith.constant 0 : index
    %get3A_187 = vector.load %arg2[%get3A_184, %get3A_185, %get3A_186] : memref<16x512x128xf32, #tpu.memory_space<vmem>>, vector<1x512x128xf32>
    %get3A_188 = vector.shape_cast %get3A_187 : vector<1x512x128xf32> to vector<512x128xf32>
    %dot_general3A_189 = arith.constant dense<0.000000e+00> : vector<512x16xf32>
    %dot_general3A_190 = tpu.matmul %get3A_188, %get3A_12, %dot_general3A_189 {dimension_numbers = #tpu.dot_dimension_numbers<[1], [0], [0], [1], [0, 0, 1, 1], [], []>, transpose_lhs_hint = false} : vector<512x128xf32>, vector<128x16xf32>, vector<512x16xf32> -> vector<512x16xf32>
    %add3A_191 = arith.addf %dot_general3A_190, %add3A_9 : vector<512x16xf32>
    %gt3A_192 = arith.constant 0.000000e+00 : f32
    %gt3A_193 = vector.broadcast %gt3A_192 : f32 to vector<512x16xf32>
    %gt3A_194 = arith.cmpf ogt, %add3A_191, %gt3A_193 : vector<512x16xf32>
    %mul3A_195 = arith.constant 2.000000e-01 : f32
    %mul3A_196 = vector.broadcast %mul3A_195 : f32 to vector<512x16xf32>
    %mul3A_197 = arith.mulf %mul3A_196, %add3A_191 : vector<512x16xf32>
    %select_n3A_198 = arith.select %gt3A_194, %add3A_191, %mul3A_197 : vector<512x16xi1>, vector<512x16xf32>
    %max3A_199 = arith.maximumf %max3A_183, %select_n3A_198 : vector<512x16xf32>
    %get3A_200 = arith.constant 12 : index
    %get3A_201 = arith.constant 0 : index
    %get3A_202 = arith.constant 0 : index
    %get3A_203 = vector.load %arg2[%get3A_200, %get3A_201, %get3A_202] : memref<16x512x128xf32, #tpu.memory_space<vmem>>, vector<1x512x128xf32>
    %get3A_204 = vector.shape_cast %get3A_203 : vector<1x512x128xf32> to vector<512x128xf32>
    %dot_general3A_205 = arith.constant dense<0.000000e+00> : vector<512x16xf32>
    %dot_general3A_206 = tpu.matmul %get3A_204, %get3A_12, %dot_general3A_205 {dimension_numbers = #tpu.dot_dimension_numbers<[1], [0], [0], [1], [0, 0, 1, 1], [], []>, transpose_lhs_hint = false} : vector<512x128xf32>, vector<128x16xf32>, vector<512x16xf32> -> vector<512x16xf32>
    %add3A_207 = arith.addf %dot_general3A_206, %add3A_9 : vector<512x16xf32>
    %gt3A_208 = arith.constant 0.000000e+00 : f32
    %gt3A_209 = vector.broadcast %gt3A_208 : f32 to vector<512x16xf32>
    %gt3A_210 = arith.cmpf ogt, %add3A_207, %gt3A_209 : vector<512x16xf32>
    %mul3A_211 = arith.constant 2.000000e-01 : f32
    %mul3A_212 = vector.broadcast %mul3A_211 : f32 to vector<512x16xf32>
    %mul3A_213 = arith.mulf %mul3A_212, %add3A_207 : vector<512x16xf32>
    %select_n3A_214 = arith.select %gt3A_210, %add3A_207, %mul3A_213 : vector<512x16xi1>, vector<512x16xf32>
    %max3A_215 = arith.maximumf %max3A_199, %select_n3A_214 : vector<512x16xf32>
    %get3A_216 = arith.constant 13 : index
    %get3A_217 = arith.constant 0 : index
    %get3A_218 = arith.constant 0 : index
    %get3A_219 = vector.load %arg2[%get3A_216, %get3A_217, %get3A_218] : memref<16x512x128xf32, #tpu.memory_space<vmem>>, vector<1x512x128xf32>
    %get3A_220 = vector.shape_cast %get3A_219 : vector<1x512x128xf32> to vector<512x128xf32>
    %dot_general3A_221 = arith.constant dense<0.000000e+00> : vector<512x16xf32>
    %dot_general3A_222 = tpu.matmul %get3A_220, %get3A_12, %dot_general3A_221 {dimension_numbers = #tpu.dot_dimension_numbers<[1], [0], [0], [1], [0, 0, 1, 1], [], []>, transpose_lhs_hint = false} : vector<512x128xf32>, vector<128x16xf32>, vector<512x16xf32> -> vector<512x16xf32>
    %add3A_223 = arith.addf %dot_general3A_222, %add3A_9 : vector<512x16xf32>
    %gt3A_224 = arith.constant 0.000000e+00 : f32
    %gt3A_225 = vector.broadcast %gt3A_224 : f32 to vector<512x16xf32>
    %gt3A_226 = arith.cmpf ogt, %add3A_223, %gt3A_225 : vector<512x16xf32>
    %mul3A_227 = arith.constant 2.000000e-01 : f32
    %mul3A_228 = vector.broadcast %mul3A_227 : f32 to vector<512x16xf32>
    %mul3A_229 = arith.mulf %mul3A_228, %add3A_223 : vector<512x16xf32>
    %select_n3A_230 = arith.select %gt3A_226, %add3A_223, %mul3A_229 : vector<512x16xi1>, vector<512x16xf32>
    %max3A_231 = arith.maximumf %max3A_215, %select_n3A_230 : vector<512x16xf32>
    %get3A_232 = arith.constant 14 : index
    %get3A_233 = arith.constant 0 : index
    %get3A_234 = arith.constant 0 : index
    %get3A_235 = vector.load %arg2[%get3A_232, %get3A_233, %get3A_234] : memref<16x512x128xf32, #tpu.memory_space<vmem>>, vector<1x512x128xf32>
    %get3A_236 = vector.shape_cast %get3A_235 : vector<1x512x128xf32> to vector<512x128xf32>
    %dot_general3A_237 = arith.constant dense<0.000000e+00> : vector<512x16xf32>
    %dot_general3A_238 = tpu.matmul %get3A_236, %get3A_12, %dot_general3A_237 {dimension_numbers = #tpu.dot_dimension_numbers<[1], [0], [0], [1], [0, 0, 1, 1], [], []>, transpose_lhs_hint = false} : vector<512x128xf32>, vector<128x16xf32>, vector<512x16xf32> -> vector<512x16xf32>
    %add3A_239 = arith.addf %dot_general3A_238, %add3A_9 : vector<512x16xf32>
    %gt3A_240 = arith.constant 0.000000e+00 : f32
    %gt3A_241 = vector.broadcast %gt3A_240 : f32 to vector<512x16xf32>
    %gt3A_242 = arith.cmpf ogt, %add3A_239, %gt3A_241 : vector<512x16xf32>
    %mul3A_243 = arith.constant 2.000000e-01 : f32
    %mul3A_244 = vector.broadcast %mul3A_243 : f32 to vector<512x16xf32>
    %mul3A_245 = arith.mulf %mul3A_244, %add3A_239 : vector<512x16xf32>
    %select_n3A_246 = arith.select %gt3A_242, %add3A_239, %mul3A_245 : vector<512x16xi1>, vector<512x16xf32>
    %max3A_247 = arith.maximumf %max3A_231, %select_n3A_246 : vector<512x16xf32>
    %get3A_248 = arith.constant 15 : index
    %get3A_249 = arith.constant 0 : index
    %get3A_250 = arith.constant 0 : index
    %get3A_251 = vector.load %arg2[%get3A_248, %get3A_249, %get3A_250] : memref<16x512x128xf32, #tpu.memory_space<vmem>>, vector<1x512x128xf32>
    %get3A_252 = vector.shape_cast %get3A_251 : vector<1x512x128xf32> to vector<512x128xf32>
    %dot_general3A_253 = arith.constant dense<0.000000e+00> : vector<512x16xf32>
    %dot_general3A_254 = tpu.matmul %get3A_252, %get3A_12, %dot_general3A_253 {dimension_numbers = #tpu.dot_dimension_numbers<[1], [0], [0], [1], [0, 0, 1, 1], [], []>, transpose_lhs_hint = false} : vector<512x128xf32>, vector<128x16xf32>, vector<512x16xf32> -> vector<512x16xf32>
    %add3A_255 = arith.addf %dot_general3A_254, %add3A_9 : vector<512x16xf32>
    %gt3A_256 = arith.constant 0.000000e+00 : f32
    %gt3A_257 = vector.broadcast %gt3A_256 : f32 to vector<512x16xf32>
    %gt3A_258 = arith.cmpf ogt, %add3A_255, %gt3A_257 : vector<512x16xf32>
    %mul3A_259 = arith.constant 2.000000e-01 : f32
    %mul3A_260 = vector.broadcast %mul3A_259 : f32 to vector<512x16xf32>
    %mul3A_261 = arith.mulf %mul3A_260, %add3A_255 : vector<512x16xf32>
    %select_n3A_262 = arith.select %gt3A_258, %add3A_255, %mul3A_261 : vector<512x16xi1>, vector<512x16xf32>
    %max3A_263 = arith.maximumf %max3A_247, %select_n3A_262 : vector<512x16xf32>
    %swap3A = arith.constant 0 : index
    %swap3A_264 = arith.constant 0 : index
    %swap3A_265 = vector.load %arg6[%swap3A, %swap3A_264] : memref<512x16xf32, #tpu.memory_space<vmem>>, vector<512x16xf32>
    tpu.vector_store %arg6[%swap3A, %swap3A_264], %max3A_263 {strides = array<i32>} : memref<512x16xf32, #tpu.memory_space<vmem>>, vector<512x16xf32>,
    return
  }
  func.func @transform_0(%arg0: i32) -> (i32, i32) {
    %c0_i32 = arith.constant 0 : i32
    %c0_i32_0 = arith.constant 0 : i32
    return %arg0, %c0_i32 : i32, i32
  }
  func.func @transform_1(%arg0: i32) -> (i32, i32, i32) {
    %c0_i32 = arith.constant 0 : i32
    %c0_i32_0 = arith.constant 0 : i32
    %c0_i32_1 = arith.constant 0 : i32
    return %c0_i32, %arg0, %c0_i32_0 : i32, i32, i32
  }
  func.func @transform_2(%arg0: i32) -> (i32, i32) {
    %c0_i32 = arith.constant 0 : i32
    %c0_i32_0 = arith.constant 0 : i32
    %c0_i32_1 = arith.constant 0 : i32
    return %c0_i32, %c0_i32_0 : i32, i32
  }
  func.func @transform_3(%arg0: i32) -> (i32, i32) {
    %c0_i32 = arith.constant 0 : i32
    %c0_i32_0 = arith.constant 0 : i32
    %c0_i32_1 = arith.constant 0 : i32
    return %c0_i32, %c0_i32_0 : i32, i32
  }
  func.func @transform_4(%arg0: i32) -> (i32, i32) {
    %c0_i32 = arith.constant 0 : i32
    %c0_i32_0 = arith.constant 0 : i32
    %c0_i32_1 = arith.constant 0 : i32
    return %c0_i32, %c0_i32_0 : i32, i32
  }
  func.func @transform_5(%arg0: i32) -> (i32, i32) {
    %c0_i32 = arith.constant 0 : i32
    %c0_i32_0 = arith.constant 0 : i32
    return %arg0, %c0_i32 : i32, i32
  }
}

module attributes {stable_mosaic.version = 14 : i64} {
  func.func @body(%arg0: i32, %arg1: memref<512x128xf32, #tpu.memory_space<vmem>>, %arg2: memref<16x512x128xf32, #tpu.memory_space<vmem>>, %arg3: memref<128x32xf32, #tpu.memory_space<vmem>>, %arg4: memref<128x32xf32, #tpu.memory_space<vmem>>, %arg5: memref<1x32xf32, #tpu.memory_space<vmem>>, %arg6: memref<512x32xf32, #tpu.memory_space<vmem>>) attributes {dimension_semantics = [#tpu.dimension_semantics<arbitrary>], iteration_bounds = array<i64: 20>, scalar_prefetch = 0 : i64, scratch_operands = 0 : i64, tpu.core_type = #tpu.core_type<tc>, window_params = [{transform_indices = @transform_0, window_bounds = array<i64: 512, 128>}, {transform_indices = @transform_1, window_bounds = array<i64: 16, 512, 128>}, {pipeline_mode = #tpu.pipeline_mode<synchronous>, transform_indices = @transform_2, window_bounds = array<i64: 128, 32>}, {pipeline_mode = #tpu.pipeline_mode<synchronous>, transform_indices = @transform_3, window_bounds = array<i64: 128, 32>}, {pipeline_mode = #tpu.pipeline_mode<synchronous>, transform_indices = @transform_4, window_bounds = array<i64: 1, 32>}, {transform_indices = @transform_5, window_bounds = array<i64: 512, 32>}]} {
    %get3A = arith.constant 0 : index
    %get3A_0 = arith.constant 0 : index
    %get3A_1 = vector.load %arg1[%get3A, %get3A_0] : memref<512x128xf32, #tpu.memory_space<vmem>>, vector<512x128xf32>
    %get3A_2 = arith.constant 0 : index
    %get3A_3 = arith.constant 0 : index
    %get3A_4 = vector.load %arg3[%get3A_2, %get3A_3] : memref<128x32xf32, #tpu.memory_space<vmem>>, vector<128x32xf32>
    %dot_general3A = arith.constant dense<0.000000e+00> : vector<512x32xf32>
    %dot_general3A_5 = tpu.matmul %get3A_1, %get3A_4, %dot_general3A {dimension_numbers = #tpu.dot_dimension_numbers<[1], [0], [0], [1], [0, 0, 1, 1], [], []>, transpose_lhs_hint = false} : vector<512x128xf32>, vector<128x32xf32>, vector<512x32xf32> -> vector<512x32xf32>
    %get3A_6 = arith.constant 0 : index
    %get3A_7 = arith.constant 0 : index
    %get3A_8 = vector.load %arg5[%get3A_6, %get3A_7] : memref<1x32xf32, #tpu.memory_space<vmem>>, vector<1x32xf32>
    %add3A = vector.broadcast %get3A_8 : vector<1x32xf32> to vector<512x32xf32>
    %add3A_9 = arith.addf %dot_general3A_5, %add3A : vector<512x32xf32>
    %get3A_10 = arith.constant 0 : index
    %get3A_11 = arith.constant 0 : index
    %get3A_12 = vector.load %arg4[%get3A_10, %get3A_11] : memref<128x32xf32, #tpu.memory_space<vmem>>, vector<128x32xf32>
    %get3A_13 = arith.constant 0 : index
    %get3A_14 = arith.constant 0 : index
    %get3A_15 = arith.constant 0 : index
    %get3A_16 = vector.load %arg2[%get3A_13, %get3A_14, %get3A_15] : memref<16x512x128xf32, #tpu.memory_space<vmem>>, vector<1x512x128xf32>
    %get3A_17 = vector.shape_cast %get3A_16 : vector<1x512x128xf32> to vector<512x128xf32>
    %dot_general3A_18 = arith.constant dense<0.000000e+00> : vector<512x32xf32>
    %dot_general3A_19 = tpu.matmul %get3A_17, %get3A_12, %dot_general3A_18 {dimension_numbers = #tpu.dot_dimension_numbers<[1], [0], [0], [1], [0, 0, 1, 1], [], []>, transpose_lhs_hint = false} : vector<512x128xf32>, vector<128x32xf32>, vector<512x32xf32> -> vector<512x32xf32>
    %add3A_20 = arith.addf %dot_general3A_19, %add3A_9 : vector<512x32xf32>
    %gt3A = arith.constant 0.000000e+00 : f32
    %gt3A_21 = vector.broadcast %gt3A : f32 to vector<512x32xf32>
    %gt3A_22 = arith.cmpf ogt, %add3A_20, %gt3A_21 : vector<512x32xf32>
    %mul3A = arith.constant 2.000000e-01 : f32
    %mul3A_23 = vector.broadcast %mul3A : f32 to vector<512x32xf32>
    %mul3A_24 = arith.mulf %mul3A_23, %add3A_20 : vector<512x32xf32>
    %select_n3A = arith.select %gt3A_22, %add3A_20, %mul3A_24 : vector<512x32xi1>, vector<512x32xf32>
    %get3A_25 = arith.constant 1 : index
    %get3A_26 = arith.constant 0 : index
    %get3A_27 = arith.constant 0 : index
    %get3A_28 = vector.load %arg2[%get3A_25, %get3A_26, %get3A_27] : memref<16x512x128xf32, #tpu.memory_space<vmem>>, vector<1x512x128xf32>
    %get3A_29 = vector.shape_cast %get3A_28 : vector<1x512x128xf32> to vector<512x128xf32>
    %dot_general3A_30 = arith.constant dense<0.000000e+00> : vector<512x32xf32>
    %dot_general3A_31 = tpu.matmul %get3A_29, %get3A_12, %dot_general3A_30 {dimension_numbers = #tpu.dot_dimension_numbers<[1], [0], [0], [1], [0, 0, 1, 1], [], []>, transpose_lhs_hint = false} : vector<512x128xf32>, vector<128x32xf32>, vector<512x32xf32> -> vector<512x32xf32>
    %add3A_32 = arith.addf %dot_general3A_31, %add3A_9 : vector<512x32xf32>
    %gt3A_33 = arith.constant 0.000000e+00 : f32
    %gt3A_34 = vector.broadcast %gt3A_33 : f32 to vector<512x32xf32>
    %gt3A_35 = arith.cmpf ogt, %add3A_32, %gt3A_34 : vector<512x32xf32>
    %mul3A_36 = arith.constant 2.000000e-01 : f32
    %mul3A_37 = vector.broadcast %mul3A_36 : f32 to vector<512x32xf32>
    %mul3A_38 = arith.mulf %mul3A_37, %add3A_32 : vector<512x32xf32>
    %select_n3A_39 = arith.select %gt3A_35, %add3A_32, %mul3A_38 : vector<512x32xi1>, vector<512x32xf32>
    %max3A = arith.maximumf %select_n3A, %select_n3A_39 : vector<512x32xf32>
    %get3A_40 = arith.constant 2 : index
    %get3A_41 = arith.constant 0 : index
    %get3A_42 = arith.constant 0 : index
    %get3A_43 = vector.load %arg2[%get3A_40, %get3A_41, %get3A_42] : memref<16x512x128xf32, #tpu.memory_space<vmem>>, vector<1x512x128xf32>
    %get3A_44 = vector.shape_cast %get3A_43 : vector<1x512x128xf32> to vector<512x128xf32>
    %dot_general3A_45 = arith.constant dense<0.000000e+00> : vector<512x32xf32>
    %dot_general3A_46 = tpu.matmul %get3A_44, %get3A_12, %dot_general3A_45 {dimension_numbers = #tpu.dot_dimension_numbers<[1], [0], [0], [1], [0, 0, 1, 1], [], []>, transpose_lhs_hint = false} : vector<512x128xf32>, vector<128x32xf32>, vector<512x32xf32> -> vector<512x32xf32>
    %add3A_47 = arith.addf %dot_general3A_46, %add3A_9 : vector<512x32xf32>
    %gt3A_48 = arith.constant 0.000000e+00 : f32
    %gt3A_49 = vector.broadcast %gt3A_48 : f32 to vector<512x32xf32>
    %gt3A_50 = arith.cmpf ogt, %add3A_47, %gt3A_49 : vector<512x32xf32>
    %mul3A_51 = arith.constant 2.000000e-01 : f32
    %mul3A_52 = vector.broadcast %mul3A_51 : f32 to vector<512x32xf32>
    %mul3A_53 = arith.mulf %mul3A_52, %add3A_47 : vector<512x32xf32>
    %select_n3A_54 = arith.select %gt3A_50, %add3A_47, %mul3A_53 : vector<512x32xi1>, vector<512x32xf32>
    %max3A_55 = arith.maximumf %max3A, %select_n3A_54 : vector<512x32xf32>
    %get3A_56 = arith.constant 3 : index
    %get3A_57 = arith.constant 0 : index
    %get3A_58 = arith.constant 0 : index
    %get3A_59 = vector.load %arg2[%get3A_56, %get3A_57, %get3A_58] : memref<16x512x128xf32, #tpu.memory_space<vmem>>, vector<1x512x128xf32>
    %get3A_60 = vector.shape_cast %get3A_59 : vector<1x512x128xf32> to vector<512x128xf32>
    %dot_general3A_61 = arith.constant dense<0.000000e+00> : vector<512x32xf32>
    %dot_general3A_62 = tpu.matmul %get3A_60, %get3A_12, %dot_general3A_61 {dimension_numbers = #tpu.dot_dimension_numbers<[1], [0], [0], [1], [0, 0, 1, 1], [], []>, transpose_lhs_hint = false} : vector<512x128xf32>, vector<128x32xf32>, vector<512x32xf32> -> vector<512x32xf32>
    %add3A_63 = arith.addf %dot_general3A_62, %add3A_9 : vector<512x32xf32>
    %gt3A_64 = arith.constant 0.000000e+00 : f32
    %gt3A_65 = vector.broadcast %gt3A_64 : f32 to vector<512x32xf32>
    %gt3A_66 = arith.cmpf ogt, %add3A_63, %gt3A_65 : vector<512x32xf32>
    %mul3A_67 = arith.constant 2.000000e-01 : f32
    %mul3A_68 = vector.broadcast %mul3A_67 : f32 to vector<512x32xf32>
    %mul3A_69 = arith.mulf %mul3A_68, %add3A_63 : vector<512x32xf32>
    %select_n3A_70 = arith.select %gt3A_66, %add3A_63, %mul3A_69 : vector<512x32xi1>, vector<512x32xf32>
    %max3A_71 = arith.maximumf %max3A_55, %select_n3A_70 : vector<512x32xf32>
    %get3A_72 = arith.constant 4 : index
    %get3A_73 = arith.constant 0 : index
    %get3A_74 = arith.constant 0 : index
    %get3A_75 = vector.load %arg2[%get3A_72, %get3A_73, %get3A_74] : memref<16x512x128xf32, #tpu.memory_space<vmem>>, vector<1x512x128xf32>
    %get3A_76 = vector.shape_cast %get3A_75 : vector<1x512x128xf32> to vector<512x128xf32>
    %dot_general3A_77 = arith.constant dense<0.000000e+00> : vector<512x32xf32>
    %dot_general3A_78 = tpu.matmul %get3A_76, %get3A_12, %dot_general3A_77 {dimension_numbers = #tpu.dot_dimension_numbers<[1], [0], [0], [1], [0, 0, 1, 1], [], []>, transpose_lhs_hint = false} : vector<512x128xf32>, vector<128x32xf32>, vector<512x32xf32> -> vector<512x32xf32>
    %add3A_79 = arith.addf %dot_general3A_78, %add3A_9 : vector<512x32xf32>
    %gt3A_80 = arith.constant 0.000000e+00 : f32
    %gt3A_81 = vector.broadcast %gt3A_80 : f32 to vector<512x32xf32>
    %gt3A_82 = arith.cmpf ogt, %add3A_79, %gt3A_81 : vector<512x32xf32>
    %mul3A_83 = arith.constant 2.000000e-01 : f32
    %mul3A_84 = vector.broadcast %mul3A_83 : f32 to vector<512x32xf32>
    %mul3A_85 = arith.mulf %mul3A_84, %add3A_79 : vector<512x32xf32>
    %select_n3A_86 = arith.select %gt3A_82, %add3A_79, %mul3A_85 : vector<512x32xi1>, vector<512x32xf32>
    %max3A_87 = arith.maximumf %max3A_71, %select_n3A_86 : vector<512x32xf32>
    %get3A_88 = arith.constant 5 : index
    %get3A_89 = arith.constant 0 : index
    %get3A_90 = arith.constant 0 : index
    %get3A_91 = vector.load %arg2[%get3A_88, %get3A_89, %get3A_90] : memref<16x512x128xf32, #tpu.memory_space<vmem>>, vector<1x512x128xf32>
    %get3A_92 = vector.shape_cast %get3A_91 : vector<1x512x128xf32> to vector<512x128xf32>
    %dot_general3A_93 = arith.constant dense<0.000000e+00> : vector<512x32xf32>
    %dot_general3A_94 = tpu.matmul %get3A_92, %get3A_12, %dot_general3A_93 {dimension_numbers = #tpu.dot_dimension_numbers<[1], [0], [0], [1], [0, 0, 1, 1], [], []>, transpose_lhs_hint = false} : vector<512x128xf32>, vector<128x32xf32>, vector<512x32xf32> -> vector<512x32xf32>
    %add3A_95 = arith.addf %dot_general3A_94, %add3A_9 : vector<512x32xf32>
    %gt3A_96 = arith.constant 0.000000e+00 : f32
    %gt3A_97 = vector.broadcast %gt3A_96 : f32 to vector<512x32xf32>
    %gt3A_98 = arith.cmpf ogt, %add3A_95, %gt3A_97 : vector<512x32xf32>
    %mul3A_99 = arith.constant 2.000000e-01 : f32
    %mul3A_100 = vector.broadcast %mul3A_99 : f32 to vector<512x32xf32>
    %mul3A_101 = arith.mulf %mul3A_100, %add3A_95 : vector<512x32xf32>
    %select_n3A_102 = arith.select %gt3A_98, %add3A_95, %mul3A_101 : vector<512x32xi1>, vector<512x32xf32>
    %max3A_103 = arith.maximumf %max3A_87, %select_n3A_102 : vector<512x32xf32>
    %get3A_104 = arith.constant 6 : index
    %get3A_105 = arith.constant 0 : index
    %get3A_106 = arith.constant 0 : index
    %get3A_107 = vector.load %arg2[%get3A_104, %get3A_105, %get3A_106] : memref<16x512x128xf32, #tpu.memory_space<vmem>>, vector<1x512x128xf32>
    %get3A_108 = vector.shape_cast %get3A_107 : vector<1x512x128xf32> to vector<512x128xf32>
    %dot_general3A_109 = arith.constant dense<0.000000e+00> : vector<512x32xf32>
    %dot_general3A_110 = tpu.matmul %get3A_108, %get3A_12, %dot_general3A_109 {dimension_numbers = #tpu.dot_dimension_numbers<[1], [0], [0], [1], [0, 0, 1, 1], [], []>, transpose_lhs_hint = false} : vector<512x128xf32>, vector<128x32xf32>, vector<512x32xf32> -> vector<512x32xf32>
    %add3A_111 = arith.addf %dot_general3A_110, %add3A_9 : vector<512x32xf32>
    %gt3A_112 = arith.constant 0.000000e+00 : f32
    %gt3A_113 = vector.broadcast %gt3A_112 : f32 to vector<512x32xf32>
    %gt3A_114 = arith.cmpf ogt, %add3A_111, %gt3A_113 : vector<512x32xf32>
    %mul3A_115 = arith.constant 2.000000e-01 : f32
    %mul3A_116 = vector.broadcast %mul3A_115 : f32 to vector<512x32xf32>
    %mul3A_117 = arith.mulf %mul3A_116, %add3A_111 : vector<512x32xf32>
    %select_n3A_118 = arith.select %gt3A_114, %add3A_111, %mul3A_117 : vector<512x32xi1>, vector<512x32xf32>
    %max3A_119 = arith.maximumf %max3A_103, %select_n3A_118 : vector<512x32xf32>
    %get3A_120 = arith.constant 7 : index
    %get3A_121 = arith.constant 0 : index
    %get3A_122 = arith.constant 0 : index
    %get3A_123 = vector.load %arg2[%get3A_120, %get3A_121, %get3A_122] : memref<16x512x128xf32, #tpu.memory_space<vmem>>, vector<1x512x128xf32>
    %get3A_124 = vector.shape_cast %get3A_123 : vector<1x512x128xf32> to vector<512x128xf32>
    %dot_general3A_125 = arith.constant dense<0.000000e+00> : vector<512x32xf32>
    %dot_general3A_126 = tpu.matmul %get3A_124, %get3A_12, %dot_general3A_125 {dimension_numbers = #tpu.dot_dimension_numbers<[1], [0], [0], [1], [0, 0, 1, 1], [], []>, transpose_lhs_hint = false} : vector<512x128xf32>, vector<128x32xf32>, vector<512x32xf32> -> vector<512x32xf32>
    %add3A_127 = arith.addf %dot_general3A_126, %add3A_9 : vector<512x32xf32>
    %gt3A_128 = arith.constant 0.000000e+00 : f32
    %gt3A_129 = vector.broadcast %gt3A_128 : f32 to vector<512x32xf32>
    %gt3A_130 = arith.cmpf ogt, %add3A_127, %gt3A_129 : vector<512x32xf32>
    %mul3A_131 = arith.constant 2.000000e-01 : f32
    %mul3A_132 = vector.broadcast %mul3A_131 : f32 to vector<512x32xf32>
    %mul3A_133 = arith.mulf %mul3A_132, %add3A_127 : vector<512x32xf32>
    %select_n3A_134 = arith.select %gt3A_130, %add3A_127, %mul3A_133 : vector<512x32xi1>, vector<512x32xf32>
    %max3A_135 = arith.maximumf %max3A_119, %select_n3A_134 : vector<512x32xf32>
    %get3A_136 = arith.constant 8 : index
    %get3A_137 = arith.constant 0 : index
    %get3A_138 = arith.constant 0 : index
    %get3A_139 = vector.load %arg2[%get3A_136, %get3A_137, %get3A_138] : memref<16x512x128xf32, #tpu.memory_space<vmem>>, vector<1x512x128xf32>
    %get3A_140 = vector.shape_cast %get3A_139 : vector<1x512x128xf32> to vector<512x128xf32>
    %dot_general3A_141 = arith.constant dense<0.000000e+00> : vector<512x32xf32>
    %dot_general3A_142 = tpu.matmul %get3A_140, %get3A_12, %dot_general3A_141 {dimension_numbers = #tpu.dot_dimension_numbers<[1], [0], [0], [1], [0, 0, 1, 1], [], []>, transpose_lhs_hint = false} : vector<512x128xf32>, vector<128x32xf32>, vector<512x32xf32> -> vector<512x32xf32>
    %add3A_143 = arith.addf %dot_general3A_142, %add3A_9 : vector<512x32xf32>
    %gt3A_144 = arith.constant 0.000000e+00 : f32
    %gt3A_145 = vector.broadcast %gt3A_144 : f32 to vector<512x32xf32>
    %gt3A_146 = arith.cmpf ogt, %add3A_143, %gt3A_145 : vector<512x32xf32>
    %mul3A_147 = arith.constant 2.000000e-01 : f32
    %mul3A_148 = vector.broadcast %mul3A_147 : f32 to vector<512x32xf32>
    %mul3A_149 = arith.mulf %mul3A_148, %add3A_143 : vector<512x32xf32>
    %select_n3A_150 = arith.select %gt3A_146, %add3A_143, %mul3A_149 : vector<512x32xi1>, vector<512x32xf32>
    %max3A_151 = arith.maximumf %max3A_135, %select_n3A_150 : vector<512x32xf32>
    %get3A_152 = arith.constant 9 : index
    %get3A_153 = arith.constant 0 : index
    %get3A_154 = arith.constant 0 : index
    %get3A_155 = vector.load %arg2[%get3A_152, %get3A_153, %get3A_154] : memref<16x512x128xf32, #tpu.memory_space<vmem>>, vector<1x512x128xf32>
    %get3A_156 = vector.shape_cast %get3A_155 : vector<1x512x128xf32> to vector<512x128xf32>
    %dot_general3A_157 = arith.constant dense<0.000000e+00> : vector<512x32xf32>
    %dot_general3A_158 = tpu.matmul %get3A_156, %get3A_12, %dot_general3A_157 {dimension_numbers = #tpu.dot_dimension_numbers<[1], [0], [0], [1], [0, 0, 1, 1], [], []>, transpose_lhs_hint = false} : vector<512x128xf32>, vector<128x32xf32>, vector<512x32xf32> -> vector<512x32xf32>
    %add3A_159 = arith.addf %dot_general3A_158, %add3A_9 : vector<512x32xf32>
    %gt3A_160 = arith.constant 0.000000e+00 : f32
    %gt3A_161 = vector.broadcast %gt3A_160 : f32 to vector<512x32xf32>
    %gt3A_162 = arith.cmpf ogt, %add3A_159, %gt3A_161 : vector<512x32xf32>
    %mul3A_163 = arith.constant 2.000000e-01 : f32
    %mul3A_164 = vector.broadcast %mul3A_163 : f32 to vector<512x32xf32>
    %mul3A_165 = arith.mulf %mul3A_164, %add3A_159 : vector<512x32xf32>
    %select_n3A_166 = arith.select %gt3A_162, %add3A_159, %mul3A_165 : vector<512x32xi1>, vector<512x32xf32>
    %max3A_167 = arith.maximumf %max3A_151, %select_n3A_166 : vector<512x32xf32>
    %get3A_168 = arith.constant 10 : index
    %get3A_169 = arith.constant 0 : index
    %get3A_170 = arith.constant 0 : index
    %get3A_171 = vector.load %arg2[%get3A_168, %get3A_169, %get3A_170] : memref<16x512x128xf32, #tpu.memory_space<vmem>>, vector<1x512x128xf32>
    %get3A_172 = vector.shape_cast %get3A_171 : vector<1x512x128xf32> to vector<512x128xf32>
    %dot_general3A_173 = arith.constant dense<0.000000e+00> : vector<512x32xf32>
    %dot_general3A_174 = tpu.matmul %get3A_172, %get3A_12, %dot_general3A_173 {dimension_numbers = #tpu.dot_dimension_numbers<[1], [0], [0], [1], [0, 0, 1, 1], [], []>, transpose_lhs_hint = false} : vector<512x128xf32>, vector<128x32xf32>, vector<512x32xf32> -> vector<512x32xf32>
    %add3A_175 = arith.addf %dot_general3A_174, %add3A_9 : vector<512x32xf32>
    %gt3A_176 = arith.constant 0.000000e+00 : f32
    %gt3A_177 = vector.broadcast %gt3A_176 : f32 to vector<512x32xf32>
    %gt3A_178 = arith.cmpf ogt, %add3A_175, %gt3A_177 : vector<512x32xf32>
    %mul3A_179 = arith.constant 2.000000e-01 : f32
    %mul3A_180 = vector.broadcast %mul3A_179 : f32 to vector<512x32xf32>
    %mul3A_181 = arith.mulf %mul3A_180, %add3A_175 : vector<512x32xf32>
    %select_n3A_182 = arith.select %gt3A_178, %add3A_175, %mul3A_181 : vector<512x32xi1>, vector<512x32xf32>
    %max3A_183 = arith.maximumf %max3A_167, %select_n3A_182 : vector<512x32xf32>
    %get3A_184 = arith.constant 11 : index
    %get3A_185 = arith.constant 0 : index
    %get3A_186 = arith.constant 0 : index
    %get3A_187 = vector.load %arg2[%get3A_184, %get3A_185, %get3A_186] : memref<16x512x128xf32, #tpu.memory_space<vmem>>, vector<1x512x128xf32>
    %get3A_188 = vector.shape_cast %get3A_187 : vector<1x512x128xf32> to vector<512x128xf32>
    %dot_general3A_189 = arith.constant dense<0.000000e+00> : vector<512x32xf32>
    %dot_general3A_190 = tpu.matmul %get3A_188, %get3A_12, %dot_general3A_189 {dimension_numbers = #tpu.dot_dimension_numbers<[1], [0], [0], [1], [0, 0, 1, 1], [], []>, transpose_lhs_hint = false} : vector<512x128xf32>, vector<128x32xf32>, vector<512x32xf32> -> vector<512x32xf32>
    %add3A_191 = arith.addf %dot_general3A_190, %add3A_9 : vector<512x32xf32>
    %gt3A_192 = arith.constant 0.000000e+00 : f32
    %gt3A_193 = vector.broadcast %gt3A_192 : f32 to vector<512x32xf32>
    %gt3A_194 = arith.cmpf ogt, %add3A_191, %gt3A_193 : vector<512x32xf32>
    %mul3A_195 = arith.constant 2.000000e-01 : f32
    %mul3A_196 = vector.broadcast %mul3A_195 : f32 to vector<512x32xf32>
    %mul3A_197 = arith.mulf %mul3A_196, %add3A_191 : vector<512x32xf32>
    %select_n3A_198 = arith.select %gt3A_194, %add3A_191, %mul3A_197 : vector<512x32xi1>, vector<512x32xf32>
    %max3A_199 = arith.maximumf %max3A_183, %select_n3A_198 : vector<512x32xf32>
    %get3A_200 = arith.constant 12 : index
    %get3A_201 = arith.constant 0 : index
    %get3A_202 = arith.constant 0 : index
    %get3A_203 = vector.load %arg2[%get3A_200, %get3A_201, %get3A_202] : memref<16x512x128xf32, #tpu.memory_space<vmem>>, vector<1x512x128xf32>
    %get3A_204 = vector.shape_cast %get3A_203 : vector<1x512x128xf32> to vector<512x128xf32>
    %dot_general3A_205 = arith.constant dense<0.000000e+00> : vector<512x32xf32>
    %dot_general3A_206 = tpu.matmul %get3A_204, %get3A_12, %dot_general3A_205 {dimension_numbers = #tpu.dot_dimension_numbers<[1], [0], [0], [1], [0, 0, 1, 1], [], []>, transpose_lhs_hint = false} : vector<512x128xf32>, vector<128x32xf32>, vector<512x32xf32> -> vector<512x32xf32>
    %add3A_207 = arith.addf %dot_general3A_206, %add3A_9 : vector<512x32xf32>
    %gt3A_208 = arith.constant 0.000000e+00 : f32
    %gt3A_209 = vector.broadcast %gt3A_208 : f32 to vector<512x32xf32>
    %gt3A_210 = arith.cmpf ogt, %add3A_207, %gt3A_209 : vector<512x32xf32>
    %mul3A_211 = arith.constant 2.000000e-01 : f32
    %mul3A_212 = vector.broadcast %mul3A_211 : f32 to vector<512x32xf32>
    %mul3A_213 = arith.mulf %mul3A_212, %add3A_207 : vector<512x32xf32>
    %select_n3A_214 = arith.select %gt3A_210, %add3A_207, %mul3A_213 : vector<512x32xi1>, vector<512x32xf32>
    %max3A_215 = arith.maximumf %max3A_199, %select_n3A_214 : vector<512x32xf32>
    %get3A_216 = arith.constant 13 : index
    %get3A_217 = arith.constant 0 : index
    %get3A_218 = arith.constant 0 : index
    %get3A_219 = vector.load %arg2[%get3A_216, %get3A_217, %get3A_218] : memref<16x512x128xf32, #tpu.memory_space<vmem>>, vector<1x512x128xf32>
    %get3A_220 = vector.shape_cast %get3A_219 : vector<1x512x128xf32> to vector<512x128xf32>
    %dot_general3A_221 = arith.constant dense<0.000000e+00> : vector<512x32xf32>
    %dot_general3A_222 = tpu.matmul %get3A_220, %get3A_12, %dot_general3A_221 {dimension_numbers = #tpu.dot_dimension_numbers<[1], [0], [0], [1], [0, 0, 1, 1], [], []>, transpose_lhs_hint = false} : vector<512x128xf32>, vector<128x32xf32>, vector<512x32xf32> -> vector<512x32xf32>
    %add3A_223 = arith.addf %dot_general3A_222, %add3A_9 : vector<512x32xf32>
    %gt3A_224 = arith.constant 0.000000e+00 : f32
    %gt3A_225 = vector.broadcast %gt3A_224 : f32 to vector<512x32xf32>
    %gt3A_226 = arith.cmpf ogt, %add3A_223, %gt3A_225 : vector<512x32xf32>
    %mul3A_227 = arith.constant 2.000000e-01 : f32
    %mul3A_228 = vector.broadcast %mul3A_227 : f32 to vector<512x32xf32>
    %mul3A_229 = arith.mulf %mul3A_228, %add3A_223 : vector<512x32xf32>
    %select_n3A_230 = arith.select %gt3A_226, %add3A_223, %mul3A_229 : vector<512x32xi1>, vector<512x32xf32>
    %max3A_231 = arith.maximumf %max3A_215, %select_n3A_230 : vector<512x32xf32>
    %get3A_232 = arith.constant 14 : index
    %get3A_233 = arith.constant 0 : index
    %get3A_234 = arith.constant 0 : index
    %get3A_235 = vector.load %arg2[%get3A_232, %get3A_233, %get3A_234] : memref<16x512x128xf32, #tpu.memory_space<vmem>>, vector<1x512x128xf32>
    %get3A_236 = vector.shape_cast %get3A_235 : vector<1x512x128xf32> to vector<512x128xf32>
    %dot_general3A_237 = arith.constant dense<0.000000e+00> : vector<512x32xf32>
    %dot_general3A_238 = tpu.matmul %get3A_236, %get3A_12, %dot_general3A_237 {dimension_numbers = #tpu.dot_dimension_numbers<[1], [0], [0], [1], [0, 0, 1, 1], [], []>, transpose_lhs_hint = false} : vector<512x128xf32>, vector<128x32xf32>, vector<512x32xf32> -> vector<512x32xf32>
    %add3A_239 = arith.addf %dot_general3A_238, %add3A_9 : vector<512x32xf32>
    %gt3A_240 = arith.constant 0.000000e+00 : f32
    %gt3A_241 = vector.broadcast %gt3A_240 : f32 to vector<512x32xf32>
    %gt3A_242 = arith.cmpf ogt, %add3A_239, %gt3A_241 : vector<512x32xf32>
    %mul3A_243 = arith.constant 2.000000e-01 : f32
    %mul3A_244 = vector.broadcast %mul3A_243 : f32 to vector<512x32xf32>
    %mul3A_245 = arith.mulf %mul3A_244, %add3A_239 : vector<512x32xf32>
    %select_n3A_246 = arith.select %gt3A_242, %add3A_239, %mul3A_245 : vector<512x32xi1>, vector<512x32xf32>
    %max3A_247 = arith.maximumf %max3A_231, %select_n3A_246 : vector<512x32xf32>
    %get3A_248 = arith.constant 15 : index
    %get3A_249 = arith.constant 0 : index
    %get3A_250 = arith.constant 0 : index
    %get3A_251 = vector.load %arg2[%get3A_248, %get3A_249, %get3A_250] : memref<16x512x128xf32, #tpu.memory_space<vmem>>, vector<1x512x128xf32>
    %get3A_252 = vector.shape_cast %get3A_251 : vector<1x512x128xf32> to vector<512x128xf32>
    %dot_general3A_253 = arith.constant dense<0.000000e+00> : vector<512x32xf32>
    %dot_general3A_254 = tpu.matmul %get3A_252, %get3A_12, %dot_general3A_253 {dimension_numbers = #tpu.dot_dimension_numbers<[1], [0], [0], [1], [0, 0, 1, 1], [], []>, transpose_lhs_hint = false} : vector<512x128xf32>, vector<128x32xf32>, vector<512x32xf32> -> vector<512x32xf32>
    %add3A_255 = arith.addf %dot_general3A_254, %add3A_9 : vector<512x32xf32>
    %gt3A_256 = arith.constant 0.000000e+00 : f32
    %gt3A_257 = vector.broadcast %gt3A_256 : f32 to vector<512x32xf32>
    %gt3A_258 = arith.cmpf ogt, %add3A_255, %gt3A_257 : vector<512x32xf32>
    %mul3A_259 = arith.constant 2.000000e-01 : f32
    %mul3A_260 = vector.broadcast %mul3A_259 : f32 to vector<512x32xf32>
    %mul3A_261 = arith.mulf %mul3A_260, %add3A_255 : vector<512x32xf32>
    %select_n3A_262 = arith.select %gt3A_258, %add3A_255, %mul3A_261 : vector<512x32xi1>, vector<512x32xf32>
    %max3A_263 = arith.maximumf %max3A_247, %select_n3A_262 : vector<512x32xf32>
    %swap3A = arith.constant 0 : index
    %swap3A_264 = arith.constant 0 : index
    %swap3A_265 = vector.load %arg6[%swap3A, %swap3A_264] : memref<512x32xf32, #tpu.memory_space<vmem>>, vector<512x32xf32>
    tpu.vector_store %arg6[%swap3A, %swap3A_264], %max3A_263 {strides = array<i32>} : memref<512x32xf32, #tpu.memory_space<vmem>>, vector<512x32xf32>,
    return
  }
  func.func @transform_0(%arg0: i32) -> (i32, i32) {
    %c0_i32 = arith.constant 0 : i32
    %c0_i32_0 = arith.constant 0 : i32
    return %arg0, %c0_i32 : i32, i32
  }
  func.func @transform_1(%arg0: i32) -> (i32, i32, i32) {
    %c0_i32 = arith.constant 0 : i32
    %c0_i32_0 = arith.constant 0 : i32
    %c0_i32_1 = arith.constant 0 : i32
    return %c0_i32, %arg0, %c0_i32_0 : i32, i32, i32
  }
  func.func @transform_2(%arg0: i32) -> (i32, i32) {
    %c0_i32 = arith.constant 0 : i32
    %c0_i32_0 = arith.constant 0 : i32
    %c0_i32_1 = arith.constant 0 : i32
    return %c0_i32, %c0_i32_0 : i32, i32
  }
  func.func @transform_3(%arg0: i32) -> (i32, i32) {
    %c0_i32 = arith.constant 0 : i32
    %c0_i32_0 = arith.constant 0 : i32
    %c0_i32_1 = arith.constant 0 : i32
    return %c0_i32, %c0_i32_0 : i32, i32
  }
  func.func @transform_4(%arg0: i32) -> (i32, i32) {
    %c0_i32 = arith.constant 0 : i32
    %c0_i32_0 = arith.constant 0 : i32
    %c0_i32_1 = arith.constant 0 : i32
    return %c0_i32, %c0_i32_0 : i32, i32
  }
  func.func @transform_5(%arg0: i32) -> (i32, i32) {
    %c0_i32 = arith.constant 0 : i32
    %c0_i32_0 = arith.constant 0 : i32
    return %arg0, %c0_i32 : i32, i32
  }
}

module attributes {stable_mosaic.version = 14 : i64} {
  func.func @body(%arg0: i32, %arg1: memref<512x32xf32, #tpu.memory_space<vmem>>, %arg2: memref<512x64xf32, #tpu.memory_space<vmem>>, %arg3: memref<32x64xf32, #tpu.memory_space<vmem>>, %arg4: memref<1x64xf32, #tpu.memory_space<vmem>>, %arg5: memref<64x1xf32, #tpu.memory_space<vmem>>, %arg6: memref<1x1xf32, #tpu.memory_space<vmem>>, %arg7: memref<512x64xf32, #tpu.memory_space<vmem>>, %arg8: memref<512x1xf32, #tpu.memory_space<vmem>>) attributes {dimension_semantics = [#tpu.dimension_semantics<arbitrary>], iteration_bounds = array<i64: 20>, scalar_prefetch = 0 : i64, scratch_operands = 0 : i64, tpu.core_type = #tpu.core_type<tc>, window_params = [{transform_indices = @transform_0, window_bounds = array<i64: 512, 32>}, {transform_indices = @transform_1, window_bounds = array<i64: 512, 64>}, {pipeline_mode = #tpu.pipeline_mode<synchronous>, transform_indices = @transform_2, window_bounds = array<i64: 32, 64>}, {pipeline_mode = #tpu.pipeline_mode<synchronous>, transform_indices = @transform_3, window_bounds = array<i64: 1, 64>}, {pipeline_mode = #tpu.pipeline_mode<synchronous>, transform_indices = @transform_4, window_bounds = array<i64: 64, 1>}, {pipeline_mode = #tpu.pipeline_mode<synchronous>, transform_indices = @transform_5, window_bounds = array<i64: 1, 1>}, {transform_indices = @transform_6, window_bounds = array<i64: 512, 64>}, {transform_indices = @transform_7, window_bounds = array<i64: 512, 1>}]} {
    %get3A = arith.constant 0 : index
    %get3A_0 = arith.constant 0 : index
    %get3A_1 = vector.load %arg1[%get3A, %get3A_0] : memref<512x32xf32, #tpu.memory_space<vmem>>, vector<512x32xf32>
    %get3A_2 = arith.constant 0 : index
    %get3A_3 = arith.constant 0 : index
    %get3A_4 = vector.load %arg3[%get3A_2, %get3A_3] : memref<32x64xf32, #tpu.memory_space<vmem>>, vector<32x64xf32>
    %dot_general3A = arith.constant dense<0.000000e+00> : vector<512x64xf32>
    %dot_general3A_5 = tpu.matmul %get3A_1, %get3A_4, %dot_general3A {dimension_numbers = #tpu.dot_dimension_numbers<[1], [0], [0], [1], [0, 0, 1, 1], [], []>, transpose_lhs_hint = false} : vector<512x32xf32>, vector<32x64xf32>, vector<512x64xf32> -> vector<512x64xf32>
    %get3A_6 = arith.constant 0 : index
    %get3A_7 = arith.constant 0 : index
    %get3A_8 = vector.load %arg4[%get3A_6, %get3A_7] : memref<1x64xf32, #tpu.memory_space<vmem>>, vector<1x64xf32>
    %add3A = vector.broadcast %get3A_8 : vector<1x64xf32> to vector<512x64xf32>
    %add3A_9 = arith.addf %dot_general3A_5, %add3A : vector<512x64xf32>
    %get3A_10 = arith.constant 0 : index
    %get3A_11 = arith.constant 0 : index
    %get3A_12 = vector.load %arg2[%get3A_10, %get3A_11] : memref<512x64xf32, #tpu.memory_space<vmem>>, vector<512x64xf32>
    %add3A_13 = arith.addf %add3A_9, %get3A_12 : vector<512x64xf32>
    %gt3A = arith.constant 0.000000e+00 : f32
    %gt3A_14 = vector.broadcast %gt3A : f32 to vector<512x64xf32>
    %gt3A_15 = arith.cmpf ogt, %add3A_13, %gt3A_14 : vector<512x64xf32>
    %mul3A = arith.constant 2.000000e-01 : f32
    %mul3A_16 = vector.broadcast %mul3A : f32 to vector<512x64xf32>
    %mul3A_17 = arith.mulf %mul3A_16, %add3A_13 : vector<512x64xf32>
    %select_n3A = arith.select %gt3A_15, %add3A_13, %mul3A_17 : vector<512x64xi1>, vector<512x64xf32>
    %swap3A = arith.constant 0 : index
    %swap3A_18 = arith.constant 0 : index
    %swap3A_19 = vector.load %arg7[%swap3A, %swap3A_18] : memref<512x64xf32, #tpu.memory_space<vmem>>, vector<512x64xf32>
    tpu.vector_store %arg7[%swap3A, %swap3A_18], %select_n3A {strides = array<i32>} : memref<512x64xf32, #tpu.memory_space<vmem>>, vector<512x64xf32>,
    %get3A_20 = arith.constant 0 : index
    %get3A_21 = arith.constant 0 : index
    %get3A_22 = vector.load %arg5[%get3A_20, %get3A_21] : memref<64x1xf32, #tpu.memory_space<vmem>>, vector<64x1xf32>
    %dot_general3A_23 = arith.constant dense<0.000000e+00> : vector<512x1xf32>
    %dot_general3A_24 = tpu.matmul %select_n3A, %get3A_22, %dot_general3A_23 {dimension_numbers = #tpu.dot_dimension_numbers<[1], [0], [0], [1], [0, 0, 1, 1], [], []>, transpose_lhs_hint = false} : vector<512x64xf32>, vector<64x1xf32>, vector<512x1xf32> -> vector<512x1xf32>
    %get3A_25 = arith.constant 0 : index
    %get3A_26 = arith.constant 0 : index
    %get3A_27 = vector.load %arg6[%get3A_25, %get3A_26] : memref<1x1xf32, #tpu.memory_space<vmem>>, vector<1x1xf32>
    %get3A_28 = vector.extract %get3A_27[0, 0] : f32 from vector<1x1xf32>
    %div3A = vector.broadcast %get3A_28 : f32 to vector<512x1xf32>
    %div3A_29 = arith.divf %dot_general3A_24, %div3A : vector<512x1xf32>
    %swap3A_30 = arith.constant 0 : index
    %swap3A_31 = arith.constant 0 : index
    %swap3A_32 = vector.load %arg8[%swap3A_30, %swap3A_31] : memref<512x1xf32, #tpu.memory_space<vmem>>, vector<512x1xf32>
    tpu.vector_store %arg8[%swap3A_30, %swap3A_31], %div3A_29 {strides = array<i32>} : memref<512x1xf32, #tpu.memory_space<vmem>>, vector<512x1xf32>,
    return
  }
  func.func @transform_0(%arg0: i32) -> (i32, i32) {
    %c0_i32 = arith.constant 0 : i32
    %c0_i32_0 = arith.constant 0 : i32
    return %arg0, %c0_i32 : i32, i32
  }
  func.func @transform_1(%arg0: i32) -> (i32, i32) {
    %c0_i32 = arith.constant 0 : i32
    %c0_i32_0 = arith.constant 0 : i32
    return %arg0, %c0_i32 : i32, i32
  }
  func.func @transform_2(%arg0: i32) -> (i32, i32) {
    %c0_i32 = arith.constant 0 : i32
    %c0_i32_0 = arith.constant 0 : i32
    %c0_i32_1 = arith.constant 0 : i32
    return %c0_i32, %c0_i32_0 : i32, i32
  }
  func.func @transform_3(%arg0: i32) -> (i32, i32) {
    %c0_i32 = arith.constant 0 : i32
    %c0_i32_0 = arith.constant 0 : i32
    %c0_i32_1 = arith.constant 0 : i32
    return %c0_i32, %c0_i32_0 : i32, i32
  }
  func.func @transform_4(%arg0: i32) -> (i32, i32) {
    %c0_i32 = arith.constant 0 : i32
    %c0_i32_0 = arith.constant 0 : i32
    %c0_i32_1 = arith.constant 0 : i32
    return %c0_i32, %c0_i32_0 : i32, i32
  }
  func.func @transform_5(%arg0: i32) -> (i32, i32) {
    %c0_i32 = arith.constant 0 : i32
    %c0_i32_0 = arith.constant 0 : i32
    %c0_i32_1 = arith.constant 0 : i32
    return %c0_i32, %c0_i32_0 : i32, i32
  }
  func.func @transform_6(%arg0: i32) -> (i32, i32) {
    %c0_i32 = arith.constant 0 : i32
    %c0_i32_0 = arith.constant 0 : i32
    return %arg0, %c0_i32 : i32, i32
  }
  func.func @transform_7(%arg0: i32) -> (i32, i32) {
    %c0_i32 = arith.constant 0 : i32
    %c0_i32_0 = arith.constant 0 : i32
    return %arg0, %c0_i32 : i32, i32
  }
}

module attributes {stable_mosaic.version = 14 : i64} {
  func.func @body(%arg0: i32, %arg1: memref<256x1xi32, #tpu.memory_space<vmem>>, %arg2: memref<10000x68xf32, #tpu.memory_space<vmem>>, %arg3: memref<256x68xf32, #tpu.memory_space<vmem>>) attributes {dimension_semantics = [#tpu.dimension_semantics<arbitrary>], iteration_bounds = array<i64: 20>, scalar_prefetch = 0 : i64, scratch_operands = 0 : i64, tpu.core_type = #tpu.core_type<tc>, window_params = [{transform_indices = @transform_0, window_bounds = array<i64: 256, 1>}, {pipeline_mode = #tpu.pipeline_mode<synchronous>, transform_indices = @transform_1, window_bounds = array<i64: 10000, 68>}, {transform_indices = @transform_2, window_bounds = array<i64: 256, 68>}]} {
    %get3A = arith.constant 0 : index
    %get3A_0 = arith.constant 0 : index
    %get3A_1 = vector.load %arg1[%get3A, %get3A_0] : memref<256x1xi32, #tpu.memory_space<vmem>>, vector<256x1xi32>
    %iota3A = tpu.iota {dimensions = array<i32: 1>} : vector<256x10000xi32>
    %eq3A = vector.broadcast %get3A_1 : vector<256x1xi32> to vector<256x10000xi32>
    %eq3A_2 = arith.cmpi eq, %iota3A, %eq3A : vector<256x10000xi32>
    %convert_element_type3A = arith.extui %eq3A_2 : vector<256x10000xi1> to vector<256x10000xi32>
    %convert_element_type3A_3 = arith.sitofp %convert_element_type3A : vector<256x10000xi32> to vector<256x10000xf32>
    %get3A_4 = arith.constant 0 : index
    %get3A_5 = arith.constant 0 : index
    %get3A_6 = vector.load %arg2[%get3A_4, %get3A_5] : memref<10000x68xf32, #tpu.memory_space<vmem>>, vector<10000x68xf32>
    %dot_general3A = arith.constant dense<0.000000e+00> : vector<256x68xf32>
    %dot_general3A_7 = tpu.matmul %convert_element_type3A_3, %get3A_6, %dot_general3A {dimension_numbers = #tpu.dot_dimension_numbers<[1], [0], [0], [1], [0, 0, 1, 1], [], []>, transpose_lhs_hint = false} : vector<256x10000xf32>, vector<10000x68xf32>, vector<256x68xf32> -> vector<256x68xf32>
    %swap3A = arith.constant 0 : index
    %swap3A_8 = arith.constant 0 : index
    %swap3A_9 = vector.load %arg3[%swap3A, %swap3A_8] : memref<256x68xf32, #tpu.memory_space<vmem>>, vector<256x68xf32>
    tpu.vector_store %arg3[%swap3A, %swap3A_8], %dot_general3A_7 {strides = array<i32>} : memref<256x68xf32, #tpu.memory_space<vmem>>, vector<256x68xf32>,
    return
  }
  func.func @transform_0(%arg0: i32) -> (i32, i32) {
    %c0_i32 = arith.constant 0 : i32
    %c0_i32_0 = arith.constant 0 : i32
    return %arg0, %c0_i32 : i32, i32
  }
  func.func @transform_1(%arg0: i32) -> (i32, i32) {
    %c0_i32 = arith.constant 0 : i32
    %c0_i32_0 = arith.constant 0 : i32
    %c0_i32_1 = arith.constant 0 : i32
    return %c0_i32, %c0_i32_0 : i32, i32
  }
  func.func @transform_2(%arg0: i32) -> (i32, i32) {
    %c0_i32 = arith.constant 0 : i32
    %c0_i32_0 = arith.constant 0 : i32
    return %arg0, %c0_i32 : i32, i32
  }
}

module attributes {stable_mosaic.version = 14 : i64} {
  func.func @body(%arg0: i32, %arg1: memref<512x64xf32, #tpu.memory_space<vmem>>, %arg2: memref<512x1xf32, #tpu.memory_space<vmem>>, %arg3: memref<64x128xf32, #tpu.memory_space<vmem>>, %arg4: memref<1x128xf32, #tpu.memory_space<vmem>>, %arg5: memref<64x16xf32, #tpu.memory_space<vmem>>, %arg6: memref<1x16xf32, #tpu.memory_space<vmem>>, %arg7: memref<512x128xf32, #tpu.memory_space<vmem>>, %arg8: memref<512x16xf32, #tpu.memory_space<vmem>>) attributes {dimension_semantics = [#tpu.dimension_semantics<arbitrary>], iteration_bounds = array<i64: 10>, scalar_prefetch = 0 : i64, scratch_operands = 0 : i64, tpu.core_type = #tpu.core_type<tc>, window_params = [{transform_indices = @transform_0, window_bounds = array<i64: 512, 64>}, {transform_indices = @transform_1, window_bounds = array<i64: 512, 1>}, {pipeline_mode = #tpu.pipeline_mode<synchronous>, transform_indices = @transform_2, window_bounds = array<i64: 64, 128>}, {pipeline_mode = #tpu.pipeline_mode<synchronous>, transform_indices = @transform_3, window_bounds = array<i64: 1, 128>}, {pipeline_mode = #tpu.pipeline_mode<synchronous>, transform_indices = @transform_4, window_bounds = array<i64: 64, 16>}, {pipeline_mode = #tpu.pipeline_mode<synchronous>, transform_indices = @transform_5, window_bounds = array<i64: 1, 16>}, {transform_indices = @transform_6, window_bounds = array<i64: 512, 128>}, {transform_indices = @transform_7, window_bounds = array<i64: 512, 16>}]} {
    %get3A = arith.constant 0 : index
    %get3A_0 = arith.constant 0 : index
    %get3A_1 = vector.load %arg1[%get3A, %get3A_0] : memref<512x64xf32, #tpu.memory_space<vmem>>, vector<512x64xf32>
    %get3A_2 = arith.constant 0 : index
    %get3A_3 = arith.constant 0 : index
    %get3A_4 = vector.load %arg2[%get3A_2, %get3A_3] : memref<512x1xf32, #tpu.memory_space<vmem>>, vector<512x1xf32>
    %tanh3A = math.tanh %get3A_4 : vector<512x1xf32>
    %mul3A = vector.broadcast %tanh3A : vector<512x1xf32> to vector<512x64xf32>
    %mul3A_5 = arith.mulf %get3A_1, %mul3A : vector<512x64xf32>
    %get3A_6 = arith.constant 0 : index
    %get3A_7 = arith.constant 0 : index
    %get3A_8 = vector.load %arg3[%get3A_6, %get3A_7] : memref<64x128xf32, #tpu.memory_space<vmem>>, vector<64x128xf32>
    %dot_general3A = arith.constant dense<0.000000e+00> : vector<512x128xf32>
    %dot_general3A_9 = tpu.matmul %mul3A_5, %get3A_8, %dot_general3A {dimension_numbers = #tpu.dot_dimension_numbers<[1], [0], [0], [1], [0, 0, 1, 1], [], []>, transpose_lhs_hint = false} : vector<512x64xf32>, vector<64x128xf32>, vector<512x128xf32> -> vector<512x128xf32>
    %get3A_10 = arith.constant 0 : index
    %get3A_11 = arith.constant 0 : index
    %get3A_12 = vector.load %arg4[%get3A_10, %get3A_11] : memref<1x128xf32, #tpu.memory_space<vmem>>, vector<1x128xf32>
    %add3A = vector.broadcast %get3A_12 : vector<1x128xf32> to vector<512x128xf32>
    %add3A_13 = arith.addf %dot_general3A_9, %add3A : vector<512x128xf32>
    %swap3A = arith.constant 0 : index
    %swap3A_14 = arith.constant 0 : index
    %swap3A_15 = vector.load %arg7[%swap3A, %swap3A_14] : memref<512x128xf32, #tpu.memory_space<vmem>>, vector<512x128xf32>
    tpu.vector_store %arg7[%swap3A, %swap3A_14], %add3A_13 {strides = array<i32>} : memref<512x128xf32, #tpu.memory_space<vmem>>, vector<512x128xf32>,
    %get3A_16 = arith.constant 0 : index
    %get3A_17 = arith.constant 0 : index
    %get3A_18 = vector.load %arg5[%get3A_16, %get3A_17] : memref<64x16xf32, #tpu.memory_space<vmem>>, vector<64x16xf32>
    %dot_general3A_19 = arith.constant dense<0.000000e+00> : vector<512x16xf32>
    %dot_general3A_20 = tpu.matmul %mul3A_5, %get3A_18, %dot_general3A_19 {dimension_numbers = #tpu.dot_dimension_numbers<[1], [0], [0], [1], [0, 0, 1, 1], [], []>, transpose_lhs_hint = false} : vector<512x64xf32>, vector<64x16xf32>, vector<512x16xf32> -> vector<512x16xf32>
    %get3A_21 = arith.constant 0 : index
    %get3A_22 = arith.constant 0 : index
    %get3A_23 = vector.load %arg6[%get3A_21, %get3A_22] : memref<1x16xf32, #tpu.memory_space<vmem>>, vector<1x16xf32>
    %add3A_24 = vector.broadcast %get3A_23 : vector<1x16xf32> to vector<512x16xf32>
    %add3A_25 = arith.addf %dot_general3A_20, %add3A_24 : vector<512x16xf32>
    %gt3A = arith.constant 0.000000e+00 : f32
    %gt3A_26 = vector.broadcast %gt3A : f32 to vector<512x16xf32>
    %gt3A_27 = arith.cmpf ogt, %add3A_25, %gt3A_26 : vector<512x16xf32>
    %mul3A_28 = arith.constant 2.000000e-01 : f32
    %mul3A_29 = vector.broadcast %mul3A_28 : f32 to vector<512x16xf32>
    %mul3A_30 = arith.mulf %mul3A_29, %add3A_25 : vector<512x16xf32>
    %select_n3A = arith.select %gt3A_27, %add3A_25, %mul3A_30 : vector<512x16xi1>, vector<512x16xf32>
    %swap3A_31 = arith.constant 0 : index
    %swap3A_32 = arith.constant 0 : index
    %swap3A_33 = vector.load %arg8[%swap3A_31, %swap3A_32] : memref<512x16xf32, #tpu.memory_space<vmem>>, vector<512x16xf32>
    tpu.vector_store %arg8[%swap3A_31, %swap3A_32], %select_n3A {strides = array<i32>} : memref<512x16xf32, #tpu.memory_space<vmem>>, vector<512x16xf32>,
    return
  }
  func.func @transform_0(%arg0: i32) -> (i32, i32) {
    %c0_i32 = arith.constant 0 : i32
    %c0_i32_0 = arith.constant 0 : i32
    return %arg0, %c0_i32 : i32, i32
  }
  func.func @transform_1(%arg0: i32) -> (i32, i32) {
    %c0_i32 = arith.constant 0 : i32
    %c0_i32_0 = arith.constant 0 : i32
    return %arg0, %c0_i32 : i32, i32
  }
  func.func @transform_2(%arg0: i32) -> (i32, i32) {
    %c0_i32 = arith.constant 0 : i32
    %c0_i32_0 = arith.constant 0 : i32
    %c0_i32_1 = arith.constant 0 : i32
    return %c0_i32, %c0_i32_0 : i32, i32
  }
  func.func @transform_3(%arg0: i32) -> (i32, i32) {
    %c0_i32 = arith.constant 0 : i32
    %c0_i32_0 = arith.constant 0 : i32
    %c0_i32_1 = arith.constant 0 : i32
    return %c0_i32, %c0_i32_0 : i32, i32
  }
  func.func @transform_4(%arg0: i32) -> (i32, i32) {
    %c0_i32 = arith.constant 0 : i32
    %c0_i32_0 = arith.constant 0 : i32
    %c0_i32_1 = arith.constant 0 : i32
    return %c0_i32, %c0_i32_0 : i32, i32
  }
  func.func @transform_5(%arg0: i32) -> (i32, i32) {
    %c0_i32 = arith.constant 0 : i32
    %c0_i32_0 = arith.constant 0 : i32
    %c0_i32_1 = arith.constant 0 : i32
    return %c0_i32, %c0_i32_0 : i32, i32
  }
  func.func @transform_6(%arg0: i32) -> (i32, i32) {
    %c0_i32 = arith.constant 0 : i32
    %c0_i32_0 = arith.constant 0 : i32
    return %arg0, %c0_i32 : i32, i32
  }
  func.func @transform_7(%arg0: i32) -> (i32, i32) {
    %c0_i32 = arith.constant 0 : i32
    %c0_i32_0 = arith.constant 0 : i32
    return %arg0, %c0_i32 : i32, i32
  }
}

module attributes {stable_mosaic.version = 14 : i64} {
  func.func @body(%arg0: i32, %arg1: memref<5000x8xf32, #tpu.memory_space<vmem>>, %arg2: memref<8x256xf32, #tpu.memory_space<vmem>>, %arg3: memref<16x256xi32, #tpu.memory_space<vmem>>) attributes {dimension_semantics = [#tpu.dimension_semantics<arbitrary>], iteration_bounds = array<i64: 20>, scalar_prefetch = 0 : i64, scratch_operands = 0 : i64, tpu.core_type = #tpu.core_type<tc>, window_params = [{pipeline_mode = #tpu.pipeline_mode<synchronous>, transform_indices = @transform_0, window_bounds = array<i64: 5000, 8>}, {transform_indices = @transform_1, window_bounds = array<i64: 8, 256>}, {transform_indices = @transform_2, window_bounds = array<i64: 16, 256>}]} {
    %get3A = arith.constant 0 : index
    %get3A_0 = arith.constant 0 : index
    %get3A_1 = vector.load %arg1[%get3A, %get3A_0] : memref<5000x8xf32, #tpu.memory_space<vmem>>, vector<5000x8xf32>
    %mul3A = arith.mulf %get3A_1, %get3A_1 : vector<5000x8xf32>
    %reduce_sum3A = arith.constant dense<0.000000e+00> : vector<5000xf32>
    %reduce_sum3A_2 = vector.multi_reduction <add>, %mul3A, %reduce_sum3A [1] : vector<5000x8xf32> to vector<5000xf32>
    %broadcast_in_dim3A = vector.shape_cast %reduce_sum3A_2 : vector<5000xf32> to vector<5000x1xf32>
    %get3A_3 = arith.constant 0 : index
    %get3A_4 = arith.constant 0 : index
    %get3A_5 = vector.load %arg2[%get3A_3, %get3A_4] : memref<8x256xf32, #tpu.memory_space<vmem>>, vector<8x256xf32>
    %mul3A_6 = arith.mulf %get3A_5, %get3A_5 : vector<8x256xf32>
    %reduce_sum3A_7 = arith.constant dense<0.000000e+00> : vector<256xf32>
    %reduce_sum3A_8 = vector.multi_reduction <add>, %mul3A_6, %reduce_sum3A_7 [0] : vector<8x256xf32> to vector<256xf32>
    %broadcast_in_dim3A_9 = vector.shape_cast %reduce_sum3A_8 : vector<256xf32> to vector<1x256xf32>
    %dot_general3A = arith.constant dense<0.000000e+00> : vector<5000x256xf32>
    %dot_general3A_10 = tpu.matmul %get3A_1, %get3A_5, %dot_general3A {dimension_numbers = #tpu.dot_dimension_numbers<[1], [0], [0], [1], [0, 0, 1, 1], [], []>, transpose_lhs_hint = false} : vector<5000x8xf32>, vector<8x256xf32>, vector<5000x256xf32> -> vector<5000x256xf32>
    %mul3A_11 = arith.constant 2.000000e+00 : f32
    %mul3A_12 = vector.broadcast %mul3A_11 : f32 to vector<5000x256xf32>
    %mul3A_13 = arith.mulf %mul3A_12, %dot_general3A_10 : vector<5000x256xf32>
    %sub3A = vector.broadcast %broadcast_in_dim3A_9 : vector<1x256xf32> to vector<5000x256xf32>
    %sub3A_14 = arith.subf %sub3A, %mul3A_13 : vector<5000x256xf32>
    %add3A = vector.broadcast %broadcast_in_dim3A : vector<5000x1xf32> to vector<5000x256xf32>
    %add3A_15 = arith.addf %sub3A_14, %add3A : vector<5000x256xf32>
    %iota3A = tpu.iota {dimensions = array<i32: 0>} : vector<5000x256xi32>
    %argmin3A = tpu.reduce_index %add3A_15 {axis = 0 : i32, kind = #tpu.reduction_kind<arg_min>} : vector<5000x256xf32> -> vector<256xi32>
    %swap3A = arith.constant 0 : index
    %swap3A_16 = arith.constant 0 : index
    %swap3A_17 = vector.load %arg3[%swap3A, %swap3A_16] : memref<16x256xi32, #tpu.memory_space<vmem>>, vector<1x256xi32>
    %swap3A_18 = vector.shape_cast %swap3A_17 : vector<1x256xi32> to vector<256xi32>
    %swap3A_19 = vector.shape_cast %argmin3A : vector<256xi32> to vector<1x256xi32>
    tpu.vector_store %arg3[%swap3A, %swap3A_16], %swap3A_19 {strides = array<i32>} : memref<16x256xi32, #tpu.memory_space<vmem>>, vector<1x256xi32>,
    %broadcast_in_dim3A_20 = vector.shape_cast %argmin3A : vector<256xi32> to vector<1x256xi32>
    %eq3A = vector.broadcast %broadcast_in_dim3A_20 : vector<1x256xi32> to vector<5000x256xi32>
    %eq3A_21 = arith.cmpi eq, %iota3A, %eq3A : vector<5000x256xi32>
    %jit3A = arith.constant 0x7F800000 : f32
    %broadcast_in_dim3A_22 = vector.broadcast %jit3A : f32 to vector<5000x256xf32>
    %select_n3A = arith.select %eq3A_21, %broadcast_in_dim3A_22, %add3A_15 : vector<5000x256xi1>, vector<5000x256xf32>
    %argmin3A_23 = tpu.reduce_index %select_n3A {axis = 0 : i32, kind = #tpu.reduction_kind<arg_min>} : vector<5000x256xf32> -> vector<256xi32>
    %swap3A_24 = arith.constant 1 : index
    %swap3A_25 = arith.constant 0 : index
    %swap3A_26 = vector.load %arg3[%swap3A_24, %swap3A_25] : memref<16x256xi32, #tpu.memory_space<vmem>>, vector<1x256xi32>
    %swap3A_27 = vector.shape_cast %swap3A_26 : vector<1x256xi32> to vector<256xi32>
    %swap3A_28 = vector.shape_cast %argmin3A_23 : vector<256xi32> to vector<1x256xi32>
    tpu.vector_store %arg3[%swap3A_24, %swap3A_25], %swap3A_28 {strides = array<i32>} : memref<16x256xi32, #tpu.memory_space<vmem>>, vector<1x256xi32>,
    %broadcast_in_dim3A_29 = vector.shape_cast %argmin3A_23 : vector<256xi32> to vector<1x256xi32>
    %eq3A_30 = vector.broadcast %broadcast_in_dim3A_29 : vector<1x256xi32> to vector<5000x256xi32>
    %eq3A_31 = arith.cmpi eq, %iota3A, %eq3A_30 : vector<5000x256xi32>
    %jit3A_32 = arith.constant 0x7F800000 : f32
    %broadcast_in_dim3A_33 = vector.broadcast %jit3A_32 : f32 to vector<5000x256xf32>
    %select_n3A_34 = arith.select %eq3A_31, %broadcast_in_dim3A_33, %select_n3A : vector<5000x256xi1>, vector<5000x256xf32>
    %argmin3A_35 = tpu.reduce_index %select_n3A_34 {axis = 0 : i32, kind = #tpu.reduction_kind<arg_min>} : vector<5000x256xf32> -> vector<256xi32>
    %swap3A_36 = arith.constant 2 : index
    %swap3A_37 = arith.constant 0 : index
    %swap3A_38 = vector.load %arg3[%swap3A_36, %swap3A_37] : memref<16x256xi32, #tpu.memory_space<vmem>>, vector<1x256xi32>
    %swap3A_39 = vector.shape_cast %swap3A_38 : vector<1x256xi32> to vector<256xi32>
    %swap3A_40 = vector.shape_cast %argmin3A_35 : vector<256xi32> to vector<1x256xi32>
    tpu.vector_store %arg3[%swap3A_36, %swap3A_37], %swap3A_40 {strides = array<i32>} : memref<16x256xi32, #tpu.memory_space<vmem>>, vector<1x256xi32>,
    %broadcast_in_dim3A_41 = vector.shape_cast %argmin3A_35 : vector<256xi32> to vector<1x256xi32>
    %eq3A_42 = vector.broadcast %broadcast_in_dim3A_41 : vector<1x256xi32> to vector<5000x256xi32>
    %eq3A_43 = arith.cmpi eq, %iota3A, %eq3A_42 : vector<5000x256xi32>
    %jit3A_44 = arith.constant 0x7F800000 : f32
    %broadcast_in_dim3A_45 = vector.broadcast %jit3A_44 : f32 to vector<5000x256xf32>
    %select_n3A_46 = arith.select %eq3A_43, %broadcast_in_dim3A_45, %select_n3A_34 : vector<5000x256xi1>, vector<5000x256xf32>
    %argmin3A_47 = tpu.reduce_index %select_n3A_46 {axis = 0 : i32, kind = #tpu.reduction_kind<arg_min>} : vector<5000x256xf32> -> vector<256xi32>
    %swap3A_48 = arith.constant 3 : index
    %swap3A_49 = arith.constant 0 : index
    %swap3A_50 = vector.load %arg3[%swap3A_48, %swap3A_49] : memref<16x256xi32, #tpu.memory_space<vmem>>, vector<1x256xi32>
    %swap3A_51 = vector.shape_cast %swap3A_50 : vector<1x256xi32> to vector<256xi32>
    %swap3A_52 = vector.shape_cast %argmin3A_47 : vector<256xi32> to vector<1x256xi32>
    tpu.vector_store %arg3[%swap3A_48, %swap3A_49], %swap3A_52 {strides = array<i32>} : memref<16x256xi32, #tpu.memory_space<vmem>>, vector<1x256xi32>,
    %broadcast_in_dim3A_53 = vector.shape_cast %argmin3A_47 : vector<256xi32> to vector<1x256xi32>
    %eq3A_54 = vector.broadcast %broadcast_in_dim3A_53 : vector<1x256xi32> to vector<5000x256xi32>
    %eq3A_55 = arith.cmpi eq, %iota3A, %eq3A_54 : vector<5000x256xi32>
    %jit3A_56 = arith.constant 0x7F800000 : f32
    %broadcast_in_dim3A_57 = vector.broadcast %jit3A_56 : f32 to vector<5000x256xf32>
    %select_n3A_58 = arith.select %eq3A_55, %broadcast_in_dim3A_57, %select_n3A_46 : vector<5000x256xi1>, vector<5000x256xf32>
    %argmin3A_59 = tpu.reduce_index %select_n3A_58 {axis = 0 : i32, kind = #tpu.reduction_kind<arg_min>} : vector<5000x256xf32> -> vector<256xi32>
    %swap3A_60 = arith.constant 4 : index
    %swap3A_61 = arith.constant 0 : index
    %swap3A_62 = vector.load %arg3[%swap3A_60, %swap3A_61] : memref<16x256xi32, #tpu.memory_space<vmem>>, vector<1x256xi32>
    %swap3A_63 = vector.shape_cast %swap3A_62 : vector<1x256xi32> to vector<256xi32>
    %swap3A_64 = vector.shape_cast %argmin3A_59 : vector<256xi32> to vector<1x256xi32>
    tpu.vector_store %arg3[%swap3A_60, %swap3A_61], %swap3A_64 {strides = array<i32>} : memref<16x256xi32, #tpu.memory_space<vmem>>, vector<1x256xi32>,
    %broadcast_in_dim3A_65 = vector.shape_cast %argmin3A_59 : vector<256xi32> to vector<1x256xi32>
    %eq3A_66 = vector.broadcast %broadcast_in_dim3A_65 : vector<1x256xi32> to vector<5000x256xi32>
    %eq3A_67 = arith.cmpi eq, %iota3A, %eq3A_66 : vector<5000x256xi32>
    %jit3A_68 = arith.constant 0x7F800000 : f32
    %broadcast_in_dim3A_69 = vector.broadcast %jit3A_68 : f32 to vector<5000x256xf32>
    %select_n3A_70 = arith.select %eq3A_67, %broadcast_in_dim3A_69, %select_n3A_58 : vector<5000x256xi1>, vector<5000x256xf32>
    %argmin3A_71 = tpu.reduce_index %select_n3A_70 {axis = 0 : i32, kind = #tpu.reduction_kind<arg_min>} : vector<5000x256xf32> -> vector<256xi32>
    %swap3A_72 = arith.constant 5 : index
    %swap3A_73 = arith.constant 0 : index
    %swap3A_74 = vector.load %arg3[%swap3A_72, %swap3A_73] : memref<16x256xi32, #tpu.memory_space<vmem>>, vector<1x256xi32>
    %swap3A_75 = vector.shape_cast %swap3A_74 : vector<1x256xi32> to vector<256xi32>
    %swap3A_76 = vector.shape_cast %argmin3A_71 : vector<256xi32> to vector<1x256xi32>
    tpu.vector_store %arg3[%swap3A_72, %swap3A_73], %swap3A_76 {strides = array<i32>} : memref<16x256xi32, #tpu.memory_space<vmem>>, vector<1x256xi32>,
    %broadcast_in_dim3A_77 = vector.shape_cast %argmin3A_71 : vector<256xi32> to vector<1x256xi32>
    %eq3A_78 = vector.broadcast %broadcast_in_dim3A_77 : vector<1x256xi32> to vector<5000x256xi32>
    %eq3A_79 = arith.cmpi eq, %iota3A, %eq3A_78 : vector<5000x256xi32>
    %jit3A_80 = arith.constant 0x7F800000 : f32
    %broadcast_in_dim3A_81 = vector.broadcast %jit3A_80 : f32 to vector<5000x256xf32>
    %select_n3A_82 = arith.select %eq3A_79, %broadcast_in_dim3A_81, %select_n3A_70 : vector<5000x256xi1>, vector<5000x256xf32>
    %argmin3A_83 = tpu.reduce_index %select_n3A_82 {axis = 0 : i32, kind = #tpu.reduction_kind<arg_min>} : vector<5000x256xf32> -> vector<256xi32>
    %swap3A_84 = arith.constant 6 : index
    %swap3A_85 = arith.constant 0 : index
    %swap3A_86 = vector.load %arg3[%swap3A_84, %swap3A_85] : memref<16x256xi32, #tpu.memory_space<vmem>>, vector<1x256xi32>
    %swap3A_87 = vector.shape_cast %swap3A_86 : vector<1x256xi32> to vector<256xi32>
    %swap3A_88 = vector.shape_cast %argmin3A_83 : vector<256xi32> to vector<1x256xi32>
    tpu.vector_store %arg3[%swap3A_84, %swap3A_85], %swap3A_88 {strides = array<i32>} : memref<16x256xi32, #tpu.memory_space<vmem>>, vector<1x256xi32>,
    %broadcast_in_dim3A_89 = vector.shape_cast %argmin3A_83 : vector<256xi32> to vector<1x256xi32>
    %eq3A_90 = vector.broadcast %broadcast_in_dim3A_89 : vector<1x256xi32> to vector<5000x256xi32>
    %eq3A_91 = arith.cmpi eq, %iota3A, %eq3A_90 : vector<5000x256xi32>
    %jit3A_92 = arith.constant 0x7F800000 : f32
    %broadcast_in_dim3A_93 = vector.broadcast %jit3A_92 : f32 to vector<5000x256xf32>
    %select_n3A_94 = arith.select %eq3A_91, %broadcast_in_dim3A_93, %select_n3A_82 : vector<5000x256xi1>, vector<5000x256xf32>
    %argmin3A_95 = tpu.reduce_index %select_n3A_94 {axis = 0 : i32, kind = #tpu.reduction_kind<arg_min>} : vector<5000x256xf32> -> vector<256xi32>
    %swap3A_96 = arith.constant 7 : index
    %swap3A_97 = arith.constant 0 : index
    %swap3A_98 = vector.load %arg3[%swap3A_96, %swap3A_97] : memref<16x256xi32, #tpu.memory_space<vmem>>, vector<1x256xi32>
    %swap3A_99 = vector.shape_cast %swap3A_98 : vector<1x256xi32> to vector<256xi32>
    %swap3A_100 = vector.shape_cast %argmin3A_95 : vector<256xi32> to vector<1x256xi32>
    tpu.vector_store %arg3[%swap3A_96, %swap3A_97], %swap3A_100 {strides = array<i32>} : memref<16x256xi32, #tpu.memory_space<vmem>>, vector<1x256xi32>,
    %broadcast_in_dim3A_101 = vector.shape_cast %argmin3A_95 : vector<256xi32> to vector<1x256xi32>
    %eq3A_102 = vector.broadcast %broadcast_in_dim3A_101 : vector<1x256xi32> to vector<5000x256xi32>
    %eq3A_103 = arith.cmpi eq, %iota3A, %eq3A_102 : vector<5000x256xi32>
    %jit3A_104 = arith.constant 0x7F800000 : f32
    %broadcast_in_dim3A_105 = vector.broadcast %jit3A_104 : f32 to vector<5000x256xf32>
    %select_n3A_106 = arith.select %eq3A_103, %broadcast_in_dim3A_105, %select_n3A_94 : vector<5000x256xi1>, vector<5000x256xf32>
    %argmin3A_107 = tpu.reduce_index %select_n3A_106 {axis = 0 : i32, kind = #tpu.reduction_kind<arg_min>} : vector<5000x256xf32> -> vector<256xi32>
    %swap3A_108 = arith.constant 8 : index
    %swap3A_109 = arith.constant 0 : index
    %swap3A_110 = vector.load %arg3[%swap3A_108, %swap3A_109] : memref<16x256xi32, #tpu.memory_space<vmem>>, vector<1x256xi32>
    %swap3A_111 = vector.shape_cast %swap3A_110 : vector<1x256xi32> to vector<256xi32>
    %swap3A_112 = vector.shape_cast %argmin3A_107 : vector<256xi32> to vector<1x256xi32>
    tpu.vector_store %arg3[%swap3A_108, %swap3A_109], %swap3A_112 {strides = array<i32>} : memref<16x256xi32, #tpu.memory_space<vmem>>, vector<1x256xi32>,
    %broadcast_in_dim3A_113 = vector.shape_cast %argmin3A_107 : vector<256xi32> to vector<1x256xi32>
    %eq3A_114 = vector.broadcast %broadcast_in_dim3A_113 : vector<1x256xi32> to vector<5000x256xi32>
    %eq3A_115 = arith.cmpi eq, %iota3A, %eq3A_114 : vector<5000x256xi32>
    %jit3A_116 = arith.constant 0x7F800000 : f32
    %broadcast_in_dim3A_117 = vector.broadcast %jit3A_116 : f32 to vector<5000x256xf32>
    %select_n3A_118 = arith.select %eq3A_115, %broadcast_in_dim3A_117, %select_n3A_106 : vector<5000x256xi1>, vector<5000x256xf32>
    %argmin3A_119 = tpu.reduce_index %select_n3A_118 {axis = 0 : i32, kind = #tpu.reduction_kind<arg_min>} : vector<5000x256xf32> -> vector<256xi32>
    %swap3A_120 = arith.constant 9 : index
    %swap3A_121 = arith.constant 0 : index
    %swap3A_122 = vector.load %arg3[%swap3A_120, %swap3A_121] : memref<16x256xi32, #tpu.memory_space<vmem>>, vector<1x256xi32>
    %swap3A_123 = vector.shape_cast %swap3A_122 : vector<1x256xi32> to vector<256xi32>
    %swap3A_124 = vector.shape_cast %argmin3A_119 : vector<256xi32> to vector<1x256xi32>
    tpu.vector_store %arg3[%swap3A_120, %swap3A_121], %swap3A_124 {strides = array<i32>} : memref<16x256xi32, #tpu.memory_space<vmem>>, vector<1x256xi32>,
    %broadcast_in_dim3A_125 = vector.shape_cast %argmin3A_119 : vector<256xi32> to vector<1x256xi32>
    %eq3A_126 = vector.broadcast %broadcast_in_dim3A_125 : vector<1x256xi32> to vector<5000x256xi32>
    %eq3A_127 = arith.cmpi eq, %iota3A, %eq3A_126 : vector<5000x256xi32>
    %jit3A_128 = arith.constant 0x7F800000 : f32
    %broadcast_in_dim3A_129 = vector.broadcast %jit3A_128 : f32 to vector<5000x256xf32>
    %select_n3A_130 = arith.select %eq3A_127, %broadcast_in_dim3A_129, %select_n3A_118 : vector<5000x256xi1>, vector<5000x256xf32>
    %argmin3A_131 = tpu.reduce_index %select_n3A_130 {axis = 0 : i32, kind = #tpu.reduction_kind<arg_min>} : vector<5000x256xf32> -> vector<256xi32>
    %swap3A_132 = arith.constant 10 : index
    %swap3A_133 = arith.constant 0 : index
    %swap3A_134 = vector.load %arg3[%swap3A_132, %swap3A_133] : memref<16x256xi32, #tpu.memory_space<vmem>>, vector<1x256xi32>
    %swap3A_135 = vector.shape_cast %swap3A_134 : vector<1x256xi32> to vector<256xi32>
    %swap3A_136 = vector.shape_cast %argmin3A_131 : vector<256xi32> to vector<1x256xi32>
    tpu.vector_store %arg3[%swap3A_132, %swap3A_133], %swap3A_136 {strides = array<i32>} : memref<16x256xi32, #tpu.memory_space<vmem>>, vector<1x256xi32>,
    %broadcast_in_dim3A_137 = vector.shape_cast %argmin3A_131 : vector<256xi32> to vector<1x256xi32>
    %eq3A_138 = vector.broadcast %broadcast_in_dim3A_137 : vector<1x256xi32> to vector<5000x256xi32>
    %eq3A_139 = arith.cmpi eq, %iota3A, %eq3A_138 : vector<5000x256xi32>
    %jit3A_140 = arith.constant 0x7F800000 : f32
    %broadcast_in_dim3A_141 = vector.broadcast %jit3A_140 : f32 to vector<5000x256xf32>
    %select_n3A_142 = arith.select %eq3A_139, %broadcast_in_dim3A_141, %select_n3A_130 : vector<5000x256xi1>, vector<5000x256xf32>
    %argmin3A_143 = tpu.reduce_index %select_n3A_142 {axis = 0 : i32, kind = #tpu.reduction_kind<arg_min>} : vector<5000x256xf32> -> vector<256xi32>
    %swap3A_144 = arith.constant 11 : index
    %swap3A_145 = arith.constant 0 : index
    %swap3A_146 = vector.load %arg3[%swap3A_144, %swap3A_145] : memref<16x256xi32, #tpu.memory_space<vmem>>, vector<1x256xi32>
    %swap3A_147 = vector.shape_cast %swap3A_146 : vector<1x256xi32> to vector<256xi32>
    %swap3A_148 = vector.shape_cast %argmin3A_143 : vector<256xi32> to vector<1x256xi32>
    tpu.vector_store %arg3[%swap3A_144, %swap3A_145], %swap3A_148 {strides = array<i32>} : memref<16x256xi32, #tpu.memory_space<vmem>>, vector<1x256xi32>,
    %broadcast_in_dim3A_149 = vector.shape_cast %argmin3A_143 : vector<256xi32> to vector<1x256xi32>
    %eq3A_150 = vector.broadcast %broadcast_in_dim3A_149 : vector<1x256xi32> to vector<5000x256xi32>
    %eq3A_151 = arith.cmpi eq, %iota3A, %eq3A_150 : vector<5000x256xi32>
    %jit3A_152 = arith.constant 0x7F800000 : f32
    %broadcast_in_dim3A_153 = vector.broadcast %jit3A_152 : f32 to vector<5000x256xf32>
    %select_n3A_154 = arith.select %eq3A_151, %broadcast_in_dim3A_153, %select_n3A_142 : vector<5000x256xi1>, vector<5000x256xf32>
    %argmin3A_155 = tpu.reduce_index %select_n3A_154 {axis = 0 : i32, kind = #tpu.reduction_kind<arg_min>} : vector<5000x256xf32> -> vector<256xi32>
    %swap3A_156 = arith.constant 12 : index
    %swap3A_157 = arith.constant 0 : index
    %swap3A_158 = vector.load %arg3[%swap3A_156, %swap3A_157] : memref<16x256xi32, #tpu.memory_space<vmem>>, vector<1x256xi32>
    %swap3A_159 = vector.shape_cast %swap3A_158 : vector<1x256xi32> to vector<256xi32>
    %swap3A_160 = vector.shape_cast %argmin3A_155 : vector<256xi32> to vector<1x256xi32>
    tpu.vector_store %arg3[%swap3A_156, %swap3A_157], %swap3A_160 {strides = array<i32>} : memref<16x256xi32, #tpu.memory_space<vmem>>, vector<1x256xi32>,
    %broadcast_in_dim3A_161 = vector.shape_cast %argmin3A_155 : vector<256xi32> to vector<1x256xi32>
    %eq3A_162 = vector.broadcast %broadcast_in_dim3A_161 : vector<1x256xi32> to vector<5000x256xi32>
    %eq3A_163 = arith.cmpi eq, %iota3A, %eq3A_162 : vector<5000x256xi32>
    %jit3A_164 = arith.constant 0x7F800000 : f32
    %broadcast_in_dim3A_165 = vector.broadcast %jit3A_164 : f32 to vector<5000x256xf32>
    %select_n3A_166 = arith.select %eq3A_163, %broadcast_in_dim3A_165, %select_n3A_154 : vector<5000x256xi1>, vector<5000x256xf32>
    %argmin3A_167 = tpu.reduce_index %select_n3A_166 {axis = 0 : i32, kind = #tpu.reduction_kind<arg_min>} : vector<5000x256xf32> -> vector<256xi32>
    %swap3A_168 = arith.constant 13 : index
    %swap3A_169 = arith.constant 0 : index
    %swap3A_170 = vector.load %arg3[%swap3A_168, %swap3A_169] : memref<16x256xi32, #tpu.memory_space<vmem>>, vector<1x256xi32>
    %swap3A_171 = vector.shape_cast %swap3A_170 : vector<1x256xi32> to vector<256xi32>
    %swap3A_172 = vector.shape_cast %argmin3A_167 : vector<256xi32> to vector<1x256xi32>
    tpu.vector_store %arg3[%swap3A_168, %swap3A_169], %swap3A_172 {strides = array<i32>} : memref<16x256xi32, #tpu.memory_space<vmem>>, vector<1x256xi32>,
    %broadcast_in_dim3A_173 = vector.shape_cast %argmin3A_167 : vector<256xi32> to vector<1x256xi32>
    %eq3A_174 = vector.broadcast %broadcast_in_dim3A_173 : vector<1x256xi32> to vector<5000x256xi32>
    %eq3A_175 = arith.cmpi eq, %iota3A, %eq3A_174 : vector<5000x256xi32>
    %jit3A_176 = arith.constant 0x7F800000 : f32
    %broadcast_in_dim3A_177 = vector.broadcast %jit3A_176 : f32 to vector<5000x256xf32>
    %select_n3A_178 = arith.select %eq3A_175, %broadcast_in_dim3A_177, %select_n3A_166 : vector<5000x256xi1>, vector<5000x256xf32>
    %argmin3A_179 = tpu.reduce_index %select_n3A_178 {axis = 0 : i32, kind = #tpu.reduction_kind<arg_min>} : vector<5000x256xf32> -> vector<256xi32>
    %swap3A_180 = arith.constant 14 : index
    %swap3A_181 = arith.constant 0 : index
    %swap3A_182 = vector.load %arg3[%swap3A_180, %swap3A_181] : memref<16x256xi32, #tpu.memory_space<vmem>>, vector<1x256xi32>
    %swap3A_183 = vector.shape_cast %swap3A_182 : vector<1x256xi32> to vector<256xi32>
    %swap3A_184 = vector.shape_cast %argmin3A_179 : vector<256xi32> to vector<1x256xi32>
    tpu.vector_store %arg3[%swap3A_180, %swap3A_181], %swap3A_184 {strides = array<i32>} : memref<16x256xi32, #tpu.memory_space<vmem>>, vector<1x256xi32>,
    %broadcast_in_dim3A_185 = vector.shape_cast %argmin3A_179 : vector<256xi32> to vector<1x256xi32>
    %eq3A_186 = vector.broadcast %broadcast_in_dim3A_185 : vector<1x256xi32> to vector<5000x256xi32>
    %eq3A_187 = arith.cmpi eq, %iota3A, %eq3A_186 : vector<5000x256xi32>
    %jit3A_188 = arith.constant 0x7F800000 : f32
    %broadcast_in_dim3A_189 = vector.broadcast %jit3A_188 : f32 to vector<5000x256xf32>
    %select_n3A_190 = arith.select %eq3A_187, %broadcast_in_dim3A_189, %select_n3A_178 : vector<5000x256xi1>, vector<5000x256xf32>
    %argmin3A_191 = tpu.reduce_index %select_n3A_190 {axis = 0 : i32, kind = #tpu.reduction_kind<arg_min>} : vector<5000x256xf32> -> vector<256xi32>
    %swap3A_192 = arith.constant 15 : index
    %swap3A_193 = arith.constant 0 : index
    %swap3A_194 = vector.load %arg3[%swap3A_192, %swap3A_193] : memref<16x256xi32, #tpu.memory_space<vmem>>, vector<1x256xi32>
    %swap3A_195 = vector.shape_cast %swap3A_194 : vector<1x256xi32> to vector<256xi32>
    %swap3A_196 = vector.shape_cast %argmin3A_191 : vector<256xi32> to vector<1x256xi32>
    tpu.vector_store %arg3[%swap3A_192, %swap3A_193], %swap3A_196 {strides = array<i32>} : memref<16x256xi32, #tpu.memory_space<vmem>>, vector<1x256xi32>,
    return
  }
  func.func @transform_0(%arg0: i32) -> (i32, i32) {
    %c0_i32 = arith.constant 0 : i32
    %c0_i32_0 = arith.constant 0 : i32
    %c0_i32_1 = arith.constant 0 : i32
    return %c0_i32, %c0_i32_0 : i32, i32
  }
  func.func @transform_1(%arg0: i32) -> (i32, i32) {
    %c0_i32 = arith.constant 0 : i32
    %c0_i32_0 = arith.constant 0 : i32
    return %c0_i32, %arg0 : i32, i32
  }
  func.func @transform_2(%arg0: i32) -> (i32, i32) {
    %c0_i32 = arith.constant 0 : i32
    %c0_i32_0 = arith.constant 0 : i32
    return %c0_i32, %arg0 : i32, i32
  }
}

module attributes {stable_mosaic.version = 14 : i64} {
  func.func @body(%arg0: i32, %arg1: memref<512x128xf32, #tpu.memory_space<vmem>>, %arg2: memref<16x512x128xf32, #tpu.memory_space<vmem>>, %arg3: memref<128x32xf32, #tpu.memory_space<vmem>>, %arg4: memref<128x32xf32, #tpu.memory_space<vmem>>, %arg5: memref<1x32xf32, #tpu.memory_space<vmem>>, %arg6: memref<512x32xf32, #tpu.memory_space<vmem>>) attributes {dimension_semantics = [#tpu.dimension_semantics<arbitrary>], iteration_bounds = array<i64: 10>, scalar_prefetch = 0 : i64, scratch_operands = 0 : i64, tpu.core_type = #tpu.core_type<tc>, window_params = [{transform_indices = @transform_0, window_bounds = array<i64: 512, 128>}, {transform_indices = @transform_1, window_bounds = array<i64: 16, 512, 128>}, {pipeline_mode = #tpu.pipeline_mode<synchronous>, transform_indices = @transform_2, window_bounds = array<i64: 128, 32>}, {pipeline_mode = #tpu.pipeline_mode<synchronous>, transform_indices = @transform_3, window_bounds = array<i64: 128, 32>}, {pipeline_mode = #tpu.pipeline_mode<synchronous>, transform_indices = @transform_4, window_bounds = array<i64: 1, 32>}, {transform_indices = @transform_5, window_bounds = array<i64: 512, 32>}]} {
    %get3A = arith.constant 0 : index
    %get3A_0 = arith.constant 0 : index
    %get3A_1 = vector.load %arg1[%get3A, %get3A_0] : memref<512x128xf32, #tpu.memory_space<vmem>>, vector<512x128xf32>
    %get3A_2 = arith.constant 0 : index
    %get3A_3 = arith.constant 0 : index
    %get3A_4 = vector.load %arg3[%get3A_2, %get3A_3] : memref<128x32xf32, #tpu.memory_space<vmem>>, vector<128x32xf32>
    %dot_general3A = arith.constant dense<0.000000e+00> : vector<512x32xf32>
    %dot_general3A_5 = tpu.matmul %get3A_1, %get3A_4, %dot_general3A {dimension_numbers = #tpu.dot_dimension_numbers<[1], [0], [0], [1], [0, 0, 1, 1], [], []>, transpose_lhs_hint = false} : vector<512x128xf32>, vector<128x32xf32>, vector<512x32xf32> -> vector<512x32xf32>
    %get3A_6 = arith.constant 0 : index
    %get3A_7 = arith.constant 0 : index
    %get3A_8 = vector.load %arg5[%get3A_6, %get3A_7] : memref<1x32xf32, #tpu.memory_space<vmem>>, vector<1x32xf32>
    %add3A = vector.broadcast %get3A_8 : vector<1x32xf32> to vector<512x32xf32>
    %add3A_9 = arith.addf %dot_general3A_5, %add3A : vector<512x32xf32>
    %get3A_10 = arith.constant 0 : index
    %get3A_11 = arith.constant 0 : index
    %get3A_12 = vector.load %arg4[%get3A_10, %get3A_11] : memref<128x32xf32, #tpu.memory_space<vmem>>, vector<128x32xf32>
    %get3A_13 = arith.constant 0 : index
    %get3A_14 = arith.constant 0 : index
    %get3A_15 = arith.constant 0 : index
    %get3A_16 = vector.load %arg2[%get3A_13, %get3A_14, %get3A_15] : memref<16x512x128xf32, #tpu.memory_space<vmem>>, vector<1x512x128xf32>
    %get3A_17 = vector.shape_cast %get3A_16 : vector<1x512x128xf32> to vector<512x128xf32>
    %dot_general3A_18 = arith.constant dense<0.000000e+00> : vector<512x32xf32>
    %dot_general3A_19 = tpu.matmul %get3A_17, %get3A_12, %dot_general3A_18 {dimension_numbers = #tpu.dot_dimension_numbers<[1], [0], [0], [1], [0, 0, 1, 1], [], []>, transpose_lhs_hint = false} : vector<512x128xf32>, vector<128x32xf32>, vector<512x32xf32> -> vector<512x32xf32>
    %add3A_20 = arith.addf %dot_general3A_19, %add3A_9 : vector<512x32xf32>
    %gt3A = arith.constant 0.000000e+00 : f32
    %gt3A_21 = vector.broadcast %gt3A : f32 to vector<512x32xf32>
    %gt3A_22 = arith.cmpf ogt, %add3A_20, %gt3A_21 : vector<512x32xf32>
    %mul3A = arith.constant 2.000000e-01 : f32
    %mul3A_23 = vector.broadcast %mul3A : f32 to vector<512x32xf32>
    %mul3A_24 = arith.mulf %mul3A_23, %add3A_20 : vector<512x32xf32>
    %select_n3A = arith.select %gt3A_22, %add3A_20, %mul3A_24 : vector<512x32xi1>, vector<512x32xf32>
    %get3A_25 = arith.constant 1 : index
    %get3A_26 = arith.constant 0 : index
    %get3A_27 = arith.constant 0 : index
    %get3A_28 = vector.load %arg2[%get3A_25, %get3A_26, %get3A_27] : memref<16x512x128xf32, #tpu.memory_space<vmem>>, vector<1x512x128xf32>
    %get3A_29 = vector.shape_cast %get3A_28 : vector<1x512x128xf32> to vector<512x128xf32>
    %dot_general3A_30 = arith.constant dense<0.000000e+00> : vector<512x32xf32>
    %dot_general3A_31 = tpu.matmul %get3A_29, %get3A_12, %dot_general3A_30 {dimension_numbers = #tpu.dot_dimension_numbers<[1], [0], [0], [1], [0, 0, 1, 1], [], []>, transpose_lhs_hint = false} : vector<512x128xf32>, vector<128x32xf32>, vector<512x32xf32> -> vector<512x32xf32>
    %add3A_32 = arith.addf %dot_general3A_31, %add3A_9 : vector<512x32xf32>
    %gt3A_33 = arith.constant 0.000000e+00 : f32
    %gt3A_34 = vector.broadcast %gt3A_33 : f32 to vector<512x32xf32>
    %gt3A_35 = arith.cmpf ogt, %add3A_32, %gt3A_34 : vector<512x32xf32>
    %mul3A_36 = arith.constant 2.000000e-01 : f32
    %mul3A_37 = vector.broadcast %mul3A_36 : f32 to vector<512x32xf32>
    %mul3A_38 = arith.mulf %mul3A_37, %add3A_32 : vector<512x32xf32>
    %select_n3A_39 = arith.select %gt3A_35, %add3A_32, %mul3A_38 : vector<512x32xi1>, vector<512x32xf32>
    %max3A = arith.maximumf %select_n3A, %select_n3A_39 : vector<512x32xf32>
    %get3A_40 = arith.constant 2 : index
    %get3A_41 = arith.constant 0 : index
    %get3A_42 = arith.constant 0 : index
    %get3A_43 = vector.load %arg2[%get3A_40, %get3A_41, %get3A_42] : memref<16x512x128xf32, #tpu.memory_space<vmem>>, vector<1x512x128xf32>
    %get3A_44 = vector.shape_cast %get3A_43 : vector<1x512x128xf32> to vector<512x128xf32>
    %dot_general3A_45 = arith.constant dense<0.000000e+00> : vector<512x32xf32>
    %dot_general3A_46 = tpu.matmul %get3A_44, %get3A_12, %dot_general3A_45 {dimension_numbers = #tpu.dot_dimension_numbers<[1], [0], [0], [1], [0, 0, 1, 1], [], []>, transpose_lhs_hint = false} : vector<512x128xf32>, vector<128x32xf32>, vector<512x32xf32> -> vector<512x32xf32>
    %add3A_47 = arith.addf %dot_general3A_46, %add3A_9 : vector<512x32xf32>
    %gt3A_48 = arith.constant 0.000000e+00 : f32
    %gt3A_49 = vector.broadcast %gt3A_48 : f32 to vector<512x32xf32>
    %gt3A_50 = arith.cmpf ogt, %add3A_47, %gt3A_49 : vector<512x32xf32>
    %mul3A_51 = arith.constant 2.000000e-01 : f32
    %mul3A_52 = vector.broadcast %mul3A_51 : f32 to vector<512x32xf32>
    %mul3A_53 = arith.mulf %mul3A_52, %add3A_47 : vector<512x32xf32>
    %select_n3A_54 = arith.select %gt3A_50, %add3A_47, %mul3A_53 : vector<512x32xi1>, vector<512x32xf32>
    %max3A_55 = arith.maximumf %max3A, %select_n3A_54 : vector<512x32xf32>
    %get3A_56 = arith.constant 3 : index
    %get3A_57 = arith.constant 0 : index
    %get3A_58 = arith.constant 0 : index
    %get3A_59 = vector.load %arg2[%get3A_56, %get3A_57, %get3A_58] : memref<16x512x128xf32, #tpu.memory_space<vmem>>, vector<1x512x128xf32>
    %get3A_60 = vector.shape_cast %get3A_59 : vector<1x512x128xf32> to vector<512x128xf32>
    %dot_general3A_61 = arith.constant dense<0.000000e+00> : vector<512x32xf32>
    %dot_general3A_62 = tpu.matmul %get3A_60, %get3A_12, %dot_general3A_61 {dimension_numbers = #tpu.dot_dimension_numbers<[1], [0], [0], [1], [0, 0, 1, 1], [], []>, transpose_lhs_hint = false} : vector<512x128xf32>, vector<128x32xf32>, vector<512x32xf32> -> vector<512x32xf32>
    %add3A_63 = arith.addf %dot_general3A_62, %add3A_9 : vector<512x32xf32>
    %gt3A_64 = arith.constant 0.000000e+00 : f32
    %gt3A_65 = vector.broadcast %gt3A_64 : f32 to vector<512x32xf32>
    %gt3A_66 = arith.cmpf ogt, %add3A_63, %gt3A_65 : vector<512x32xf32>
    %mul3A_67 = arith.constant 2.000000e-01 : f32
    %mul3A_68 = vector.broadcast %mul3A_67 : f32 to vector<512x32xf32>
    %mul3A_69 = arith.mulf %mul3A_68, %add3A_63 : vector<512x32xf32>
    %select_n3A_70 = arith.select %gt3A_66, %add3A_63, %mul3A_69 : vector<512x32xi1>, vector<512x32xf32>
    %max3A_71 = arith.maximumf %max3A_55, %select_n3A_70 : vector<512x32xf32>
    %get3A_72 = arith.constant 4 : index
    %get3A_73 = arith.constant 0 : index
    %get3A_74 = arith.constant 0 : index
    %get3A_75 = vector.load %arg2[%get3A_72, %get3A_73, %get3A_74] : memref<16x512x128xf32, #tpu.memory_space<vmem>>, vector<1x512x128xf32>
    %get3A_76 = vector.shape_cast %get3A_75 : vector<1x512x128xf32> to vector<512x128xf32>
    %dot_general3A_77 = arith.constant dense<0.000000e+00> : vector<512x32xf32>
    %dot_general3A_78 = tpu.matmul %get3A_76, %get3A_12, %dot_general3A_77 {dimension_numbers = #tpu.dot_dimension_numbers<[1], [0], [0], [1], [0, 0, 1, 1], [], []>, transpose_lhs_hint = false} : vector<512x128xf32>, vector<128x32xf32>, vector<512x32xf32> -> vector<512x32xf32>
    %add3A_79 = arith.addf %dot_general3A_78, %add3A_9 : vector<512x32xf32>
    %gt3A_80 = arith.constant 0.000000e+00 : f32
    %gt3A_81 = vector.broadcast %gt3A_80 : f32 to vector<512x32xf32>
    %gt3A_82 = arith.cmpf ogt, %add3A_79, %gt3A_81 : vector<512x32xf32>
    %mul3A_83 = arith.constant 2.000000e-01 : f32
    %mul3A_84 = vector.broadcast %mul3A_83 : f32 to vector<512x32xf32>
    %mul3A_85 = arith.mulf %mul3A_84, %add3A_79 : vector<512x32xf32>
    %select_n3A_86 = arith.select %gt3A_82, %add3A_79, %mul3A_85 : vector<512x32xi1>, vector<512x32xf32>
    %max3A_87 = arith.maximumf %max3A_71, %select_n3A_86 : vector<512x32xf32>
    %get3A_88 = arith.constant 5 : index
    %get3A_89 = arith.constant 0 : index
    %get3A_90 = arith.constant 0 : index
    %get3A_91 = vector.load %arg2[%get3A_88, %get3A_89, %get3A_90] : memref<16x512x128xf32, #tpu.memory_space<vmem>>, vector<1x512x128xf32>
    %get3A_92 = vector.shape_cast %get3A_91 : vector<1x512x128xf32> to vector<512x128xf32>
    %dot_general3A_93 = arith.constant dense<0.000000e+00> : vector<512x32xf32>
    %dot_general3A_94 = tpu.matmul %get3A_92, %get3A_12, %dot_general3A_93 {dimension_numbers = #tpu.dot_dimension_numbers<[1], [0], [0], [1], [0, 0, 1, 1], [], []>, transpose_lhs_hint = false} : vector<512x128xf32>, vector<128x32xf32>, vector<512x32xf32> -> vector<512x32xf32>
    %add3A_95 = arith.addf %dot_general3A_94, %add3A_9 : vector<512x32xf32>
    %gt3A_96 = arith.constant 0.000000e+00 : f32
    %gt3A_97 = vector.broadcast %gt3A_96 : f32 to vector<512x32xf32>
    %gt3A_98 = arith.cmpf ogt, %add3A_95, %gt3A_97 : vector<512x32xf32>
    %mul3A_99 = arith.constant 2.000000e-01 : f32
    %mul3A_100 = vector.broadcast %mul3A_99 : f32 to vector<512x32xf32>
    %mul3A_101 = arith.mulf %mul3A_100, %add3A_95 : vector<512x32xf32>
    %select_n3A_102 = arith.select %gt3A_98, %add3A_95, %mul3A_101 : vector<512x32xi1>, vector<512x32xf32>
    %max3A_103 = arith.maximumf %max3A_87, %select_n3A_102 : vector<512x32xf32>
    %get3A_104 = arith.constant 6 : index
    %get3A_105 = arith.constant 0 : index
    %get3A_106 = arith.constant 0 : index
    %get3A_107 = vector.load %arg2[%get3A_104, %get3A_105, %get3A_106] : memref<16x512x128xf32, #tpu.memory_space<vmem>>, vector<1x512x128xf32>
    %get3A_108 = vector.shape_cast %get3A_107 : vector<1x512x128xf32> to vector<512x128xf32>
    %dot_general3A_109 = arith.constant dense<0.000000e+00> : vector<512x32xf32>
    %dot_general3A_110 = tpu.matmul %get3A_108, %get3A_12, %dot_general3A_109 {dimension_numbers = #tpu.dot_dimension_numbers<[1], [0], [0], [1], [0, 0, 1, 1], [], []>, transpose_lhs_hint = false} : vector<512x128xf32>, vector<128x32xf32>, vector<512x32xf32> -> vector<512x32xf32>
    %add3A_111 = arith.addf %dot_general3A_110, %add3A_9 : vector<512x32xf32>
    %gt3A_112 = arith.constant 0.000000e+00 : f32
    %gt3A_113 = vector.broadcast %gt3A_112 : f32 to vector<512x32xf32>
    %gt3A_114 = arith.cmpf ogt, %add3A_111, %gt3A_113 : vector<512x32xf32>
    %mul3A_115 = arith.constant 2.000000e-01 : f32
    %mul3A_116 = vector.broadcast %mul3A_115 : f32 to vector<512x32xf32>
    %mul3A_117 = arith.mulf %mul3A_116, %add3A_111 : vector<512x32xf32>
    %select_n3A_118 = arith.select %gt3A_114, %add3A_111, %mul3A_117 : vector<512x32xi1>, vector<512x32xf32>
    %max3A_119 = arith.maximumf %max3A_103, %select_n3A_118 : vector<512x32xf32>
    %get3A_120 = arith.constant 7 : index
    %get3A_121 = arith.constant 0 : index
    %get3A_122 = arith.constant 0 : index
    %get3A_123 = vector.load %arg2[%get3A_120, %get3A_121, %get3A_122] : memref<16x512x128xf32, #tpu.memory_space<vmem>>, vector<1x512x128xf32>
    %get3A_124 = vector.shape_cast %get3A_123 : vector<1x512x128xf32> to vector<512x128xf32>
    %dot_general3A_125 = arith.constant dense<0.000000e+00> : vector<512x32xf32>
    %dot_general3A_126 = tpu.matmul %get3A_124, %get3A_12, %dot_general3A_125 {dimension_numbers = #tpu.dot_dimension_numbers<[1], [0], [0], [1], [0, 0, 1, 1], [], []>, transpose_lhs_hint = false} : vector<512x128xf32>, vector<128x32xf32>, vector<512x32xf32> -> vector<512x32xf32>
    %add3A_127 = arith.addf %dot_general3A_126, %add3A_9 : vector<512x32xf32>
    %gt3A_128 = arith.constant 0.000000e+00 : f32
    %gt3A_129 = vector.broadcast %gt3A_128 : f32 to vector<512x32xf32>
    %gt3A_130 = arith.cmpf ogt, %add3A_127, %gt3A_129 : vector<512x32xf32>
    %mul3A_131 = arith.constant 2.000000e-01 : f32
    %mul3A_132 = vector.broadcast %mul3A_131 : f32 to vector<512x32xf32>
    %mul3A_133 = arith.mulf %mul3A_132, %add3A_127 : vector<512x32xf32>
    %select_n3A_134 = arith.select %gt3A_130, %add3A_127, %mul3A_133 : vector<512x32xi1>, vector<512x32xf32>
    %max3A_135 = arith.maximumf %max3A_119, %select_n3A_134 : vector<512x32xf32>
    %get3A_136 = arith.constant 8 : index
    %get3A_137 = arith.constant 0 : index
    %get3A_138 = arith.constant 0 : index
    %get3A_139 = vector.load %arg2[%get3A_136, %get3A_137, %get3A_138] : memref<16x512x128xf32, #tpu.memory_space<vmem>>, vector<1x512x128xf32>
    %get3A_140 = vector.shape_cast %get3A_139 : vector<1x512x128xf32> to vector<512x128xf32>
    %dot_general3A_141 = arith.constant dense<0.000000e+00> : vector<512x32xf32>
    %dot_general3A_142 = tpu.matmul %get3A_140, %get3A_12, %dot_general3A_141 {dimension_numbers = #tpu.dot_dimension_numbers<[1], [0], [0], [1], [0, 0, 1, 1], [], []>, transpose_lhs_hint = false} : vector<512x128xf32>, vector<128x32xf32>, vector<512x32xf32> -> vector<512x32xf32>
    %add3A_143 = arith.addf %dot_general3A_142, %add3A_9 : vector<512x32xf32>
    %gt3A_144 = arith.constant 0.000000e+00 : f32
    %gt3A_145 = vector.broadcast %gt3A_144 : f32 to vector<512x32xf32>
    %gt3A_146 = arith.cmpf ogt, %add3A_143, %gt3A_145 : vector<512x32xf32>
    %mul3A_147 = arith.constant 2.000000e-01 : f32
    %mul3A_148 = vector.broadcast %mul3A_147 : f32 to vector<512x32xf32>
    %mul3A_149 = arith.mulf %mul3A_148, %add3A_143 : vector<512x32xf32>
    %select_n3A_150 = arith.select %gt3A_146, %add3A_143, %mul3A_149 : vector<512x32xi1>, vector<512x32xf32>
    %max3A_151 = arith.maximumf %max3A_135, %select_n3A_150 : vector<512x32xf32>
    %get3A_152 = arith.constant 9 : index
    %get3A_153 = arith.constant 0 : index
    %get3A_154 = arith.constant 0 : index
    %get3A_155 = vector.load %arg2[%get3A_152, %get3A_153, %get3A_154] : memref<16x512x128xf32, #tpu.memory_space<vmem>>, vector<1x512x128xf32>
    %get3A_156 = vector.shape_cast %get3A_155 : vector<1x512x128xf32> to vector<512x128xf32>
    %dot_general3A_157 = arith.constant dense<0.000000e+00> : vector<512x32xf32>
    %dot_general3A_158 = tpu.matmul %get3A_156, %get3A_12, %dot_general3A_157 {dimension_numbers = #tpu.dot_dimension_numbers<[1], [0], [0], [1], [0, 0, 1, 1], [], []>, transpose_lhs_hint = false} : vector<512x128xf32>, vector<128x32xf32>, vector<512x32xf32> -> vector<512x32xf32>
    %add3A_159 = arith.addf %dot_general3A_158, %add3A_9 : vector<512x32xf32>
    %gt3A_160 = arith.constant 0.000000e+00 : f32
    %gt3A_161 = vector.broadcast %gt3A_160 : f32 to vector<512x32xf32>
    %gt3A_162 = arith.cmpf ogt, %add3A_159, %gt3A_161 : vector<512x32xf32>
    %mul3A_163 = arith.constant 2.000000e-01 : f32
    %mul3A_164 = vector.broadcast %mul3A_163 : f32 to vector<512x32xf32>
    %mul3A_165 = arith.mulf %mul3A_164, %add3A_159 : vector<512x32xf32>
    %select_n3A_166 = arith.select %gt3A_162, %add3A_159, %mul3A_165 : vector<512x32xi1>, vector<512x32xf32>
    %max3A_167 = arith.maximumf %max3A_151, %select_n3A_166 : vector<512x32xf32>
    %get3A_168 = arith.constant 10 : index
    %get3A_169 = arith.constant 0 : index
    %get3A_170 = arith.constant 0 : index
    %get3A_171 = vector.load %arg2[%get3A_168, %get3A_169, %get3A_170] : memref<16x512x128xf32, #tpu.memory_space<vmem>>, vector<1x512x128xf32>
    %get3A_172 = vector.shape_cast %get3A_171 : vector<1x512x128xf32> to vector<512x128xf32>
    %dot_general3A_173 = arith.constant dense<0.000000e+00> : vector<512x32xf32>
    %dot_general3A_174 = tpu.matmul %get3A_172, %get3A_12, %dot_general3A_173 {dimension_numbers = #tpu.dot_dimension_numbers<[1], [0], [0], [1], [0, 0, 1, 1], [], []>, transpose_lhs_hint = false} : vector<512x128xf32>, vector<128x32xf32>, vector<512x32xf32> -> vector<512x32xf32>
    %add3A_175 = arith.addf %dot_general3A_174, %add3A_9 : vector<512x32xf32>
    %gt3A_176 = arith.constant 0.000000e+00 : f32
    %gt3A_177 = vector.broadcast %gt3A_176 : f32 to vector<512x32xf32>
    %gt3A_178 = arith.cmpf ogt, %add3A_175, %gt3A_177 : vector<512x32xf32>
    %mul3A_179 = arith.constant 2.000000e-01 : f32
    %mul3A_180 = vector.broadcast %mul3A_179 : f32 to vector<512x32xf32>
    %mul3A_181 = arith.mulf %mul3A_180, %add3A_175 : vector<512x32xf32>
    %select_n3A_182 = arith.select %gt3A_178, %add3A_175, %mul3A_181 : vector<512x32xi1>, vector<512x32xf32>
    %max3A_183 = arith.maximumf %max3A_167, %select_n3A_182 : vector<512x32xf32>
    %get3A_184 = arith.constant 11 : index
    %get3A_185 = arith.constant 0 : index
    %get3A_186 = arith.constant 0 : index
    %get3A_187 = vector.load %arg2[%get3A_184, %get3A_185, %get3A_186] : memref<16x512x128xf32, #tpu.memory_space<vmem>>, vector<1x512x128xf32>
    %get3A_188 = vector.shape_cast %get3A_187 : vector<1x512x128xf32> to vector<512x128xf32>
    %dot_general3A_189 = arith.constant dense<0.000000e+00> : vector<512x32xf32>
    %dot_general3A_190 = tpu.matmul %get3A_188, %get3A_12, %dot_general3A_189 {dimension_numbers = #tpu.dot_dimension_numbers<[1], [0], [0], [1], [0, 0, 1, 1], [], []>, transpose_lhs_hint = false} : vector<512x128xf32>, vector<128x32xf32>, vector<512x32xf32> -> vector<512x32xf32>
    %add3A_191 = arith.addf %dot_general3A_190, %add3A_9 : vector<512x32xf32>
    %gt3A_192 = arith.constant 0.000000e+00 : f32
    %gt3A_193 = vector.broadcast %gt3A_192 : f32 to vector<512x32xf32>
    %gt3A_194 = arith.cmpf ogt, %add3A_191, %gt3A_193 : vector<512x32xf32>
    %mul3A_195 = arith.constant 2.000000e-01 : f32
    %mul3A_196 = vector.broadcast %mul3A_195 : f32 to vector<512x32xf32>
    %mul3A_197 = arith.mulf %mul3A_196, %add3A_191 : vector<512x32xf32>
    %select_n3A_198 = arith.select %gt3A_194, %add3A_191, %mul3A_197 : vector<512x32xi1>, vector<512x32xf32>
    %max3A_199 = arith.maximumf %max3A_183, %select_n3A_198 : vector<512x32xf32>
    %get3A_200 = arith.constant 12 : index
    %get3A_201 = arith.constant 0 : index
    %get3A_202 = arith.constant 0 : index
    %get3A_203 = vector.load %arg2[%get3A_200, %get3A_201, %get3A_202] : memref<16x512x128xf32, #tpu.memory_space<vmem>>, vector<1x512x128xf32>
    %get3A_204 = vector.shape_cast %get3A_203 : vector<1x512x128xf32> to vector<512x128xf32>
    %dot_general3A_205 = arith.constant dense<0.000000e+00> : vector<512x32xf32>
    %dot_general3A_206 = tpu.matmul %get3A_204, %get3A_12, %dot_general3A_205 {dimension_numbers = #tpu.dot_dimension_numbers<[1], [0], [0], [1], [0, 0, 1, 1], [], []>, transpose_lhs_hint = false} : vector<512x128xf32>, vector<128x32xf32>, vector<512x32xf32> -> vector<512x32xf32>
    %add3A_207 = arith.addf %dot_general3A_206, %add3A_9 : vector<512x32xf32>
    %gt3A_208 = arith.constant 0.000000e+00 : f32
    %gt3A_209 = vector.broadcast %gt3A_208 : f32 to vector<512x32xf32>
    %gt3A_210 = arith.cmpf ogt, %add3A_207, %gt3A_209 : vector<512x32xf32>
    %mul3A_211 = arith.constant 2.000000e-01 : f32
    %mul3A_212 = vector.broadcast %mul3A_211 : f32 to vector<512x32xf32>
    %mul3A_213 = arith.mulf %mul3A_212, %add3A_207 : vector<512x32xf32>
    %select_n3A_214 = arith.select %gt3A_210, %add3A_207, %mul3A_213 : vector<512x32xi1>, vector<512x32xf32>
    %max3A_215 = arith.maximumf %max3A_199, %select_n3A_214 : vector<512x32xf32>
    %get3A_216 = arith.constant 13 : index
    %get3A_217 = arith.constant 0 : index
    %get3A_218 = arith.constant 0 : index
    %get3A_219 = vector.load %arg2[%get3A_216, %get3A_217, %get3A_218] : memref<16x512x128xf32, #tpu.memory_space<vmem>>, vector<1x512x128xf32>
    %get3A_220 = vector.shape_cast %get3A_219 : vector<1x512x128xf32> to vector<512x128xf32>
    %dot_general3A_221 = arith.constant dense<0.000000e+00> : vector<512x32xf32>
    %dot_general3A_222 = tpu.matmul %get3A_220, %get3A_12, %dot_general3A_221 {dimension_numbers = #tpu.dot_dimension_numbers<[1], [0], [0], [1], [0, 0, 1, 1], [], []>, transpose_lhs_hint = false} : vector<512x128xf32>, vector<128x32xf32>, vector<512x32xf32> -> vector<512x32xf32>
    %add3A_223 = arith.addf %dot_general3A_222, %add3A_9 : vector<512x32xf32>
    %gt3A_224 = arith.constant 0.000000e+00 : f32
    %gt3A_225 = vector.broadcast %gt3A_224 : f32 to vector<512x32xf32>
    %gt3A_226 = arith.cmpf ogt, %add3A_223, %gt3A_225 : vector<512x32xf32>
    %mul3A_227 = arith.constant 2.000000e-01 : f32
    %mul3A_228 = vector.broadcast %mul3A_227 : f32 to vector<512x32xf32>
    %mul3A_229 = arith.mulf %mul3A_228, %add3A_223 : vector<512x32xf32>
    %select_n3A_230 = arith.select %gt3A_226, %add3A_223, %mul3A_229 : vector<512x32xi1>, vector<512x32xf32>
    %max3A_231 = arith.maximumf %max3A_215, %select_n3A_230 : vector<512x32xf32>
    %get3A_232 = arith.constant 14 : index
    %get3A_233 = arith.constant 0 : index
    %get3A_234 = arith.constant 0 : index
    %get3A_235 = vector.load %arg2[%get3A_232, %get3A_233, %get3A_234] : memref<16x512x128xf32, #tpu.memory_space<vmem>>, vector<1x512x128xf32>
    %get3A_236 = vector.shape_cast %get3A_235 : vector<1x512x128xf32> to vector<512x128xf32>
    %dot_general3A_237 = arith.constant dense<0.000000e+00> : vector<512x32xf32>
    %dot_general3A_238 = tpu.matmul %get3A_236, %get3A_12, %dot_general3A_237 {dimension_numbers = #tpu.dot_dimension_numbers<[1], [0], [0], [1], [0, 0, 1, 1], [], []>, transpose_lhs_hint = false} : vector<512x128xf32>, vector<128x32xf32>, vector<512x32xf32> -> vector<512x32xf32>
    %add3A_239 = arith.addf %dot_general3A_238, %add3A_9 : vector<512x32xf32>
    %gt3A_240 = arith.constant 0.000000e+00 : f32
    %gt3A_241 = vector.broadcast %gt3A_240 : f32 to vector<512x32xf32>
    %gt3A_242 = arith.cmpf ogt, %add3A_239, %gt3A_241 : vector<512x32xf32>
    %mul3A_243 = arith.constant 2.000000e-01 : f32
    %mul3A_244 = vector.broadcast %mul3A_243 : f32 to vector<512x32xf32>
    %mul3A_245 = arith.mulf %mul3A_244, %add3A_239 : vector<512x32xf32>
    %select_n3A_246 = arith.select %gt3A_242, %add3A_239, %mul3A_245 : vector<512x32xi1>, vector<512x32xf32>
    %max3A_247 = arith.maximumf %max3A_231, %select_n3A_246 : vector<512x32xf32>
    %get3A_248 = arith.constant 15 : index
    %get3A_249 = arith.constant 0 : index
    %get3A_250 = arith.constant 0 : index
    %get3A_251 = vector.load %arg2[%get3A_248, %get3A_249, %get3A_250] : memref<16x512x128xf32, #tpu.memory_space<vmem>>, vector<1x512x128xf32>
    %get3A_252 = vector.shape_cast %get3A_251 : vector<1x512x128xf32> to vector<512x128xf32>
    %dot_general3A_253 = arith.constant dense<0.000000e+00> : vector<512x32xf32>
    %dot_general3A_254 = tpu.matmul %get3A_252, %get3A_12, %dot_general3A_253 {dimension_numbers = #tpu.dot_dimension_numbers<[1], [0], [0], [1], [0, 0, 1, 1], [], []>, transpose_lhs_hint = false} : vector<512x128xf32>, vector<128x32xf32>, vector<512x32xf32> -> vector<512x32xf32>
    %add3A_255 = arith.addf %dot_general3A_254, %add3A_9 : vector<512x32xf32>
    %gt3A_256 = arith.constant 0.000000e+00 : f32
    %gt3A_257 = vector.broadcast %gt3A_256 : f32 to vector<512x32xf32>
    %gt3A_258 = arith.cmpf ogt, %add3A_255, %gt3A_257 : vector<512x32xf32>
    %mul3A_259 = arith.constant 2.000000e-01 : f32
    %mul3A_260 = vector.broadcast %mul3A_259 : f32 to vector<512x32xf32>
    %mul3A_261 = arith.mulf %mul3A_260, %add3A_255 : vector<512x32xf32>
    %select_n3A_262 = arith.select %gt3A_258, %add3A_255, %mul3A_261 : vector<512x32xi1>, vector<512x32xf32>
    %max3A_263 = arith.maximumf %max3A_247, %select_n3A_262 : vector<512x32xf32>
    %swap3A = arith.constant 0 : index
    %swap3A_264 = arith.constant 0 : index
    %swap3A_265 = vector.load %arg6[%swap3A, %swap3A_264] : memref<512x32xf32, #tpu.memory_space<vmem>>, vector<512x32xf32>
    tpu.vector_store %arg6[%swap3A, %swap3A_264], %max3A_263 {strides = array<i32>} : memref<512x32xf32, #tpu.memory_space<vmem>>, vector<512x32xf32>,
    return
  }
  func.func @transform_0(%arg0: i32) -> (i32, i32) {
    %c0_i32 = arith.constant 0 : i32
    %c0_i32_0 = arith.constant 0 : i32
    return %arg0, %c0_i32 : i32, i32
  }
  func.func @transform_1(%arg0: i32) -> (i32, i32, i32) {
    %c0_i32 = arith.constant 0 : i32
    %c0_i32_0 = arith.constant 0 : i32
    %c0_i32_1 = arith.constant 0 : i32
    return %c0_i32, %arg0, %c0_i32_0 : i32, i32, i32
  }
  func.func @transform_2(%arg0: i32) -> (i32, i32) {
    %c0_i32 = arith.constant 0 : i32
    %c0_i32_0 = arith.constant 0 : i32
    %c0_i32_1 = arith.constant 0 : i32
    return %c0_i32, %c0_i32_0 : i32, i32
  }
  func.func @transform_3(%arg0: i32) -> (i32, i32) {
    %c0_i32 = arith.constant 0 : i32
    %c0_i32_0 = arith.constant 0 : i32
    %c0_i32_1 = arith.constant 0 : i32
    return %c0_i32, %c0_i32_0 : i32, i32
  }
  func.func @transform_4(%arg0: i32) -> (i32, i32) {
    %c0_i32 = arith.constant 0 : i32
    %c0_i32_0 = arith.constant 0 : i32
    %c0_i32_1 = arith.constant 0 : i32
    return %c0_i32, %c0_i32_0 : i32, i32
  }
  func.func @transform_5(%arg0: i32) -> (i32, i32) {
    %c0_i32 = arith.constant 0 : i32
    %c0_i32_0 = arith.constant 0 : i32
    return %arg0, %c0_i32 : i32, i32
  }
}

module attributes {stable_mosaic.version = 14 : i64} {
  func.func @body(%arg0: i32, %arg1: memref<512x128xf32, #tpu.memory_space<vmem>>, %arg2: memref<16x512x128xf32, #tpu.memory_space<vmem>>, %arg3: memref<128x64xf32, #tpu.memory_space<vmem>>, %arg4: memref<128x64xf32, #tpu.memory_space<vmem>>, %arg5: memref<1x64xf32, #tpu.memory_space<vmem>>, %arg6: memref<512x64xf32, #tpu.memory_space<vmem>>) attributes {dimension_semantics = [#tpu.dimension_semantics<arbitrary>], iteration_bounds = array<i64: 10>, scalar_prefetch = 0 : i64, scratch_operands = 0 : i64, tpu.core_type = #tpu.core_type<tc>, window_params = [{transform_indices = @transform_0, window_bounds = array<i64: 512, 128>}, {transform_indices = @transform_1, window_bounds = array<i64: 16, 512, 128>}, {pipeline_mode = #tpu.pipeline_mode<synchronous>, transform_indices = @transform_2, window_bounds = array<i64: 128, 64>}, {pipeline_mode = #tpu.pipeline_mode<synchronous>, transform_indices = @transform_3, window_bounds = array<i64: 128, 64>}, {pipeline_mode = #tpu.pipeline_mode<synchronous>, transform_indices = @transform_4, window_bounds = array<i64: 1, 64>}, {transform_indices = @transform_5, window_bounds = array<i64: 512, 64>}]} {
    %get3A = arith.constant 0 : index
    %get3A_0 = arith.constant 0 : index
    %get3A_1 = vector.load %arg1[%get3A, %get3A_0] : memref<512x128xf32, #tpu.memory_space<vmem>>, vector<512x128xf32>
    %get3A_2 = arith.constant 0 : index
    %get3A_3 = arith.constant 0 : index
    %get3A_4 = vector.load %arg3[%get3A_2, %get3A_3] : memref<128x64xf32, #tpu.memory_space<vmem>>, vector<128x64xf32>
    %dot_general3A = arith.constant dense<0.000000e+00> : vector<512x64xf32>
    %dot_general3A_5 = tpu.matmul %get3A_1, %get3A_4, %dot_general3A {dimension_numbers = #tpu.dot_dimension_numbers<[1], [0], [0], [1], [0, 0, 1, 1], [], []>, transpose_lhs_hint = false} : vector<512x128xf32>, vector<128x64xf32>, vector<512x64xf32> -> vector<512x64xf32>
    %get3A_6 = arith.constant 0 : index
    %get3A_7 = arith.constant 0 : index
    %get3A_8 = vector.load %arg5[%get3A_6, %get3A_7] : memref<1x64xf32, #tpu.memory_space<vmem>>, vector<1x64xf32>
    %add3A = vector.broadcast %get3A_8 : vector<1x64xf32> to vector<512x64xf32>
    %add3A_9 = arith.addf %dot_general3A_5, %add3A : vector<512x64xf32>
    %get3A_10 = arith.constant 0 : index
    %get3A_11 = arith.constant 0 : index
    %get3A_12 = vector.load %arg4[%get3A_10, %get3A_11] : memref<128x64xf32, #tpu.memory_space<vmem>>, vector<128x64xf32>
    %get3A_13 = arith.constant 0 : index
    %get3A_14 = arith.constant 0 : index
    %get3A_15 = arith.constant 0 : index
    %get3A_16 = vector.load %arg2[%get3A_13, %get3A_14, %get3A_15] : memref<16x512x128xf32, #tpu.memory_space<vmem>>, vector<1x512x128xf32>
    %get3A_17 = vector.shape_cast %get3A_16 : vector<1x512x128xf32> to vector<512x128xf32>
    %dot_general3A_18 = arith.constant dense<0.000000e+00> : vector<512x64xf32>
    %dot_general3A_19 = tpu.matmul %get3A_17, %get3A_12, %dot_general3A_18 {dimension_numbers = #tpu.dot_dimension_numbers<[1], [0], [0], [1], [0, 0, 1, 1], [], []>, transpose_lhs_hint = false} : vector<512x128xf32>, vector<128x64xf32>, vector<512x64xf32> -> vector<512x64xf32>
    %add3A_20 = arith.addf %dot_general3A_19, %add3A_9 : vector<512x64xf32>
    %gt3A = arith.constant 0.000000e+00 : f32
    %gt3A_21 = vector.broadcast %gt3A : f32 to vector<512x64xf32>
    %gt3A_22 = arith.cmpf ogt, %add3A_20, %gt3A_21 : vector<512x64xf32>
    %mul3A = arith.constant 2.000000e-01 : f32
    %mul3A_23 = vector.broadcast %mul3A : f32 to vector<512x64xf32>
    %mul3A_24 = arith.mulf %mul3A_23, %add3A_20 : vector<512x64xf32>
    %select_n3A = arith.select %gt3A_22, %add3A_20, %mul3A_24 : vector<512x64xi1>, vector<512x64xf32>
    %get3A_25 = arith.constant 1 : index
    %get3A_26 = arith.constant 0 : index
    %get3A_27 = arith.constant 0 : index
    %get3A_28 = vector.load %arg2[%get3A_25, %get3A_26, %get3A_27] : memref<16x512x128xf32, #tpu.memory_space<vmem>>, vector<1x512x128xf32>
    %get3A_29 = vector.shape_cast %get3A_28 : vector<1x512x128xf32> to vector<512x128xf32>
    %dot_general3A_30 = arith.constant dense<0.000000e+00> : vector<512x64xf32>
    %dot_general3A_31 = tpu.matmul %get3A_29, %get3A_12, %dot_general3A_30 {dimension_numbers = #tpu.dot_dimension_numbers<[1], [0], [0], [1], [0, 0, 1, 1], [], []>, transpose_lhs_hint = false} : vector<512x128xf32>, vector<128x64xf32>, vector<512x64xf32> -> vector<512x64xf32>
    %add3A_32 = arith.addf %dot_general3A_31, %add3A_9 : vector<512x64xf32>
    %gt3A_33 = arith.constant 0.000000e+00 : f32
    %gt3A_34 = vector.broadcast %gt3A_33 : f32 to vector<512x64xf32>
    %gt3A_35 = arith.cmpf ogt, %add3A_32, %gt3A_34 : vector<512x64xf32>
    %mul3A_36 = arith.constant 2.000000e-01 : f32
    %mul3A_37 = vector.broadcast %mul3A_36 : f32 to vector<512x64xf32>
    %mul3A_38 = arith.mulf %mul3A_37, %add3A_32 : vector<512x64xf32>
    %select_n3A_39 = arith.select %gt3A_35, %add3A_32, %mul3A_38 : vector<512x64xi1>, vector<512x64xf32>
    %max3A = arith.maximumf %select_n3A, %select_n3A_39 : vector<512x64xf32>
    %get3A_40 = arith.constant 2 : index
    %get3A_41 = arith.constant 0 : index
    %get3A_42 = arith.constant 0 : index
    %get3A_43 = vector.load %arg2[%get3A_40, %get3A_41, %get3A_42] : memref<16x512x128xf32, #tpu.memory_space<vmem>>, vector<1x512x128xf32>
    %get3A_44 = vector.shape_cast %get3A_43 : vector<1x512x128xf32> to vector<512x128xf32>
    %dot_general3A_45 = arith.constant dense<0.000000e+00> : vector<512x64xf32>
    %dot_general3A_46 = tpu.matmul %get3A_44, %get3A_12, %dot_general3A_45 {dimension_numbers = #tpu.dot_dimension_numbers<[1], [0], [0], [1], [0, 0, 1, 1], [], []>, transpose_lhs_hint = false} : vector<512x128xf32>, vector<128x64xf32>, vector<512x64xf32> -> vector<512x64xf32>
    %add3A_47 = arith.addf %dot_general3A_46, %add3A_9 : vector<512x64xf32>
    %gt3A_48 = arith.constant 0.000000e+00 : f32
    %gt3A_49 = vector.broadcast %gt3A_48 : f32 to vector<512x64xf32>
    %gt3A_50 = arith.cmpf ogt, %add3A_47, %gt3A_49 : vector<512x64xf32>
    %mul3A_51 = arith.constant 2.000000e-01 : f32
    %mul3A_52 = vector.broadcast %mul3A_51 : f32 to vector<512x64xf32>
    %mul3A_53 = arith.mulf %mul3A_52, %add3A_47 : vector<512x64xf32>
    %select_n3A_54 = arith.select %gt3A_50, %add3A_47, %mul3A_53 : vector<512x64xi1>, vector<512x64xf32>
    %max3A_55 = arith.maximumf %max3A, %select_n3A_54 : vector<512x64xf32>
    %get3A_56 = arith.constant 3 : index
    %get3A_57 = arith.constant 0 : index
    %get3A_58 = arith.constant 0 : index
    %get3A_59 = vector.load %arg2[%get3A_56, %get3A_57, %get3A_58] : memref<16x512x128xf32, #tpu.memory_space<vmem>>, vector<1x512x128xf32>
    %get3A_60 = vector.shape_cast %get3A_59 : vector<1x512x128xf32> to vector<512x128xf32>
    %dot_general3A_61 = arith.constant dense<0.000000e+00> : vector<512x64xf32>
    %dot_general3A_62 = tpu.matmul %get3A_60, %get3A_12, %dot_general3A_61 {dimension_numbers = #tpu.dot_dimension_numbers<[1], [0], [0], [1], [0, 0, 1, 1], [], []>, transpose_lhs_hint = false} : vector<512x128xf32>, vector<128x64xf32>, vector<512x64xf32> -> vector<512x64xf32>
    %add3A_63 = arith.addf %dot_general3A_62, %add3A_9 : vector<512x64xf32>
    %gt3A_64 = arith.constant 0.000000e+00 : f32
    %gt3A_65 = vector.broadcast %gt3A_64 : f32 to vector<512x64xf32>
    %gt3A_66 = arith.cmpf ogt, %add3A_63, %gt3A_65 : vector<512x64xf32>
    %mul3A_67 = arith.constant 2.000000e-01 : f32
    %mul3A_68 = vector.broadcast %mul3A_67 : f32 to vector<512x64xf32>
    %mul3A_69 = arith.mulf %mul3A_68, %add3A_63 : vector<512x64xf32>
    %select_n3A_70 = arith.select %gt3A_66, %add3A_63, %mul3A_69 : vector<512x64xi1>, vector<512x64xf32>
    %max3A_71 = arith.maximumf %max3A_55, %select_n3A_70 : vector<512x64xf32>
    %get3A_72 = arith.constant 4 : index
    %get3A_73 = arith.constant 0 : index
    %get3A_74 = arith.constant 0 : index
    %get3A_75 = vector.load %arg2[%get3A_72, %get3A_73, %get3A_74] : memref<16x512x128xf32, #tpu.memory_space<vmem>>, vector<1x512x128xf32>
    %get3A_76 = vector.shape_cast %get3A_75 : vector<1x512x128xf32> to vector<512x128xf32>
    %dot_general3A_77 = arith.constant dense<0.000000e+00> : vector<512x64xf32>
    %dot_general3A_78 = tpu.matmul %get3A_76, %get3A_12, %dot_general3A_77 {dimension_numbers = #tpu.dot_dimension_numbers<[1], [0], [0], [1], [0, 0, 1, 1], [], []>, transpose_lhs_hint = false} : vector<512x128xf32>, vector<128x64xf32>, vector<512x64xf32> -> vector<512x64xf32>
    %add3A_79 = arith.addf %dot_general3A_78, %add3A_9 : vector<512x64xf32>
    %gt3A_80 = arith.constant 0.000000e+00 : f32
    %gt3A_81 = vector.broadcast %gt3A_80 : f32 to vector<512x64xf32>
    %gt3A_82 = arith.cmpf ogt, %add3A_79, %gt3A_81 : vector<512x64xf32>
    %mul3A_83 = arith.constant 2.000000e-01 : f32
    %mul3A_84 = vector.broadcast %mul3A_83 : f32 to vector<512x64xf32>
    %mul3A_85 = arith.mulf %mul3A_84, %add3A_79 : vector<512x64xf32>
    %select_n3A_86 = arith.select %gt3A_82, %add3A_79, %mul3A_85 : vector<512x64xi1>, vector<512x64xf32>
    %max3A_87 = arith.maximumf %max3A_71, %select_n3A_86 : vector<512x64xf32>
    %get3A_88 = arith.constant 5 : index
    %get3A_89 = arith.constant 0 : index
    %get3A_90 = arith.constant 0 : index
    %get3A_91 = vector.load %arg2[%get3A_88, %get3A_89, %get3A_90] : memref<16x512x128xf32, #tpu.memory_space<vmem>>, vector<1x512x128xf32>
    %get3A_92 = vector.shape_cast %get3A_91 : vector<1x512x128xf32> to vector<512x128xf32>
    %dot_general3A_93 = arith.constant dense<0.000000e+00> : vector<512x64xf32>
    %dot_general3A_94 = tpu.matmul %get3A_92, %get3A_12, %dot_general3A_93 {dimension_numbers = #tpu.dot_dimension_numbers<[1], [0], [0], [1], [0, 0, 1, 1], [], []>, transpose_lhs_hint = false} : vector<512x128xf32>, vector<128x64xf32>, vector<512x64xf32> -> vector<512x64xf32>
    %add3A_95 = arith.addf %dot_general3A_94, %add3A_9 : vector<512x64xf32>
    %gt3A_96 = arith.constant 0.000000e+00 : f32
    %gt3A_97 = vector.broadcast %gt3A_96 : f32 to vector<512x64xf32>
    %gt3A_98 = arith.cmpf ogt, %add3A_95, %gt3A_97 : vector<512x64xf32>
    %mul3A_99 = arith.constant 2.000000e-01 : f32
    %mul3A_100 = vector.broadcast %mul3A_99 : f32 to vector<512x64xf32>
    %mul3A_101 = arith.mulf %mul3A_100, %add3A_95 : vector<512x64xf32>
    %select_n3A_102 = arith.select %gt3A_98, %add3A_95, %mul3A_101 : vector<512x64xi1>, vector<512x64xf32>
    %max3A_103 = arith.maximumf %max3A_87, %select_n3A_102 : vector<512x64xf32>
    %get3A_104 = arith.constant 6 : index
    %get3A_105 = arith.constant 0 : index
    %get3A_106 = arith.constant 0 : index
    %get3A_107 = vector.load %arg2[%get3A_104, %get3A_105, %get3A_106] : memref<16x512x128xf32, #tpu.memory_space<vmem>>, vector<1x512x128xf32>
    %get3A_108 = vector.shape_cast %get3A_107 : vector<1x512x128xf32> to vector<512x128xf32>
    %dot_general3A_109 = arith.constant dense<0.000000e+00> : vector<512x64xf32>
    %dot_general3A_110 = tpu.matmul %get3A_108, %get3A_12, %dot_general3A_109 {dimension_numbers = #tpu.dot_dimension_numbers<[1], [0], [0], [1], [0, 0, 1, 1], [], []>, transpose_lhs_hint = false} : vector<512x128xf32>, vector<128x64xf32>, vector<512x64xf32> -> vector<512x64xf32>
    %add3A_111 = arith.addf %dot_general3A_110, %add3A_9 : vector<512x64xf32>
    %gt3A_112 = arith.constant 0.000000e+00 : f32
    %gt3A_113 = vector.broadcast %gt3A_112 : f32 to vector<512x64xf32>
    %gt3A_114 = arith.cmpf ogt, %add3A_111, %gt3A_113 : vector<512x64xf32>
    %mul3A_115 = arith.constant 2.000000e-01 : f32
    %mul3A_116 = vector.broadcast %mul3A_115 : f32 to vector<512x64xf32>
    %mul3A_117 = arith.mulf %mul3A_116, %add3A_111 : vector<512x64xf32>
    %select_n3A_118 = arith.select %gt3A_114, %add3A_111, %mul3A_117 : vector<512x64xi1>, vector<512x64xf32>
    %max3A_119 = arith.maximumf %max3A_103, %select_n3A_118 : vector<512x64xf32>
    %get3A_120 = arith.constant 7 : index
    %get3A_121 = arith.constant 0 : index
    %get3A_122 = arith.constant 0 : index
    %get3A_123 = vector.load %arg2[%get3A_120, %get3A_121, %get3A_122] : memref<16x512x128xf32, #tpu.memory_space<vmem>>, vector<1x512x128xf32>
    %get3A_124 = vector.shape_cast %get3A_123 : vector<1x512x128xf32> to vector<512x128xf32>
    %dot_general3A_125 = arith.constant dense<0.000000e+00> : vector<512x64xf32>
    %dot_general3A_126 = tpu.matmul %get3A_124, %get3A_12, %dot_general3A_125 {dimension_numbers = #tpu.dot_dimension_numbers<[1], [0], [0], [1], [0, 0, 1, 1], [], []>, transpose_lhs_hint = false} : vector<512x128xf32>, vector<128x64xf32>, vector<512x64xf32> -> vector<512x64xf32>
    %add3A_127 = arith.addf %dot_general3A_126, %add3A_9 : vector<512x64xf32>
    %gt3A_128 = arith.constant 0.000000e+00 : f32
    %gt3A_129 = vector.broadcast %gt3A_128 : f32 to vector<512x64xf32>
    %gt3A_130 = arith.cmpf ogt, %add3A_127, %gt3A_129 : vector<512x64xf32>
    %mul3A_131 = arith.constant 2.000000e-01 : f32
    %mul3A_132 = vector.broadcast %mul3A_131 : f32 to vector<512x64xf32>
    %mul3A_133 = arith.mulf %mul3A_132, %add3A_127 : vector<512x64xf32>
    %select_n3A_134 = arith.select %gt3A_130, %add3A_127, %mul3A_133 : vector<512x64xi1>, vector<512x64xf32>
    %max3A_135 = arith.maximumf %max3A_119, %select_n3A_134 : vector<512x64xf32>
    %get3A_136 = arith.constant 8 : index
    %get3A_137 = arith.constant 0 : index
    %get3A_138 = arith.constant 0 : index
    %get3A_139 = vector.load %arg2[%get3A_136, %get3A_137, %get3A_138] : memref<16x512x128xf32, #tpu.memory_space<vmem>>, vector<1x512x128xf32>
    %get3A_140 = vector.shape_cast %get3A_139 : vector<1x512x128xf32> to vector<512x128xf32>
    %dot_general3A_141 = arith.constant dense<0.000000e+00> : vector<512x64xf32>
    %dot_general3A_142 = tpu.matmul %get3A_140, %get3A_12, %dot_general3A_141 {dimension_numbers = #tpu.dot_dimension_numbers<[1], [0], [0], [1], [0, 0, 1, 1], [], []>, transpose_lhs_hint = false} : vector<512x128xf32>, vector<128x64xf32>, vector<512x64xf32> -> vector<512x64xf32>
    %add3A_143 = arith.addf %dot_general3A_142, %add3A_9 : vector<512x64xf32>
    %gt3A_144 = arith.constant 0.000000e+00 : f32
    %gt3A_145 = vector.broadcast %gt3A_144 : f32 to vector<512x64xf32>
    %gt3A_146 = arith.cmpf ogt, %add3A_143, %gt3A_145 : vector<512x64xf32>
    %mul3A_147 = arith.constant 2.000000e-01 : f32
    %mul3A_148 = vector.broadcast %mul3A_147 : f32 to vector<512x64xf32>
    %mul3A_149 = arith.mulf %mul3A_148, %add3A_143 : vector<512x64xf32>
    %select_n3A_150 = arith.select %gt3A_146, %add3A_143, %mul3A_149 : vector<512x64xi1>, vector<512x64xf32>
    %max3A_151 = arith.maximumf %max3A_135, %select_n3A_150 : vector<512x64xf32>
    %get3A_152 = arith.constant 9 : index
    %get3A_153 = arith.constant 0 : index
    %get3A_154 = arith.constant 0 : index
    %get3A_155 = vector.load %arg2[%get3A_152, %get3A_153, %get3A_154] : memref<16x512x128xf32, #tpu.memory_space<vmem>>, vector<1x512x128xf32>
    %get3A_156 = vector.shape_cast %get3A_155 : vector<1x512x128xf32> to vector<512x128xf32>
    %dot_general3A_157 = arith.constant dense<0.000000e+00> : vector<512x64xf32>
    %dot_general3A_158 = tpu.matmul %get3A_156, %get3A_12, %dot_general3A_157 {dimension_numbers = #tpu.dot_dimension_numbers<[1], [0], [0], [1], [0, 0, 1, 1], [], []>, transpose_lhs_hint = false} : vector<512x128xf32>, vector<128x64xf32>, vector<512x64xf32> -> vector<512x64xf32>
    %add3A_159 = arith.addf %dot_general3A_158, %add3A_9 : vector<512x64xf32>
    %gt3A_160 = arith.constant 0.000000e+00 : f32
    %gt3A_161 = vector.broadcast %gt3A_160 : f32 to vector<512x64xf32>
    %gt3A_162 = arith.cmpf ogt, %add3A_159, %gt3A_161 : vector<512x64xf32>
    %mul3A_163 = arith.constant 2.000000e-01 : f32
    %mul3A_164 = vector.broadcast %mul3A_163 : f32 to vector<512x64xf32>
    %mul3A_165 = arith.mulf %mul3A_164, %add3A_159 : vector<512x64xf32>
    %select_n3A_166 = arith.select %gt3A_162, %add3A_159, %mul3A_165 : vector<512x64xi1>, vector<512x64xf32>
    %max3A_167 = arith.maximumf %max3A_151, %select_n3A_166 : vector<512x64xf32>
    %get3A_168 = arith.constant 10 : index
    %get3A_169 = arith.constant 0 : index
    %get3A_170 = arith.constant 0 : index
    %get3A_171 = vector.load %arg2[%get3A_168, %get3A_169, %get3A_170] : memref<16x512x128xf32, #tpu.memory_space<vmem>>, vector<1x512x128xf32>
    %get3A_172 = vector.shape_cast %get3A_171 : vector<1x512x128xf32> to vector<512x128xf32>
    %dot_general3A_173 = arith.constant dense<0.000000e+00> : vector<512x64xf32>
    %dot_general3A_174 = tpu.matmul %get3A_172, %get3A_12, %dot_general3A_173 {dimension_numbers = #tpu.dot_dimension_numbers<[1], [0], [0], [1], [0, 0, 1, 1], [], []>, transpose_lhs_hint = false} : vector<512x128xf32>, vector<128x64xf32>, vector<512x64xf32> -> vector<512x64xf32>
    %add3A_175 = arith.addf %dot_general3A_174, %add3A_9 : vector<512x64xf32>
    %gt3A_176 = arith.constant 0.000000e+00 : f32
    %gt3A_177 = vector.broadcast %gt3A_176 : f32 to vector<512x64xf32>
    %gt3A_178 = arith.cmpf ogt, %add3A_175, %gt3A_177 : vector<512x64xf32>
    %mul3A_179 = arith.constant 2.000000e-01 : f32
    %mul3A_180 = vector.broadcast %mul3A_179 : f32 to vector<512x64xf32>
    %mul3A_181 = arith.mulf %mul3A_180, %add3A_175 : vector<512x64xf32>
    %select_n3A_182 = arith.select %gt3A_178, %add3A_175, %mul3A_181 : vector<512x64xi1>, vector<512x64xf32>
    %max3A_183 = arith.maximumf %max3A_167, %select_n3A_182 : vector<512x64xf32>
    %get3A_184 = arith.constant 11 : index
    %get3A_185 = arith.constant 0 : index
    %get3A_186 = arith.constant 0 : index
    %get3A_187 = vector.load %arg2[%get3A_184, %get3A_185, %get3A_186] : memref<16x512x128xf32, #tpu.memory_space<vmem>>, vector<1x512x128xf32>
    %get3A_188 = vector.shape_cast %get3A_187 : vector<1x512x128xf32> to vector<512x128xf32>
    %dot_general3A_189 = arith.constant dense<0.000000e+00> : vector<512x64xf32>
    %dot_general3A_190 = tpu.matmul %get3A_188, %get3A_12, %dot_general3A_189 {dimension_numbers = #tpu.dot_dimension_numbers<[1], [0], [0], [1], [0, 0, 1, 1], [], []>, transpose_lhs_hint = false} : vector<512x128xf32>, vector<128x64xf32>, vector<512x64xf32> -> vector<512x64xf32>
    %add3A_191 = arith.addf %dot_general3A_190, %add3A_9 : vector<512x64xf32>
    %gt3A_192 = arith.constant 0.000000e+00 : f32
    %gt3A_193 = vector.broadcast %gt3A_192 : f32 to vector<512x64xf32>
    %gt3A_194 = arith.cmpf ogt, %add3A_191, %gt3A_193 : vector<512x64xf32>
    %mul3A_195 = arith.constant 2.000000e-01 : f32
    %mul3A_196 = vector.broadcast %mul3A_195 : f32 to vector<512x64xf32>
    %mul3A_197 = arith.mulf %mul3A_196, %add3A_191 : vector<512x64xf32>
    %select_n3A_198 = arith.select %gt3A_194, %add3A_191, %mul3A_197 : vector<512x64xi1>, vector<512x64xf32>
    %max3A_199 = arith.maximumf %max3A_183, %select_n3A_198 : vector<512x64xf32>
    %get3A_200 = arith.constant 12 : index
    %get3A_201 = arith.constant 0 : index
    %get3A_202 = arith.constant 0 : index
    %get3A_203 = vector.load %arg2[%get3A_200, %get3A_201, %get3A_202] : memref<16x512x128xf32, #tpu.memory_space<vmem>>, vector<1x512x128xf32>
    %get3A_204 = vector.shape_cast %get3A_203 : vector<1x512x128xf32> to vector<512x128xf32>
    %dot_general3A_205 = arith.constant dense<0.000000e+00> : vector<512x64xf32>
    %dot_general3A_206 = tpu.matmul %get3A_204, %get3A_12, %dot_general3A_205 {dimension_numbers = #tpu.dot_dimension_numbers<[1], [0], [0], [1], [0, 0, 1, 1], [], []>, transpose_lhs_hint = false} : vector<512x128xf32>, vector<128x64xf32>, vector<512x64xf32> -> vector<512x64xf32>
    %add3A_207 = arith.addf %dot_general3A_206, %add3A_9 : vector<512x64xf32>
    %gt3A_208 = arith.constant 0.000000e+00 : f32
    %gt3A_209 = vector.broadcast %gt3A_208 : f32 to vector<512x64xf32>
    %gt3A_210 = arith.cmpf ogt, %add3A_207, %gt3A_209 : vector<512x64xf32>
    %mul3A_211 = arith.constant 2.000000e-01 : f32
    %mul3A_212 = vector.broadcast %mul3A_211 : f32 to vector<512x64xf32>
    %mul3A_213 = arith.mulf %mul3A_212, %add3A_207 : vector<512x64xf32>
    %select_n3A_214 = arith.select %gt3A_210, %add3A_207, %mul3A_213 : vector<512x64xi1>, vector<512x64xf32>
    %max3A_215 = arith.maximumf %max3A_199, %select_n3A_214 : vector<512x64xf32>
    %get3A_216 = arith.constant 13 : index
    %get3A_217 = arith.constant 0 : index
    %get3A_218 = arith.constant 0 : index
    %get3A_219 = vector.load %arg2[%get3A_216, %get3A_217, %get3A_218] : memref<16x512x128xf32, #tpu.memory_space<vmem>>, vector<1x512x128xf32>
    %get3A_220 = vector.shape_cast %get3A_219 : vector<1x512x128xf32> to vector<512x128xf32>
    %dot_general3A_221 = arith.constant dense<0.000000e+00> : vector<512x64xf32>
    %dot_general3A_222 = tpu.matmul %get3A_220, %get3A_12, %dot_general3A_221 {dimension_numbers = #tpu.dot_dimension_numbers<[1], [0], [0], [1], [0, 0, 1, 1], [], []>, transpose_lhs_hint = false} : vector<512x128xf32>, vector<128x64xf32>, vector<512x64xf32> -> vector<512x64xf32>
    %add3A_223 = arith.addf %dot_general3A_222, %add3A_9 : vector<512x64xf32>
    %gt3A_224 = arith.constant 0.000000e+00 : f32
    %gt3A_225 = vector.broadcast %gt3A_224 : f32 to vector<512x64xf32>
    %gt3A_226 = arith.cmpf ogt, %add3A_223, %gt3A_225 : vector<512x64xf32>
    %mul3A_227 = arith.constant 2.000000e-01 : f32
    %mul3A_228 = vector.broadcast %mul3A_227 : f32 to vector<512x64xf32>
    %mul3A_229 = arith.mulf %mul3A_228, %add3A_223 : vector<512x64xf32>
    %select_n3A_230 = arith.select %gt3A_226, %add3A_223, %mul3A_229 : vector<512x64xi1>, vector<512x64xf32>
    %max3A_231 = arith.maximumf %max3A_215, %select_n3A_230 : vector<512x64xf32>
    %get3A_232 = arith.constant 14 : index
    %get3A_233 = arith.constant 0 : index
    %get3A_234 = arith.constant 0 : index
    %get3A_235 = vector.load %arg2[%get3A_232, %get3A_233, %get3A_234] : memref<16x512x128xf32, #tpu.memory_space<vmem>>, vector<1x512x128xf32>
    %get3A_236 = vector.shape_cast %get3A_235 : vector<1x512x128xf32> to vector<512x128xf32>
    %dot_general3A_237 = arith.constant dense<0.000000e+00> : vector<512x64xf32>
    %dot_general3A_238 = tpu.matmul %get3A_236, %get3A_12, %dot_general3A_237 {dimension_numbers = #tpu.dot_dimension_numbers<[1], [0], [0], [1], [0, 0, 1, 1], [], []>, transpose_lhs_hint = false} : vector<512x128xf32>, vector<128x64xf32>, vector<512x64xf32> -> vector<512x64xf32>
    %add3A_239 = arith.addf %dot_general3A_238, %add3A_9 : vector<512x64xf32>
    %gt3A_240 = arith.constant 0.000000e+00 : f32
    %gt3A_241 = vector.broadcast %gt3A_240 : f32 to vector<512x64xf32>
    %gt3A_242 = arith.cmpf ogt, %add3A_239, %gt3A_241 : vector<512x64xf32>
    %mul3A_243 = arith.constant 2.000000e-01 : f32
    %mul3A_244 = vector.broadcast %mul3A_243 : f32 to vector<512x64xf32>
    %mul3A_245 = arith.mulf %mul3A_244, %add3A_239 : vector<512x64xf32>
    %select_n3A_246 = arith.select %gt3A_242, %add3A_239, %mul3A_245 : vector<512x64xi1>, vector<512x64xf32>
    %max3A_247 = arith.maximumf %max3A_231, %select_n3A_246 : vector<512x64xf32>
    %get3A_248 = arith.constant 15 : index
    %get3A_249 = arith.constant 0 : index
    %get3A_250 = arith.constant 0 : index
    %get3A_251 = vector.load %arg2[%get3A_248, %get3A_249, %get3A_250] : memref<16x512x128xf32, #tpu.memory_space<vmem>>, vector<1x512x128xf32>
    %get3A_252 = vector.shape_cast %get3A_251 : vector<1x512x128xf32> to vector<512x128xf32>
    %dot_general3A_253 = arith.constant dense<0.000000e+00> : vector<512x64xf32>
    %dot_general3A_254 = tpu.matmul %get3A_252, %get3A_12, %dot_general3A_253 {dimension_numbers = #tpu.dot_dimension_numbers<[1], [0], [0], [1], [0, 0, 1, 1], [], []>, transpose_lhs_hint = false} : vector<512x128xf32>, vector<128x64xf32>, vector<512x64xf32> -> vector<512x64xf32>
    %add3A_255 = arith.addf %dot_general3A_254, %add3A_9 : vector<512x64xf32>
    %gt3A_256 = arith.constant 0.000000e+00 : f32
    %gt3A_257 = vector.broadcast %gt3A_256 : f32 to vector<512x64xf32>
    %gt3A_258 = arith.cmpf ogt, %add3A_255, %gt3A_257 : vector<512x64xf32>
    %mul3A_259 = arith.constant 2.000000e-01 : f32
    %mul3A_260 = vector.broadcast %mul3A_259 : f32 to vector<512x64xf32>
    %mul3A_261 = arith.mulf %mul3A_260, %add3A_255 : vector<512x64xf32>
    %select_n3A_262 = arith.select %gt3A_258, %add3A_255, %mul3A_261 : vector<512x64xi1>, vector<512x64xf32>
    %max3A_263 = arith.maximumf %max3A_247, %select_n3A_262 : vector<512x64xf32>
    %swap3A = arith.constant 0 : index
    %swap3A_264 = arith.constant 0 : index
    %swap3A_265 = vector.load %arg6[%swap3A, %swap3A_264] : memref<512x64xf32, #tpu.memory_space<vmem>>, vector<512x64xf32>
    tpu.vector_store %arg6[%swap3A, %swap3A_264], %max3A_263 {strides = array<i32>} : memref<512x64xf32, #tpu.memory_space<vmem>>, vector<512x64xf32>,
    return
  }
  func.func @transform_0(%arg0: i32) -> (i32, i32) {
    %c0_i32 = arith.constant 0 : i32
    %c0_i32_0 = arith.constant 0 : i32
    return %arg0, %c0_i32 : i32, i32
  }
  func.func @transform_1(%arg0: i32) -> (i32, i32, i32) {
    %c0_i32 = arith.constant 0 : i32
    %c0_i32_0 = arith.constant 0 : i32
    %c0_i32_1 = arith.constant 0 : i32
    return %c0_i32, %arg0, %c0_i32_0 : i32, i32, i32
  }
  func.func @transform_2(%arg0: i32) -> (i32, i32) {
    %c0_i32 = arith.constant 0 : i32
    %c0_i32_0 = arith.constant 0 : i32
    %c0_i32_1 = arith.constant 0 : i32
    return %c0_i32, %c0_i32_0 : i32, i32
  }
  func.func @transform_3(%arg0: i32) -> (i32, i32) {
    %c0_i32 = arith.constant 0 : i32
    %c0_i32_0 = arith.constant 0 : i32
    %c0_i32_1 = arith.constant 0 : i32
    return %c0_i32, %c0_i32_0 : i32, i32
  }
  func.func @transform_4(%arg0: i32) -> (i32, i32) {
    %c0_i32 = arith.constant 0 : i32
    %c0_i32_0 = arith.constant 0 : i32
    %c0_i32_1 = arith.constant 0 : i32
    return %c0_i32, %c0_i32_0 : i32, i32
  }
  func.func @transform_5(%arg0: i32) -> (i32, i32) {
    %c0_i32 = arith.constant 0 : i32
    %c0_i32_0 = arith.constant 0 : i32
    return %arg0, %c0_i32 : i32, i32
  }
}

module attributes {stable_mosaic.version = 14 : i64} {
  func.func @body(%arg0: i32, %arg1: memref<512x64xf32, #tpu.memory_space<vmem>>, %arg2: memref<512x128xf32, #tpu.memory_space<vmem>>, %arg3: memref<64x128xf32, #tpu.memory_space<vmem>>, %arg4: memref<1x128xf32, #tpu.memory_space<vmem>>, %arg5: memref<128x1xf32, #tpu.memory_space<vmem>>, %arg6: memref<1x1xf32, #tpu.memory_space<vmem>>, %arg7: memref<512x128xf32, #tpu.memory_space<vmem>>, %arg8: memref<512x1xf32, #tpu.memory_space<vmem>>) attributes {dimension_semantics = [#tpu.dimension_semantics<arbitrary>], iteration_bounds = array<i64: 10>, scalar_prefetch = 0 : i64, scratch_operands = 0 : i64, tpu.core_type = #tpu.core_type<tc>, window_params = [{transform_indices = @transform_0, window_bounds = array<i64: 512, 64>}, {transform_indices = @transform_1, window_bounds = array<i64: 512, 128>}, {pipeline_mode = #tpu.pipeline_mode<synchronous>, transform_indices = @transform_2, window_bounds = array<i64: 64, 128>}, {pipeline_mode = #tpu.pipeline_mode<synchronous>, transform_indices = @transform_3, window_bounds = array<i64: 1, 128>}, {pipeline_mode = #tpu.pipeline_mode<synchronous>, transform_indices = @transform_4, window_bounds = array<i64: 128, 1>}, {pipeline_mode = #tpu.pipeline_mode<synchronous>, transform_indices = @transform_5, window_bounds = array<i64: 1, 1>}, {transform_indices = @transform_6, window_bounds = array<i64: 512, 128>}, {transform_indices = @transform_7, window_bounds = array<i64: 512, 1>}]} {
    %get3A = arith.constant 0 : index
    %get3A_0 = arith.constant 0 : index
    %get3A_1 = vector.load %arg1[%get3A, %get3A_0] : memref<512x64xf32, #tpu.memory_space<vmem>>, vector<512x64xf32>
    %get3A_2 = arith.constant 0 : index
    %get3A_3 = arith.constant 0 : index
    %get3A_4 = vector.load %arg3[%get3A_2, %get3A_3] : memref<64x128xf32, #tpu.memory_space<vmem>>, vector<64x128xf32>
    %dot_general3A = arith.constant dense<0.000000e+00> : vector<512x128xf32>
    %dot_general3A_5 = tpu.matmul %get3A_1, %get3A_4, %dot_general3A {dimension_numbers = #tpu.dot_dimension_numbers<[1], [0], [0], [1], [0, 0, 1, 1], [], []>, transpose_lhs_hint = false} : vector<512x64xf32>, vector<64x128xf32>, vector<512x128xf32> -> vector<512x128xf32>
    %get3A_6 = arith.constant 0 : index
    %get3A_7 = arith.constant 0 : index
    %get3A_8 = vector.load %arg4[%get3A_6, %get3A_7] : memref<1x128xf32, #tpu.memory_space<vmem>>, vector<1x128xf32>
    %add3A = vector.broadcast %get3A_8 : vector<1x128xf32> to vector<512x128xf32>
    %add3A_9 = arith.addf %dot_general3A_5, %add3A : vector<512x128xf32>
    %get3A_10 = arith.constant 0 : index
    %get3A_11 = arith.constant 0 : index
    %get3A_12 = vector.load %arg2[%get3A_10, %get3A_11] : memref<512x128xf32, #tpu.memory_space<vmem>>, vector<512x128xf32>
    %add3A_13 = arith.addf %add3A_9, %get3A_12 : vector<512x128xf32>
    %gt3A = arith.constant 0.000000e+00 : f32
    %gt3A_14 = vector.broadcast %gt3A : f32 to vector<512x128xf32>
    %gt3A_15 = arith.cmpf ogt, %add3A_13, %gt3A_14 : vector<512x128xf32>
    %mul3A = arith.constant 2.000000e-01 : f32
    %mul3A_16 = vector.broadcast %mul3A : f32 to vector<512x128xf32>
    %mul3A_17 = arith.mulf %mul3A_16, %add3A_13 : vector<512x128xf32>
    %select_n3A = arith.select %gt3A_15, %add3A_13, %mul3A_17 : vector<512x128xi1>, vector<512x128xf32>
    %swap3A = arith.constant 0 : index
    %swap3A_18 = arith.constant 0 : index
    %swap3A_19 = vector.load %arg7[%swap3A, %swap3A_18] : memref<512x128xf32, #tpu.memory_space<vmem>>, vector<512x128xf32>
    tpu.vector_store %arg7[%swap3A, %swap3A_18], %select_n3A {strides = array<i32>} : memref<512x128xf32, #tpu.memory_space<vmem>>, vector<512x128xf32>,
    %get3A_20 = arith.constant 0 : index
    %get3A_21 = arith.constant 0 : index
    %get3A_22 = vector.load %arg5[%get3A_20, %get3A_21] : memref<128x1xf32, #tpu.memory_space<vmem>>, vector<128x1xf32>
    %dot_general3A_23 = arith.constant dense<0.000000e+00> : vector<512x1xf32>
    %dot_general3A_24 = tpu.matmul %select_n3A, %get3A_22, %dot_general3A_23 {dimension_numbers = #tpu.dot_dimension_numbers<[1], [0], [0], [1], [0, 0, 1, 1], [], []>, transpose_lhs_hint = false} : vector<512x128xf32>, vector<128x1xf32>, vector<512x1xf32> -> vector<512x1xf32>
    %get3A_25 = arith.constant 0 : index
    %get3A_26 = arith.constant 0 : index
    %get3A_27 = vector.load %arg6[%get3A_25, %get3A_26] : memref<1x1xf32, #tpu.memory_space<vmem>>, vector<1x1xf32>
    %get3A_28 = vector.extract %get3A_27[0, 0] : f32 from vector<1x1xf32>
    %div3A = vector.broadcast %get3A_28 : f32 to vector<512x1xf32>
    %div3A_29 = arith.divf %dot_general3A_24, %div3A : vector<512x1xf32>
    %swap3A_30 = arith.constant 0 : index
    %swap3A_31 = arith.constant 0 : index
    %swap3A_32 = vector.load %arg8[%swap3A_30, %swap3A_31] : memref<512x1xf32, #tpu.memory_space<vmem>>, vector<512x1xf32>
    tpu.vector_store %arg8[%swap3A_30, %swap3A_31], %div3A_29 {strides = array<i32>} : memref<512x1xf32, #tpu.memory_space<vmem>>, vector<512x1xf32>,
    return
  }
  func.func @transform_0(%arg0: i32) -> (i32, i32) {
    %c0_i32 = arith.constant 0 : i32
    %c0_i32_0 = arith.constant 0 : i32
    return %arg0, %c0_i32 : i32, i32
  }
  func.func @transform_1(%arg0: i32) -> (i32, i32) {
    %c0_i32 = arith.constant 0 : i32
    %c0_i32_0 = arith.constant 0 : i32
    return %arg0, %c0_i32 : i32, i32
  }
  func.func @transform_2(%arg0: i32) -> (i32, i32) {
    %c0_i32 = arith.constant 0 : i32
    %c0_i32_0 = arith.constant 0 : i32
    %c0_i32_1 = arith.constant 0 : i32
    return %c0_i32, %c0_i32_0 : i32, i32
  }
  func.func @transform_3(%arg0: i32) -> (i32, i32) {
    %c0_i32 = arith.constant 0 : i32
    %c0_i32_0 = arith.constant 0 : i32
    %c0_i32_1 = arith.constant 0 : i32
    return %c0_i32, %c0_i32_0 : i32, i32
  }
  func.func @transform_4(%arg0: i32) -> (i32, i32) {
    %c0_i32 = arith.constant 0 : i32
    %c0_i32_0 = arith.constant 0 : i32
    %c0_i32_1 = arith.constant 0 : i32
    return %c0_i32, %c0_i32_0 : i32, i32
  }
  func.func @transform_5(%arg0: i32) -> (i32, i32) {
    %c0_i32 = arith.constant 0 : i32
    %c0_i32_0 = arith.constant 0 : i32
    %c0_i32_1 = arith.constant 0 : i32
    return %c0_i32, %c0_i32_0 : i32, i32
  }
  func.func @transform_6(%arg0: i32) -> (i32, i32) {
    %c0_i32 = arith.constant 0 : i32
    %c0_i32_0 = arith.constant 0 : i32
    return %arg0, %c0_i32 : i32, i32
  }
  func.func @transform_7(%arg0: i32) -> (i32, i32) {
    %c0_i32 = arith.constant 0 : i32
    %c0_i32_0 = arith.constant 0 : i32
    return %arg0, %c0_i32 : i32, i32
  }
}

module attributes {stable_mosaic.version = 14 : i64} {
  func.func @body(%arg0: i32, %arg1: memref<256x1xi32, #tpu.memory_space<vmem>>, %arg2: memref<5000x132xf32, #tpu.memory_space<vmem>>, %arg3: memref<256x132xf32, #tpu.memory_space<vmem>>) attributes {dimension_semantics = [#tpu.dimension_semantics<arbitrary>], iteration_bounds = array<i64: 10>, scalar_prefetch = 0 : i64, scratch_operands = 0 : i64, tpu.core_type = #tpu.core_type<tc>, window_params = [{transform_indices = @transform_0, window_bounds = array<i64: 256, 1>}, {pipeline_mode = #tpu.pipeline_mode<synchronous>, transform_indices = @transform_1, window_bounds = array<i64: 5000, 132>}, {transform_indices = @transform_2, window_bounds = array<i64: 256, 132>}]} {
    %get3A = arith.constant 0 : index
    %get3A_0 = arith.constant 0 : index
    %get3A_1 = vector.load %arg1[%get3A, %get3A_0] : memref<256x1xi32, #tpu.memory_space<vmem>>, vector<256x1xi32>
    %iota3A = tpu.iota {dimensions = array<i32: 1>} : vector<256x5000xi32>
    %eq3A = vector.broadcast %get3A_1 : vector<256x1xi32> to vector<256x5000xi32>
    %eq3A_2 = arith.cmpi eq, %iota3A, %eq3A : vector<256x5000xi32>
    %convert_element_type3A = arith.extui %eq3A_2 : vector<256x5000xi1> to vector<256x5000xi32>
    %convert_element_type3A_3 = arith.sitofp %convert_element_type3A : vector<256x5000xi32> to vector<256x5000xf32>
    %get3A_4 = arith.constant 0 : index
    %get3A_5 = arith.constant 0 : index
    %get3A_6 = vector.load %arg2[%get3A_4, %get3A_5] : memref<5000x132xf32, #tpu.memory_space<vmem>>, vector<5000x132xf32>
    %dot_general3A = arith.constant dense<0.000000e+00> : vector<256x132xf32>
    %dot_general3A_7 = tpu.matmul %convert_element_type3A_3, %get3A_6, %dot_general3A {dimension_numbers = #tpu.dot_dimension_numbers<[1], [0], [0], [1], [0, 0, 1, 1], [], []>, transpose_lhs_hint = false} : vector<256x5000xf32>, vector<5000x132xf32>, vector<256x132xf32> -> vector<256x132xf32>
    %swap3A = arith.constant 0 : index
    %swap3A_8 = arith.constant 0 : index
    %swap3A_9 = vector.load %arg3[%swap3A, %swap3A_8] : memref<256x132xf32, #tpu.memory_space<vmem>>, vector<256x132xf32>
    tpu.vector_store %arg3[%swap3A, %swap3A_8], %dot_general3A_7 {strides = array<i32>} : memref<256x132xf32, #tpu.memory_space<vmem>>, vector<256x132xf32>,
    return
  }
  func.func @transform_0(%arg0: i32) -> (i32, i32) {
    %c0_i32 = arith.constant 0 : i32
    %c0_i32_0 = arith.constant 0 : i32
    return %arg0, %c0_i32 : i32, i32
  }
  func.func @transform_1(%arg0: i32) -> (i32, i32) {
    %c0_i32 = arith.constant 0 : i32
    %c0_i32_0 = arith.constant 0 : i32
    %c0_i32_1 = arith.constant 0 : i32
    return %c0_i32, %c0_i32_0 : i32, i32
  }
  func.func @transform_2(%arg0: i32) -> (i32, i32) {
    %c0_i32 = arith.constant 0 : i32
    %c0_i32_0 = arith.constant 0 : i32
    return %arg0, %c0_i32 : i32, i32
  }
}

module attributes {stable_mosaic.version = 14 : i64} {
  func.func @body(%arg0: i32, %arg1: memref<2500x8xf32, #tpu.memory_space<vmem>>, %arg2: memref<8x256xf32, #tpu.memory_space<vmem>>, %arg3: memref<16x256xi32, #tpu.memory_space<vmem>>) attributes {dimension_semantics = [#tpu.dimension_semantics<arbitrary>], iteration_bounds = array<i64: 10>, scalar_prefetch = 0 : i64, scratch_operands = 0 : i64, tpu.core_type = #tpu.core_type<tc>, window_params = [{pipeline_mode = #tpu.pipeline_mode<synchronous>, transform_indices = @transform_0, window_bounds = array<i64: 2500, 8>}, {transform_indices = @transform_1, window_bounds = array<i64: 8, 256>}, {transform_indices = @transform_2, window_bounds = array<i64: 16, 256>}]} {
    %get3A = arith.constant 0 : index
    %get3A_0 = arith.constant 0 : index
    %get3A_1 = vector.load %arg1[%get3A, %get3A_0] : memref<2500x8xf32, #tpu.memory_space<vmem>>, vector<2500x8xf32>
    %mul3A = arith.mulf %get3A_1, %get3A_1 : vector<2500x8xf32>
    %reduce_sum3A = arith.constant dense<0.000000e+00> : vector<2500xf32>
    %reduce_sum3A_2 = vector.multi_reduction <add>, %mul3A, %reduce_sum3A [1] : vector<2500x8xf32> to vector<2500xf32>
    %broadcast_in_dim3A = vector.shape_cast %reduce_sum3A_2 : vector<2500xf32> to vector<2500x1xf32>
    %get3A_3 = arith.constant 0 : index
    %get3A_4 = arith.constant 0 : index
    %get3A_5 = vector.load %arg2[%get3A_3, %get3A_4] : memref<8x256xf32, #tpu.memory_space<vmem>>, vector<8x256xf32>
    %mul3A_6 = arith.mulf %get3A_5, %get3A_5 : vector<8x256xf32>
    %reduce_sum3A_7 = arith.constant dense<0.000000e+00> : vector<256xf32>
    %reduce_sum3A_8 = vector.multi_reduction <add>, %mul3A_6, %reduce_sum3A_7 [0] : vector<8x256xf32> to vector<256xf32>
    %broadcast_in_dim3A_9 = vector.shape_cast %reduce_sum3A_8 : vector<256xf32> to vector<1x256xf32>
    %dot_general3A = arith.constant dense<0.000000e+00> : vector<2500x256xf32>
    %dot_general3A_10 = tpu.matmul %get3A_1, %get3A_5, %dot_general3A {dimension_numbers = #tpu.dot_dimension_numbers<[1], [0], [0], [1], [0, 0, 1, 1], [], []>, transpose_lhs_hint = false} : vector<2500x8xf32>, vector<8x256xf32>, vector<2500x256xf32> -> vector<2500x256xf32>
    %mul3A_11 = arith.constant 2.000000e+00 : f32
    %mul3A_12 = vector.broadcast %mul3A_11 : f32 to vector<2500x256xf32>
    %mul3A_13 = arith.mulf %mul3A_12, %dot_general3A_10 : vector<2500x256xf32>
    %sub3A = vector.broadcast %broadcast_in_dim3A_9 : vector<1x256xf32> to vector<2500x256xf32>
    %sub3A_14 = arith.subf %sub3A, %mul3A_13 : vector<2500x256xf32>
    %add3A = vector.broadcast %broadcast_in_dim3A : vector<2500x1xf32> to vector<2500x256xf32>
    %add3A_15 = arith.addf %sub3A_14, %add3A : vector<2500x256xf32>
    %iota3A = tpu.iota {dimensions = array<i32: 0>} : vector<2500x256xi32>
    %argmin3A = tpu.reduce_index %add3A_15 {axis = 0 : i32, kind = #tpu.reduction_kind<arg_min>} : vector<2500x256xf32> -> vector<256xi32>
    %swap3A = arith.constant 0 : index
    %swap3A_16 = arith.constant 0 : index
    %swap3A_17 = vector.load %arg3[%swap3A, %swap3A_16] : memref<16x256xi32, #tpu.memory_space<vmem>>, vector<1x256xi32>
    %swap3A_18 = vector.shape_cast %swap3A_17 : vector<1x256xi32> to vector<256xi32>
    %swap3A_19 = vector.shape_cast %argmin3A : vector<256xi32> to vector<1x256xi32>
    tpu.vector_store %arg3[%swap3A, %swap3A_16], %swap3A_19 {strides = array<i32>} : memref<16x256xi32, #tpu.memory_space<vmem>>, vector<1x256xi32>,
    %broadcast_in_dim3A_20 = vector.shape_cast %argmin3A : vector<256xi32> to vector<1x256xi32>
    %eq3A = vector.broadcast %broadcast_in_dim3A_20 : vector<1x256xi32> to vector<2500x256xi32>
    %eq3A_21 = arith.cmpi eq, %iota3A, %eq3A : vector<2500x256xi32>
    %jit3A = arith.constant 0x7F800000 : f32
    %broadcast_in_dim3A_22 = vector.broadcast %jit3A : f32 to vector<2500x256xf32>
    %select_n3A = arith.select %eq3A_21, %broadcast_in_dim3A_22, %add3A_15 : vector<2500x256xi1>, vector<2500x256xf32>
    %argmin3A_23 = tpu.reduce_index %select_n3A {axis = 0 : i32, kind = #tpu.reduction_kind<arg_min>} : vector<2500x256xf32> -> vector<256xi32>
    %swap3A_24 = arith.constant 1 : index
    %swap3A_25 = arith.constant 0 : index
    %swap3A_26 = vector.load %arg3[%swap3A_24, %swap3A_25] : memref<16x256xi32, #tpu.memory_space<vmem>>, vector<1x256xi32>
    %swap3A_27 = vector.shape_cast %swap3A_26 : vector<1x256xi32> to vector<256xi32>
    %swap3A_28 = vector.shape_cast %argmin3A_23 : vector<256xi32> to vector<1x256xi32>
    tpu.vector_store %arg3[%swap3A_24, %swap3A_25], %swap3A_28 {strides = array<i32>} : memref<16x256xi32, #tpu.memory_space<vmem>>, vector<1x256xi32>,
    %broadcast_in_dim3A_29 = vector.shape_cast %argmin3A_23 : vector<256xi32> to vector<1x256xi32>
    %eq3A_30 = vector.broadcast %broadcast_in_dim3A_29 : vector<1x256xi32> to vector<2500x256xi32>
    %eq3A_31 = arith.cmpi eq, %iota3A, %eq3A_30 : vector<2500x256xi32>
    %jit3A_32 = arith.constant 0x7F800000 : f32
    %broadcast_in_dim3A_33 = vector.broadcast %jit3A_32 : f32 to vector<2500x256xf32>
    %select_n3A_34 = arith.select %eq3A_31, %broadcast_in_dim3A_33, %select_n3A : vector<2500x256xi1>, vector<2500x256xf32>
    %argmin3A_35 = tpu.reduce_index %select_n3A_34 {axis = 0 : i32, kind = #tpu.reduction_kind<arg_min>} : vector<2500x256xf32> -> vector<256xi32>
    %swap3A_36 = arith.constant 2 : index
    %swap3A_37 = arith.constant 0 : index
    %swap3A_38 = vector.load %arg3[%swap3A_36, %swap3A_37] : memref<16x256xi32, #tpu.memory_space<vmem>>, vector<1x256xi32>
    %swap3A_39 = vector.shape_cast %swap3A_38 : vector<1x256xi32> to vector<256xi32>
    %swap3A_40 = vector.shape_cast %argmin3A_35 : vector<256xi32> to vector<1x256xi32>
    tpu.vector_store %arg3[%swap3A_36, %swap3A_37], %swap3A_40 {strides = array<i32>} : memref<16x256xi32, #tpu.memory_space<vmem>>, vector<1x256xi32>,
    %broadcast_in_dim3A_41 = vector.shape_cast %argmin3A_35 : vector<256xi32> to vector<1x256xi32>
    %eq3A_42 = vector.broadcast %broadcast_in_dim3A_41 : vector<1x256xi32> to vector<2500x256xi32>
    %eq3A_43 = arith.cmpi eq, %iota3A, %eq3A_42 : vector<2500x256xi32>
    %jit3A_44 = arith.constant 0x7F800000 : f32
    %broadcast_in_dim3A_45 = vector.broadcast %jit3A_44 : f32 to vector<2500x256xf32>
    %select_n3A_46 = arith.select %eq3A_43, %broadcast_in_dim3A_45, %select_n3A_34 : vector<2500x256xi1>, vector<2500x256xf32>
    %argmin3A_47 = tpu.reduce_index %select_n3A_46 {axis = 0 : i32, kind = #tpu.reduction_kind<arg_min>} : vector<2500x256xf32> -> vector<256xi32>
    %swap3A_48 = arith.constant 3 : index
    %swap3A_49 = arith.constant 0 : index
    %swap3A_50 = vector.load %arg3[%swap3A_48, %swap3A_49] : memref<16x256xi32, #tpu.memory_space<vmem>>, vector<1x256xi32>
    %swap3A_51 = vector.shape_cast %swap3A_50 : vector<1x256xi32> to vector<256xi32>
    %swap3A_52 = vector.shape_cast %argmin3A_47 : vector<256xi32> to vector<1x256xi32>
    tpu.vector_store %arg3[%swap3A_48, %swap3A_49], %swap3A_52 {strides = array<i32>} : memref<16x256xi32, #tpu.memory_space<vmem>>, vector<1x256xi32>,
    %broadcast_in_dim3A_53 = vector.shape_cast %argmin3A_47 : vector<256xi32> to vector<1x256xi32>
    %eq3A_54 = vector.broadcast %broadcast_in_dim3A_53 : vector<1x256xi32> to vector<2500x256xi32>
    %eq3A_55 = arith.cmpi eq, %iota3A, %eq3A_54 : vector<2500x256xi32>
    %jit3A_56 = arith.constant 0x7F800000 : f32
    %broadcast_in_dim3A_57 = vector.broadcast %jit3A_56 : f32 to vector<2500x256xf32>
    %select_n3A_58 = arith.select %eq3A_55, %broadcast_in_dim3A_57, %select_n3A_46 : vector<2500x256xi1>, vector<2500x256xf32>
    %argmin3A_59 = tpu.reduce_index %select_n3A_58 {axis = 0 : i32, kind = #tpu.reduction_kind<arg_min>} : vector<2500x256xf32> -> vector<256xi32>
    %swap3A_60 = arith.constant 4 : index
    %swap3A_61 = arith.constant 0 : index
    %swap3A_62 = vector.load %arg3[%swap3A_60, %swap3A_61] : memref<16x256xi32, #tpu.memory_space<vmem>>, vector<1x256xi32>
    %swap3A_63 = vector.shape_cast %swap3A_62 : vector<1x256xi32> to vector<256xi32>
    %swap3A_64 = vector.shape_cast %argmin3A_59 : vector<256xi32> to vector<1x256xi32>
    tpu.vector_store %arg3[%swap3A_60, %swap3A_61], %swap3A_64 {strides = array<i32>} : memref<16x256xi32, #tpu.memory_space<vmem>>, vector<1x256xi32>,
    %broadcast_in_dim3A_65 = vector.shape_cast %argmin3A_59 : vector<256xi32> to vector<1x256xi32>
    %eq3A_66 = vector.broadcast %broadcast_in_dim3A_65 : vector<1x256xi32> to vector<2500x256xi32>
    %eq3A_67 = arith.cmpi eq, %iota3A, %eq3A_66 : vector<2500x256xi32>
    %jit3A_68 = arith.constant 0x7F800000 : f32
    %broadcast_in_dim3A_69 = vector.broadcast %jit3A_68 : f32 to vector<2500x256xf32>
    %select_n3A_70 = arith.select %eq3A_67, %broadcast_in_dim3A_69, %select_n3A_58 : vector<2500x256xi1>, vector<2500x256xf32>
    %argmin3A_71 = tpu.reduce_index %select_n3A_70 {axis = 0 : i32, kind = #tpu.reduction_kind<arg_min>} : vector<2500x256xf32> -> vector<256xi32>
    %swap3A_72 = arith.constant 5 : index
    %swap3A_73 = arith.constant 0 : index
    %swap3A_74 = vector.load %arg3[%swap3A_72, %swap3A_73] : memref<16x256xi32, #tpu.memory_space<vmem>>, vector<1x256xi32>
    %swap3A_75 = vector.shape_cast %swap3A_74 : vector<1x256xi32> to vector<256xi32>
    %swap3A_76 = vector.shape_cast %argmin3A_71 : vector<256xi32> to vector<1x256xi32>
    tpu.vector_store %arg3[%swap3A_72, %swap3A_73], %swap3A_76 {strides = array<i32>} : memref<16x256xi32, #tpu.memory_space<vmem>>, vector<1x256xi32>,
    %broadcast_in_dim3A_77 = vector.shape_cast %argmin3A_71 : vector<256xi32> to vector<1x256xi32>
    %eq3A_78 = vector.broadcast %broadcast_in_dim3A_77 : vector<1x256xi32> to vector<2500x256xi32>
    %eq3A_79 = arith.cmpi eq, %iota3A, %eq3A_78 : vector<2500x256xi32>
    %jit3A_80 = arith.constant 0x7F800000 : f32
    %broadcast_in_dim3A_81 = vector.broadcast %jit3A_80 : f32 to vector<2500x256xf32>
    %select_n3A_82 = arith.select %eq3A_79, %broadcast_in_dim3A_81, %select_n3A_70 : vector<2500x256xi1>, vector<2500x256xf32>
    %argmin3A_83 = tpu.reduce_index %select_n3A_82 {axis = 0 : i32, kind = #tpu.reduction_kind<arg_min>} : vector<2500x256xf32> -> vector<256xi32>
    %swap3A_84 = arith.constant 6 : index
    %swap3A_85 = arith.constant 0 : index
    %swap3A_86 = vector.load %arg3[%swap3A_84, %swap3A_85] : memref<16x256xi32, #tpu.memory_space<vmem>>, vector<1x256xi32>
    %swap3A_87 = vector.shape_cast %swap3A_86 : vector<1x256xi32> to vector<256xi32>
    %swap3A_88 = vector.shape_cast %argmin3A_83 : vector<256xi32> to vector<1x256xi32>
    tpu.vector_store %arg3[%swap3A_84, %swap3A_85], %swap3A_88 {strides = array<i32>} : memref<16x256xi32, #tpu.memory_space<vmem>>, vector<1x256xi32>,
    %broadcast_in_dim3A_89 = vector.shape_cast %argmin3A_83 : vector<256xi32> to vector<1x256xi32>
    %eq3A_90 = vector.broadcast %broadcast_in_dim3A_89 : vector<1x256xi32> to vector<2500x256xi32>
    %eq3A_91 = arith.cmpi eq, %iota3A, %eq3A_90 : vector<2500x256xi32>
    %jit3A_92 = arith.constant 0x7F800000 : f32
    %broadcast_in_dim3A_93 = vector.broadcast %jit3A_92 : f32 to vector<2500x256xf32>
    %select_n3A_94 = arith.select %eq3A_91, %broadcast_in_dim3A_93, %select_n3A_82 : vector<2500x256xi1>, vector<2500x256xf32>
    %argmin3A_95 = tpu.reduce_index %select_n3A_94 {axis = 0 : i32, kind = #tpu.reduction_kind<arg_min>} : vector<2500x256xf32> -> vector<256xi32>
    %swap3A_96 = arith.constant 7 : index
    %swap3A_97 = arith.constant 0 : index
    %swap3A_98 = vector.load %arg3[%swap3A_96, %swap3A_97] : memref<16x256xi32, #tpu.memory_space<vmem>>, vector<1x256xi32>
    %swap3A_99 = vector.shape_cast %swap3A_98 : vector<1x256xi32> to vector<256xi32>
    %swap3A_100 = vector.shape_cast %argmin3A_95 : vector<256xi32> to vector<1x256xi32>
    tpu.vector_store %arg3[%swap3A_96, %swap3A_97], %swap3A_100 {strides = array<i32>} : memref<16x256xi32, #tpu.memory_space<vmem>>, vector<1x256xi32>,
    %broadcast_in_dim3A_101 = vector.shape_cast %argmin3A_95 : vector<256xi32> to vector<1x256xi32>
    %eq3A_102 = vector.broadcast %broadcast_in_dim3A_101 : vector<1x256xi32> to vector<2500x256xi32>
    %eq3A_103 = arith.cmpi eq, %iota3A, %eq3A_102 : vector<2500x256xi32>
    %jit3A_104 = arith.constant 0x7F800000 : f32
    %broadcast_in_dim3A_105 = vector.broadcast %jit3A_104 : f32 to vector<2500x256xf32>
    %select_n3A_106 = arith.select %eq3A_103, %broadcast_in_dim3A_105, %select_n3A_94 : vector<2500x256xi1>, vector<2500x256xf32>
    %argmin3A_107 = tpu.reduce_index %select_n3A_106 {axis = 0 : i32, kind = #tpu.reduction_kind<arg_min>} : vector<2500x256xf32> -> vector<256xi32>
    %swap3A_108 = arith.constant 8 : index
    %swap3A_109 = arith.constant 0 : index
    %swap3A_110 = vector.load %arg3[%swap3A_108, %swap3A_109] : memref<16x256xi32, #tpu.memory_space<vmem>>, vector<1x256xi32>
    %swap3A_111 = vector.shape_cast %swap3A_110 : vector<1x256xi32> to vector<256xi32>
    %swap3A_112 = vector.shape_cast %argmin3A_107 : vector<256xi32> to vector<1x256xi32>
    tpu.vector_store %arg3[%swap3A_108, %swap3A_109], %swap3A_112 {strides = array<i32>} : memref<16x256xi32, #tpu.memory_space<vmem>>, vector<1x256xi32>,
    %broadcast_in_dim3A_113 = vector.shape_cast %argmin3A_107 : vector<256xi32> to vector<1x256xi32>
    %eq3A_114 = vector.broadcast %broadcast_in_dim3A_113 : vector<1x256xi32> to vector<2500x256xi32>
    %eq3A_115 = arith.cmpi eq, %iota3A, %eq3A_114 : vector<2500x256xi32>
    %jit3A_116 = arith.constant 0x7F800000 : f32
    %broadcast_in_dim3A_117 = vector.broadcast %jit3A_116 : f32 to vector<2500x256xf32>
    %select_n3A_118 = arith.select %eq3A_115, %broadcast_in_dim3A_117, %select_n3A_106 : vector<2500x256xi1>, vector<2500x256xf32>
    %argmin3A_119 = tpu.reduce_index %select_n3A_118 {axis = 0 : i32, kind = #tpu.reduction_kind<arg_min>} : vector<2500x256xf32> -> vector<256xi32>
    %swap3A_120 = arith.constant 9 : index
    %swap3A_121 = arith.constant 0 : index
    %swap3A_122 = vector.load %arg3[%swap3A_120, %swap3A_121] : memref<16x256xi32, #tpu.memory_space<vmem>>, vector<1x256xi32>
    %swap3A_123 = vector.shape_cast %swap3A_122 : vector<1x256xi32> to vector<256xi32>
    %swap3A_124 = vector.shape_cast %argmin3A_119 : vector<256xi32> to vector<1x256xi32>
    tpu.vector_store %arg3[%swap3A_120, %swap3A_121], %swap3A_124 {strides = array<i32>} : memref<16x256xi32, #tpu.memory_space<vmem>>, vector<1x256xi32>,
    %broadcast_in_dim3A_125 = vector.shape_cast %argmin3A_119 : vector<256xi32> to vector<1x256xi32>
    %eq3A_126 = vector.broadcast %broadcast_in_dim3A_125 : vector<1x256xi32> to vector<2500x256xi32>
    %eq3A_127 = arith.cmpi eq, %iota3A, %eq3A_126 : vector<2500x256xi32>
    %jit3A_128 = arith.constant 0x7F800000 : f32
    %broadcast_in_dim3A_129 = vector.broadcast %jit3A_128 : f32 to vector<2500x256xf32>
    %select_n3A_130 = arith.select %eq3A_127, %broadcast_in_dim3A_129, %select_n3A_118 : vector<2500x256xi1>, vector<2500x256xf32>
    %argmin3A_131 = tpu.reduce_index %select_n3A_130 {axis = 0 : i32, kind = #tpu.reduction_kind<arg_min>} : vector<2500x256xf32> -> vector<256xi32>
    %swap3A_132 = arith.constant 10 : index
    %swap3A_133 = arith.constant 0 : index
    %swap3A_134 = vector.load %arg3[%swap3A_132, %swap3A_133] : memref<16x256xi32, #tpu.memory_space<vmem>>, vector<1x256xi32>
    %swap3A_135 = vector.shape_cast %swap3A_134 : vector<1x256xi32> to vector<256xi32>
    %swap3A_136 = vector.shape_cast %argmin3A_131 : vector<256xi32> to vector<1x256xi32>
    tpu.vector_store %arg3[%swap3A_132, %swap3A_133], %swap3A_136 {strides = array<i32>} : memref<16x256xi32, #tpu.memory_space<vmem>>, vector<1x256xi32>,
    %broadcast_in_dim3A_137 = vector.shape_cast %argmin3A_131 : vector<256xi32> to vector<1x256xi32>
    %eq3A_138 = vector.broadcast %broadcast_in_dim3A_137 : vector<1x256xi32> to vector<2500x256xi32>
    %eq3A_139 = arith.cmpi eq, %iota3A, %eq3A_138 : vector<2500x256xi32>
    %jit3A_140 = arith.constant 0x7F800000 : f32
    %broadcast_in_dim3A_141 = vector.broadcast %jit3A_140 : f32 to vector<2500x256xf32>
    %select_n3A_142 = arith.select %eq3A_139, %broadcast_in_dim3A_141, %select_n3A_130 : vector<2500x256xi1>, vector<2500x256xf32>
    %argmin3A_143 = tpu.reduce_index %select_n3A_142 {axis = 0 : i32, kind = #tpu.reduction_kind<arg_min>} : vector<2500x256xf32> -> vector<256xi32>
    %swap3A_144 = arith.constant 11 : index
    %swap3A_145 = arith.constant 0 : index
    %swap3A_146 = vector.load %arg3[%swap3A_144, %swap3A_145] : memref<16x256xi32, #tpu.memory_space<vmem>>, vector<1x256xi32>
    %swap3A_147 = vector.shape_cast %swap3A_146 : vector<1x256xi32> to vector<256xi32>
    %swap3A_148 = vector.shape_cast %argmin3A_143 : vector<256xi32> to vector<1x256xi32>
    tpu.vector_store %arg3[%swap3A_144, %swap3A_145], %swap3A_148 {strides = array<i32>} : memref<16x256xi32, #tpu.memory_space<vmem>>, vector<1x256xi32>,
    %broadcast_in_dim3A_149 = vector.shape_cast %argmin3A_143 : vector<256xi32> to vector<1x256xi32>
    %eq3A_150 = vector.broadcast %broadcast_in_dim3A_149 : vector<1x256xi32> to vector<2500x256xi32>
    %eq3A_151 = arith.cmpi eq, %iota3A, %eq3A_150 : vector<2500x256xi32>
    %jit3A_152 = arith.constant 0x7F800000 : f32
    %broadcast_in_dim3A_153 = vector.broadcast %jit3A_152 : f32 to vector<2500x256xf32>
    %select_n3A_154 = arith.select %eq3A_151, %broadcast_in_dim3A_153, %select_n3A_142 : vector<2500x256xi1>, vector<2500x256xf32>
    %argmin3A_155 = tpu.reduce_index %select_n3A_154 {axis = 0 : i32, kind = #tpu.reduction_kind<arg_min>} : vector<2500x256xf32> -> vector<256xi32>
    %swap3A_156 = arith.constant 12 : index
    %swap3A_157 = arith.constant 0 : index
    %swap3A_158 = vector.load %arg3[%swap3A_156, %swap3A_157] : memref<16x256xi32, #tpu.memory_space<vmem>>, vector<1x256xi32>
    %swap3A_159 = vector.shape_cast %swap3A_158 : vector<1x256xi32> to vector<256xi32>
    %swap3A_160 = vector.shape_cast %argmin3A_155 : vector<256xi32> to vector<1x256xi32>
    tpu.vector_store %arg3[%swap3A_156, %swap3A_157], %swap3A_160 {strides = array<i32>} : memref<16x256xi32, #tpu.memory_space<vmem>>, vector<1x256xi32>,
    %broadcast_in_dim3A_161 = vector.shape_cast %argmin3A_155 : vector<256xi32> to vector<1x256xi32>
    %eq3A_162 = vector.broadcast %broadcast_in_dim3A_161 : vector<1x256xi32> to vector<2500x256xi32>
    %eq3A_163 = arith.cmpi eq, %iota3A, %eq3A_162 : vector<2500x256xi32>
    %jit3A_164 = arith.constant 0x7F800000 : f32
    %broadcast_in_dim3A_165 = vector.broadcast %jit3A_164 : f32 to vector<2500x256xf32>
    %select_n3A_166 = arith.select %eq3A_163, %broadcast_in_dim3A_165, %select_n3A_154 : vector<2500x256xi1>, vector<2500x256xf32>
    %argmin3A_167 = tpu.reduce_index %select_n3A_166 {axis = 0 : i32, kind = #tpu.reduction_kind<arg_min>} : vector<2500x256xf32> -> vector<256xi32>
    %swap3A_168 = arith.constant 13 : index
    %swap3A_169 = arith.constant 0 : index
    %swap3A_170 = vector.load %arg3[%swap3A_168, %swap3A_169] : memref<16x256xi32, #tpu.memory_space<vmem>>, vector<1x256xi32>
    %swap3A_171 = vector.shape_cast %swap3A_170 : vector<1x256xi32> to vector<256xi32>
    %swap3A_172 = vector.shape_cast %argmin3A_167 : vector<256xi32> to vector<1x256xi32>
    tpu.vector_store %arg3[%swap3A_168, %swap3A_169], %swap3A_172 {strides = array<i32>} : memref<16x256xi32, #tpu.memory_space<vmem>>, vector<1x256xi32>,
    %broadcast_in_dim3A_173 = vector.shape_cast %argmin3A_167 : vector<256xi32> to vector<1x256xi32>
    %eq3A_174 = vector.broadcast %broadcast_in_dim3A_173 : vector<1x256xi32> to vector<2500x256xi32>
    %eq3A_175 = arith.cmpi eq, %iota3A, %eq3A_174 : vector<2500x256xi32>
    %jit3A_176 = arith.constant 0x7F800000 : f32
    %broadcast_in_dim3A_177 = vector.broadcast %jit3A_176 : f32 to vector<2500x256xf32>
    %select_n3A_178 = arith.select %eq3A_175, %broadcast_in_dim3A_177, %select_n3A_166 : vector<2500x256xi1>, vector<2500x256xf32>
    %argmin3A_179 = tpu.reduce_index %select_n3A_178 {axis = 0 : i32, kind = #tpu.reduction_kind<arg_min>} : vector<2500x256xf32> -> vector<256xi32>
    %swap3A_180 = arith.constant 14 : index
    %swap3A_181 = arith.constant 0 : index
    %swap3A_182 = vector.load %arg3[%swap3A_180, %swap3A_181] : memref<16x256xi32, #tpu.memory_space<vmem>>, vector<1x256xi32>
    %swap3A_183 = vector.shape_cast %swap3A_182 : vector<1x256xi32> to vector<256xi32>
    %swap3A_184 = vector.shape_cast %argmin3A_179 : vector<256xi32> to vector<1x256xi32>
    tpu.vector_store %arg3[%swap3A_180, %swap3A_181], %swap3A_184 {strides = array<i32>} : memref<16x256xi32, #tpu.memory_space<vmem>>, vector<1x256xi32>,
    %broadcast_in_dim3A_185 = vector.shape_cast %argmin3A_179 : vector<256xi32> to vector<1x256xi32>
    %eq3A_186 = vector.broadcast %broadcast_in_dim3A_185 : vector<1x256xi32> to vector<2500x256xi32>
    %eq3A_187 = arith.cmpi eq, %iota3A, %eq3A_186 : vector<2500x256xi32>
    %jit3A_188 = arith.constant 0x7F800000 : f32
    %broadcast_in_dim3A_189 = vector.broadcast %jit3A_188 : f32 to vector<2500x256xf32>
    %select_n3A_190 = arith.select %eq3A_187, %broadcast_in_dim3A_189, %select_n3A_178 : vector<2500x256xi1>, vector<2500x256xf32>
    %argmin3A_191 = tpu.reduce_index %select_n3A_190 {axis = 0 : i32, kind = #tpu.reduction_kind<arg_min>} : vector<2500x256xf32> -> vector<256xi32>
    %swap3A_192 = arith.constant 15 : index
    %swap3A_193 = arith.constant 0 : index
    %swap3A_194 = vector.load %arg3[%swap3A_192, %swap3A_193] : memref<16x256xi32, #tpu.memory_space<vmem>>, vector<1x256xi32>
    %swap3A_195 = vector.shape_cast %swap3A_194 : vector<1x256xi32> to vector<256xi32>
    %swap3A_196 = vector.shape_cast %argmin3A_191 : vector<256xi32> to vector<1x256xi32>
    tpu.vector_store %arg3[%swap3A_192, %swap3A_193], %swap3A_196 {strides = array<i32>} : memref<16x256xi32, #tpu.memory_space<vmem>>, vector<1x256xi32>,
    return
  }
  func.func @transform_0(%arg0: i32) -> (i32, i32) {
    %c0_i32 = arith.constant 0 : i32
    %c0_i32_0 = arith.constant 0 : i32
    %c0_i32_1 = arith.constant 0 : i32
    return %c0_i32, %c0_i32_0 : i32, i32
  }
  func.func @transform_1(%arg0: i32) -> (i32, i32) {
    %c0_i32 = arith.constant 0 : i32
    %c0_i32_0 = arith.constant 0 : i32
    return %c0_i32, %arg0 : i32, i32
  }
  func.func @transform_2(%arg0: i32) -> (i32, i32) {
    %c0_i32 = arith.constant 0 : i32
    %c0_i32_0 = arith.constant 0 : i32
    return %c0_i32, %arg0 : i32, i32
  }
}

module attributes {stable_mosaic.version = 14 : i64} {
  func.func @body(%arg0: i32, %arg1: memref<512x128xf32, #tpu.memory_space<vmem>>, %arg2: memref<512x1xf32, #tpu.memory_space<vmem>>, %arg3: memref<128x256xf32, #tpu.memory_space<vmem>>, %arg4: memref<1x256xf32, #tpu.memory_space<vmem>>, %arg5: memref<128x32xf32, #tpu.memory_space<vmem>>, %arg6: memref<1x32xf32, #tpu.memory_space<vmem>>, %arg7: memref<512x256xf32, #tpu.memory_space<vmem>>, %arg8: memref<512x32xf32, #tpu.memory_space<vmem>>) attributes {dimension_semantics = [#tpu.dimension_semantics<arbitrary>], iteration_bounds = array<i64: 5>, scalar_prefetch = 0 : i64, scratch_operands = 0 : i64, tpu.core_type = #tpu.core_type<tc>, window_params = [{transform_indices = @transform_0, window_bounds = array<i64: 512, 128>}, {transform_indices = @transform_1, window_bounds = array<i64: 512, 1>}, {pipeline_mode = #tpu.pipeline_mode<synchronous>, transform_indices = @transform_2, window_bounds = array<i64: 128, 256>}, {pipeline_mode = #tpu.pipeline_mode<synchronous>, transform_indices = @transform_3, window_bounds = array<i64: 1, 256>}, {pipeline_mode = #tpu.pipeline_mode<synchronous>, transform_indices = @transform_4, window_bounds = array<i64: 128, 32>}, {pipeline_mode = #tpu.pipeline_mode<synchronous>, transform_indices = @transform_5, window_bounds = array<i64: 1, 32>}, {transform_indices = @transform_6, window_bounds = array<i64: 512, 256>}, {transform_indices = @transform_7, window_bounds = array<i64: 512, 32>}]} {
    %get3A = arith.constant 0 : index
    %get3A_0 = arith.constant 0 : index
    %get3A_1 = vector.load %arg1[%get3A, %get3A_0] : memref<512x128xf32, #tpu.memory_space<vmem>>, vector<512x128xf32>
    %get3A_2 = arith.constant 0 : index
    %get3A_3 = arith.constant 0 : index
    %get3A_4 = vector.load %arg2[%get3A_2, %get3A_3] : memref<512x1xf32, #tpu.memory_space<vmem>>, vector<512x1xf32>
    %tanh3A = math.tanh %get3A_4 : vector<512x1xf32>
    %mul3A = vector.broadcast %tanh3A : vector<512x1xf32> to vector<512x128xf32>
    %mul3A_5 = arith.mulf %get3A_1, %mul3A : vector<512x128xf32>
    %get3A_6 = arith.constant 0 : index
    %get3A_7 = arith.constant 0 : index
    %get3A_8 = vector.load %arg3[%get3A_6, %get3A_7] : memref<128x256xf32, #tpu.memory_space<vmem>>, vector<128x256xf32>
    %dot_general3A = arith.constant dense<0.000000e+00> : vector<512x256xf32>
    %dot_general3A_9 = tpu.matmul %mul3A_5, %get3A_8, %dot_general3A {dimension_numbers = #tpu.dot_dimension_numbers<[1], [0], [0], [1], [0, 0, 1, 1], [], []>, transpose_lhs_hint = false} : vector<512x128xf32>, vector<128x256xf32>, vector<512x256xf32> -> vector<512x256xf32>
    %get3A_10 = arith.constant 0 : index
    %get3A_11 = arith.constant 0 : index
    %get3A_12 = vector.load %arg4[%get3A_10, %get3A_11] : memref<1x256xf32, #tpu.memory_space<vmem>>, vector<1x256xf32>
    %add3A = vector.broadcast %get3A_12 : vector<1x256xf32> to vector<512x256xf32>
    %add3A_13 = arith.addf %dot_general3A_9, %add3A : vector<512x256xf32>
    %swap3A = arith.constant 0 : index
    %swap3A_14 = arith.constant 0 : index
    %swap3A_15 = vector.load %arg7[%swap3A, %swap3A_14] : memref<512x256xf32, #tpu.memory_space<vmem>>, vector<512x256xf32>
    tpu.vector_store %arg7[%swap3A, %swap3A_14], %add3A_13 {strides = array<i32>} : memref<512x256xf32, #tpu.memory_space<vmem>>, vector<512x256xf32>,
    %get3A_16 = arith.constant 0 : index
    %get3A_17 = arith.constant 0 : index
    %get3A_18 = vector.load %arg5[%get3A_16, %get3A_17] : memref<128x32xf32, #tpu.memory_space<vmem>>, vector<128x32xf32>
    %dot_general3A_19 = arith.constant dense<0.000000e+00> : vector<512x32xf32>
    %dot_general3A_20 = tpu.matmul %mul3A_5, %get3A_18, %dot_general3A_19 {dimension_numbers = #tpu.dot_dimension_numbers<[1], [0], [0], [1], [0, 0, 1, 1], [], []>, transpose_lhs_hint = false} : vector<512x128xf32>, vector<128x32xf32>, vector<512x32xf32> -> vector<512x32xf32>
    %get3A_21 = arith.constant 0 : index
    %get3A_22 = arith.constant 0 : index
    %get3A_23 = vector.load %arg6[%get3A_21, %get3A_22] : memref<1x32xf32, #tpu.memory_space<vmem>>, vector<1x32xf32>
    %add3A_24 = vector.broadcast %get3A_23 : vector<1x32xf32> to vector<512x32xf32>
    %add3A_25 = arith.addf %dot_general3A_20, %add3A_24 : vector<512x32xf32>
    %gt3A = arith.constant 0.000000e+00 : f32
    %gt3A_26 = vector.broadcast %gt3A : f32 to vector<512x32xf32>
    %gt3A_27 = arith.cmpf ogt, %add3A_25, %gt3A_26 : vector<512x32xf32>
    %mul3A_28 = arith.constant 2.000000e-01 : f32
    %mul3A_29 = vector.broadcast %mul3A_28 : f32 to vector<512x32xf32>
    %mul3A_30 = arith.mulf %mul3A_29, %add3A_25 : vector<512x32xf32>
    %select_n3A = arith.select %gt3A_27, %add3A_25, %mul3A_30 : vector<512x32xi1>, vector<512x32xf32>
    %swap3A_31 = arith.constant 0 : index
    %swap3A_32 = arith.constant 0 : index
    %swap3A_33 = vector.load %arg8[%swap3A_31, %swap3A_32] : memref<512x32xf32, #tpu.memory_space<vmem>>, vector<512x32xf32>
    tpu.vector_store %arg8[%swap3A_31, %swap3A_32], %select_n3A {strides = array<i32>} : memref<512x32xf32, #tpu.memory_space<vmem>>, vector<512x32xf32>,
    return
  }
  func.func @transform_0(%arg0: i32) -> (i32, i32) {
    %c0_i32 = arith.constant 0 : i32
    %c0_i32_0 = arith.constant 0 : i32
    return %arg0, %c0_i32 : i32, i32
  }
  func.func @transform_1(%arg0: i32) -> (i32, i32) {
    %c0_i32 = arith.constant 0 : i32
    %c0_i32_0 = arith.constant 0 : i32
    return %arg0, %c0_i32 : i32, i32
  }
  func.func @transform_2(%arg0: i32) -> (i32, i32) {
    %c0_i32 = arith.constant 0 : i32
    %c0_i32_0 = arith.constant 0 : i32
    %c0_i32_1 = arith.constant 0 : i32
    return %c0_i32, %c0_i32_0 : i32, i32
  }
  func.func @transform_3(%arg0: i32) -> (i32, i32) {
    %c0_i32 = arith.constant 0 : i32
    %c0_i32_0 = arith.constant 0 : i32
    %c0_i32_1 = arith.constant 0 : i32
    return %c0_i32, %c0_i32_0 : i32, i32
  }
  func.func @transform_4(%arg0: i32) -> (i32, i32) {
    %c0_i32 = arith.constant 0 : i32
    %c0_i32_0 = arith.constant 0 : i32
    %c0_i32_1 = arith.constant 0 : i32
    return %c0_i32, %c0_i32_0 : i32, i32
  }
  func.func @transform_5(%arg0: i32) -> (i32, i32) {
    %c0_i32 = arith.constant 0 : i32
    %c0_i32_0 = arith.constant 0 : i32
    %c0_i32_1 = arith.constant 0 : i32
    return %c0_i32, %c0_i32_0 : i32, i32
  }
  func.func @transform_6(%arg0: i32) -> (i32, i32) {
    %c0_i32 = arith.constant 0 : i32
    %c0_i32_0 = arith.constant 0 : i32
    return %arg0, %c0_i32 : i32, i32
  }
  func.func @transform_7(%arg0: i32) -> (i32, i32) {
    %c0_i32 = arith.constant 0 : i32
    %c0_i32_0 = arith.constant 0 : i32
    return %arg0, %c0_i32 : i32, i32
  }
}

module attributes {stable_mosaic.version = 14 : i64} {
  func.func @body(%arg0: i32, %arg1: memref<256x1xi32, #tpu.memory_space<vmem>>, %arg2: memref<2500x40xf32, #tpu.memory_space<vmem>>, %arg3: memref<256x40xf32, #tpu.memory_space<vmem>>) attributes {dimension_semantics = [#tpu.dimension_semantics<arbitrary>], iteration_bounds = array<i64: 157>, scalar_prefetch = 0 : i64, scratch_operands = 0 : i64, tpu.core_type = #tpu.core_type<tc>, window_params = [{transform_indices = @transform_0, window_bounds = array<i64: 256, 1>}, {pipeline_mode = #tpu.pipeline_mode<synchronous>, transform_indices = @transform_1, window_bounds = array<i64: 2500, 40>}, {transform_indices = @transform_2, window_bounds = array<i64: 256, 40>}]} {
    %get3A = arith.constant 0 : index
    %get3A_0 = arith.constant 0 : index
    %get3A_1 = vector.load %arg1[%get3A, %get3A_0] : memref<256x1xi32, #tpu.memory_space<vmem>>, vector<256x1xi32>
    %iota3A = tpu.iota {dimensions = array<i32: 1>} : vector<256x2500xi32>
    %eq3A = vector.broadcast %get3A_1 : vector<256x1xi32> to vector<256x2500xi32>
    %eq3A_2 = arith.cmpi eq, %iota3A, %eq3A : vector<256x2500xi32>
    %convert_element_type3A = arith.extui %eq3A_2 : vector<256x2500xi1> to vector<256x2500xi32>
    %convert_element_type3A_3 = arith.sitofp %convert_element_type3A : vector<256x2500xi32> to vector<256x2500xf32>
    %get3A_4 = arith.constant 0 : index
    %get3A_5 = arith.constant 0 : index
    %get3A_6 = vector.load %arg2[%get3A_4, %get3A_5] : memref<2500x40xf32, #tpu.memory_space<vmem>>, vector<2500x40xf32>
    %dot_general3A = arith.constant dense<0.000000e+00> : vector<256x40xf32>
    %dot_general3A_7 = tpu.matmul %convert_element_type3A_3, %get3A_6, %dot_general3A {dimension_numbers = #tpu.dot_dimension_numbers<[1], [0], [0], [1], [0, 0, 1, 1], [], []>, transpose_lhs_hint = false} : vector<256x2500xf32>, vector<2500x40xf32>, vector<256x40xf32> -> vector<256x40xf32>
    %swap3A = arith.constant 0 : index
    %swap3A_8 = arith.constant 0 : index
    %swap3A_9 = vector.load %arg3[%swap3A, %swap3A_8] : memref<256x40xf32, #tpu.memory_space<vmem>>, vector<256x40xf32>
    tpu.vector_store %arg3[%swap3A, %swap3A_8], %dot_general3A_7 {strides = array<i32>} : memref<256x40xf32, #tpu.memory_space<vmem>>, vector<256x40xf32>,
    return
  }
  func.func @transform_0(%arg0: i32) -> (i32, i32) {
    %c0_i32 = arith.constant 0 : i32
    %c0_i32_0 = arith.constant 0 : i32
    return %arg0, %c0_i32 : i32, i32
  }
  func.func @transform_1(%arg0: i32) -> (i32, i32) {
    %c0_i32 = arith.constant 0 : i32
    %c0_i32_0 = arith.constant 0 : i32
    %c0_i32_1 = arith.constant 0 : i32
    return %c0_i32, %c0_i32_0 : i32, i32
  }
  func.func @transform_2(%arg0: i32) -> (i32, i32) {
    %c0_i32 = arith.constant 0 : i32
    %c0_i32_0 = arith.constant 0 : i32
    return %arg0, %c0_i32 : i32, i32
  }
}

module attributes {stable_mosaic.version = 14 : i64} {
  func.func @body(%arg0: i32, %arg1: memref<512x40xf32, #tpu.memory_space<vmem>>, %arg2: memref<16x512x40xf32, #tpu.memory_space<vmem>>, %arg3: memref<40x64xf32, #tpu.memory_space<vmem>>, %arg4: memref<40x64xf32, #tpu.memory_space<vmem>>, %arg5: memref<1x64xf32, #tpu.memory_space<vmem>>, %arg6: memref<512x64xf32, #tpu.memory_space<vmem>>) attributes {dimension_semantics = [#tpu.dimension_semantics<arbitrary>], iteration_bounds = array<i64: 5>, scalar_prefetch = 0 : i64, scratch_operands = 0 : i64, tpu.core_type = #tpu.core_type<tc>, window_params = [{transform_indices = @transform_0, window_bounds = array<i64: 512, 40>}, {transform_indices = @transform_1, window_bounds = array<i64: 16, 512, 40>}, {pipeline_mode = #tpu.pipeline_mode<synchronous>, transform_indices = @transform_2, window_bounds = array<i64: 40, 64>}, {pipeline_mode = #tpu.pipeline_mode<synchronous>, transform_indices = @transform_3, window_bounds = array<i64: 40, 64>}, {pipeline_mode = #tpu.pipeline_mode<synchronous>, transform_indices = @transform_4, window_bounds = array<i64: 1, 64>}, {transform_indices = @transform_5, window_bounds = array<i64: 512, 64>}]} {
    %get3A = arith.constant 0 : index
    %get3A_0 = arith.constant 0 : index
    %get3A_1 = vector.load %arg1[%get3A, %get3A_0] : memref<512x40xf32, #tpu.memory_space<vmem>>, vector<512x40xf32>
    %get3A_2 = arith.constant 0 : index
    %get3A_3 = arith.constant 0 : index
    %get3A_4 = vector.load %arg3[%get3A_2, %get3A_3] : memref<40x64xf32, #tpu.memory_space<vmem>>, vector<40x64xf32>
    %dot_general3A = arith.constant dense<0.000000e+00> : vector<512x64xf32>
    %dot_general3A_5 = tpu.matmul %get3A_1, %get3A_4, %dot_general3A {dimension_numbers = #tpu.dot_dimension_numbers<[1], [0], [0], [1], [0, 0, 1, 1], [], []>, transpose_lhs_hint = false} : vector<512x40xf32>, vector<40x64xf32>, vector<512x64xf32> -> vector<512x64xf32>
    %get3A_6 = arith.constant 0 : index
    %get3A_7 = arith.constant 0 : index
    %get3A_8 = vector.load %arg5[%get3A_6, %get3A_7] : memref<1x64xf32, #tpu.memory_space<vmem>>, vector<1x64xf32>
    %add3A = vector.broadcast %get3A_8 : vector<1x64xf32> to vector<512x64xf32>
    %add3A_9 = arith.addf %dot_general3A_5, %add3A : vector<512x64xf32>
    %get3A_10 = arith.constant 0 : index
    %get3A_11 = arith.constant 0 : index
    %get3A_12 = vector.load %arg4[%get3A_10, %get3A_11] : memref<40x64xf32, #tpu.memory_space<vmem>>, vector<40x64xf32>
    %get3A_13 = arith.constant 0 : index
    %get3A_14 = arith.constant 0 : index
    %get3A_15 = arith.constant 0 : index
    %get3A_16 = vector.load %arg2[%get3A_13, %get3A_14, %get3A_15] : memref<16x512x40xf32, #tpu.memory_space<vmem>>, vector<1x512x40xf32>
    %get3A_17 = vector.shape_cast %get3A_16 : vector<1x512x40xf32> to vector<512x40xf32>
    %dot_general3A_18 = arith.constant dense<0.000000e+00> : vector<512x64xf32>
    %dot_general3A_19 = tpu.matmul %get3A_17, %get3A_12, %dot_general3A_18 {dimension_numbers = #tpu.dot_dimension_numbers<[1], [0], [0], [1], [0, 0, 1, 1], [], []>, transpose_lhs_hint = false} : vector<512x40xf32>, vector<40x64xf32>, vector<512x64xf32> -> vector<512x64xf32>
    %add3A_20 = arith.addf %dot_general3A_19, %add3A_9 : vector<512x64xf32>
    %gt3A = arith.constant 0.000000e+00 : f32
    %gt3A_21 = vector.broadcast %gt3A : f32 to vector<512x64xf32>
    %gt3A_22 = arith.cmpf ogt, %add3A_20, %gt3A_21 : vector<512x64xf32>
    %mul3A = arith.constant 2.000000e-01 : f32
    %mul3A_23 = vector.broadcast %mul3A : f32 to vector<512x64xf32>
    %mul3A_24 = arith.mulf %mul3A_23, %add3A_20 : vector<512x64xf32>
    %select_n3A = arith.select %gt3A_22, %add3A_20, %mul3A_24 : vector<512x64xi1>, vector<512x64xf32>
    %get3A_25 = arith.constant 1 : index
    %get3A_26 = arith.constant 0 : index
    %get3A_27 = arith.constant 0 : index
    %get3A_28 = vector.load %arg2[%get3A_25, %get3A_26, %get3A_27] : memref<16x512x40xf32, #tpu.memory_space<vmem>>, vector<1x512x40xf32>
    %get3A_29 = vector.shape_cast %get3A_28 : vector<1x512x40xf32> to vector<512x40xf32>
    %dot_general3A_30 = arith.constant dense<0.000000e+00> : vector<512x64xf32>
    %dot_general3A_31 = tpu.matmul %get3A_29, %get3A_12, %dot_general3A_30 {dimension_numbers = #tpu.dot_dimension_numbers<[1], [0], [0], [1], [0, 0, 1, 1], [], []>, transpose_lhs_hint = false} : vector<512x40xf32>, vector<40x64xf32>, vector<512x64xf32> -> vector<512x64xf32>
    %add3A_32 = arith.addf %dot_general3A_31, %add3A_9 : vector<512x64xf32>
    %gt3A_33 = arith.constant 0.000000e+00 : f32
    %gt3A_34 = vector.broadcast %gt3A_33 : f32 to vector<512x64xf32>
    %gt3A_35 = arith.cmpf ogt, %add3A_32, %gt3A_34 : vector<512x64xf32>
    %mul3A_36 = arith.constant 2.000000e-01 : f32
    %mul3A_37 = vector.broadcast %mul3A_36 : f32 to vector<512x64xf32>
    %mul3A_38 = arith.mulf %mul3A_37, %add3A_32 : vector<512x64xf32>
    %select_n3A_39 = arith.select %gt3A_35, %add3A_32, %mul3A_38 : vector<512x64xi1>, vector<512x64xf32>
    %max3A = arith.maximumf %select_n3A, %select_n3A_39 : vector<512x64xf32>
    %get3A_40 = arith.constant 2 : index
    %get3A_41 = arith.constant 0 : index
    %get3A_42 = arith.constant 0 : index
    %get3A_43 = vector.load %arg2[%get3A_40, %get3A_41, %get3A_42] : memref<16x512x40xf32, #tpu.memory_space<vmem>>, vector<1x512x40xf32>
    %get3A_44 = vector.shape_cast %get3A_43 : vector<1x512x40xf32> to vector<512x40xf32>
    %dot_general3A_45 = arith.constant dense<0.000000e+00> : vector<512x64xf32>
    %dot_general3A_46 = tpu.matmul %get3A_44, %get3A_12, %dot_general3A_45 {dimension_numbers = #tpu.dot_dimension_numbers<[1], [0], [0], [1], [0, 0, 1, 1], [], []>, transpose_lhs_hint = false} : vector<512x40xf32>, vector<40x64xf32>, vector<512x64xf32> -> vector<512x64xf32>
    %add3A_47 = arith.addf %dot_general3A_46, %add3A_9 : vector<512x64xf32>
    %gt3A_48 = arith.constant 0.000000e+00 : f32
    %gt3A_49 = vector.broadcast %gt3A_48 : f32 to vector<512x64xf32>
    %gt3A_50 = arith.cmpf ogt, %add3A_47, %gt3A_49 : vector<512x64xf32>
    %mul3A_51 = arith.constant 2.000000e-01 : f32
    %mul3A_52 = vector.broadcast %mul3A_51 : f32 to vector<512x64xf32>
    %mul3A_53 = arith.mulf %mul3A_52, %add3A_47 : vector<512x64xf32>
    %select_n3A_54 = arith.select %gt3A_50, %add3A_47, %mul3A_53 : vector<512x64xi1>, vector<512x64xf32>
    %max3A_55 = arith.maximumf %max3A, %select_n3A_54 : vector<512x64xf32>
    %get3A_56 = arith.constant 3 : index
    %get3A_57 = arith.constant 0 : index
    %get3A_58 = arith.constant 0 : index
    %get3A_59 = vector.load %arg2[%get3A_56, %get3A_57, %get3A_58] : memref<16x512x40xf32, #tpu.memory_space<vmem>>, vector<1x512x40xf32>
    %get3A_60 = vector.shape_cast %get3A_59 : vector<1x512x40xf32> to vector<512x40xf32>
    %dot_general3A_61 = arith.constant dense<0.000000e+00> : vector<512x64xf32>
    %dot_general3A_62 = tpu.matmul %get3A_60, %get3A_12, %dot_general3A_61 {dimension_numbers = #tpu.dot_dimension_numbers<[1], [0], [0], [1], [0, 0, 1, 1], [], []>, transpose_lhs_hint = false} : vector<512x40xf32>, vector<40x64xf32>, vector<512x64xf32> -> vector<512x64xf32>
    %add3A_63 = arith.addf %dot_general3A_62, %add3A_9 : vector<512x64xf32>
    %gt3A_64 = arith.constant 0.000000e+00 : f32
    %gt3A_65 = vector.broadcast %gt3A_64 : f32 to vector<512x64xf32>
    %gt3A_66 = arith.cmpf ogt, %add3A_63, %gt3A_65 : vector<512x64xf32>
    %mul3A_67 = arith.constant 2.000000e-01 : f32
    %mul3A_68 = vector.broadcast %mul3A_67 : f32 to vector<512x64xf32>
    %mul3A_69 = arith.mulf %mul3A_68, %add3A_63 : vector<512x64xf32>
    %select_n3A_70 = arith.select %gt3A_66, %add3A_63, %mul3A_69 : vector<512x64xi1>, vector<512x64xf32>
    %max3A_71 = arith.maximumf %max3A_55, %select_n3A_70 : vector<512x64xf32>
    %get3A_72 = arith.constant 4 : index
    %get3A_73 = arith.constant 0 : index
    %get3A_74 = arith.constant 0 : index
    %get3A_75 = vector.load %arg2[%get3A_72, %get3A_73, %get3A_74] : memref<16x512x40xf32, #tpu.memory_space<vmem>>, vector<1x512x40xf32>
    %get3A_76 = vector.shape_cast %get3A_75 : vector<1x512x40xf32> to vector<512x40xf32>
    %dot_general3A_77 = arith.constant dense<0.000000e+00> : vector<512x64xf32>
    %dot_general3A_78 = tpu.matmul %get3A_76, %get3A_12, %dot_general3A_77 {dimension_numbers = #tpu.dot_dimension_numbers<[1], [0], [0], [1], [0, 0, 1, 1], [], []>, transpose_lhs_hint = false} : vector<512x40xf32>, vector<40x64xf32>, vector<512x64xf32> -> vector<512x64xf32>
    %add3A_79 = arith.addf %dot_general3A_78, %add3A_9 : vector<512x64xf32>
    %gt3A_80 = arith.constant 0.000000e+00 : f32
    %gt3A_81 = vector.broadcast %gt3A_80 : f32 to vector<512x64xf32>
    %gt3A_82 = arith.cmpf ogt, %add3A_79, %gt3A_81 : vector<512x64xf32>
    %mul3A_83 = arith.constant 2.000000e-01 : f32
    %mul3A_84 = vector.broadcast %mul3A_83 : f32 to vector<512x64xf32>
    %mul3A_85 = arith.mulf %mul3A_84, %add3A_79 : vector<512x64xf32>
    %select_n3A_86 = arith.select %gt3A_82, %add3A_79, %mul3A_85 : vector<512x64xi1>, vector<512x64xf32>
    %max3A_87 = arith.maximumf %max3A_71, %select_n3A_86 : vector<512x64xf32>
    %get3A_88 = arith.constant 5 : index
    %get3A_89 = arith.constant 0 : index
    %get3A_90 = arith.constant 0 : index
    %get3A_91 = vector.load %arg2[%get3A_88, %get3A_89, %get3A_90] : memref<16x512x40xf32, #tpu.memory_space<vmem>>, vector<1x512x40xf32>
    %get3A_92 = vector.shape_cast %get3A_91 : vector<1x512x40xf32> to vector<512x40xf32>
    %dot_general3A_93 = arith.constant dense<0.000000e+00> : vector<512x64xf32>
    %dot_general3A_94 = tpu.matmul %get3A_92, %get3A_12, %dot_general3A_93 {dimension_numbers = #tpu.dot_dimension_numbers<[1], [0], [0], [1], [0, 0, 1, 1], [], []>, transpose_lhs_hint = false} : vector<512x40xf32>, vector<40x64xf32>, vector<512x64xf32> -> vector<512x64xf32>
    %add3A_95 = arith.addf %dot_general3A_94, %add3A_9 : vector<512x64xf32>
    %gt3A_96 = arith.constant 0.000000e+00 : f32
    %gt3A_97 = vector.broadcast %gt3A_96 : f32 to vector<512x64xf32>
    %gt3A_98 = arith.cmpf ogt, %add3A_95, %gt3A_97 : vector<512x64xf32>
    %mul3A_99 = arith.constant 2.000000e-01 : f32
    %mul3A_100 = vector.broadcast %mul3A_99 : f32 to vector<512x64xf32>
    %mul3A_101 = arith.mulf %mul3A_100, %add3A_95 : vector<512x64xf32>
    %select_n3A_102 = arith.select %gt3A_98, %add3A_95, %mul3A_101 : vector<512x64xi1>, vector<512x64xf32>
    %max3A_103 = arith.maximumf %max3A_87, %select_n3A_102 : vector<512x64xf32>
    %get3A_104 = arith.constant 6 : index
    %get3A_105 = arith.constant 0 : index
    %get3A_106 = arith.constant 0 : index
    %get3A_107 = vector.load %arg2[%get3A_104, %get3A_105, %get3A_106] : memref<16x512x40xf32, #tpu.memory_space<vmem>>, vector<1x512x40xf32>
    %get3A_108 = vector.shape_cast %get3A_107 : vector<1x512x40xf32> to vector<512x40xf32>
    %dot_general3A_109 = arith.constant dense<0.000000e+00> : vector<512x64xf32>
    %dot_general3A_110 = tpu.matmul %get3A_108, %get3A_12, %dot_general3A_109 {dimension_numbers = #tpu.dot_dimension_numbers<[1], [0], [0], [1], [0, 0, 1, 1], [], []>, transpose_lhs_hint = false} : vector<512x40xf32>, vector<40x64xf32>, vector<512x64xf32> -> vector<512x64xf32>
    %add3A_111 = arith.addf %dot_general3A_110, %add3A_9 : vector<512x64xf32>
    %gt3A_112 = arith.constant 0.000000e+00 : f32
    %gt3A_113 = vector.broadcast %gt3A_112 : f32 to vector<512x64xf32>
    %gt3A_114 = arith.cmpf ogt, %add3A_111, %gt3A_113 : vector<512x64xf32>
    %mul3A_115 = arith.constant 2.000000e-01 : f32
    %mul3A_116 = vector.broadcast %mul3A_115 : f32 to vector<512x64xf32>
    %mul3A_117 = arith.mulf %mul3A_116, %add3A_111 : vector<512x64xf32>
    %select_n3A_118 = arith.select %gt3A_114, %add3A_111, %mul3A_117 : vector<512x64xi1>, vector<512x64xf32>
    %max3A_119 = arith.maximumf %max3A_103, %select_n3A_118 : vector<512x64xf32>
    %get3A_120 = arith.constant 7 : index
    %get3A_121 = arith.constant 0 : index
    %get3A_122 = arith.constant 0 : index
    %get3A_123 = vector.load %arg2[%get3A_120, %get3A_121, %get3A_122] : memref<16x512x40xf32, #tpu.memory_space<vmem>>, vector<1x512x40xf32>
    %get3A_124 = vector.shape_cast %get3A_123 : vector<1x512x40xf32> to vector<512x40xf32>
    %dot_general3A_125 = arith.constant dense<0.000000e+00> : vector<512x64xf32>
    %dot_general3A_126 = tpu.matmul %get3A_124, %get3A_12, %dot_general3A_125 {dimension_numbers = #tpu.dot_dimension_numbers<[1], [0], [0], [1], [0, 0, 1, 1], [], []>, transpose_lhs_hint = false} : vector<512x40xf32>, vector<40x64xf32>, vector<512x64xf32> -> vector<512x64xf32>
    %add3A_127 = arith.addf %dot_general3A_126, %add3A_9 : vector<512x64xf32>
    %gt3A_128 = arith.constant 0.000000e+00 : f32
    %gt3A_129 = vector.broadcast %gt3A_128 : f32 to vector<512x64xf32>
    %gt3A_130 = arith.cmpf ogt, %add3A_127, %gt3A_129 : vector<512x64xf32>
    %mul3A_131 = arith.constant 2.000000e-01 : f32
    %mul3A_132 = vector.broadcast %mul3A_131 : f32 to vector<512x64xf32>
    %mul3A_133 = arith.mulf %mul3A_132, %add3A_127 : vector<512x64xf32>
    %select_n3A_134 = arith.select %gt3A_130, %add3A_127, %mul3A_133 : vector<512x64xi1>, vector<512x64xf32>
    %max3A_135 = arith.maximumf %max3A_119, %select_n3A_134 : vector<512x64xf32>
    %get3A_136 = arith.constant 8 : index
    %get3A_137 = arith.constant 0 : index
    %get3A_138 = arith.constant 0 : index
    %get3A_139 = vector.load %arg2[%get3A_136, %get3A_137, %get3A_138] : memref<16x512x40xf32, #tpu.memory_space<vmem>>, vector<1x512x40xf32>
    %get3A_140 = vector.shape_cast %get3A_139 : vector<1x512x40xf32> to vector<512x40xf32>
    %dot_general3A_141 = arith.constant dense<0.000000e+00> : vector<512x64xf32>
    %dot_general3A_142 = tpu.matmul %get3A_140, %get3A_12, %dot_general3A_141 {dimension_numbers = #tpu.dot_dimension_numbers<[1], [0], [0], [1], [0, 0, 1, 1], [], []>, transpose_lhs_hint = false} : vector<512x40xf32>, vector<40x64xf32>, vector<512x64xf32> -> vector<512x64xf32>
    %add3A_143 = arith.addf %dot_general3A_142, %add3A_9 : vector<512x64xf32>
    %gt3A_144 = arith.constant 0.000000e+00 : f32
    %gt3A_145 = vector.broadcast %gt3A_144 : f32 to vector<512x64xf32>
    %gt3A_146 = arith.cmpf ogt, %add3A_143, %gt3A_145 : vector<512x64xf32>
    %mul3A_147 = arith.constant 2.000000e-01 : f32
    %mul3A_148 = vector.broadcast %mul3A_147 : f32 to vector<512x64xf32>
    %mul3A_149 = arith.mulf %mul3A_148, %add3A_143 : vector<512x64xf32>
    %select_n3A_150 = arith.select %gt3A_146, %add3A_143, %mul3A_149 : vector<512x64xi1>, vector<512x64xf32>
    %max3A_151 = arith.maximumf %max3A_135, %select_n3A_150 : vector<512x64xf32>
    %get3A_152 = arith.constant 9 : index
    %get3A_153 = arith.constant 0 : index
    %get3A_154 = arith.constant 0 : index
    %get3A_155 = vector.load %arg2[%get3A_152, %get3A_153, %get3A_154] : memref<16x512x40xf32, #tpu.memory_space<vmem>>, vector<1x512x40xf32>
    %get3A_156 = vector.shape_cast %get3A_155 : vector<1x512x40xf32> to vector<512x40xf32>
    %dot_general3A_157 = arith.constant dense<0.000000e+00> : vector<512x64xf32>
    %dot_general3A_158 = tpu.matmul %get3A_156, %get3A_12, %dot_general3A_157 {dimension_numbers = #tpu.dot_dimension_numbers<[1], [0], [0], [1], [0, 0, 1, 1], [], []>, transpose_lhs_hint = false} : vector<512x40xf32>, vector<40x64xf32>, vector<512x64xf32> -> vector<512x64xf32>
    %add3A_159 = arith.addf %dot_general3A_158, %add3A_9 : vector<512x64xf32>
    %gt3A_160 = arith.constant 0.000000e+00 : f32
    %gt3A_161 = vector.broadcast %gt3A_160 : f32 to vector<512x64xf32>
    %gt3A_162 = arith.cmpf ogt, %add3A_159, %gt3A_161 : vector<512x64xf32>
    %mul3A_163 = arith.constant 2.000000e-01 : f32
    %mul3A_164 = vector.broadcast %mul3A_163 : f32 to vector<512x64xf32>
    %mul3A_165 = arith.mulf %mul3A_164, %add3A_159 : vector<512x64xf32>
    %select_n3A_166 = arith.select %gt3A_162, %add3A_159, %mul3A_165 : vector<512x64xi1>, vector<512x64xf32>
    %max3A_167 = arith.maximumf %max3A_151, %select_n3A_166 : vector<512x64xf32>
    %get3A_168 = arith.constant 10 : index
    %get3A_169 = arith.constant 0 : index
    %get3A_170 = arith.constant 0 : index
    %get3A_171 = vector.load %arg2[%get3A_168, %get3A_169, %get3A_170] : memref<16x512x40xf32, #tpu.memory_space<vmem>>, vector<1x512x40xf32>
    %get3A_172 = vector.shape_cast %get3A_171 : vector<1x512x40xf32> to vector<512x40xf32>
    %dot_general3A_173 = arith.constant dense<0.000000e+00> : vector<512x64xf32>
    %dot_general3A_174 = tpu.matmul %get3A_172, %get3A_12, %dot_general3A_173 {dimension_numbers = #tpu.dot_dimension_numbers<[1], [0], [0], [1], [0, 0, 1, 1], [], []>, transpose_lhs_hint = false} : vector<512x40xf32>, vector<40x64xf32>, vector<512x64xf32> -> vector<512x64xf32>
    %add3A_175 = arith.addf %dot_general3A_174, %add3A_9 : vector<512x64xf32>
    %gt3A_176 = arith.constant 0.000000e+00 : f32
    %gt3A_177 = vector.broadcast %gt3A_176 : f32 to vector<512x64xf32>
    %gt3A_178 = arith.cmpf ogt, %add3A_175, %gt3A_177 : vector<512x64xf32>
    %mul3A_179 = arith.constant 2.000000e-01 : f32
    %mul3A_180 = vector.broadcast %mul3A_179 : f32 to vector<512x64xf32>
    %mul3A_181 = arith.mulf %mul3A_180, %add3A_175 : vector<512x64xf32>
    %select_n3A_182 = arith.select %gt3A_178, %add3A_175, %mul3A_181 : vector<512x64xi1>, vector<512x64xf32>
    %max3A_183 = arith.maximumf %max3A_167, %select_n3A_182 : vector<512x64xf32>
    %get3A_184 = arith.constant 11 : index
    %get3A_185 = arith.constant 0 : index
    %get3A_186 = arith.constant 0 : index
    %get3A_187 = vector.load %arg2[%get3A_184, %get3A_185, %get3A_186] : memref<16x512x40xf32, #tpu.memory_space<vmem>>, vector<1x512x40xf32>
    %get3A_188 = vector.shape_cast %get3A_187 : vector<1x512x40xf32> to vector<512x40xf32>
    %dot_general3A_189 = arith.constant dense<0.000000e+00> : vector<512x64xf32>
    %dot_general3A_190 = tpu.matmul %get3A_188, %get3A_12, %dot_general3A_189 {dimension_numbers = #tpu.dot_dimension_numbers<[1], [0], [0], [1], [0, 0, 1, 1], [], []>, transpose_lhs_hint = false} : vector<512x40xf32>, vector<40x64xf32>, vector<512x64xf32> -> vector<512x64xf32>
    %add3A_191 = arith.addf %dot_general3A_190, %add3A_9 : vector<512x64xf32>
    %gt3A_192 = arith.constant 0.000000e+00 : f32
    %gt3A_193 = vector.broadcast %gt3A_192 : f32 to vector<512x64xf32>
    %gt3A_194 = arith.cmpf ogt, %add3A_191, %gt3A_193 : vector<512x64xf32>
    %mul3A_195 = arith.constant 2.000000e-01 : f32
    %mul3A_196 = vector.broadcast %mul3A_195 : f32 to vector<512x64xf32>
    %mul3A_197 = arith.mulf %mul3A_196, %add3A_191 : vector<512x64xf32>
    %select_n3A_198 = arith.select %gt3A_194, %add3A_191, %mul3A_197 : vector<512x64xi1>, vector<512x64xf32>
    %max3A_199 = arith.maximumf %max3A_183, %select_n3A_198 : vector<512x64xf32>
    %get3A_200 = arith.constant 12 : index
    %get3A_201 = arith.constant 0 : index
    %get3A_202 = arith.constant 0 : index
    %get3A_203 = vector.load %arg2[%get3A_200, %get3A_201, %get3A_202] : memref<16x512x40xf32, #tpu.memory_space<vmem>>, vector<1x512x40xf32>
    %get3A_204 = vector.shape_cast %get3A_203 : vector<1x512x40xf32> to vector<512x40xf32>
    %dot_general3A_205 = arith.constant dense<0.000000e+00> : vector<512x64xf32>
    %dot_general3A_206 = tpu.matmul %get3A_204, %get3A_12, %dot_general3A_205 {dimension_numbers = #tpu.dot_dimension_numbers<[1], [0], [0], [1], [0, 0, 1, 1], [], []>, transpose_lhs_hint = false} : vector<512x40xf32>, vector<40x64xf32>, vector<512x64xf32> -> vector<512x64xf32>
    %add3A_207 = arith.addf %dot_general3A_206, %add3A_9 : vector<512x64xf32>
    %gt3A_208 = arith.constant 0.000000e+00 : f32
    %gt3A_209 = vector.broadcast %gt3A_208 : f32 to vector<512x64xf32>
    %gt3A_210 = arith.cmpf ogt, %add3A_207, %gt3A_209 : vector<512x64xf32>
    %mul3A_211 = arith.constant 2.000000e-01 : f32
    %mul3A_212 = vector.broadcast %mul3A_211 : f32 to vector<512x64xf32>
    %mul3A_213 = arith.mulf %mul3A_212, %add3A_207 : vector<512x64xf32>
    %select_n3A_214 = arith.select %gt3A_210, %add3A_207, %mul3A_213 : vector<512x64xi1>, vector<512x64xf32>
    %max3A_215 = arith.maximumf %max3A_199, %select_n3A_214 : vector<512x64xf32>
    %get3A_216 = arith.constant 13 : index
    %get3A_217 = arith.constant 0 : index
    %get3A_218 = arith.constant 0 : index
    %get3A_219 = vector.load %arg2[%get3A_216, %get3A_217, %get3A_218] : memref<16x512x40xf32, #tpu.memory_space<vmem>>, vector<1x512x40xf32>
    %get3A_220 = vector.shape_cast %get3A_219 : vector<1x512x40xf32> to vector<512x40xf32>
    %dot_general3A_221 = arith.constant dense<0.000000e+00> : vector<512x64xf32>
    %dot_general3A_222 = tpu.matmul %get3A_220, %get3A_12, %dot_general3A_221 {dimension_numbers = #tpu.dot_dimension_numbers<[1], [0], [0], [1], [0, 0, 1, 1], [], []>, transpose_lhs_hint = false} : vector<512x40xf32>, vector<40x64xf32>, vector<512x64xf32> -> vector<512x64xf32>
    %add3A_223 = arith.addf %dot_general3A_222, %add3A_9 : vector<512x64xf32>
    %gt3A_224 = arith.constant 0.000000e+00 : f32
    %gt3A_225 = vector.broadcast %gt3A_224 : f32 to vector<512x64xf32>
    %gt3A_226 = arith.cmpf ogt, %add3A_223, %gt3A_225 : vector<512x64xf32>
    %mul3A_227 = arith.constant 2.000000e-01 : f32
    %mul3A_228 = vector.broadcast %mul3A_227 : f32 to vector<512x64xf32>
    %mul3A_229 = arith.mulf %mul3A_228, %add3A_223 : vector<512x64xf32>
    %select_n3A_230 = arith.select %gt3A_226, %add3A_223, %mul3A_229 : vector<512x64xi1>, vector<512x64xf32>
    %max3A_231 = arith.maximumf %max3A_215, %select_n3A_230 : vector<512x64xf32>
    %get3A_232 = arith.constant 14 : index
    %get3A_233 = arith.constant 0 : index
    %get3A_234 = arith.constant 0 : index
    %get3A_235 = vector.load %arg2[%get3A_232, %get3A_233, %get3A_234] : memref<16x512x40xf32, #tpu.memory_space<vmem>>, vector<1x512x40xf32>
    %get3A_236 = vector.shape_cast %get3A_235 : vector<1x512x40xf32> to vector<512x40xf32>
    %dot_general3A_237 = arith.constant dense<0.000000e+00> : vector<512x64xf32>
    %dot_general3A_238 = tpu.matmul %get3A_236, %get3A_12, %dot_general3A_237 {dimension_numbers = #tpu.dot_dimension_numbers<[1], [0], [0], [1], [0, 0, 1, 1], [], []>, transpose_lhs_hint = false} : vector<512x40xf32>, vector<40x64xf32>, vector<512x64xf32> -> vector<512x64xf32>
    %add3A_239 = arith.addf %dot_general3A_238, %add3A_9 : vector<512x64xf32>
    %gt3A_240 = arith.constant 0.000000e+00 : f32
    %gt3A_241 = vector.broadcast %gt3A_240 : f32 to vector<512x64xf32>
    %gt3A_242 = arith.cmpf ogt, %add3A_239, %gt3A_241 : vector<512x64xf32>
    %mul3A_243 = arith.constant 2.000000e-01 : f32
    %mul3A_244 = vector.broadcast %mul3A_243 : f32 to vector<512x64xf32>
    %mul3A_245 = arith.mulf %mul3A_244, %add3A_239 : vector<512x64xf32>
    %select_n3A_246 = arith.select %gt3A_242, %add3A_239, %mul3A_245 : vector<512x64xi1>, vector<512x64xf32>
    %max3A_247 = arith.maximumf %max3A_231, %select_n3A_246 : vector<512x64xf32>
    %get3A_248 = arith.constant 15 : index
    %get3A_249 = arith.constant 0 : index
    %get3A_250 = arith.constant 0 : index
    %get3A_251 = vector.load %arg2[%get3A_248, %get3A_249, %get3A_250] : memref<16x512x40xf32, #tpu.memory_space<vmem>>, vector<1x512x40xf32>
    %get3A_252 = vector.shape_cast %get3A_251 : vector<1x512x40xf32> to vector<512x40xf32>
    %dot_general3A_253 = arith.constant dense<0.000000e+00> : vector<512x64xf32>
    %dot_general3A_254 = tpu.matmul %get3A_252, %get3A_12, %dot_general3A_253 {dimension_numbers = #tpu.dot_dimension_numbers<[1], [0], [0], [1], [0, 0, 1, 1], [], []>, transpose_lhs_hint = false} : vector<512x40xf32>, vector<40x64xf32>, vector<512x64xf32> -> vector<512x64xf32>
    %add3A_255 = arith.addf %dot_general3A_254, %add3A_9 : vector<512x64xf32>
    %gt3A_256 = arith.constant 0.000000e+00 : f32
    %gt3A_257 = vector.broadcast %gt3A_256 : f32 to vector<512x64xf32>
    %gt3A_258 = arith.cmpf ogt, %add3A_255, %gt3A_257 : vector<512x64xf32>
    %mul3A_259 = arith.constant 2.000000e-01 : f32
    %mul3A_260 = vector.broadcast %mul3A_259 : f32 to vector<512x64xf32>
    %mul3A_261 = arith.mulf %mul3A_260, %add3A_255 : vector<512x64xf32>
    %select_n3A_262 = arith.select %gt3A_258, %add3A_255, %mul3A_261 : vector<512x64xi1>, vector<512x64xf32>
    %max3A_263 = arith.maximumf %max3A_247, %select_n3A_262 : vector<512x64xf32>
    %swap3A = arith.constant 0 : index
    %swap3A_264 = arith.constant 0 : index
    %swap3A_265 = vector.load %arg6[%swap3A, %swap3A_264] : memref<512x64xf32, #tpu.memory_space<vmem>>, vector<512x64xf32>
    tpu.vector_store %arg6[%swap3A, %swap3A_264], %max3A_263 {strides = array<i32>} : memref<512x64xf32, #tpu.memory_space<vmem>>, vector<512x64xf32>,
    return
  }
  func.func @transform_0(%arg0: i32) -> (i32, i32) {
    %c0_i32 = arith.constant 0 : i32
    %c0_i32_0 = arith.constant 0 : i32
    return %arg0, %c0_i32 : i32, i32
  }
  func.func @transform_1(%arg0: i32) -> (i32, i32, i32) {
    %c0_i32 = arith.constant 0 : i32
    %c0_i32_0 = arith.constant 0 : i32
    %c0_i32_1 = arith.constant 0 : i32
    return %c0_i32, %arg0, %c0_i32_0 : i32, i32, i32
  }
  func.func @transform_2(%arg0: i32) -> (i32, i32) {
    %c0_i32 = arith.constant 0 : i32
    %c0_i32_0 = arith.constant 0 : i32
    %c0_i32_1 = arith.constant 0 : i32
    return %c0_i32, %c0_i32_0 : i32, i32
  }
  func.func @transform_3(%arg0: i32) -> (i32, i32) {
    %c0_i32 = arith.constant 0 : i32
    %c0_i32_0 = arith.constant 0 : i32
    %c0_i32_1 = arith.constant 0 : i32
    return %c0_i32, %c0_i32_0 : i32, i32
  }
  func.func @transform_4(%arg0: i32) -> (i32, i32) {
    %c0_i32 = arith.constant 0 : i32
    %c0_i32_0 = arith.constant 0 : i32
    %c0_i32_1 = arith.constant 0 : i32
    return %c0_i32, %c0_i32_0 : i32, i32
  }
  func.func @transform_5(%arg0: i32) -> (i32, i32) {
    %c0_i32 = arith.constant 0 : i32
    %c0_i32_0 = arith.constant 0 : i32
    return %arg0, %c0_i32 : i32, i32
  }
}

module attributes {stable_mosaic.version = 14 : i64} {
  func.func @body(%arg0: i32, %arg1: memref<256x1xi32, #tpu.memory_space<vmem>>, %arg2: memref<2500x72xf32, #tpu.memory_space<vmem>>, %arg3: memref<256x72xf32, #tpu.memory_space<vmem>>) attributes {dimension_semantics = [#tpu.dimension_semantics<arbitrary>], iteration_bounds = array<i64: 157>, scalar_prefetch = 0 : i64, scratch_operands = 0 : i64, tpu.core_type = #tpu.core_type<tc>, window_params = [{transform_indices = @transform_0, window_bounds = array<i64: 256, 1>}, {pipeline_mode = #tpu.pipeline_mode<synchronous>, transform_indices = @transform_1, window_bounds = array<i64: 2500, 72>}, {transform_indices = @transform_2, window_bounds = array<i64: 256, 72>}]} {
    %get3A = arith.constant 0 : index
    %get3A_0 = arith.constant 0 : index
    %get3A_1 = vector.load %arg1[%get3A, %get3A_0] : memref<256x1xi32, #tpu.memory_space<vmem>>, vector<256x1xi32>
    %iota3A = tpu.iota {dimensions = array<i32: 1>} : vector<256x2500xi32>
    %eq3A = vector.broadcast %get3A_1 : vector<256x1xi32> to vector<256x2500xi32>
    %eq3A_2 = arith.cmpi eq, %iota3A, %eq3A : vector<256x2500xi32>
    %convert_element_type3A = arith.extui %eq3A_2 : vector<256x2500xi1> to vector<256x2500xi32>
    %convert_element_type3A_3 = arith.sitofp %convert_element_type3A : vector<256x2500xi32> to vector<256x2500xf32>
    %get3A_4 = arith.constant 0 : index
    %get3A_5 = arith.constant 0 : index
    %get3A_6 = vector.load %arg2[%get3A_4, %get3A_5] : memref<2500x72xf32, #tpu.memory_space<vmem>>, vector<2500x72xf32>
    %dot_general3A = arith.constant dense<0.000000e+00> : vector<256x72xf32>
    %dot_general3A_7 = tpu.matmul %convert_element_type3A_3, %get3A_6, %dot_general3A {dimension_numbers = #tpu.dot_dimension_numbers<[1], [0], [0], [1], [0, 0, 1, 1], [], []>, transpose_lhs_hint = false} : vector<256x2500xf32>, vector<2500x72xf32>, vector<256x72xf32> -> vector<256x72xf32>
    %swap3A = arith.constant 0 : index
    %swap3A_8 = arith.constant 0 : index
    %swap3A_9 = vector.load %arg3[%swap3A, %swap3A_8] : memref<256x72xf32, #tpu.memory_space<vmem>>, vector<256x72xf32>
    tpu.vector_store %arg3[%swap3A, %swap3A_8], %dot_general3A_7 {strides = array<i32>} : memref<256x72xf32, #tpu.memory_space<vmem>>, vector<256x72xf32>,
    return
  }
  func.func @transform_0(%arg0: i32) -> (i32, i32) {
    %c0_i32 = arith.constant 0 : i32
    %c0_i32_0 = arith.constant 0 : i32
    return %arg0, %c0_i32 : i32, i32
  }
  func.func @transform_1(%arg0: i32) -> (i32, i32) {
    %c0_i32 = arith.constant 0 : i32
    %c0_i32_0 = arith.constant 0 : i32
    %c0_i32_1 = arith.constant 0 : i32
    return %c0_i32, %c0_i32_0 : i32, i32
  }
  func.func @transform_2(%arg0: i32) -> (i32, i32) {
    %c0_i32 = arith.constant 0 : i32
    %c0_i32_0 = arith.constant 0 : i32
    return %arg0, %c0_i32 : i32, i32
  }
}

module attributes {stable_mosaic.version = 14 : i64} {
  func.func @body(%arg0: i32, %arg1: memref<512x72xf32, #tpu.memory_space<vmem>>, %arg2: memref<16x512x72xf32, #tpu.memory_space<vmem>>, %arg3: memref<72x128xf32, #tpu.memory_space<vmem>>, %arg4: memref<72x128xf32, #tpu.memory_space<vmem>>, %arg5: memref<1x128xf32, #tpu.memory_space<vmem>>, %arg6: memref<512x128xf32, #tpu.memory_space<vmem>>) attributes {dimension_semantics = [#tpu.dimension_semantics<arbitrary>], iteration_bounds = array<i64: 5>, scalar_prefetch = 0 : i64, scratch_operands = 0 : i64, tpu.core_type = #tpu.core_type<tc>, window_params = [{transform_indices = @transform_0, window_bounds = array<i64: 512, 72>}, {transform_indices = @transform_1, window_bounds = array<i64: 16, 512, 72>}, {pipeline_mode = #tpu.pipeline_mode<synchronous>, transform_indices = @transform_2, window_bounds = array<i64: 72, 128>}, {pipeline_mode = #tpu.pipeline_mode<synchronous>, transform_indices = @transform_3, window_bounds = array<i64: 72, 128>}, {pipeline_mode = #tpu.pipeline_mode<synchronous>, transform_indices = @transform_4, window_bounds = array<i64: 1, 128>}, {transform_indices = @transform_5, window_bounds = array<i64: 512, 128>}]} {
    %get3A = arith.constant 0 : index
    %get3A_0 = arith.constant 0 : index
    %get3A_1 = vector.load %arg1[%get3A, %get3A_0] : memref<512x72xf32, #tpu.memory_space<vmem>>, vector<512x72xf32>
    %get3A_2 = arith.constant 0 : index
    %get3A_3 = arith.constant 0 : index
    %get3A_4 = vector.load %arg3[%get3A_2, %get3A_3] : memref<72x128xf32, #tpu.memory_space<vmem>>, vector<72x128xf32>
    %dot_general3A = arith.constant dense<0.000000e+00> : vector<512x128xf32>
    %dot_general3A_5 = tpu.matmul %get3A_1, %get3A_4, %dot_general3A {dimension_numbers = #tpu.dot_dimension_numbers<[1], [0], [0], [1], [0, 0, 1, 1], [], []>, transpose_lhs_hint = false} : vector<512x72xf32>, vector<72x128xf32>, vector<512x128xf32> -> vector<512x128xf32>
    %get3A_6 = arith.constant 0 : index
    %get3A_7 = arith.constant 0 : index
    %get3A_8 = vector.load %arg5[%get3A_6, %get3A_7] : memref<1x128xf32, #tpu.memory_space<vmem>>, vector<1x128xf32>
    %add3A = vector.broadcast %get3A_8 : vector<1x128xf32> to vector<512x128xf32>
    %add3A_9 = arith.addf %dot_general3A_5, %add3A : vector<512x128xf32>
    %get3A_10 = arith.constant 0 : index
    %get3A_11 = arith.constant 0 : index
    %get3A_12 = vector.load %arg4[%get3A_10, %get3A_11] : memref<72x128xf32, #tpu.memory_space<vmem>>, vector<72x128xf32>
    %get3A_13 = arith.constant 0 : index
    %get3A_14 = arith.constant 0 : index
    %get3A_15 = arith.constant 0 : index
    %get3A_16 = vector.load %arg2[%get3A_13, %get3A_14, %get3A_15] : memref<16x512x72xf32, #tpu.memory_space<vmem>>, vector<1x512x72xf32>
    %get3A_17 = vector.shape_cast %get3A_16 : vector<1x512x72xf32> to vector<512x72xf32>
    %dot_general3A_18 = arith.constant dense<0.000000e+00> : vector<512x128xf32>
    %dot_general3A_19 = tpu.matmul %get3A_17, %get3A_12, %dot_general3A_18 {dimension_numbers = #tpu.dot_dimension_numbers<[1], [0], [0], [1], [0, 0, 1, 1], [], []>, transpose_lhs_hint = false} : vector<512x72xf32>, vector<72x128xf32>, vector<512x128xf32> -> vector<512x128xf32>
    %add3A_20 = arith.addf %dot_general3A_19, %add3A_9 : vector<512x128xf32>
    %gt3A = arith.constant 0.000000e+00 : f32
    %gt3A_21 = vector.broadcast %gt3A : f32 to vector<512x128xf32>
    %gt3A_22 = arith.cmpf ogt, %add3A_20, %gt3A_21 : vector<512x128xf32>
    %mul3A = arith.constant 2.000000e-01 : f32
    %mul3A_23 = vector.broadcast %mul3A : f32 to vector<512x128xf32>
    %mul3A_24 = arith.mulf %mul3A_23, %add3A_20 : vector<512x128xf32>
    %select_n3A = arith.select %gt3A_22, %add3A_20, %mul3A_24 : vector<512x128xi1>, vector<512x128xf32>
    %get3A_25 = arith.constant 1 : index
    %get3A_26 = arith.constant 0 : index
    %get3A_27 = arith.constant 0 : index
    %get3A_28 = vector.load %arg2[%get3A_25, %get3A_26, %get3A_27] : memref<16x512x72xf32, #tpu.memory_space<vmem>>, vector<1x512x72xf32>
    %get3A_29 = vector.shape_cast %get3A_28 : vector<1x512x72xf32> to vector<512x72xf32>
    %dot_general3A_30 = arith.constant dense<0.000000e+00> : vector<512x128xf32>
    %dot_general3A_31 = tpu.matmul %get3A_29, %get3A_12, %dot_general3A_30 {dimension_numbers = #tpu.dot_dimension_numbers<[1], [0], [0], [1], [0, 0, 1, 1], [], []>, transpose_lhs_hint = false} : vector<512x72xf32>, vector<72x128xf32>, vector<512x128xf32> -> vector<512x128xf32>
    %add3A_32 = arith.addf %dot_general3A_31, %add3A_9 : vector<512x128xf32>
    %gt3A_33 = arith.constant 0.000000e+00 : f32
    %gt3A_34 = vector.broadcast %gt3A_33 : f32 to vector<512x128xf32>
    %gt3A_35 = arith.cmpf ogt, %add3A_32, %gt3A_34 : vector<512x128xf32>
    %mul3A_36 = arith.constant 2.000000e-01 : f32
    %mul3A_37 = vector.broadcast %mul3A_36 : f32 to vector<512x128xf32>
    %mul3A_38 = arith.mulf %mul3A_37, %add3A_32 : vector<512x128xf32>
    %select_n3A_39 = arith.select %gt3A_35, %add3A_32, %mul3A_38 : vector<512x128xi1>, vector<512x128xf32>
    %max3A = arith.maximumf %select_n3A, %select_n3A_39 : vector<512x128xf32>
    %get3A_40 = arith.constant 2 : index
    %get3A_41 = arith.constant 0 : index
    %get3A_42 = arith.constant 0 : index
    %get3A_43 = vector.load %arg2[%get3A_40, %get3A_41, %get3A_42] : memref<16x512x72xf32, #tpu.memory_space<vmem>>, vector<1x512x72xf32>
    %get3A_44 = vector.shape_cast %get3A_43 : vector<1x512x72xf32> to vector<512x72xf32>
    %dot_general3A_45 = arith.constant dense<0.000000e+00> : vector<512x128xf32>
    %dot_general3A_46 = tpu.matmul %get3A_44, %get3A_12, %dot_general3A_45 {dimension_numbers = #tpu.dot_dimension_numbers<[1], [0], [0], [1], [0, 0, 1, 1], [], []>, transpose_lhs_hint = false} : vector<512x72xf32>, vector<72x128xf32>, vector<512x128xf32> -> vector<512x128xf32>
    %add3A_47 = arith.addf %dot_general3A_46, %add3A_9 : vector<512x128xf32>
    %gt3A_48 = arith.constant 0.000000e+00 : f32
    %gt3A_49 = vector.broadcast %gt3A_48 : f32 to vector<512x128xf32>
    %gt3A_50 = arith.cmpf ogt, %add3A_47, %gt3A_49 : vector<512x128xf32>
    %mul3A_51 = arith.constant 2.000000e-01 : f32
    %mul3A_52 = vector.broadcast %mul3A_51 : f32 to vector<512x128xf32>
    %mul3A_53 = arith.mulf %mul3A_52, %add3A_47 : vector<512x128xf32>
    %select_n3A_54 = arith.select %gt3A_50, %add3A_47, %mul3A_53 : vector<512x128xi1>, vector<512x128xf32>
    %max3A_55 = arith.maximumf %max3A, %select_n3A_54 : vector<512x128xf32>
    %get3A_56 = arith.constant 3 : index
    %get3A_57 = arith.constant 0 : index
    %get3A_58 = arith.constant 0 : index
    %get3A_59 = vector.load %arg2[%get3A_56, %get3A_57, %get3A_58] : memref<16x512x72xf32, #tpu.memory_space<vmem>>, vector<1x512x72xf32>
    %get3A_60 = vector.shape_cast %get3A_59 : vector<1x512x72xf32> to vector<512x72xf32>
    %dot_general3A_61 = arith.constant dense<0.000000e+00> : vector<512x128xf32>
    %dot_general3A_62 = tpu.matmul %get3A_60, %get3A_12, %dot_general3A_61 {dimension_numbers = #tpu.dot_dimension_numbers<[1], [0], [0], [1], [0, 0, 1, 1], [], []>, transpose_lhs_hint = false} : vector<512x72xf32>, vector<72x128xf32>, vector<512x128xf32> -> vector<512x128xf32>
    %add3A_63 = arith.addf %dot_general3A_62, %add3A_9 : vector<512x128xf32>
    %gt3A_64 = arith.constant 0.000000e+00 : f32
    %gt3A_65 = vector.broadcast %gt3A_64 : f32 to vector<512x128xf32>
    %gt3A_66 = arith.cmpf ogt, %add3A_63, %gt3A_65 : vector<512x128xf32>
    %mul3A_67 = arith.constant 2.000000e-01 : f32
    %mul3A_68 = vector.broadcast %mul3A_67 : f32 to vector<512x128xf32>
    %mul3A_69 = arith.mulf %mul3A_68, %add3A_63 : vector<512x128xf32>
    %select_n3A_70 = arith.select %gt3A_66, %add3A_63, %mul3A_69 : vector<512x128xi1>, vector<512x128xf32>
    %max3A_71 = arith.maximumf %max3A_55, %select_n3A_70 : vector<512x128xf32>
    %get3A_72 = arith.constant 4 : index
    %get3A_73 = arith.constant 0 : index
    %get3A_74 = arith.constant 0 : index
    %get3A_75 = vector.load %arg2[%get3A_72, %get3A_73, %get3A_74] : memref<16x512x72xf32, #tpu.memory_space<vmem>>, vector<1x512x72xf32>
    %get3A_76 = vector.shape_cast %get3A_75 : vector<1x512x72xf32> to vector<512x72xf32>
    %dot_general3A_77 = arith.constant dense<0.000000e+00> : vector<512x128xf32>
    %dot_general3A_78 = tpu.matmul %get3A_76, %get3A_12, %dot_general3A_77 {dimension_numbers = #tpu.dot_dimension_numbers<[1], [0], [0], [1], [0, 0, 1, 1], [], []>, transpose_lhs_hint = false} : vector<512x72xf32>, vector<72x128xf32>, vector<512x128xf32> -> vector<512x128xf32>
    %add3A_79 = arith.addf %dot_general3A_78, %add3A_9 : vector<512x128xf32>
    %gt3A_80 = arith.constant 0.000000e+00 : f32
    %gt3A_81 = vector.broadcast %gt3A_80 : f32 to vector<512x128xf32>
    %gt3A_82 = arith.cmpf ogt, %add3A_79, %gt3A_81 : vector<512x128xf32>
    %mul3A_83 = arith.constant 2.000000e-01 : f32
    %mul3A_84 = vector.broadcast %mul3A_83 : f32 to vector<512x128xf32>
    %mul3A_85 = arith.mulf %mul3A_84, %add3A_79 : vector<512x128xf32>
    %select_n3A_86 = arith.select %gt3A_82, %add3A_79, %mul3A_85 : vector<512x128xi1>, vector<512x128xf32>
    %max3A_87 = arith.maximumf %max3A_71, %select_n3A_86 : vector<512x128xf32>
    %get3A_88 = arith.constant 5 : index
    %get3A_89 = arith.constant 0 : index
    %get3A_90 = arith.constant 0 : index
    %get3A_91 = vector.load %arg2[%get3A_88, %get3A_89, %get3A_90] : memref<16x512x72xf32, #tpu.memory_space<vmem>>, vector<1x512x72xf32>
    %get3A_92 = vector.shape_cast %get3A_91 : vector<1x512x72xf32> to vector<512x72xf32>
    %dot_general3A_93 = arith.constant dense<0.000000e+00> : vector<512x128xf32>
    %dot_general3A_94 = tpu.matmul %get3A_92, %get3A_12, %dot_general3A_93 {dimension_numbers = #tpu.dot_dimension_numbers<[1], [0], [0], [1], [0, 0, 1, 1], [], []>, transpose_lhs_hint = false} : vector<512x72xf32>, vector<72x128xf32>, vector<512x128xf32> -> vector<512x128xf32>
    %add3A_95 = arith.addf %dot_general3A_94, %add3A_9 : vector<512x128xf32>
    %gt3A_96 = arith.constant 0.000000e+00 : f32
    %gt3A_97 = vector.broadcast %gt3A_96 : f32 to vector<512x128xf32>
    %gt3A_98 = arith.cmpf ogt, %add3A_95, %gt3A_97 : vector<512x128xf32>
    %mul3A_99 = arith.constant 2.000000e-01 : f32
    %mul3A_100 = vector.broadcast %mul3A_99 : f32 to vector<512x128xf32>
    %mul3A_101 = arith.mulf %mul3A_100, %add3A_95 : vector<512x128xf32>
    %select_n3A_102 = arith.select %gt3A_98, %add3A_95, %mul3A_101 : vector<512x128xi1>, vector<512x128xf32>
    %max3A_103 = arith.maximumf %max3A_87, %select_n3A_102 : vector<512x128xf32>
    %get3A_104 = arith.constant 6 : index
    %get3A_105 = arith.constant 0 : index
    %get3A_106 = arith.constant 0 : index
    %get3A_107 = vector.load %arg2[%get3A_104, %get3A_105, %get3A_106] : memref<16x512x72xf32, #tpu.memory_space<vmem>>, vector<1x512x72xf32>
    %get3A_108 = vector.shape_cast %get3A_107 : vector<1x512x72xf32> to vector<512x72xf32>
    %dot_general3A_109 = arith.constant dense<0.000000e+00> : vector<512x128xf32>
    %dot_general3A_110 = tpu.matmul %get3A_108, %get3A_12, %dot_general3A_109 {dimension_numbers = #tpu.dot_dimension_numbers<[1], [0], [0], [1], [0, 0, 1, 1], [], []>, transpose_lhs_hint = false} : vector<512x72xf32>, vector<72x128xf32>, vector<512x128xf32> -> vector<512x128xf32>
    %add3A_111 = arith.addf %dot_general3A_110, %add3A_9 : vector<512x128xf32>
    %gt3A_112 = arith.constant 0.000000e+00 : f32
    %gt3A_113 = vector.broadcast %gt3A_112 : f32 to vector<512x128xf32>
    %gt3A_114 = arith.cmpf ogt, %add3A_111, %gt3A_113 : vector<512x128xf32>
    %mul3A_115 = arith.constant 2.000000e-01 : f32
    %mul3A_116 = vector.broadcast %mul3A_115 : f32 to vector<512x128xf32>
    %mul3A_117 = arith.mulf %mul3A_116, %add3A_111 : vector<512x128xf32>
    %select_n3A_118 = arith.select %gt3A_114, %add3A_111, %mul3A_117 : vector<512x128xi1>, vector<512x128xf32>
    %max3A_119 = arith.maximumf %max3A_103, %select_n3A_118 : vector<512x128xf32>
    %get3A_120 = arith.constant 7 : index
    %get3A_121 = arith.constant 0 : index
    %get3A_122 = arith.constant 0 : index
    %get3A_123 = vector.load %arg2[%get3A_120, %get3A_121, %get3A_122] : memref<16x512x72xf32, #tpu.memory_space<vmem>>, vector<1x512x72xf32>
    %get3A_124 = vector.shape_cast %get3A_123 : vector<1x512x72xf32> to vector<512x72xf32>
    %dot_general3A_125 = arith.constant dense<0.000000e+00> : vector<512x128xf32>
    %dot_general3A_126 = tpu.matmul %get3A_124, %get3A_12, %dot_general3A_125 {dimension_numbers = #tpu.dot_dimension_numbers<[1], [0], [0], [1], [0, 0, 1, 1], [], []>, transpose_lhs_hint = false} : vector<512x72xf32>, vector<72x128xf32>, vector<512x128xf32> -> vector<512x128xf32>
    %add3A_127 = arith.addf %dot_general3A_126, %add3A_9 : vector<512x128xf32>
    %gt3A_128 = arith.constant 0.000000e+00 : f32
    %gt3A_129 = vector.broadcast %gt3A_128 : f32 to vector<512x128xf32>
    %gt3A_130 = arith.cmpf ogt, %add3A_127, %gt3A_129 : vector<512x128xf32>
    %mul3A_131 = arith.constant 2.000000e-01 : f32
    %mul3A_132 = vector.broadcast %mul3A_131 : f32 to vector<512x128xf32>
    %mul3A_133 = arith.mulf %mul3A_132, %add3A_127 : vector<512x128xf32>
    %select_n3A_134 = arith.select %gt3A_130, %add3A_127, %mul3A_133 : vector<512x128xi1>, vector<512x128xf32>
    %max3A_135 = arith.maximumf %max3A_119, %select_n3A_134 : vector<512x128xf32>
    %get3A_136 = arith.constant 8 : index
    %get3A_137 = arith.constant 0 : index
    %get3A_138 = arith.constant 0 : index
    %get3A_139 = vector.load %arg2[%get3A_136, %get3A_137, %get3A_138] : memref<16x512x72xf32, #tpu.memory_space<vmem>>, vector<1x512x72xf32>
    %get3A_140 = vector.shape_cast %get3A_139 : vector<1x512x72xf32> to vector<512x72xf32>
    %dot_general3A_141 = arith.constant dense<0.000000e+00> : vector<512x128xf32>
    %dot_general3A_142 = tpu.matmul %get3A_140, %get3A_12, %dot_general3A_141 {dimension_numbers = #tpu.dot_dimension_numbers<[1], [0], [0], [1], [0, 0, 1, 1], [], []>, transpose_lhs_hint = false} : vector<512x72xf32>, vector<72x128xf32>, vector<512x128xf32> -> vector<512x128xf32>
    %add3A_143 = arith.addf %dot_general3A_142, %add3A_9 : vector<512x128xf32>
    %gt3A_144 = arith.constant 0.000000e+00 : f32
    %gt3A_145 = vector.broadcast %gt3A_144 : f32 to vector<512x128xf32>
    %gt3A_146 = arith.cmpf ogt, %add3A_143, %gt3A_145 : vector<512x128xf32>
    %mul3A_147 = arith.constant 2.000000e-01 : f32
    %mul3A_148 = vector.broadcast %mul3A_147 : f32 to vector<512x128xf32>
    %mul3A_149 = arith.mulf %mul3A_148, %add3A_143 : vector<512x128xf32>
    %select_n3A_150 = arith.select %gt3A_146, %add3A_143, %mul3A_149 : vector<512x128xi1>, vector<512x128xf32>
    %max3A_151 = arith.maximumf %max3A_135, %select_n3A_150 : vector<512x128xf32>
    %get3A_152 = arith.constant 9 : index
    %get3A_153 = arith.constant 0 : index
    %get3A_154 = arith.constant 0 : index
    %get3A_155 = vector.load %arg2[%get3A_152, %get3A_153, %get3A_154] : memref<16x512x72xf32, #tpu.memory_space<vmem>>, vector<1x512x72xf32>
    %get3A_156 = vector.shape_cast %get3A_155 : vector<1x512x72xf32> to vector<512x72xf32>
    %dot_general3A_157 = arith.constant dense<0.000000e+00> : vector<512x128xf32>
    %dot_general3A_158 = tpu.matmul %get3A_156, %get3A_12, %dot_general3A_157 {dimension_numbers = #tpu.dot_dimension_numbers<[1], [0], [0], [1], [0, 0, 1, 1], [], []>, transpose_lhs_hint = false} : vector<512x72xf32>, vector<72x128xf32>, vector<512x128xf32> -> vector<512x128xf32>
    %add3A_159 = arith.addf %dot_general3A_158, %add3A_9 : vector<512x128xf32>
    %gt3A_160 = arith.constant 0.000000e+00 : f32
    %gt3A_161 = vector.broadcast %gt3A_160 : f32 to vector<512x128xf32>
    %gt3A_162 = arith.cmpf ogt, %add3A_159, %gt3A_161 : vector<512x128xf32>
    %mul3A_163 = arith.constant 2.000000e-01 : f32
    %mul3A_164 = vector.broadcast %mul3A_163 : f32 to vector<512x128xf32>
    %mul3A_165 = arith.mulf %mul3A_164, %add3A_159 : vector<512x128xf32>
    %select_n3A_166 = arith.select %gt3A_162, %add3A_159, %mul3A_165 : vector<512x128xi1>, vector<512x128xf32>
    %max3A_167 = arith.maximumf %max3A_151, %select_n3A_166 : vector<512x128xf32>
    %get3A_168 = arith.constant 10 : index
    %get3A_169 = arith.constant 0 : index
    %get3A_170 = arith.constant 0 : index
    %get3A_171 = vector.load %arg2[%get3A_168, %get3A_169, %get3A_170] : memref<16x512x72xf32, #tpu.memory_space<vmem>>, vector<1x512x72xf32>
    %get3A_172 = vector.shape_cast %get3A_171 : vector<1x512x72xf32> to vector<512x72xf32>
    %dot_general3A_173 = arith.constant dense<0.000000e+00> : vector<512x128xf32>
    %dot_general3A_174 = tpu.matmul %get3A_172, %get3A_12, %dot_general3A_173 {dimension_numbers = #tpu.dot_dimension_numbers<[1], [0], [0], [1], [0, 0, 1, 1], [], []>, transpose_lhs_hint = false} : vector<512x72xf32>, vector<72x128xf32>, vector<512x128xf32> -> vector<512x128xf32>
    %add3A_175 = arith.addf %dot_general3A_174, %add3A_9 : vector<512x128xf32>
    %gt3A_176 = arith.constant 0.000000e+00 : f32
    %gt3A_177 = vector.broadcast %gt3A_176 : f32 to vector<512x128xf32>
    %gt3A_178 = arith.cmpf ogt, %add3A_175, %gt3A_177 : vector<512x128xf32>
    %mul3A_179 = arith.constant 2.000000e-01 : f32
    %mul3A_180 = vector.broadcast %mul3A_179 : f32 to vector<512x128xf32>
    %mul3A_181 = arith.mulf %mul3A_180, %add3A_175 : vector<512x128xf32>
    %select_n3A_182 = arith.select %gt3A_178, %add3A_175, %mul3A_181 : vector<512x128xi1>, vector<512x128xf32>
    %max3A_183 = arith.maximumf %max3A_167, %select_n3A_182 : vector<512x128xf32>
    %get3A_184 = arith.constant 11 : index
    %get3A_185 = arith.constant 0 : index
    %get3A_186 = arith.constant 0 : index
    %get3A_187 = vector.load %arg2[%get3A_184, %get3A_185, %get3A_186] : memref<16x512x72xf32, #tpu.memory_space<vmem>>, vector<1x512x72xf32>
    %get3A_188 = vector.shape_cast %get3A_187 : vector<1x512x72xf32> to vector<512x72xf32>
    %dot_general3A_189 = arith.constant dense<0.000000e+00> : vector<512x128xf32>
    %dot_general3A_190 = tpu.matmul %get3A_188, %get3A_12, %dot_general3A_189 {dimension_numbers = #tpu.dot_dimension_numbers<[1], [0], [0], [1], [0, 0, 1, 1], [], []>, transpose_lhs_hint = false} : vector<512x72xf32>, vector<72x128xf32>, vector<512x128xf32> -> vector<512x128xf32>
    %add3A_191 = arith.addf %dot_general3A_190, %add3A_9 : vector<512x128xf32>
    %gt3A_192 = arith.constant 0.000000e+00 : f32
    %gt3A_193 = vector.broadcast %gt3A_192 : f32 to vector<512x128xf32>
    %gt3A_194 = arith.cmpf ogt, %add3A_191, %gt3A_193 : vector<512x128xf32>
    %mul3A_195 = arith.constant 2.000000e-01 : f32
    %mul3A_196 = vector.broadcast %mul3A_195 : f32 to vector<512x128xf32>
    %mul3A_197 = arith.mulf %mul3A_196, %add3A_191 : vector<512x128xf32>
    %select_n3A_198 = arith.select %gt3A_194, %add3A_191, %mul3A_197 : vector<512x128xi1>, vector<512x128xf32>
    %max3A_199 = arith.maximumf %max3A_183, %select_n3A_198 : vector<512x128xf32>
    %get3A_200 = arith.constant 12 : index
    %get3A_201 = arith.constant 0 : index
    %get3A_202 = arith.constant 0 : index
    %get3A_203 = vector.load %arg2[%get3A_200, %get3A_201, %get3A_202] : memref<16x512x72xf32, #tpu.memory_space<vmem>>, vector<1x512x72xf32>
    %get3A_204 = vector.shape_cast %get3A_203 : vector<1x512x72xf32> to vector<512x72xf32>
    %dot_general3A_205 = arith.constant dense<0.000000e+00> : vector<512x128xf32>
    %dot_general3A_206 = tpu.matmul %get3A_204, %get3A_12, %dot_general3A_205 {dimension_numbers = #tpu.dot_dimension_numbers<[1], [0], [0], [1], [0, 0, 1, 1], [], []>, transpose_lhs_hint = false} : vector<512x72xf32>, vector<72x128xf32>, vector<512x128xf32> -> vector<512x128xf32>
    %add3A_207 = arith.addf %dot_general3A_206, %add3A_9 : vector<512x128xf32>
    %gt3A_208 = arith.constant 0.000000e+00 : f32
    %gt3A_209 = vector.broadcast %gt3A_208 : f32 to vector<512x128xf32>
    %gt3A_210 = arith.cmpf ogt, %add3A_207, %gt3A_209 : vector<512x128xf32>
    %mul3A_211 = arith.constant 2.000000e-01 : f32
    %mul3A_212 = vector.broadcast %mul3A_211 : f32 to vector<512x128xf32>
    %mul3A_213 = arith.mulf %mul3A_212, %add3A_207 : vector<512x128xf32>
    %select_n3A_214 = arith.select %gt3A_210, %add3A_207, %mul3A_213 : vector<512x128xi1>, vector<512x128xf32>
    %max3A_215 = arith.maximumf %max3A_199, %select_n3A_214 : vector<512x128xf32>
    %get3A_216 = arith.constant 13 : index
    %get3A_217 = arith.constant 0 : index
    %get3A_218 = arith.constant 0 : index
    %get3A_219 = vector.load %arg2[%get3A_216, %get3A_217, %get3A_218] : memref<16x512x72xf32, #tpu.memory_space<vmem>>, vector<1x512x72xf32>
    %get3A_220 = vector.shape_cast %get3A_219 : vector<1x512x72xf32> to vector<512x72xf32>
    %dot_general3A_221 = arith.constant dense<0.000000e+00> : vector<512x128xf32>
    %dot_general3A_222 = tpu.matmul %get3A_220, %get3A_12, %dot_general3A_221 {dimension_numbers = #tpu.dot_dimension_numbers<[1], [0], [0], [1], [0, 0, 1, 1], [], []>, transpose_lhs_hint = false} : vector<512x72xf32>, vector<72x128xf32>, vector<512x128xf32> -> vector<512x128xf32>
    %add3A_223 = arith.addf %dot_general3A_222, %add3A_9 : vector<512x128xf32>
    %gt3A_224 = arith.constant 0.000000e+00 : f32
    %gt3A_225 = vector.broadcast %gt3A_224 : f32 to vector<512x128xf32>
    %gt3A_226 = arith.cmpf ogt, %add3A_223, %gt3A_225 : vector<512x128xf32>
    %mul3A_227 = arith.constant 2.000000e-01 : f32
    %mul3A_228 = vector.broadcast %mul3A_227 : f32 to vector<512x128xf32>
    %mul3A_229 = arith.mulf %mul3A_228, %add3A_223 : vector<512x128xf32>
    %select_n3A_230 = arith.select %gt3A_226, %add3A_223, %mul3A_229 : vector<512x128xi1>, vector<512x128xf32>
    %max3A_231 = arith.maximumf %max3A_215, %select_n3A_230 : vector<512x128xf32>
    %get3A_232 = arith.constant 14 : index
    %get3A_233 = arith.constant 0 : index
    %get3A_234 = arith.constant 0 : index
    %get3A_235 = vector.load %arg2[%get3A_232, %get3A_233, %get3A_234] : memref<16x512x72xf32, #tpu.memory_space<vmem>>, vector<1x512x72xf32>
    %get3A_236 = vector.shape_cast %get3A_235 : vector<1x512x72xf32> to vector<512x72xf32>
    %dot_general3A_237 = arith.constant dense<0.000000e+00> : vector<512x128xf32>
    %dot_general3A_238 = tpu.matmul %get3A_236, %get3A_12, %dot_general3A_237 {dimension_numbers = #tpu.dot_dimension_numbers<[1], [0], [0], [1], [0, 0, 1, 1], [], []>, transpose_lhs_hint = false} : vector<512x72xf32>, vector<72x128xf32>, vector<512x128xf32> -> vector<512x128xf32>
    %add3A_239 = arith.addf %dot_general3A_238, %add3A_9 : vector<512x128xf32>
    %gt3A_240 = arith.constant 0.000000e+00 : f32
    %gt3A_241 = vector.broadcast %gt3A_240 : f32 to vector<512x128xf32>
    %gt3A_242 = arith.cmpf ogt, %add3A_239, %gt3A_241 : vector<512x128xf32>
    %mul3A_243 = arith.constant 2.000000e-01 : f32
    %mul3A_244 = vector.broadcast %mul3A_243 : f32 to vector<512x128xf32>
    %mul3A_245 = arith.mulf %mul3A_244, %add3A_239 : vector<512x128xf32>
    %select_n3A_246 = arith.select %gt3A_242, %add3A_239, %mul3A_245 : vector<512x128xi1>, vector<512x128xf32>
    %max3A_247 = arith.maximumf %max3A_231, %select_n3A_246 : vector<512x128xf32>
    %get3A_248 = arith.constant 15 : index
    %get3A_249 = arith.constant 0 : index
    %get3A_250 = arith.constant 0 : index
    %get3A_251 = vector.load %arg2[%get3A_248, %get3A_249, %get3A_250] : memref<16x512x72xf32, #tpu.memory_space<vmem>>, vector<1x512x72xf32>
    %get3A_252 = vector.shape_cast %get3A_251 : vector<1x512x72xf32> to vector<512x72xf32>
    %dot_general3A_253 = arith.constant dense<0.000000e+00> : vector<512x128xf32>
    %dot_general3A_254 = tpu.matmul %get3A_252, %get3A_12, %dot_general3A_253 {dimension_numbers = #tpu.dot_dimension_numbers<[1], [0], [0], [1], [0, 0, 1, 1], [], []>, transpose_lhs_hint = false} : vector<512x72xf32>, vector<72x128xf32>, vector<512x128xf32> -> vector<512x128xf32>
    %add3A_255 = arith.addf %dot_general3A_254, %add3A_9 : vector<512x128xf32>
    %gt3A_256 = arith.constant 0.000000e+00 : f32
    %gt3A_257 = vector.broadcast %gt3A_256 : f32 to vector<512x128xf32>
    %gt3A_258 = arith.cmpf ogt, %add3A_255, %gt3A_257 : vector<512x128xf32>
    %mul3A_259 = arith.constant 2.000000e-01 : f32
    %mul3A_260 = vector.broadcast %mul3A_259 : f32 to vector<512x128xf32>
    %mul3A_261 = arith.mulf %mul3A_260, %add3A_255 : vector<512x128xf32>
    %select_n3A_262 = arith.select %gt3A_258, %add3A_255, %mul3A_261 : vector<512x128xi1>, vector<512x128xf32>
    %max3A_263 = arith.maximumf %max3A_247, %select_n3A_262 : vector<512x128xf32>
    %swap3A = arith.constant 0 : index
    %swap3A_264 = arith.constant 0 : index
    %swap3A_265 = vector.load %arg6[%swap3A, %swap3A_264] : memref<512x128xf32, #tpu.memory_space<vmem>>, vector<512x128xf32>
    tpu.vector_store %arg6[%swap3A, %swap3A_264], %max3A_263 {strides = array<i32>} : memref<512x128xf32, #tpu.memory_space<vmem>>, vector<512x128xf32>,
    return
  }
  func.func @transform_0(%arg0: i32) -> (i32, i32) {
    %c0_i32 = arith.constant 0 : i32
    %c0_i32_0 = arith.constant 0 : i32
    return %arg0, %c0_i32 : i32, i32
  }
  func.func @transform_1(%arg0: i32) -> (i32, i32, i32) {
    %c0_i32 = arith.constant 0 : i32
    %c0_i32_0 = arith.constant 0 : i32
    %c0_i32_1 = arith.constant 0 : i32
    return %c0_i32, %arg0, %c0_i32_0 : i32, i32, i32
  }
  func.func @transform_2(%arg0: i32) -> (i32, i32) {
    %c0_i32 = arith.constant 0 : i32
    %c0_i32_0 = arith.constant 0 : i32
    %c0_i32_1 = arith.constant 0 : i32
    return %c0_i32, %c0_i32_0 : i32, i32
  }
  func.func @transform_3(%arg0: i32) -> (i32, i32) {
    %c0_i32 = arith.constant 0 : i32
    %c0_i32_0 = arith.constant 0 : i32
    %c0_i32_1 = arith.constant 0 : i32
    return %c0_i32, %c0_i32_0 : i32, i32
  }
  func.func @transform_4(%arg0: i32) -> (i32, i32) {
    %c0_i32 = arith.constant 0 : i32
    %c0_i32_0 = arith.constant 0 : i32
    %c0_i32_1 = arith.constant 0 : i32
    return %c0_i32, %c0_i32_0 : i32, i32
  }
  func.func @transform_5(%arg0: i32) -> (i32, i32) {
    %c0_i32 = arith.constant 0 : i32
    %c0_i32_0 = arith.constant 0 : i32
    return %arg0, %c0_i32 : i32, i32
  }
}

module attributes {stable_mosaic.version = 14 : i64} {
  func.func @body(%arg0: i32, %arg1: memref<512x128xf32, #tpu.memory_space<vmem>>, %arg2: memref<512x256xf32, #tpu.memory_space<vmem>>, %arg3: memref<128x256xf32, #tpu.memory_space<vmem>>, %arg4: memref<1x256xf32, #tpu.memory_space<vmem>>, %arg5: memref<256x1xf32, #tpu.memory_space<vmem>>, %arg6: memref<1x1xf32, #tpu.memory_space<vmem>>, %arg7: memref<512x256xf32, #tpu.memory_space<vmem>>, %arg8: memref<512x1xf32, #tpu.memory_space<vmem>>) attributes {dimension_semantics = [#tpu.dimension_semantics<arbitrary>], iteration_bounds = array<i64: 5>, scalar_prefetch = 0 : i64, scratch_operands = 0 : i64, tpu.core_type = #tpu.core_type<tc>, window_params = [{transform_indices = @transform_0, window_bounds = array<i64: 512, 128>}, {transform_indices = @transform_1, window_bounds = array<i64: 512, 256>}, {pipeline_mode = #tpu.pipeline_mode<synchronous>, transform_indices = @transform_2, window_bounds = array<i64: 128, 256>}, {pipeline_mode = #tpu.pipeline_mode<synchronous>, transform_indices = @transform_3, window_bounds = array<i64: 1, 256>}, {pipeline_mode = #tpu.pipeline_mode<synchronous>, transform_indices = @transform_4, window_bounds = array<i64: 256, 1>}, {pipeline_mode = #tpu.pipeline_mode<synchronous>, transform_indices = @transform_5, window_bounds = array<i64: 1, 1>}, {transform_indices = @transform_6, window_bounds = array<i64: 512, 256>}, {transform_indices = @transform_7, window_bounds = array<i64: 512, 1>}]} {
    %get3A = arith.constant 0 : index
    %get3A_0 = arith.constant 0 : index
    %get3A_1 = vector.load %arg1[%get3A, %get3A_0] : memref<512x128xf32, #tpu.memory_space<vmem>>, vector<512x128xf32>
    %get3A_2 = arith.constant 0 : index
    %get3A_3 = arith.constant 0 : index
    %get3A_4 = vector.load %arg3[%get3A_2, %get3A_3] : memref<128x256xf32, #tpu.memory_space<vmem>>, vector<128x256xf32>
    %dot_general3A = arith.constant dense<0.000000e+00> : vector<512x256xf32>
    %dot_general3A_5 = tpu.matmul %get3A_1, %get3A_4, %dot_general3A {dimension_numbers = #tpu.dot_dimension_numbers<[1], [0], [0], [1], [0, 0, 1, 1], [], []>, transpose_lhs_hint = false} : vector<512x128xf32>, vector<128x256xf32>, vector<512x256xf32> -> vector<512x256xf32>
    %get3A_6 = arith.constant 0 : index
    %get3A_7 = arith.constant 0 : index
    %get3A_8 = vector.load %arg4[%get3A_6, %get3A_7] : memref<1x256xf32, #tpu.memory_space<vmem>>, vector<1x256xf32>
    %add3A = vector.broadcast %get3A_8 : vector<1x256xf32> to vector<512x256xf32>
    %add3A_9 = arith.addf %dot_general3A_5, %add3A : vector<512x256xf32>
    %get3A_10 = arith.constant 0 : index
    %get3A_11 = arith.constant 0 : index
    %get3A_12 = vector.load %arg2[%get3A_10, %get3A_11] : memref<512x256xf32, #tpu.memory_space<vmem>>, vector<512x256xf32>
    %add3A_13 = arith.addf %add3A_9, %get3A_12 : vector<512x256xf32>
    %gt3A = arith.constant 0.000000e+00 : f32
    %gt3A_14 = vector.broadcast %gt3A : f32 to vector<512x256xf32>
    %gt3A_15 = arith.cmpf ogt, %add3A_13, %gt3A_14 : vector<512x256xf32>
    %mul3A = arith.constant 2.000000e-01 : f32
    %mul3A_16 = vector.broadcast %mul3A : f32 to vector<512x256xf32>
    %mul3A_17 = arith.mulf %mul3A_16, %add3A_13 : vector<512x256xf32>
    %select_n3A = arith.select %gt3A_15, %add3A_13, %mul3A_17 : vector<512x256xi1>, vector<512x256xf32>
    %swap3A = arith.constant 0 : index
    %swap3A_18 = arith.constant 0 : index
    %swap3A_19 = vector.load %arg7[%swap3A, %swap3A_18] : memref<512x256xf32, #tpu.memory_space<vmem>>, vector<512x256xf32>
    tpu.vector_store %arg7[%swap3A, %swap3A_18], %select_n3A {strides = array<i32>} : memref<512x256xf32, #tpu.memory_space<vmem>>, vector<512x256xf32>,
    %get3A_20 = arith.constant 0 : index
    %get3A_21 = arith.constant 0 : index
    %get3A_22 = vector.load %arg5[%get3A_20, %get3A_21] : memref<256x1xf32, #tpu.memory_space<vmem>>, vector<256x1xf32>
    %dot_general3A_23 = arith.constant dense<0.000000e+00> : vector<512x1xf32>
    %dot_general3A_24 = tpu.matmul %select_n3A, %get3A_22, %dot_general3A_23 {dimension_numbers = #tpu.dot_dimension_numbers<[1], [0], [0], [1], [0, 0, 1, 1], [], []>, transpose_lhs_hint = false} : vector<512x256xf32>, vector<256x1xf32>, vector<512x1xf32> -> vector<512x1xf32>
    %get3A_25 = arith.constant 0 : index
    %get3A_26 = arith.constant 0 : index
    %get3A_27 = vector.load %arg6[%get3A_25, %get3A_26] : memref<1x1xf32, #tpu.memory_space<vmem>>, vector<1x1xf32>
    %get3A_28 = vector.extract %get3A_27[0, 0] : f32 from vector<1x1xf32>
    %div3A = vector.broadcast %get3A_28 : f32 to vector<512x1xf32>
    %div3A_29 = arith.divf %dot_general3A_24, %div3A : vector<512x1xf32>
    %swap3A_30 = arith.constant 0 : index
    %swap3A_31 = arith.constant 0 : index
    %swap3A_32 = vector.load %arg8[%swap3A_30, %swap3A_31] : memref<512x1xf32, #tpu.memory_space<vmem>>, vector<512x1xf32>
    tpu.vector_store %arg8[%swap3A_30, %swap3A_31], %div3A_29 {strides = array<i32>} : memref<512x1xf32, #tpu.memory_space<vmem>>, vector<512x1xf32>,
    return
  }
  func.func @transform_0(%arg0: i32) -> (i32, i32) {
    %c0_i32 = arith.constant 0 : i32
    %c0_i32_0 = arith.constant 0 : i32
    return %arg0, %c0_i32 : i32, i32
  }
  func.func @transform_1(%arg0: i32) -> (i32, i32) {
    %c0_i32 = arith.constant 0 : i32
    %c0_i32_0 = arith.constant 0 : i32
    return %arg0, %c0_i32 : i32, i32
  }
  func.func @transform_2(%arg0: i32) -> (i32, i32) {
    %c0_i32 = arith.constant 0 : i32
    %c0_i32_0 = arith.constant 0 : i32
    %c0_i32_1 = arith.constant 0 : i32
    return %c0_i32, %c0_i32_0 : i32, i32
  }
  func.func @transform_3(%arg0: i32) -> (i32, i32) {
    %c0_i32 = arith.constant 0 : i32
    %c0_i32_0 = arith.constant 0 : i32
    %c0_i32_1 = arith.constant 0 : i32
    return %c0_i32, %c0_i32_0 : i32, i32
  }
  func.func @transform_4(%arg0: i32) -> (i32, i32) {
    %c0_i32 = arith.constant 0 : i32
    %c0_i32_0 = arith.constant 0 : i32
    %c0_i32_1 = arith.constant 0 : i32
    return %c0_i32, %c0_i32_0 : i32, i32
  }
  func.func @transform_5(%arg0: i32) -> (i32, i32) {
    %c0_i32 = arith.constant 0 : i32
    %c0_i32_0 = arith.constant 0 : i32
    %c0_i32_1 = arith.constant 0 : i32
    return %c0_i32, %c0_i32_0 : i32, i32
  }
  func.func @transform_6(%arg0: i32) -> (i32, i32) {
    %c0_i32 = arith.constant 0 : i32
    %c0_i32_0 = arith.constant 0 : i32
    return %arg0, %c0_i32 : i32, i32
  }
  func.func @transform_7(%arg0: i32) -> (i32, i32) {
    %c0_i32 = arith.constant 0 : i32
    %c0_i32_0 = arith.constant 0 : i32
    return %arg0, %c0_i32 : i32, i32
  }
}

module attributes {stable_mosaic.version = 14 : i64} {
  func.func @body(%arg0: i32, %arg1: memref<256x1xi32, #tpu.memory_space<vmem>>, %arg2: memref<2500x260xf32, #tpu.memory_space<vmem>>, %arg3: memref<256x260xf32, #tpu.memory_space<vmem>>) attributes {dimension_semantics = [#tpu.dimension_semantics<arbitrary>], iteration_bounds = array<i64: 3>, scalar_prefetch = 0 : i64, scratch_operands = 0 : i64, tpu.core_type = #tpu.core_type<tc>, window_params = [{transform_indices = @transform_0, window_bounds = array<i64: 256, 1>}, {pipeline_mode = #tpu.pipeline_mode<synchronous>, transform_indices = @transform_1, window_bounds = array<i64: 2500, 260>}, {transform_indices = @transform_2, window_bounds = array<i64: 256, 260>}]} {
    %get3A = arith.constant 0 : index
    %get3A_0 = arith.constant 0 : index
    %get3A_1 = vector.load %arg1[%get3A, %get3A_0] : memref<256x1xi32, #tpu.memory_space<vmem>>, vector<256x1xi32>
    %iota3A = tpu.iota {dimensions = array<i32: 1>} : vector<256x2500xi32>
    %eq3A = vector.broadcast %get3A_1 : vector<256x1xi32> to vector<256x2500xi32>
    %eq3A_2 = arith.cmpi eq, %iota3A, %eq3A : vector<256x2500xi32>
    %convert_element_type3A = arith.extui %eq3A_2 : vector<256x2500xi1> to vector<256x2500xi32>
    %convert_element_type3A_3 = arith.sitofp %convert_element_type3A : vector<256x2500xi32> to vector<256x2500xf32>
    %get3A_4 = arith.constant 0 : index
    %get3A_5 = arith.constant 0 : index
    %get3A_6 = vector.load %arg2[%get3A_4, %get3A_5] : memref<2500x260xf32, #tpu.memory_space<vmem>>, vector<2500x260xf32>
    %dot_general3A = arith.constant dense<0.000000e+00> : vector<256x260xf32>
    %dot_general3A_7 = tpu.matmul %convert_element_type3A_3, %get3A_6, %dot_general3A {dimension_numbers = #tpu.dot_dimension_numbers<[1], [0], [0], [1], [0, 0, 1, 1], [], []>, transpose_lhs_hint = false} : vector<256x2500xf32>, vector<2500x260xf32>, vector<256x260xf32> -> vector<256x260xf32>
    %swap3A = arith.constant 0 : index
    %swap3A_8 = arith.constant 0 : index
    %swap3A_9 = vector.load %arg3[%swap3A, %swap3A_8] : memref<256x260xf32, #tpu.memory_space<vmem>>, vector<256x260xf32>
    tpu.vector_store %arg3[%swap3A, %swap3A_8], %dot_general3A_7 {strides = array<i32>} : memref<256x260xf32, #tpu.memory_space<vmem>>, vector<256x260xf32>,
    return
  }
  func.func @transform_0(%arg0: i32) -> (i32, i32) {
    %c0_i32 = arith.constant 0 : i32
    %c0_i32_0 = arith.constant 0 : i32
    return %arg0, %c0_i32 : i32, i32
  }
  func.func @transform_1(%arg0: i32) -> (i32, i32) {
    %c0_i32 = arith.constant 0 : i32
    %c0_i32_0 = arith.constant 0 : i32
    %c0_i32_1 = arith.constant 0 : i32
    return %c0_i32, %c0_i32_0 : i32, i32
  }
  func.func @transform_2(%arg0: i32) -> (i32, i32) {
    %c0_i32 = arith.constant 0 : i32
    %c0_i32_0 = arith.constant 0 : i32
    return %arg0, %c0_i32 : i32, i32
  }
}

module attributes {stable_mosaic.version = 14 : i64} {
  func.func @body(%arg0: i32, %arg1: memref<625x8xf32, #tpu.memory_space<vmem>>, %arg2: memref<8x256xf32, #tpu.memory_space<vmem>>, %arg3: memref<16x256xi32, #tpu.memory_space<vmem>>) attributes {dimension_semantics = [#tpu.dimension_semantics<arbitrary>], iteration_bounds = array<i64: 3>, scalar_prefetch = 0 : i64, scratch_operands = 0 : i64, tpu.core_type = #tpu.core_type<tc>, window_params = [{pipeline_mode = #tpu.pipeline_mode<synchronous>, transform_indices = @transform_0, window_bounds = array<i64: 625, 8>}, {transform_indices = @transform_1, window_bounds = array<i64: 8, 256>}, {transform_indices = @transform_2, window_bounds = array<i64: 16, 256>}]} {
    %get3A = arith.constant 0 : index
    %get3A_0 = arith.constant 0 : index
    %get3A_1 = vector.load %arg1[%get3A, %get3A_0] : memref<625x8xf32, #tpu.memory_space<vmem>>, vector<625x8xf32>
    %mul3A = arith.mulf %get3A_1, %get3A_1 : vector<625x8xf32>
    %reduce_sum3A = arith.constant dense<0.000000e+00> : vector<625xf32>
    %reduce_sum3A_2 = vector.multi_reduction <add>, %mul3A, %reduce_sum3A [1] : vector<625x8xf32> to vector<625xf32>
    %broadcast_in_dim3A = vector.shape_cast %reduce_sum3A_2 : vector<625xf32> to vector<625x1xf32>
    %get3A_3 = arith.constant 0 : index
    %get3A_4 = arith.constant 0 : index
    %get3A_5 = vector.load %arg2[%get3A_3, %get3A_4] : memref<8x256xf32, #tpu.memory_space<vmem>>, vector<8x256xf32>
    %mul3A_6 = arith.mulf %get3A_5, %get3A_5 : vector<8x256xf32>
    %reduce_sum3A_7 = arith.constant dense<0.000000e+00> : vector<256xf32>
    %reduce_sum3A_8 = vector.multi_reduction <add>, %mul3A_6, %reduce_sum3A_7 [0] : vector<8x256xf32> to vector<256xf32>
    %broadcast_in_dim3A_9 = vector.shape_cast %reduce_sum3A_8 : vector<256xf32> to vector<1x256xf32>
    %dot_general3A = arith.constant dense<0.000000e+00> : vector<625x256xf32>
    %dot_general3A_10 = tpu.matmul %get3A_1, %get3A_5, %dot_general3A {dimension_numbers = #tpu.dot_dimension_numbers<[1], [0], [0], [1], [0, 0, 1, 1], [], []>, transpose_lhs_hint = false} : vector<625x8xf32>, vector<8x256xf32>, vector<625x256xf32> -> vector<625x256xf32>
    %mul3A_11 = arith.constant 2.000000e+00 : f32
    %mul3A_12 = vector.broadcast %mul3A_11 : f32 to vector<625x256xf32>
    %mul3A_13 = arith.mulf %mul3A_12, %dot_general3A_10 : vector<625x256xf32>
    %sub3A = vector.broadcast %broadcast_in_dim3A_9 : vector<1x256xf32> to vector<625x256xf32>
    %sub3A_14 = arith.subf %sub3A, %mul3A_13 : vector<625x256xf32>
    %add3A = vector.broadcast %broadcast_in_dim3A : vector<625x1xf32> to vector<625x256xf32>
    %add3A_15 = arith.addf %sub3A_14, %add3A : vector<625x256xf32>
    %iota3A = tpu.iota {dimensions = array<i32: 0>} : vector<625x256xi32>
    %argmin3A = tpu.reduce_index %add3A_15 {axis = 0 : i32, kind = #tpu.reduction_kind<arg_min>} : vector<625x256xf32> -> vector<256xi32>
    %swap3A = arith.constant 0 : index
    %swap3A_16 = arith.constant 0 : index
    %swap3A_17 = vector.load %arg3[%swap3A, %swap3A_16] : memref<16x256xi32, #tpu.memory_space<vmem>>, vector<1x256xi32>
    %swap3A_18 = vector.shape_cast %swap3A_17 : vector<1x256xi32> to vector<256xi32>
    %swap3A_19 = vector.shape_cast %argmin3A : vector<256xi32> to vector<1x256xi32>
    tpu.vector_store %arg3[%swap3A, %swap3A_16], %swap3A_19 {strides = array<i32>} : memref<16x256xi32, #tpu.memory_space<vmem>>, vector<1x256xi32>,
    %broadcast_in_dim3A_20 = vector.shape_cast %argmin3A : vector<256xi32> to vector<1x256xi32>
    %eq3A = vector.broadcast %broadcast_in_dim3A_20 : vector<1x256xi32> to vector<625x256xi32>
    %eq3A_21 = arith.cmpi eq, %iota3A, %eq3A : vector<625x256xi32>
    %jit3A = arith.constant 0x7F800000 : f32
    %broadcast_in_dim3A_22 = vector.broadcast %jit3A : f32 to vector<625x256xf32>
    %select_n3A = arith.select %eq3A_21, %broadcast_in_dim3A_22, %add3A_15 : vector<625x256xi1>, vector<625x256xf32>
    %argmin3A_23 = tpu.reduce_index %select_n3A {axis = 0 : i32, kind = #tpu.reduction_kind<arg_min>} : vector<625x256xf32> -> vector<256xi32>
    %swap3A_24 = arith.constant 1 : index
    %swap3A_25 = arith.constant 0 : index
    %swap3A_26 = vector.load %arg3[%swap3A_24, %swap3A_25] : memref<16x256xi32, #tpu.memory_space<vmem>>, vector<1x256xi32>
    %swap3A_27 = vector.shape_cast %swap3A_26 : vector<1x256xi32> to vector<256xi32>
    %swap3A_28 = vector.shape_cast %argmin3A_23 : vector<256xi32> to vector<1x256xi32>
    tpu.vector_store %arg3[%swap3A_24, %swap3A_25], %swap3A_28 {strides = array<i32>} : memref<16x256xi32, #tpu.memory_space<vmem>>, vector<1x256xi32>,
    %broadcast_in_dim3A_29 = vector.shape_cast %argmin3A_23 : vector<256xi32> to vector<1x256xi32>
    %eq3A_30 = vector.broadcast %broadcast_in_dim3A_29 : vector<1x256xi32> to vector<625x256xi32>
    %eq3A_31 = arith.cmpi eq, %iota3A, %eq3A_30 : vector<625x256xi32>
    %jit3A_32 = arith.constant 0x7F800000 : f32
    %broadcast_in_dim3A_33 = vector.broadcast %jit3A_32 : f32 to vector<625x256xf32>
    %select_n3A_34 = arith.select %eq3A_31, %broadcast_in_dim3A_33, %select_n3A : vector<625x256xi1>, vector<625x256xf32>
    %argmin3A_35 = tpu.reduce_index %select_n3A_34 {axis = 0 : i32, kind = #tpu.reduction_kind<arg_min>} : vector<625x256xf32> -> vector<256xi32>
    %swap3A_36 = arith.constant 2 : index
    %swap3A_37 = arith.constant 0 : index
    %swap3A_38 = vector.load %arg3[%swap3A_36, %swap3A_37] : memref<16x256xi32, #tpu.memory_space<vmem>>, vector<1x256xi32>
    %swap3A_39 = vector.shape_cast %swap3A_38 : vector<1x256xi32> to vector<256xi32>
    %swap3A_40 = vector.shape_cast %argmin3A_35 : vector<256xi32> to vector<1x256xi32>
    tpu.vector_store %arg3[%swap3A_36, %swap3A_37], %swap3A_40 {strides = array<i32>} : memref<16x256xi32, #tpu.memory_space<vmem>>, vector<1x256xi32>,
    %broadcast_in_dim3A_41 = vector.shape_cast %argmin3A_35 : vector<256xi32> to vector<1x256xi32>
    %eq3A_42 = vector.broadcast %broadcast_in_dim3A_41 : vector<1x256xi32> to vector<625x256xi32>
    %eq3A_43 = arith.cmpi eq, %iota3A, %eq3A_42 : vector<625x256xi32>
    %jit3A_44 = arith.constant 0x7F800000 : f32
    %broadcast_in_dim3A_45 = vector.broadcast %jit3A_44 : f32 to vector<625x256xf32>
    %select_n3A_46 = arith.select %eq3A_43, %broadcast_in_dim3A_45, %select_n3A_34 : vector<625x256xi1>, vector<625x256xf32>
    %argmin3A_47 = tpu.reduce_index %select_n3A_46 {axis = 0 : i32, kind = #tpu.reduction_kind<arg_min>} : vector<625x256xf32> -> vector<256xi32>
    %swap3A_48 = arith.constant 3 : index
    %swap3A_49 = arith.constant 0 : index
    %swap3A_50 = vector.load %arg3[%swap3A_48, %swap3A_49] : memref<16x256xi32, #tpu.memory_space<vmem>>, vector<1x256xi32>
    %swap3A_51 = vector.shape_cast %swap3A_50 : vector<1x256xi32> to vector<256xi32>
    %swap3A_52 = vector.shape_cast %argmin3A_47 : vector<256xi32> to vector<1x256xi32>
    tpu.vector_store %arg3[%swap3A_48, %swap3A_49], %swap3A_52 {strides = array<i32>} : memref<16x256xi32, #tpu.memory_space<vmem>>, vector<1x256xi32>,
    %broadcast_in_dim3A_53 = vector.shape_cast %argmin3A_47 : vector<256xi32> to vector<1x256xi32>
    %eq3A_54 = vector.broadcast %broadcast_in_dim3A_53 : vector<1x256xi32> to vector<625x256xi32>
    %eq3A_55 = arith.cmpi eq, %iota3A, %eq3A_54 : vector<625x256xi32>
    %jit3A_56 = arith.constant 0x7F800000 : f32
    %broadcast_in_dim3A_57 = vector.broadcast %jit3A_56 : f32 to vector<625x256xf32>
    %select_n3A_58 = arith.select %eq3A_55, %broadcast_in_dim3A_57, %select_n3A_46 : vector<625x256xi1>, vector<625x256xf32>
    %argmin3A_59 = tpu.reduce_index %select_n3A_58 {axis = 0 : i32, kind = #tpu.reduction_kind<arg_min>} : vector<625x256xf32> -> vector<256xi32>
    %swap3A_60 = arith.constant 4 : index
    %swap3A_61 = arith.constant 0 : index
    %swap3A_62 = vector.load %arg3[%swap3A_60, %swap3A_61] : memref<16x256xi32, #tpu.memory_space<vmem>>, vector<1x256xi32>
    %swap3A_63 = vector.shape_cast %swap3A_62 : vector<1x256xi32> to vector<256xi32>
    %swap3A_64 = vector.shape_cast %argmin3A_59 : vector<256xi32> to vector<1x256xi32>
    tpu.vector_store %arg3[%swap3A_60, %swap3A_61], %swap3A_64 {strides = array<i32>} : memref<16x256xi32, #tpu.memory_space<vmem>>, vector<1x256xi32>,
    %broadcast_in_dim3A_65 = vector.shape_cast %argmin3A_59 : vector<256xi32> to vector<1x256xi32>
    %eq3A_66 = vector.broadcast %broadcast_in_dim3A_65 : vector<1x256xi32> to vector<625x256xi32>
    %eq3A_67 = arith.cmpi eq, %iota3A, %eq3A_66 : vector<625x256xi32>
    %jit3A_68 = arith.constant 0x7F800000 : f32
    %broadcast_in_dim3A_69 = vector.broadcast %jit3A_68 : f32 to vector<625x256xf32>
    %select_n3A_70 = arith.select %eq3A_67, %broadcast_in_dim3A_69, %select_n3A_58 : vector<625x256xi1>, vector<625x256xf32>
    %argmin3A_71 = tpu.reduce_index %select_n3A_70 {axis = 0 : i32, kind = #tpu.reduction_kind<arg_min>} : vector<625x256xf32> -> vector<256xi32>
    %swap3A_72 = arith.constant 5 : index
    %swap3A_73 = arith.constant 0 : index
    %swap3A_74 = vector.load %arg3[%swap3A_72, %swap3A_73] : memref<16x256xi32, #tpu.memory_space<vmem>>, vector<1x256xi32>
    %swap3A_75 = vector.shape_cast %swap3A_74 : vector<1x256xi32> to vector<256xi32>
    %swap3A_76 = vector.shape_cast %argmin3A_71 : vector<256xi32> to vector<1x256xi32>
    tpu.vector_store %arg3[%swap3A_72, %swap3A_73], %swap3A_76 {strides = array<i32>} : memref<16x256xi32, #tpu.memory_space<vmem>>, vector<1x256xi32>,
    %broadcast_in_dim3A_77 = vector.shape_cast %argmin3A_71 : vector<256xi32> to vector<1x256xi32>
    %eq3A_78 = vector.broadcast %broadcast_in_dim3A_77 : vector<1x256xi32> to vector<625x256xi32>
    %eq3A_79 = arith.cmpi eq, %iota3A, %eq3A_78 : vector<625x256xi32>
    %jit3A_80 = arith.constant 0x7F800000 : f32
    %broadcast_in_dim3A_81 = vector.broadcast %jit3A_80 : f32 to vector<625x256xf32>
    %select_n3A_82 = arith.select %eq3A_79, %broadcast_in_dim3A_81, %select_n3A_70 : vector<625x256xi1>, vector<625x256xf32>
    %argmin3A_83 = tpu.reduce_index %select_n3A_82 {axis = 0 : i32, kind = #tpu.reduction_kind<arg_min>} : vector<625x256xf32> -> vector<256xi32>
    %swap3A_84 = arith.constant 6 : index
    %swap3A_85 = arith.constant 0 : index
    %swap3A_86 = vector.load %arg3[%swap3A_84, %swap3A_85] : memref<16x256xi32, #tpu.memory_space<vmem>>, vector<1x256xi32>
    %swap3A_87 = vector.shape_cast %swap3A_86 : vector<1x256xi32> to vector<256xi32>
    %swap3A_88 = vector.shape_cast %argmin3A_83 : vector<256xi32> to vector<1x256xi32>
    tpu.vector_store %arg3[%swap3A_84, %swap3A_85], %swap3A_88 {strides = array<i32>} : memref<16x256xi32, #tpu.memory_space<vmem>>, vector<1x256xi32>,
    %broadcast_in_dim3A_89 = vector.shape_cast %argmin3A_83 : vector<256xi32> to vector<1x256xi32>
    %eq3A_90 = vector.broadcast %broadcast_in_dim3A_89 : vector<1x256xi32> to vector<625x256xi32>
    %eq3A_91 = arith.cmpi eq, %iota3A, %eq3A_90 : vector<625x256xi32>
    %jit3A_92 = arith.constant 0x7F800000 : f32
    %broadcast_in_dim3A_93 = vector.broadcast %jit3A_92 : f32 to vector<625x256xf32>
    %select_n3A_94 = arith.select %eq3A_91, %broadcast_in_dim3A_93, %select_n3A_82 : vector<625x256xi1>, vector<625x256xf32>
    %argmin3A_95 = tpu.reduce_index %select_n3A_94 {axis = 0 : i32, kind = #tpu.reduction_kind<arg_min>} : vector<625x256xf32> -> vector<256xi32>
    %swap3A_96 = arith.constant 7 : index
    %swap3A_97 = arith.constant 0 : index
    %swap3A_98 = vector.load %arg3[%swap3A_96, %swap3A_97] : memref<16x256xi32, #tpu.memory_space<vmem>>, vector<1x256xi32>
    %swap3A_99 = vector.shape_cast %swap3A_98 : vector<1x256xi32> to vector<256xi32>
    %swap3A_100 = vector.shape_cast %argmin3A_95 : vector<256xi32> to vector<1x256xi32>
    tpu.vector_store %arg3[%swap3A_96, %swap3A_97], %swap3A_100 {strides = array<i32>} : memref<16x256xi32, #tpu.memory_space<vmem>>, vector<1x256xi32>,
    %broadcast_in_dim3A_101 = vector.shape_cast %argmin3A_95 : vector<256xi32> to vector<1x256xi32>
    %eq3A_102 = vector.broadcast %broadcast_in_dim3A_101 : vector<1x256xi32> to vector<625x256xi32>
    %eq3A_103 = arith.cmpi eq, %iota3A, %eq3A_102 : vector<625x256xi32>
    %jit3A_104 = arith.constant 0x7F800000 : f32
    %broadcast_in_dim3A_105 = vector.broadcast %jit3A_104 : f32 to vector<625x256xf32>
    %select_n3A_106 = arith.select %eq3A_103, %broadcast_in_dim3A_105, %select_n3A_94 : vector<625x256xi1>, vector<625x256xf32>
    %argmin3A_107 = tpu.reduce_index %select_n3A_106 {axis = 0 : i32, kind = #tpu.reduction_kind<arg_min>} : vector<625x256xf32> -> vector<256xi32>
    %swap3A_108 = arith.constant 8 : index
    %swap3A_109 = arith.constant 0 : index
    %swap3A_110 = vector.load %arg3[%swap3A_108, %swap3A_109] : memref<16x256xi32, #tpu.memory_space<vmem>>, vector<1x256xi32>
    %swap3A_111 = vector.shape_cast %swap3A_110 : vector<1x256xi32> to vector<256xi32>
    %swap3A_112 = vector.shape_cast %argmin3A_107 : vector<256xi32> to vector<1x256xi32>
    tpu.vector_store %arg3[%swap3A_108, %swap3A_109], %swap3A_112 {strides = array<i32>} : memref<16x256xi32, #tpu.memory_space<vmem>>, vector<1x256xi32>,
    %broadcast_in_dim3A_113 = vector.shape_cast %argmin3A_107 : vector<256xi32> to vector<1x256xi32>
    %eq3A_114 = vector.broadcast %broadcast_in_dim3A_113 : vector<1x256xi32> to vector<625x256xi32>
    %eq3A_115 = arith.cmpi eq, %iota3A, %eq3A_114 : vector<625x256xi32>
    %jit3A_116 = arith.constant 0x7F800000 : f32
    %broadcast_in_dim3A_117 = vector.broadcast %jit3A_116 : f32 to vector<625x256xf32>
    %select_n3A_118 = arith.select %eq3A_115, %broadcast_in_dim3A_117, %select_n3A_106 : vector<625x256xi1>, vector<625x256xf32>
    %argmin3A_119 = tpu.reduce_index %select_n3A_118 {axis = 0 : i32, kind = #tpu.reduction_kind<arg_min>} : vector<625x256xf32> -> vector<256xi32>
    %swap3A_120 = arith.constant 9 : index
    %swap3A_121 = arith.constant 0 : index
    %swap3A_122 = vector.load %arg3[%swap3A_120, %swap3A_121] : memref<16x256xi32, #tpu.memory_space<vmem>>, vector<1x256xi32>
    %swap3A_123 = vector.shape_cast %swap3A_122 : vector<1x256xi32> to vector<256xi32>
    %swap3A_124 = vector.shape_cast %argmin3A_119 : vector<256xi32> to vector<1x256xi32>
    tpu.vector_store %arg3[%swap3A_120, %swap3A_121], %swap3A_124 {strides = array<i32>} : memref<16x256xi32, #tpu.memory_space<vmem>>, vector<1x256xi32>,
    %broadcast_in_dim3A_125 = vector.shape_cast %argmin3A_119 : vector<256xi32> to vector<1x256xi32>
    %eq3A_126 = vector.broadcast %broadcast_in_dim3A_125 : vector<1x256xi32> to vector<625x256xi32>
    %eq3A_127 = arith.cmpi eq, %iota3A, %eq3A_126 : vector<625x256xi32>
    %jit3A_128 = arith.constant 0x7F800000 : f32
    %broadcast_in_dim3A_129 = vector.broadcast %jit3A_128 : f32 to vector<625x256xf32>
    %select_n3A_130 = arith.select %eq3A_127, %broadcast_in_dim3A_129, %select_n3A_118 : vector<625x256xi1>, vector<625x256xf32>
    %argmin3A_131 = tpu.reduce_index %select_n3A_130 {axis = 0 : i32, kind = #tpu.reduction_kind<arg_min>} : vector<625x256xf32> -> vector<256xi32>
    %swap3A_132 = arith.constant 10 : index
    %swap3A_133 = arith.constant 0 : index
    %swap3A_134 = vector.load %arg3[%swap3A_132, %swap3A_133] : memref<16x256xi32, #tpu.memory_space<vmem>>, vector<1x256xi32>
    %swap3A_135 = vector.shape_cast %swap3A_134 : vector<1x256xi32> to vector<256xi32>
    %swap3A_136 = vector.shape_cast %argmin3A_131 : vector<256xi32> to vector<1x256xi32>
    tpu.vector_store %arg3[%swap3A_132, %swap3A_133], %swap3A_136 {strides = array<i32>} : memref<16x256xi32, #tpu.memory_space<vmem>>, vector<1x256xi32>,
    %broadcast_in_dim3A_137 = vector.shape_cast %argmin3A_131 : vector<256xi32> to vector<1x256xi32>
    %eq3A_138 = vector.broadcast %broadcast_in_dim3A_137 : vector<1x256xi32> to vector<625x256xi32>
    %eq3A_139 = arith.cmpi eq, %iota3A, %eq3A_138 : vector<625x256xi32>
    %jit3A_140 = arith.constant 0x7F800000 : f32
    %broadcast_in_dim3A_141 = vector.broadcast %jit3A_140 : f32 to vector<625x256xf32>
    %select_n3A_142 = arith.select %eq3A_139, %broadcast_in_dim3A_141, %select_n3A_130 : vector<625x256xi1>, vector<625x256xf32>
    %argmin3A_143 = tpu.reduce_index %select_n3A_142 {axis = 0 : i32, kind = #tpu.reduction_kind<arg_min>} : vector<625x256xf32> -> vector<256xi32>
    %swap3A_144 = arith.constant 11 : index
    %swap3A_145 = arith.constant 0 : index
    %swap3A_146 = vector.load %arg3[%swap3A_144, %swap3A_145] : memref<16x256xi32, #tpu.memory_space<vmem>>, vector<1x256xi32>
    %swap3A_147 = vector.shape_cast %swap3A_146 : vector<1x256xi32> to vector<256xi32>
    %swap3A_148 = vector.shape_cast %argmin3A_143 : vector<256xi32> to vector<1x256xi32>
    tpu.vector_store %arg3[%swap3A_144, %swap3A_145], %swap3A_148 {strides = array<i32>} : memref<16x256xi32, #tpu.memory_space<vmem>>, vector<1x256xi32>,
    %broadcast_in_dim3A_149 = vector.shape_cast %argmin3A_143 : vector<256xi32> to vector<1x256xi32>
    %eq3A_150 = vector.broadcast %broadcast_in_dim3A_149 : vector<1x256xi32> to vector<625x256xi32>
    %eq3A_151 = arith.cmpi eq, %iota3A, %eq3A_150 : vector<625x256xi32>
    %jit3A_152 = arith.constant 0x7F800000 : f32
    %broadcast_in_dim3A_153 = vector.broadcast %jit3A_152 : f32 to vector<625x256xf32>
    %select_n3A_154 = arith.select %eq3A_151, %broadcast_in_dim3A_153, %select_n3A_142 : vector<625x256xi1>, vector<625x256xf32>
    %argmin3A_155 = tpu.reduce_index %select_n3A_154 {axis = 0 : i32, kind = #tpu.reduction_kind<arg_min>} : vector<625x256xf32> -> vector<256xi32>
    %swap3A_156 = arith.constant 12 : index
    %swap3A_157 = arith.constant 0 : index
    %swap3A_158 = vector.load %arg3[%swap3A_156, %swap3A_157] : memref<16x256xi32, #tpu.memory_space<vmem>>, vector<1x256xi32>
    %swap3A_159 = vector.shape_cast %swap3A_158 : vector<1x256xi32> to vector<256xi32>
    %swap3A_160 = vector.shape_cast %argmin3A_155 : vector<256xi32> to vector<1x256xi32>
    tpu.vector_store %arg3[%swap3A_156, %swap3A_157], %swap3A_160 {strides = array<i32>} : memref<16x256xi32, #tpu.memory_space<vmem>>, vector<1x256xi32>,
    %broadcast_in_dim3A_161 = vector.shape_cast %argmin3A_155 : vector<256xi32> to vector<1x256xi32>
    %eq3A_162 = vector.broadcast %broadcast_in_dim3A_161 : vector<1x256xi32> to vector<625x256xi32>
    %eq3A_163 = arith.cmpi eq, %iota3A, %eq3A_162 : vector<625x256xi32>
    %jit3A_164 = arith.constant 0x7F800000 : f32
    %broadcast_in_dim3A_165 = vector.broadcast %jit3A_164 : f32 to vector<625x256xf32>
    %select_n3A_166 = arith.select %eq3A_163, %broadcast_in_dim3A_165, %select_n3A_154 : vector<625x256xi1>, vector<625x256xf32>
    %argmin3A_167 = tpu.reduce_index %select_n3A_166 {axis = 0 : i32, kind = #tpu.reduction_kind<arg_min>} : vector<625x256xf32> -> vector<256xi32>
    %swap3A_168 = arith.constant 13 : index
    %swap3A_169 = arith.constant 0 : index
    %swap3A_170 = vector.load %arg3[%swap3A_168, %swap3A_169] : memref<16x256xi32, #tpu.memory_space<vmem>>, vector<1x256xi32>
    %swap3A_171 = vector.shape_cast %swap3A_170 : vector<1x256xi32> to vector<256xi32>
    %swap3A_172 = vector.shape_cast %argmin3A_167 : vector<256xi32> to vector<1x256xi32>
    tpu.vector_store %arg3[%swap3A_168, %swap3A_169], %swap3A_172 {strides = array<i32>} : memref<16x256xi32, #tpu.memory_space<vmem>>, vector<1x256xi32>,
    %broadcast_in_dim3A_173 = vector.shape_cast %argmin3A_167 : vector<256xi32> to vector<1x256xi32>
    %eq3A_174 = vector.broadcast %broadcast_in_dim3A_173 : vector<1x256xi32> to vector<625x256xi32>
    %eq3A_175 = arith.cmpi eq, %iota3A, %eq3A_174 : vector<625x256xi32>
    %jit3A_176 = arith.constant 0x7F800000 : f32
    %broadcast_in_dim3A_177 = vector.broadcast %jit3A_176 : f32 to vector<625x256xf32>
    %select_n3A_178 = arith.select %eq3A_175, %broadcast_in_dim3A_177, %select_n3A_166 : vector<625x256xi1>, vector<625x256xf32>
    %argmin3A_179 = tpu.reduce_index %select_n3A_178 {axis = 0 : i32, kind = #tpu.reduction_kind<arg_min>} : vector<625x256xf32> -> vector<256xi32>
    %swap3A_180 = arith.constant 14 : index
    %swap3A_181 = arith.constant 0 : index
    %swap3A_182 = vector.load %arg3[%swap3A_180, %swap3A_181] : memref<16x256xi32, #tpu.memory_space<vmem>>, vector<1x256xi32>
    %swap3A_183 = vector.shape_cast %swap3A_182 : vector<1x256xi32> to vector<256xi32>
    %swap3A_184 = vector.shape_cast %argmin3A_179 : vector<256xi32> to vector<1x256xi32>
    tpu.vector_store %arg3[%swap3A_180, %swap3A_181], %swap3A_184 {strides = array<i32>} : memref<16x256xi32, #tpu.memory_space<vmem>>, vector<1x256xi32>,
    %broadcast_in_dim3A_185 = vector.shape_cast %argmin3A_179 : vector<256xi32> to vector<1x256xi32>
    %eq3A_186 = vector.broadcast %broadcast_in_dim3A_185 : vector<1x256xi32> to vector<625x256xi32>
    %eq3A_187 = arith.cmpi eq, %iota3A, %eq3A_186 : vector<625x256xi32>
    %jit3A_188 = arith.constant 0x7F800000 : f32
    %broadcast_in_dim3A_189 = vector.broadcast %jit3A_188 : f32 to vector<625x256xf32>
    %select_n3A_190 = arith.select %eq3A_187, %broadcast_in_dim3A_189, %select_n3A_178 : vector<625x256xi1>, vector<625x256xf32>
    %argmin3A_191 = tpu.reduce_index %select_n3A_190 {axis = 0 : i32, kind = #tpu.reduction_kind<arg_min>} : vector<625x256xf32> -> vector<256xi32>
    %swap3A_192 = arith.constant 15 : index
    %swap3A_193 = arith.constant 0 : index
    %swap3A_194 = vector.load %arg3[%swap3A_192, %swap3A_193] : memref<16x256xi32, #tpu.memory_space<vmem>>, vector<1x256xi32>
    %swap3A_195 = vector.shape_cast %swap3A_194 : vector<1x256xi32> to vector<256xi32>
    %swap3A_196 = vector.shape_cast %argmin3A_191 : vector<256xi32> to vector<1x256xi32>
    tpu.vector_store %arg3[%swap3A_192, %swap3A_193], %swap3A_196 {strides = array<i32>} : memref<16x256xi32, #tpu.memory_space<vmem>>, vector<1x256xi32>,
    return
  }
  func.func @transform_0(%arg0: i32) -> (i32, i32) {
    %c0_i32 = arith.constant 0 : i32
    %c0_i32_0 = arith.constant 0 : i32
    %c0_i32_1 = arith.constant 0 : i32
    return %c0_i32, %c0_i32_0 : i32, i32
  }
  func.func @transform_1(%arg0: i32) -> (i32, i32) {
    %c0_i32 = arith.constant 0 : i32
    %c0_i32_0 = arith.constant 0 : i32
    return %c0_i32, %arg0 : i32, i32
  }
  func.func @transform_2(%arg0: i32) -> (i32, i32) {
    %c0_i32 = arith.constant 0 : i32
    %c0_i32_0 = arith.constant 0 : i32
    return %c0_i32, %arg0 : i32, i32
  }
}

module attributes {stable_mosaic.version = 14 : i64} {
  func.func @body(%arg0: i32, %arg1: memref<512x256xf32, #tpu.memory_space<vmem>>, %arg2: memref<512x1xf32, #tpu.memory_space<vmem>>, %arg3: memref<256x512xf32, #tpu.memory_space<vmem>>, %arg4: memref<1x512xf32, #tpu.memory_space<vmem>>, %arg5: memref<256x64xf32, #tpu.memory_space<vmem>>, %arg6: memref<1x64xf32, #tpu.memory_space<vmem>>, %arg7: memref<512x512xf32, #tpu.memory_space<vmem>>, %arg8: memref<512x64xf32, #tpu.memory_space<vmem>>) attributes {dimension_semantics = [#tpu.dimension_semantics<arbitrary>], iteration_bounds = array<i64: 2>, scalar_prefetch = 0 : i64, scratch_operands = 0 : i64, tpu.core_type = #tpu.core_type<tc>, window_params = [{transform_indices = @transform_0, window_bounds = array<i64: 512, 256>}, {transform_indices = @transform_1, window_bounds = array<i64: 512, 1>}, {pipeline_mode = #tpu.pipeline_mode<synchronous>, transform_indices = @transform_2, window_bounds = array<i64: 256, 512>}, {pipeline_mode = #tpu.pipeline_mode<synchronous>, transform_indices = @transform_3, window_bounds = array<i64: 1, 512>}, {pipeline_mode = #tpu.pipeline_mode<synchronous>, transform_indices = @transform_4, window_bounds = array<i64: 256, 64>}, {pipeline_mode = #tpu.pipeline_mode<synchronous>, transform_indices = @transform_5, window_bounds = array<i64: 1, 64>}, {transform_indices = @transform_6, window_bounds = array<i64: 512, 512>}, {transform_indices = @transform_7, window_bounds = array<i64: 512, 64>}]} {
    %get3A = arith.constant 0 : index
    %get3A_0 = arith.constant 0 : index
    %get3A_1 = vector.load %arg1[%get3A, %get3A_0] : memref<512x256xf32, #tpu.memory_space<vmem>>, vector<512x256xf32>
    %get3A_2 = arith.constant 0 : index
    %get3A_3 = arith.constant 0 : index
    %get3A_4 = vector.load %arg2[%get3A_2, %get3A_3] : memref<512x1xf32, #tpu.memory_space<vmem>>, vector<512x1xf32>
    %tanh3A = math.tanh %get3A_4 : vector<512x1xf32>
    %mul3A = vector.broadcast %tanh3A : vector<512x1xf32> to vector<512x256xf32>
    %mul3A_5 = arith.mulf %get3A_1, %mul3A : vector<512x256xf32>
    %get3A_6 = arith.constant 0 : index
    %get3A_7 = arith.constant 0 : index
    %get3A_8 = vector.load %arg3[%get3A_6, %get3A_7] : memref<256x512xf32, #tpu.memory_space<vmem>>, vector<256x512xf32>
    %dot_general3A = arith.constant dense<0.000000e+00> : vector<512x512xf32>
    %dot_general3A_9 = tpu.matmul %mul3A_5, %get3A_8, %dot_general3A {dimension_numbers = #tpu.dot_dimension_numbers<[1], [0], [0], [1], [0, 0, 1, 1], [], []>, transpose_lhs_hint = false} : vector<512x256xf32>, vector<256x512xf32>, vector<512x512xf32> -> vector<512x512xf32>
    %get3A_10 = arith.constant 0 : index
    %get3A_11 = arith.constant 0 : index
    %get3A_12 = vector.load %arg4[%get3A_10, %get3A_11] : memref<1x512xf32, #tpu.memory_space<vmem>>, vector<1x512xf32>
    %add3A = vector.broadcast %get3A_12 : vector<1x512xf32> to vector<512x512xf32>
    %add3A_13 = arith.addf %dot_general3A_9, %add3A : vector<512x512xf32>
    %swap3A = arith.constant 0 : index
    %swap3A_14 = arith.constant 0 : index
    %swap3A_15 = vector.load %arg7[%swap3A, %swap3A_14] : memref<512x512xf32, #tpu.memory_space<vmem>>, vector<512x512xf32>
    tpu.vector_store %arg7[%swap3A, %swap3A_14], %add3A_13 {strides = array<i32>} : memref<512x512xf32, #tpu.memory_space<vmem>>, vector<512x512xf32>,
    %get3A_16 = arith.constant 0 : index
    %get3A_17 = arith.constant 0 : index
    %get3A_18 = vector.load %arg5[%get3A_16, %get3A_17] : memref<256x64xf32, #tpu.memory_space<vmem>>, vector<256x64xf32>
    %dot_general3A_19 = arith.constant dense<0.000000e+00> : vector<512x64xf32>
    %dot_general3A_20 = tpu.matmul %mul3A_5, %get3A_18, %dot_general3A_19 {dimension_numbers = #tpu.dot_dimension_numbers<[1], [0], [0], [1], [0, 0, 1, 1], [], []>, transpose_lhs_hint = false} : vector<512x256xf32>, vector<256x64xf32>, vector<512x64xf32> -> vector<512x64xf32>
    %get3A_21 = arith.constant 0 : index
    %get3A_22 = arith.constant 0 : index
    %get3A_23 = vector.load %arg6[%get3A_21, %get3A_22] : memref<1x64xf32, #tpu.memory_space<vmem>>, vector<1x64xf32>
    %add3A_24 = vector.broadcast %get3A_23 : vector<1x64xf32> to vector<512x64xf32>
    %add3A_25 = arith.addf %dot_general3A_20, %add3A_24 : vector<512x64xf32>
    %gt3A = arith.constant 0.000000e+00 : f32
    %gt3A_26 = vector.broadcast %gt3A : f32 to vector<512x64xf32>
    %gt3A_27 = arith.cmpf ogt, %add3A_25, %gt3A_26 : vector<512x64xf32>
    %mul3A_28 = arith.constant 2.000000e-01 : f32
    %mul3A_29 = vector.broadcast %mul3A_28 : f32 to vector<512x64xf32>
    %mul3A_30 = arith.mulf %mul3A_29, %add3A_25 : vector<512x64xf32>
    %select_n3A = arith.select %gt3A_27, %add3A_25, %mul3A_30 : vector<512x64xi1>, vector<512x64xf32>
    %swap3A_31 = arith.constant 0 : index
    %swap3A_32 = arith.constant 0 : index
    %swap3A_33 = vector.load %arg8[%swap3A_31, %swap3A_32] : memref<512x64xf32, #tpu.memory_space<vmem>>, vector<512x64xf32>
    tpu.vector_store %arg8[%swap3A_31, %swap3A_32], %select_n3A {strides = array<i32>} : memref<512x64xf32, #tpu.memory_space<vmem>>, vector<512x64xf32>,
    return
  }
  func.func @transform_0(%arg0: i32) -> (i32, i32) {
    %c0_i32 = arith.constant 0 : i32
    %c0_i32_0 = arith.constant 0 : i32
    return %arg0, %c0_i32 : i32, i32
  }
  func.func @transform_1(%arg0: i32) -> (i32, i32) {
    %c0_i32 = arith.constant 0 : i32
    %c0_i32_0 = arith.constant 0 : i32
    return %arg0, %c0_i32 : i32, i32
  }
  func.func @transform_2(%arg0: i32) -> (i32, i32) {
    %c0_i32 = arith.constant 0 : i32
    %c0_i32_0 = arith.constant 0 : i32
    %c0_i32_1 = arith.constant 0 : i32
    return %c0_i32, %c0_i32_0 : i32, i32
  }
  func.func @transform_3(%arg0: i32) -> (i32, i32) {
    %c0_i32 = arith.constant 0 : i32
    %c0_i32_0 = arith.constant 0 : i32
    %c0_i32_1 = arith.constant 0 : i32
    return %c0_i32, %c0_i32_0 : i32, i32
  }
  func.func @transform_4(%arg0: i32) -> (i32, i32) {
    %c0_i32 = arith.constant 0 : i32
    %c0_i32_0 = arith.constant 0 : i32
    %c0_i32_1 = arith.constant 0 : i32
    return %c0_i32, %c0_i32_0 : i32, i32
  }
  func.func @transform_5(%arg0: i32) -> (i32, i32) {
    %c0_i32 = arith.constant 0 : i32
    %c0_i32_0 = arith.constant 0 : i32
    %c0_i32_1 = arith.constant 0 : i32
    return %c0_i32, %c0_i32_0 : i32, i32
  }
  func.func @transform_6(%arg0: i32) -> (i32, i32) {
    %c0_i32 = arith.constant 0 : i32
    %c0_i32_0 = arith.constant 0 : i32
    return %arg0, %c0_i32 : i32, i32
  }
  func.func @transform_7(%arg0: i32) -> (i32, i32) {
    %c0_i32 = arith.constant 0 : i32
    %c0_i32_0 = arith.constant 0 : i32
    return %arg0, %c0_i32 : i32, i32
  }
}

module attributes {stable_mosaic.version = 14 : i64} {
  func.func @body(%arg0: i32, %arg1: memref<256x1xi32, #tpu.memory_space<vmem>>, %arg2: memref<625x72xf32, #tpu.memory_space<vmem>>, %arg3: memref<256x72xf32, #tpu.memory_space<vmem>>) attributes {dimension_semantics = [#tpu.dimension_semantics<arbitrary>], iteration_bounds = array<i64: 40>, scalar_prefetch = 0 : i64, scratch_operands = 0 : i64, tpu.core_type = #tpu.core_type<tc>, window_params = [{transform_indices = @transform_0, window_bounds = array<i64: 256, 1>}, {pipeline_mode = #tpu.pipeline_mode<synchronous>, transform_indices = @transform_1, window_bounds = array<i64: 625, 72>}, {transform_indices = @transform_2, window_bounds = array<i64: 256, 72>}]} {
    %get3A = arith.constant 0 : index
    %get3A_0 = arith.constant 0 : index
    %get3A_1 = vector.load %arg1[%get3A, %get3A_0] : memref<256x1xi32, #tpu.memory_space<vmem>>, vector<256x1xi32>
    %iota3A = tpu.iota {dimensions = array<i32: 1>} : vector<256x625xi32>
    %eq3A = vector.broadcast %get3A_1 : vector<256x1xi32> to vector<256x625xi32>
    %eq3A_2 = arith.cmpi eq, %iota3A, %eq3A : vector<256x625xi32>
    %convert_element_type3A = arith.extui %eq3A_2 : vector<256x625xi1> to vector<256x625xi32>
    %convert_element_type3A_3 = arith.sitofp %convert_element_type3A : vector<256x625xi32> to vector<256x625xf32>
    %get3A_4 = arith.constant 0 : index
    %get3A_5 = arith.constant 0 : index
    %get3A_6 = vector.load %arg2[%get3A_4, %get3A_5] : memref<625x72xf32, #tpu.memory_space<vmem>>, vector<625x72xf32>
    %dot_general3A = arith.constant dense<0.000000e+00> : vector<256x72xf32>
    %dot_general3A_7 = tpu.matmul %convert_element_type3A_3, %get3A_6, %dot_general3A {dimension_numbers = #tpu.dot_dimension_numbers<[1], [0], [0], [1], [0, 0, 1, 1], [], []>, transpose_lhs_hint = false} : vector<256x625xf32>, vector<625x72xf32>, vector<256x72xf32> -> vector<256x72xf32>
    %swap3A = arith.constant 0 : index
    %swap3A_8 = arith.constant 0 : index
    %swap3A_9 = vector.load %arg3[%swap3A, %swap3A_8] : memref<256x72xf32, #tpu.memory_space<vmem>>, vector<256x72xf32>
    tpu.vector_store %arg3[%swap3A, %swap3A_8], %dot_general3A_7 {strides = array<i32>} : memref<256x72xf32, #tpu.memory_space<vmem>>, vector<256x72xf32>,
    return
  }
  func.func @transform_0(%arg0: i32) -> (i32, i32) {
    %c0_i32 = arith.constant 0 : i32
    %c0_i32_0 = arith.constant 0 : i32
    return %arg0, %c0_i32 : i32, i32
  }
  func.func @transform_1(%arg0: i32) -> (i32, i32) {
    %c0_i32 = arith.constant 0 : i32
    %c0_i32_0 = arith.constant 0 : i32
    %c0_i32_1 = arith.constant 0 : i32
    return %c0_i32, %c0_i32_0 : i32, i32
  }
  func.func @transform_2(%arg0: i32) -> (i32, i32) {
    %c0_i32 = arith.constant 0 : i32
    %c0_i32_0 = arith.constant 0 : i32
    return %arg0, %c0_i32 : i32, i32
  }
}

module attributes {stable_mosaic.version = 14 : i64} {
  func.func @body(%arg0: i32, %arg1: memref<512x72xf32, #tpu.memory_space<vmem>>, %arg2: memref<16x512x72xf32, #tpu.memory_space<vmem>>, %arg3: memref<72x128xf32, #tpu.memory_space<vmem>>, %arg4: memref<72x128xf32, #tpu.memory_space<vmem>>, %arg5: memref<1x128xf32, #tpu.memory_space<vmem>>, %arg6: memref<512x128xf32, #tpu.memory_space<vmem>>) attributes {dimension_semantics = [#tpu.dimension_semantics<arbitrary>], iteration_bounds = array<i64: 2>, scalar_prefetch = 0 : i64, scratch_operands = 0 : i64, tpu.core_type = #tpu.core_type<tc>, window_params = [{transform_indices = @transform_0, window_bounds = array<i64: 512, 72>}, {transform_indices = @transform_1, window_bounds = array<i64: 16, 512, 72>}, {pipeline_mode = #tpu.pipeline_mode<synchronous>, transform_indices = @transform_2, window_bounds = array<i64: 72, 128>}, {pipeline_mode = #tpu.pipeline_mode<synchronous>, transform_indices = @transform_3, window_bounds = array<i64: 72, 128>}, {pipeline_mode = #tpu.pipeline_mode<synchronous>, transform_indices = @transform_4, window_bounds = array<i64: 1, 128>}, {transform_indices = @transform_5, window_bounds = array<i64: 512, 128>}]} {
    %get3A = arith.constant 0 : index
    %get3A_0 = arith.constant 0 : index
    %get3A_1 = vector.load %arg1[%get3A, %get3A_0] : memref<512x72xf32, #tpu.memory_space<vmem>>, vector<512x72xf32>
    %get3A_2 = arith.constant 0 : index
    %get3A_3 = arith.constant 0 : index
    %get3A_4 = vector.load %arg3[%get3A_2, %get3A_3] : memref<72x128xf32, #tpu.memory_space<vmem>>, vector<72x128xf32>
    %dot_general3A = arith.constant dense<0.000000e+00> : vector<512x128xf32>
    %dot_general3A_5 = tpu.matmul %get3A_1, %get3A_4, %dot_general3A {dimension_numbers = #tpu.dot_dimension_numbers<[1], [0], [0], [1], [0, 0, 1, 1], [], []>, transpose_lhs_hint = false} : vector<512x72xf32>, vector<72x128xf32>, vector<512x128xf32> -> vector<512x128xf32>
    %get3A_6 = arith.constant 0 : index
    %get3A_7 = arith.constant 0 : index
    %get3A_8 = vector.load %arg5[%get3A_6, %get3A_7] : memref<1x128xf32, #tpu.memory_space<vmem>>, vector<1x128xf32>
    %add3A = vector.broadcast %get3A_8 : vector<1x128xf32> to vector<512x128xf32>
    %add3A_9 = arith.addf %dot_general3A_5, %add3A : vector<512x128xf32>
    %get3A_10 = arith.constant 0 : index
    %get3A_11 = arith.constant 0 : index
    %get3A_12 = vector.load %arg4[%get3A_10, %get3A_11] : memref<72x128xf32, #tpu.memory_space<vmem>>, vector<72x128xf32>
    %get3A_13 = arith.constant 0 : index
    %get3A_14 = arith.constant 0 : index
    %get3A_15 = arith.constant 0 : index
    %get3A_16 = vector.load %arg2[%get3A_13, %get3A_14, %get3A_15] : memref<16x512x72xf32, #tpu.memory_space<vmem>>, vector<1x512x72xf32>
    %get3A_17 = vector.shape_cast %get3A_16 : vector<1x512x72xf32> to vector<512x72xf32>
    %dot_general3A_18 = arith.constant dense<0.000000e+00> : vector<512x128xf32>
    %dot_general3A_19 = tpu.matmul %get3A_17, %get3A_12, %dot_general3A_18 {dimension_numbers = #tpu.dot_dimension_numbers<[1], [0], [0], [1], [0, 0, 1, 1], [], []>, transpose_lhs_hint = false} : vector<512x72xf32>, vector<72x128xf32>, vector<512x128xf32> -> vector<512x128xf32>
    %add3A_20 = arith.addf %dot_general3A_19, %add3A_9 : vector<512x128xf32>
    %gt3A = arith.constant 0.000000e+00 : f32
    %gt3A_21 = vector.broadcast %gt3A : f32 to vector<512x128xf32>
    %gt3A_22 = arith.cmpf ogt, %add3A_20, %gt3A_21 : vector<512x128xf32>
    %mul3A = arith.constant 2.000000e-01 : f32
    %mul3A_23 = vector.broadcast %mul3A : f32 to vector<512x128xf32>
    %mul3A_24 = arith.mulf %mul3A_23, %add3A_20 : vector<512x128xf32>
    %select_n3A = arith.select %gt3A_22, %add3A_20, %mul3A_24 : vector<512x128xi1>, vector<512x128xf32>
    %get3A_25 = arith.constant 1 : index
    %get3A_26 = arith.constant 0 : index
    %get3A_27 = arith.constant 0 : index
    %get3A_28 = vector.load %arg2[%get3A_25, %get3A_26, %get3A_27] : memref<16x512x72xf32, #tpu.memory_space<vmem>>, vector<1x512x72xf32>
    %get3A_29 = vector.shape_cast %get3A_28 : vector<1x512x72xf32> to vector<512x72xf32>
    %dot_general3A_30 = arith.constant dense<0.000000e+00> : vector<512x128xf32>
    %dot_general3A_31 = tpu.matmul %get3A_29, %get3A_12, %dot_general3A_30 {dimension_numbers = #tpu.dot_dimension_numbers<[1], [0], [0], [1], [0, 0, 1, 1], [], []>, transpose_lhs_hint = false} : vector<512x72xf32>, vector<72x128xf32>, vector<512x128xf32> -> vector<512x128xf32>
    %add3A_32 = arith.addf %dot_general3A_31, %add3A_9 : vector<512x128xf32>
    %gt3A_33 = arith.constant 0.000000e+00 : f32
    %gt3A_34 = vector.broadcast %gt3A_33 : f32 to vector<512x128xf32>
    %gt3A_35 = arith.cmpf ogt, %add3A_32, %gt3A_34 : vector<512x128xf32>
    %mul3A_36 = arith.constant 2.000000e-01 : f32
    %mul3A_37 = vector.broadcast %mul3A_36 : f32 to vector<512x128xf32>
    %mul3A_38 = arith.mulf %mul3A_37, %add3A_32 : vector<512x128xf32>
    %select_n3A_39 = arith.select %gt3A_35, %add3A_32, %mul3A_38 : vector<512x128xi1>, vector<512x128xf32>
    %max3A = arith.maximumf %select_n3A, %select_n3A_39 : vector<512x128xf32>
    %get3A_40 = arith.constant 2 : index
    %get3A_41 = arith.constant 0 : index
    %get3A_42 = arith.constant 0 : index
    %get3A_43 = vector.load %arg2[%get3A_40, %get3A_41, %get3A_42] : memref<16x512x72xf32, #tpu.memory_space<vmem>>, vector<1x512x72xf32>
    %get3A_44 = vector.shape_cast %get3A_43 : vector<1x512x72xf32> to vector<512x72xf32>
    %dot_general3A_45 = arith.constant dense<0.000000e+00> : vector<512x128xf32>
    %dot_general3A_46 = tpu.matmul %get3A_44, %get3A_12, %dot_general3A_45 {dimension_numbers = #tpu.dot_dimension_numbers<[1], [0], [0], [1], [0, 0, 1, 1], [], []>, transpose_lhs_hint = false} : vector<512x72xf32>, vector<72x128xf32>, vector<512x128xf32> -> vector<512x128xf32>
    %add3A_47 = arith.addf %dot_general3A_46, %add3A_9 : vector<512x128xf32>
    %gt3A_48 = arith.constant 0.000000e+00 : f32
    %gt3A_49 = vector.broadcast %gt3A_48 : f32 to vector<512x128xf32>
    %gt3A_50 = arith.cmpf ogt, %add3A_47, %gt3A_49 : vector<512x128xf32>
    %mul3A_51 = arith.constant 2.000000e-01 : f32
    %mul3A_52 = vector.broadcast %mul3A_51 : f32 to vector<512x128xf32>
    %mul3A_53 = arith.mulf %mul3A_52, %add3A_47 : vector<512x128xf32>
    %select_n3A_54 = arith.select %gt3A_50, %add3A_47, %mul3A_53 : vector<512x128xi1>, vector<512x128xf32>
    %max3A_55 = arith.maximumf %max3A, %select_n3A_54 : vector<512x128xf32>
    %get3A_56 = arith.constant 3 : index
    %get3A_57 = arith.constant 0 : index
    %get3A_58 = arith.constant 0 : index
    %get3A_59 = vector.load %arg2[%get3A_56, %get3A_57, %get3A_58] : memref<16x512x72xf32, #tpu.memory_space<vmem>>, vector<1x512x72xf32>
    %get3A_60 = vector.shape_cast %get3A_59 : vector<1x512x72xf32> to vector<512x72xf32>
    %dot_general3A_61 = arith.constant dense<0.000000e+00> : vector<512x128xf32>
    %dot_general3A_62 = tpu.matmul %get3A_60, %get3A_12, %dot_general3A_61 {dimension_numbers = #tpu.dot_dimension_numbers<[1], [0], [0], [1], [0, 0, 1, 1], [], []>, transpose_lhs_hint = false} : vector<512x72xf32>, vector<72x128xf32>, vector<512x128xf32> -> vector<512x128xf32>
    %add3A_63 = arith.addf %dot_general3A_62, %add3A_9 : vector<512x128xf32>
    %gt3A_64 = arith.constant 0.000000e+00 : f32
    %gt3A_65 = vector.broadcast %gt3A_64 : f32 to vector<512x128xf32>
    %gt3A_66 = arith.cmpf ogt, %add3A_63, %gt3A_65 : vector<512x128xf32>
    %mul3A_67 = arith.constant 2.000000e-01 : f32
    %mul3A_68 = vector.broadcast %mul3A_67 : f32 to vector<512x128xf32>
    %mul3A_69 = arith.mulf %mul3A_68, %add3A_63 : vector<512x128xf32>
    %select_n3A_70 = arith.select %gt3A_66, %add3A_63, %mul3A_69 : vector<512x128xi1>, vector<512x128xf32>
    %max3A_71 = arith.maximumf %max3A_55, %select_n3A_70 : vector<512x128xf32>
    %get3A_72 = arith.constant 4 : index
    %get3A_73 = arith.constant 0 : index
    %get3A_74 = arith.constant 0 : index
    %get3A_75 = vector.load %arg2[%get3A_72, %get3A_73, %get3A_74] : memref<16x512x72xf32, #tpu.memory_space<vmem>>, vector<1x512x72xf32>
    %get3A_76 = vector.shape_cast %get3A_75 : vector<1x512x72xf32> to vector<512x72xf32>
    %dot_general3A_77 = arith.constant dense<0.000000e+00> : vector<512x128xf32>
    %dot_general3A_78 = tpu.matmul %get3A_76, %get3A_12, %dot_general3A_77 {dimension_numbers = #tpu.dot_dimension_numbers<[1], [0], [0], [1], [0, 0, 1, 1], [], []>, transpose_lhs_hint = false} : vector<512x72xf32>, vector<72x128xf32>, vector<512x128xf32> -> vector<512x128xf32>
    %add3A_79 = arith.addf %dot_general3A_78, %add3A_9 : vector<512x128xf32>
    %gt3A_80 = arith.constant 0.000000e+00 : f32
    %gt3A_81 = vector.broadcast %gt3A_80 : f32 to vector<512x128xf32>
    %gt3A_82 = arith.cmpf ogt, %add3A_79, %gt3A_81 : vector<512x128xf32>
    %mul3A_83 = arith.constant 2.000000e-01 : f32
    %mul3A_84 = vector.broadcast %mul3A_83 : f32 to vector<512x128xf32>
    %mul3A_85 = arith.mulf %mul3A_84, %add3A_79 : vector<512x128xf32>
    %select_n3A_86 = arith.select %gt3A_82, %add3A_79, %mul3A_85 : vector<512x128xi1>, vector<512x128xf32>
    %max3A_87 = arith.maximumf %max3A_71, %select_n3A_86 : vector<512x128xf32>
    %get3A_88 = arith.constant 5 : index
    %get3A_89 = arith.constant 0 : index
    %get3A_90 = arith.constant 0 : index
    %get3A_91 = vector.load %arg2[%get3A_88, %get3A_89, %get3A_90] : memref<16x512x72xf32, #tpu.memory_space<vmem>>, vector<1x512x72xf32>
    %get3A_92 = vector.shape_cast %get3A_91 : vector<1x512x72xf32> to vector<512x72xf32>
    %dot_general3A_93 = arith.constant dense<0.000000e+00> : vector<512x128xf32>
    %dot_general3A_94 = tpu.matmul %get3A_92, %get3A_12, %dot_general3A_93 {dimension_numbers = #tpu.dot_dimension_numbers<[1], [0], [0], [1], [0, 0, 1, 1], [], []>, transpose_lhs_hint = false} : vector<512x72xf32>, vector<72x128xf32>, vector<512x128xf32> -> vector<512x128xf32>
    %add3A_95 = arith.addf %dot_general3A_94, %add3A_9 : vector<512x128xf32>
    %gt3A_96 = arith.constant 0.000000e+00 : f32
    %gt3A_97 = vector.broadcast %gt3A_96 : f32 to vector<512x128xf32>
    %gt3A_98 = arith.cmpf ogt, %add3A_95, %gt3A_97 : vector<512x128xf32>
    %mul3A_99 = arith.constant 2.000000e-01 : f32
    %mul3A_100 = vector.broadcast %mul3A_99 : f32 to vector<512x128xf32>
    %mul3A_101 = arith.mulf %mul3A_100, %add3A_95 : vector<512x128xf32>
    %select_n3A_102 = arith.select %gt3A_98, %add3A_95, %mul3A_101 : vector<512x128xi1>, vector<512x128xf32>
    %max3A_103 = arith.maximumf %max3A_87, %select_n3A_102 : vector<512x128xf32>
    %get3A_104 = arith.constant 6 : index
    %get3A_105 = arith.constant 0 : index
    %get3A_106 = arith.constant 0 : index
    %get3A_107 = vector.load %arg2[%get3A_104, %get3A_105, %get3A_106] : memref<16x512x72xf32, #tpu.memory_space<vmem>>, vector<1x512x72xf32>
    %get3A_108 = vector.shape_cast %get3A_107 : vector<1x512x72xf32> to vector<512x72xf32>
    %dot_general3A_109 = arith.constant dense<0.000000e+00> : vector<512x128xf32>
    %dot_general3A_110 = tpu.matmul %get3A_108, %get3A_12, %dot_general3A_109 {dimension_numbers = #tpu.dot_dimension_numbers<[1], [0], [0], [1], [0, 0, 1, 1], [], []>, transpose_lhs_hint = false} : vector<512x72xf32>, vector<72x128xf32>, vector<512x128xf32> -> vector<512x128xf32>
    %add3A_111 = arith.addf %dot_general3A_110, %add3A_9 : vector<512x128xf32>
    %gt3A_112 = arith.constant 0.000000e+00 : f32
    %gt3A_113 = vector.broadcast %gt3A_112 : f32 to vector<512x128xf32>
    %gt3A_114 = arith.cmpf ogt, %add3A_111, %gt3A_113 : vector<512x128xf32>
    %mul3A_115 = arith.constant 2.000000e-01 : f32
    %mul3A_116 = vector.broadcast %mul3A_115 : f32 to vector<512x128xf32>
    %mul3A_117 = arith.mulf %mul3A_116, %add3A_111 : vector<512x128xf32>
    %select_n3A_118 = arith.select %gt3A_114, %add3A_111, %mul3A_117 : vector<512x128xi1>, vector<512x128xf32>
    %max3A_119 = arith.maximumf %max3A_103, %select_n3A_118 : vector<512x128xf32>
    %get3A_120 = arith.constant 7 : index
    %get3A_121 = arith.constant 0 : index
    %get3A_122 = arith.constant 0 : index
    %get3A_123 = vector.load %arg2[%get3A_120, %get3A_121, %get3A_122] : memref<16x512x72xf32, #tpu.memory_space<vmem>>, vector<1x512x72xf32>
    %get3A_124 = vector.shape_cast %get3A_123 : vector<1x512x72xf32> to vector<512x72xf32>
    %dot_general3A_125 = arith.constant dense<0.000000e+00> : vector<512x128xf32>
    %dot_general3A_126 = tpu.matmul %get3A_124, %get3A_12, %dot_general3A_125 {dimension_numbers = #tpu.dot_dimension_numbers<[1], [0], [0], [1], [0, 0, 1, 1], [], []>, transpose_lhs_hint = false} : vector<512x72xf32>, vector<72x128xf32>, vector<512x128xf32> -> vector<512x128xf32>
    %add3A_127 = arith.addf %dot_general3A_126, %add3A_9 : vector<512x128xf32>
    %gt3A_128 = arith.constant 0.000000e+00 : f32
    %gt3A_129 = vector.broadcast %gt3A_128 : f32 to vector<512x128xf32>
    %gt3A_130 = arith.cmpf ogt, %add3A_127, %gt3A_129 : vector<512x128xf32>
    %mul3A_131 = arith.constant 2.000000e-01 : f32
    %mul3A_132 = vector.broadcast %mul3A_131 : f32 to vector<512x128xf32>
    %mul3A_133 = arith.mulf %mul3A_132, %add3A_127 : vector<512x128xf32>
    %select_n3A_134 = arith.select %gt3A_130, %add3A_127, %mul3A_133 : vector<512x128xi1>, vector<512x128xf32>
    %max3A_135 = arith.maximumf %max3A_119, %select_n3A_134 : vector<512x128xf32>
    %get3A_136 = arith.constant 8 : index
    %get3A_137 = arith.constant 0 : index
    %get3A_138 = arith.constant 0 : index
    %get3A_139 = vector.load %arg2[%get3A_136, %get3A_137, %get3A_138] : memref<16x512x72xf32, #tpu.memory_space<vmem>>, vector<1x512x72xf32>
    %get3A_140 = vector.shape_cast %get3A_139 : vector<1x512x72xf32> to vector<512x72xf32>
    %dot_general3A_141 = arith.constant dense<0.000000e+00> : vector<512x128xf32>
    %dot_general3A_142 = tpu.matmul %get3A_140, %get3A_12, %dot_general3A_141 {dimension_numbers = #tpu.dot_dimension_numbers<[1], [0], [0], [1], [0, 0, 1, 1], [], []>, transpose_lhs_hint = false} : vector<512x72xf32>, vector<72x128xf32>, vector<512x128xf32> -> vector<512x128xf32>
    %add3A_143 = arith.addf %dot_general3A_142, %add3A_9 : vector<512x128xf32>
    %gt3A_144 = arith.constant 0.000000e+00 : f32
    %gt3A_145 = vector.broadcast %gt3A_144 : f32 to vector<512x128xf32>
    %gt3A_146 = arith.cmpf ogt, %add3A_143, %gt3A_145 : vector<512x128xf32>
    %mul3A_147 = arith.constant 2.000000e-01 : f32
    %mul3A_148 = vector.broadcast %mul3A_147 : f32 to vector<512x128xf32>
    %mul3A_149 = arith.mulf %mul3A_148, %add3A_143 : vector<512x128xf32>
    %select_n3A_150 = arith.select %gt3A_146, %add3A_143, %mul3A_149 : vector<512x128xi1>, vector<512x128xf32>
    %max3A_151 = arith.maximumf %max3A_135, %select_n3A_150 : vector<512x128xf32>
    %get3A_152 = arith.constant 9 : index
    %get3A_153 = arith.constant 0 : index
    %get3A_154 = arith.constant 0 : index
    %get3A_155 = vector.load %arg2[%get3A_152, %get3A_153, %get3A_154] : memref<16x512x72xf32, #tpu.memory_space<vmem>>, vector<1x512x72xf32>
    %get3A_156 = vector.shape_cast %get3A_155 : vector<1x512x72xf32> to vector<512x72xf32>
    %dot_general3A_157 = arith.constant dense<0.000000e+00> : vector<512x128xf32>
    %dot_general3A_158 = tpu.matmul %get3A_156, %get3A_12, %dot_general3A_157 {dimension_numbers = #tpu.dot_dimension_numbers<[1], [0], [0], [1], [0, 0, 1, 1], [], []>, transpose_lhs_hint = false} : vector<512x72xf32>, vector<72x128xf32>, vector<512x128xf32> -> vector<512x128xf32>
    %add3A_159 = arith.addf %dot_general3A_158, %add3A_9 : vector<512x128xf32>
    %gt3A_160 = arith.constant 0.000000e+00 : f32
    %gt3A_161 = vector.broadcast %gt3A_160 : f32 to vector<512x128xf32>
    %gt3A_162 = arith.cmpf ogt, %add3A_159, %gt3A_161 : vector<512x128xf32>
    %mul3A_163 = arith.constant 2.000000e-01 : f32
    %mul3A_164 = vector.broadcast %mul3A_163 : f32 to vector<512x128xf32>
    %mul3A_165 = arith.mulf %mul3A_164, %add3A_159 : vector<512x128xf32>
    %select_n3A_166 = arith.select %gt3A_162, %add3A_159, %mul3A_165 : vector<512x128xi1>, vector<512x128xf32>
    %max3A_167 = arith.maximumf %max3A_151, %select_n3A_166 : vector<512x128xf32>
    %get3A_168 = arith.constant 10 : index
    %get3A_169 = arith.constant 0 : index
    %get3A_170 = arith.constant 0 : index
    %get3A_171 = vector.load %arg2[%get3A_168, %get3A_169, %get3A_170] : memref<16x512x72xf32, #tpu.memory_space<vmem>>, vector<1x512x72xf32>
    %get3A_172 = vector.shape_cast %get3A_171 : vector<1x512x72xf32> to vector<512x72xf32>
    %dot_general3A_173 = arith.constant dense<0.000000e+00> : vector<512x128xf32>
    %dot_general3A_174 = tpu.matmul %get3A_172, %get3A_12, %dot_general3A_173 {dimension_numbers = #tpu.dot_dimension_numbers<[1], [0], [0], [1], [0, 0, 1, 1], [], []>, transpose_lhs_hint = false} : vector<512x72xf32>, vector<72x128xf32>, vector<512x128xf32> -> vector<512x128xf32>
    %add3A_175 = arith.addf %dot_general3A_174, %add3A_9 : vector<512x128xf32>
    %gt3A_176 = arith.constant 0.000000e+00 : f32
    %gt3A_177 = vector.broadcast %gt3A_176 : f32 to vector<512x128xf32>
    %gt3A_178 = arith.cmpf ogt, %add3A_175, %gt3A_177 : vector<512x128xf32>
    %mul3A_179 = arith.constant 2.000000e-01 : f32
    %mul3A_180 = vector.broadcast %mul3A_179 : f32 to vector<512x128xf32>
    %mul3A_181 = arith.mulf %mul3A_180, %add3A_175 : vector<512x128xf32>
    %select_n3A_182 = arith.select %gt3A_178, %add3A_175, %mul3A_181 : vector<512x128xi1>, vector<512x128xf32>
    %max3A_183 = arith.maximumf %max3A_167, %select_n3A_182 : vector<512x128xf32>
    %get3A_184 = arith.constant 11 : index
    %get3A_185 = arith.constant 0 : index
    %get3A_186 = arith.constant 0 : index
    %get3A_187 = vector.load %arg2[%get3A_184, %get3A_185, %get3A_186] : memref<16x512x72xf32, #tpu.memory_space<vmem>>, vector<1x512x72xf32>
    %get3A_188 = vector.shape_cast %get3A_187 : vector<1x512x72xf32> to vector<512x72xf32>
    %dot_general3A_189 = arith.constant dense<0.000000e+00> : vector<512x128xf32>
    %dot_general3A_190 = tpu.matmul %get3A_188, %get3A_12, %dot_general3A_189 {dimension_numbers = #tpu.dot_dimension_numbers<[1], [0], [0], [1], [0, 0, 1, 1], [], []>, transpose_lhs_hint = false} : vector<512x72xf32>, vector<72x128xf32>, vector<512x128xf32> -> vector<512x128xf32>
    %add3A_191 = arith.addf %dot_general3A_190, %add3A_9 : vector<512x128xf32>
    %gt3A_192 = arith.constant 0.000000e+00 : f32
    %gt3A_193 = vector.broadcast %gt3A_192 : f32 to vector<512x128xf32>
    %gt3A_194 = arith.cmpf ogt, %add3A_191, %gt3A_193 : vector<512x128xf32>
    %mul3A_195 = arith.constant 2.000000e-01 : f32
    %mul3A_196 = vector.broadcast %mul3A_195 : f32 to vector<512x128xf32>
    %mul3A_197 = arith.mulf %mul3A_196, %add3A_191 : vector<512x128xf32>
    %select_n3A_198 = arith.select %gt3A_194, %add3A_191, %mul3A_197 : vector<512x128xi1>, vector<512x128xf32>
    %max3A_199 = arith.maximumf %max3A_183, %select_n3A_198 : vector<512x128xf32>
    %get3A_200 = arith.constant 12 : index
    %get3A_201 = arith.constant 0 : index
    %get3A_202 = arith.constant 0 : index
    %get3A_203 = vector.load %arg2[%get3A_200, %get3A_201, %get3A_202] : memref<16x512x72xf32, #tpu.memory_space<vmem>>, vector<1x512x72xf32>
    %get3A_204 = vector.shape_cast %get3A_203 : vector<1x512x72xf32> to vector<512x72xf32>
    %dot_general3A_205 = arith.constant dense<0.000000e+00> : vector<512x128xf32>
    %dot_general3A_206 = tpu.matmul %get3A_204, %get3A_12, %dot_general3A_205 {dimension_numbers = #tpu.dot_dimension_numbers<[1], [0], [0], [1], [0, 0, 1, 1], [], []>, transpose_lhs_hint = false} : vector<512x72xf32>, vector<72x128xf32>, vector<512x128xf32> -> vector<512x128xf32>
    %add3A_207 = arith.addf %dot_general3A_206, %add3A_9 : vector<512x128xf32>
    %gt3A_208 = arith.constant 0.000000e+00 : f32
    %gt3A_209 = vector.broadcast %gt3A_208 : f32 to vector<512x128xf32>
    %gt3A_210 = arith.cmpf ogt, %add3A_207, %gt3A_209 : vector<512x128xf32>
    %mul3A_211 = arith.constant 2.000000e-01 : f32
    %mul3A_212 = vector.broadcast %mul3A_211 : f32 to vector<512x128xf32>
    %mul3A_213 = arith.mulf %mul3A_212, %add3A_207 : vector<512x128xf32>
    %select_n3A_214 = arith.select %gt3A_210, %add3A_207, %mul3A_213 : vector<512x128xi1>, vector<512x128xf32>
    %max3A_215 = arith.maximumf %max3A_199, %select_n3A_214 : vector<512x128xf32>
    %get3A_216 = arith.constant 13 : index
    %get3A_217 = arith.constant 0 : index
    %get3A_218 = arith.constant 0 : index
    %get3A_219 = vector.load %arg2[%get3A_216, %get3A_217, %get3A_218] : memref<16x512x72xf32, #tpu.memory_space<vmem>>, vector<1x512x72xf32>
    %get3A_220 = vector.shape_cast %get3A_219 : vector<1x512x72xf32> to vector<512x72xf32>
    %dot_general3A_221 = arith.constant dense<0.000000e+00> : vector<512x128xf32>
    %dot_general3A_222 = tpu.matmul %get3A_220, %get3A_12, %dot_general3A_221 {dimension_numbers = #tpu.dot_dimension_numbers<[1], [0], [0], [1], [0, 0, 1, 1], [], []>, transpose_lhs_hint = false} : vector<512x72xf32>, vector<72x128xf32>, vector<512x128xf32> -> vector<512x128xf32>
    %add3A_223 = arith.addf %dot_general3A_222, %add3A_9 : vector<512x128xf32>
    %gt3A_224 = arith.constant 0.000000e+00 : f32
    %gt3A_225 = vector.broadcast %gt3A_224 : f32 to vector<512x128xf32>
    %gt3A_226 = arith.cmpf ogt, %add3A_223, %gt3A_225 : vector<512x128xf32>
    %mul3A_227 = arith.constant 2.000000e-01 : f32
    %mul3A_228 = vector.broadcast %mul3A_227 : f32 to vector<512x128xf32>
    %mul3A_229 = arith.mulf %mul3A_228, %add3A_223 : vector<512x128xf32>
    %select_n3A_230 = arith.select %gt3A_226, %add3A_223, %mul3A_229 : vector<512x128xi1>, vector<512x128xf32>
    %max3A_231 = arith.maximumf %max3A_215, %select_n3A_230 : vector<512x128xf32>
    %get3A_232 = arith.constant 14 : index
    %get3A_233 = arith.constant 0 : index
    %get3A_234 = arith.constant 0 : index
    %get3A_235 = vector.load %arg2[%get3A_232, %get3A_233, %get3A_234] : memref<16x512x72xf32, #tpu.memory_space<vmem>>, vector<1x512x72xf32>
    %get3A_236 = vector.shape_cast %get3A_235 : vector<1x512x72xf32> to vector<512x72xf32>
    %dot_general3A_237 = arith.constant dense<0.000000e+00> : vector<512x128xf32>
    %dot_general3A_238 = tpu.matmul %get3A_236, %get3A_12, %dot_general3A_237 {dimension_numbers = #tpu.dot_dimension_numbers<[1], [0], [0], [1], [0, 0, 1, 1], [], []>, transpose_lhs_hint = false} : vector<512x72xf32>, vector<72x128xf32>, vector<512x128xf32> -> vector<512x128xf32>
    %add3A_239 = arith.addf %dot_general3A_238, %add3A_9 : vector<512x128xf32>
    %gt3A_240 = arith.constant 0.000000e+00 : f32
    %gt3A_241 = vector.broadcast %gt3A_240 : f32 to vector<512x128xf32>
    %gt3A_242 = arith.cmpf ogt, %add3A_239, %gt3A_241 : vector<512x128xf32>
    %mul3A_243 = arith.constant 2.000000e-01 : f32
    %mul3A_244 = vector.broadcast %mul3A_243 : f32 to vector<512x128xf32>
    %mul3A_245 = arith.mulf %mul3A_244, %add3A_239 : vector<512x128xf32>
    %select_n3A_246 = arith.select %gt3A_242, %add3A_239, %mul3A_245 : vector<512x128xi1>, vector<512x128xf32>
    %max3A_247 = arith.maximumf %max3A_231, %select_n3A_246 : vector<512x128xf32>
    %get3A_248 = arith.constant 15 : index
    %get3A_249 = arith.constant 0 : index
    %get3A_250 = arith.constant 0 : index
    %get3A_251 = vector.load %arg2[%get3A_248, %get3A_249, %get3A_250] : memref<16x512x72xf32, #tpu.memory_space<vmem>>, vector<1x512x72xf32>
    %get3A_252 = vector.shape_cast %get3A_251 : vector<1x512x72xf32> to vector<512x72xf32>
    %dot_general3A_253 = arith.constant dense<0.000000e+00> : vector<512x128xf32>
    %dot_general3A_254 = tpu.matmul %get3A_252, %get3A_12, %dot_general3A_253 {dimension_numbers = #tpu.dot_dimension_numbers<[1], [0], [0], [1], [0, 0, 1, 1], [], []>, transpose_lhs_hint = false} : vector<512x72xf32>, vector<72x128xf32>, vector<512x128xf32> -> vector<512x128xf32>
    %add3A_255 = arith.addf %dot_general3A_254, %add3A_9 : vector<512x128xf32>
    %gt3A_256 = arith.constant 0.000000e+00 : f32
    %gt3A_257 = vector.broadcast %gt3A_256 : f32 to vector<512x128xf32>
    %gt3A_258 = arith.cmpf ogt, %add3A_255, %gt3A_257 : vector<512x128xf32>
    %mul3A_259 = arith.constant 2.000000e-01 : f32
    %mul3A_260 = vector.broadcast %mul3A_259 : f32 to vector<512x128xf32>
    %mul3A_261 = arith.mulf %mul3A_260, %add3A_255 : vector<512x128xf32>
    %select_n3A_262 = arith.select %gt3A_258, %add3A_255, %mul3A_261 : vector<512x128xi1>, vector<512x128xf32>
    %max3A_263 = arith.maximumf %max3A_247, %select_n3A_262 : vector<512x128xf32>
    %swap3A = arith.constant 0 : index
    %swap3A_264 = arith.constant 0 : index
    %swap3A_265 = vector.load %arg6[%swap3A, %swap3A_264] : memref<512x128xf32, #tpu.memory_space<vmem>>, vector<512x128xf32>
    tpu.vector_store %arg6[%swap3A, %swap3A_264], %max3A_263 {strides = array<i32>} : memref<512x128xf32, #tpu.memory_space<vmem>>, vector<512x128xf32>,
    return
  }
  func.func @transform_0(%arg0: i32) -> (i32, i32) {
    %c0_i32 = arith.constant 0 : i32
    %c0_i32_0 = arith.constant 0 : i32
    return %arg0, %c0_i32 : i32, i32
  }
  func.func @transform_1(%arg0: i32) -> (i32, i32, i32) {
    %c0_i32 = arith.constant 0 : i32
    %c0_i32_0 = arith.constant 0 : i32
    %c0_i32_1 = arith.constant 0 : i32
    return %c0_i32, %arg0, %c0_i32_0 : i32, i32, i32
  }
  func.func @transform_2(%arg0: i32) -> (i32, i32) {
    %c0_i32 = arith.constant 0 : i32
    %c0_i32_0 = arith.constant 0 : i32
    %c0_i32_1 = arith.constant 0 : i32
    return %c0_i32, %c0_i32_0 : i32, i32
  }
  func.func @transform_3(%arg0: i32) -> (i32, i32) {
    %c0_i32 = arith.constant 0 : i32
    %c0_i32_0 = arith.constant 0 : i32
    %c0_i32_1 = arith.constant 0 : i32
    return %c0_i32, %c0_i32_0 : i32, i32
  }
  func.func @transform_4(%arg0: i32) -> (i32, i32) {
    %c0_i32 = arith.constant 0 : i32
    %c0_i32_0 = arith.constant 0 : i32
    %c0_i32_1 = arith.constant 0 : i32
    return %c0_i32, %c0_i32_0 : i32, i32
  }
  func.func @transform_5(%arg0: i32) -> (i32, i32) {
    %c0_i32 = arith.constant 0 : i32
    %c0_i32_0 = arith.constant 0 : i32
    return %arg0, %c0_i32 : i32, i32
  }
}

module attributes {stable_mosaic.version = 14 : i64} {
  func.func @body(%arg0: i32, %arg1: memref<256x1xi32, #tpu.memory_space<vmem>>, %arg2: memref<625x136xf32, #tpu.memory_space<vmem>>, %arg3: memref<256x136xf32, #tpu.memory_space<vmem>>) attributes {dimension_semantics = [#tpu.dimension_semantics<arbitrary>], iteration_bounds = array<i64: 40>, scalar_prefetch = 0 : i64, scratch_operands = 0 : i64, tpu.core_type = #tpu.core_type<tc>, window_params = [{transform_indices = @transform_0, window_bounds = array<i64: 256, 1>}, {pipeline_mode = #tpu.pipeline_mode<synchronous>, transform_indices = @transform_1, window_bounds = array<i64: 625, 136>}, {transform_indices = @transform_2, window_bounds = array<i64: 256, 136>}]} {
    %get3A = arith.constant 0 : index
    %get3A_0 = arith.constant 0 : index
    %get3A_1 = vector.load %arg1[%get3A, %get3A_0] : memref<256x1xi32, #tpu.memory_space<vmem>>, vector<256x1xi32>
    %iota3A = tpu.iota {dimensions = array<i32: 1>} : vector<256x625xi32>
    %eq3A = vector.broadcast %get3A_1 : vector<256x1xi32> to vector<256x625xi32>
    %eq3A_2 = arith.cmpi eq, %iota3A, %eq3A : vector<256x625xi32>
    %convert_element_type3A = arith.extui %eq3A_2 : vector<256x625xi1> to vector<256x625xi32>
    %convert_element_type3A_3 = arith.sitofp %convert_element_type3A : vector<256x625xi32> to vector<256x625xf32>
    %get3A_4 = arith.constant 0 : index
    %get3A_5 = arith.constant 0 : index
    %get3A_6 = vector.load %arg2[%get3A_4, %get3A_5] : memref<625x136xf32, #tpu.memory_space<vmem>>, vector<625x136xf32>
    %dot_general3A = arith.constant dense<0.000000e+00> : vector<256x136xf32>
    %dot_general3A_7 = tpu.matmul %convert_element_type3A_3, %get3A_6, %dot_general3A {dimension_numbers = #tpu.dot_dimension_numbers<[1], [0], [0], [1], [0, 0, 1, 1], [], []>, transpose_lhs_hint = false} : vector<256x625xf32>, vector<625x136xf32>, vector<256x136xf32> -> vector<256x136xf32>
    %swap3A = arith.constant 0 : index
    %swap3A_8 = arith.constant 0 : index
    %swap3A_9 = vector.load %arg3[%swap3A, %swap3A_8] : memref<256x136xf32, #tpu.memory_space<vmem>>, vector<256x136xf32>
    tpu.vector_store %arg3[%swap3A, %swap3A_8], %dot_general3A_7 {strides = array<i32>} : memref<256x136xf32, #tpu.memory_space<vmem>>, vector<256x136xf32>,
    return
  }
  func.func @transform_0(%arg0: i32) -> (i32, i32) {
    %c0_i32 = arith.constant 0 : i32
    %c0_i32_0 = arith.constant 0 : i32
    return %arg0, %c0_i32 : i32, i32
  }
  func.func @transform_1(%arg0: i32) -> (i32, i32) {
    %c0_i32 = arith.constant 0 : i32
    %c0_i32_0 = arith.constant 0 : i32
    %c0_i32_1 = arith.constant 0 : i32
    return %c0_i32, %c0_i32_0 : i32, i32
  }
  func.func @transform_2(%arg0: i32) -> (i32, i32) {
    %c0_i32 = arith.constant 0 : i32
    %c0_i32_0 = arith.constant 0 : i32
    return %arg0, %c0_i32 : i32, i32
  }
}

module attributes {stable_mosaic.version = 14 : i64} {
  func.func @body(%arg0: i32, %arg1: memref<512x136xf32, #tpu.memory_space<vmem>>, %arg2: memref<16x512x136xf32, #tpu.memory_space<vmem>>, %arg3: memref<136x256xf32, #tpu.memory_space<vmem>>, %arg4: memref<136x256xf32, #tpu.memory_space<vmem>>, %arg5: memref<1x256xf32, #tpu.memory_space<vmem>>, %arg6: memref<512x256xf32, #tpu.memory_space<vmem>>) attributes {dimension_semantics = [#tpu.dimension_semantics<arbitrary>], iteration_bounds = array<i64: 2>, scalar_prefetch = 0 : i64, scratch_operands = 0 : i64, tpu.core_type = #tpu.core_type<tc>, window_params = [{transform_indices = @transform_0, window_bounds = array<i64: 512, 136>}, {transform_indices = @transform_1, window_bounds = array<i64: 16, 512, 136>}, {pipeline_mode = #tpu.pipeline_mode<synchronous>, transform_indices = @transform_2, window_bounds = array<i64: 136, 256>}, {pipeline_mode = #tpu.pipeline_mode<synchronous>, transform_indices = @transform_3, window_bounds = array<i64: 136, 256>}, {pipeline_mode = #tpu.pipeline_mode<synchronous>, transform_indices = @transform_4, window_bounds = array<i64: 1, 256>}, {transform_indices = @transform_5, window_bounds = array<i64: 512, 256>}]} {
    %get3A = arith.constant 0 : index
    %get3A_0 = arith.constant 0 : index
    %get3A_1 = vector.load %arg1[%get3A, %get3A_0] : memref<512x136xf32, #tpu.memory_space<vmem>>, vector<512x136xf32>
    %get3A_2 = arith.constant 0 : index
    %get3A_3 = arith.constant 0 : index
    %get3A_4 = vector.load %arg3[%get3A_2, %get3A_3] : memref<136x256xf32, #tpu.memory_space<vmem>>, vector<136x256xf32>
    %dot_general3A = arith.constant dense<0.000000e+00> : vector<512x256xf32>
    %dot_general3A_5 = tpu.matmul %get3A_1, %get3A_4, %dot_general3A {dimension_numbers = #tpu.dot_dimension_numbers<[1], [0], [0], [1], [0, 0, 1, 1], [], []>, transpose_lhs_hint = false} : vector<512x136xf32>, vector<136x256xf32>, vector<512x256xf32> -> vector<512x256xf32>
    %get3A_6 = arith.constant 0 : index
    %get3A_7 = arith.constant 0 : index
    %get3A_8 = vector.load %arg5[%get3A_6, %get3A_7] : memref<1x256xf32, #tpu.memory_space<vmem>>, vector<1x256xf32>
    %add3A = vector.broadcast %get3A_8 : vector<1x256xf32> to vector<512x256xf32>
    %add3A_9 = arith.addf %dot_general3A_5, %add3A : vector<512x256xf32>
    %get3A_10 = arith.constant 0 : index
    %get3A_11 = arith.constant 0 : index
    %get3A_12 = vector.load %arg4[%get3A_10, %get3A_11] : memref<136x256xf32, #tpu.memory_space<vmem>>, vector<136x256xf32>
    %get3A_13 = arith.constant 0 : index
    %get3A_14 = arith.constant 0 : index
    %get3A_15 = arith.constant 0 : index
    %get3A_16 = vector.load %arg2[%get3A_13, %get3A_14, %get3A_15] : memref<16x512x136xf32, #tpu.memory_space<vmem>>, vector<1x512x136xf32>
    %get3A_17 = vector.shape_cast %get3A_16 : vector<1x512x136xf32> to vector<512x136xf32>
    %dot_general3A_18 = arith.constant dense<0.000000e+00> : vector<512x256xf32>
    %dot_general3A_19 = tpu.matmul %get3A_17, %get3A_12, %dot_general3A_18 {dimension_numbers = #tpu.dot_dimension_numbers<[1], [0], [0], [1], [0, 0, 1, 1], [], []>, transpose_lhs_hint = false} : vector<512x136xf32>, vector<136x256xf32>, vector<512x256xf32> -> vector<512x256xf32>
    %add3A_20 = arith.addf %dot_general3A_19, %add3A_9 : vector<512x256xf32>
    %gt3A = arith.constant 0.000000e+00 : f32
    %gt3A_21 = vector.broadcast %gt3A : f32 to vector<512x256xf32>
    %gt3A_22 = arith.cmpf ogt, %add3A_20, %gt3A_21 : vector<512x256xf32>
    %mul3A = arith.constant 2.000000e-01 : f32
    %mul3A_23 = vector.broadcast %mul3A : f32 to vector<512x256xf32>
    %mul3A_24 = arith.mulf %mul3A_23, %add3A_20 : vector<512x256xf32>
    %select_n3A = arith.select %gt3A_22, %add3A_20, %mul3A_24 : vector<512x256xi1>, vector<512x256xf32>
    %get3A_25 = arith.constant 1 : index
    %get3A_26 = arith.constant 0 : index
    %get3A_27 = arith.constant 0 : index
    %get3A_28 = vector.load %arg2[%get3A_25, %get3A_26, %get3A_27] : memref<16x512x136xf32, #tpu.memory_space<vmem>>, vector<1x512x136xf32>
    %get3A_29 = vector.shape_cast %get3A_28 : vector<1x512x136xf32> to vector<512x136xf32>
    %dot_general3A_30 = arith.constant dense<0.000000e+00> : vector<512x256xf32>
    %dot_general3A_31 = tpu.matmul %get3A_29, %get3A_12, %dot_general3A_30 {dimension_numbers = #tpu.dot_dimension_numbers<[1], [0], [0], [1], [0, 0, 1, 1], [], []>, transpose_lhs_hint = false} : vector<512x136xf32>, vector<136x256xf32>, vector<512x256xf32> -> vector<512x256xf32>
    %add3A_32 = arith.addf %dot_general3A_31, %add3A_9 : vector<512x256xf32>
    %gt3A_33 = arith.constant 0.000000e+00 : f32
    %gt3A_34 = vector.broadcast %gt3A_33 : f32 to vector<512x256xf32>
    %gt3A_35 = arith.cmpf ogt, %add3A_32, %gt3A_34 : vector<512x256xf32>
    %mul3A_36 = arith.constant 2.000000e-01 : f32
    %mul3A_37 = vector.broadcast %mul3A_36 : f32 to vector<512x256xf32>
    %mul3A_38 = arith.mulf %mul3A_37, %add3A_32 : vector<512x256xf32>
    %select_n3A_39 = arith.select %gt3A_35, %add3A_32, %mul3A_38 : vector<512x256xi1>, vector<512x256xf32>
    %max3A = arith.maximumf %select_n3A, %select_n3A_39 : vector<512x256xf32>
    %get3A_40 = arith.constant 2 : index
    %get3A_41 = arith.constant 0 : index
    %get3A_42 = arith.constant 0 : index
    %get3A_43 = vector.load %arg2[%get3A_40, %get3A_41, %get3A_42] : memref<16x512x136xf32, #tpu.memory_space<vmem>>, vector<1x512x136xf32>
    %get3A_44 = vector.shape_cast %get3A_43 : vector<1x512x136xf32> to vector<512x136xf32>
    %dot_general3A_45 = arith.constant dense<0.000000e+00> : vector<512x256xf32>
    %dot_general3A_46 = tpu.matmul %get3A_44, %get3A_12, %dot_general3A_45 {dimension_numbers = #tpu.dot_dimension_numbers<[1], [0], [0], [1], [0, 0, 1, 1], [], []>, transpose_lhs_hint = false} : vector<512x136xf32>, vector<136x256xf32>, vector<512x256xf32> -> vector<512x256xf32>
    %add3A_47 = arith.addf %dot_general3A_46, %add3A_9 : vector<512x256xf32>
    %gt3A_48 = arith.constant 0.000000e+00 : f32
    %gt3A_49 = vector.broadcast %gt3A_48 : f32 to vector<512x256xf32>
    %gt3A_50 = arith.cmpf ogt, %add3A_47, %gt3A_49 : vector<512x256xf32>
    %mul3A_51 = arith.constant 2.000000e-01 : f32
    %mul3A_52 = vector.broadcast %mul3A_51 : f32 to vector<512x256xf32>
    %mul3A_53 = arith.mulf %mul3A_52, %add3A_47 : vector<512x256xf32>
    %select_n3A_54 = arith.select %gt3A_50, %add3A_47, %mul3A_53 : vector<512x256xi1>, vector<512x256xf32>
    %max3A_55 = arith.maximumf %max3A, %select_n3A_54 : vector<512x256xf32>
    %get3A_56 = arith.constant 3 : index
    %get3A_57 = arith.constant 0 : index
    %get3A_58 = arith.constant 0 : index
    %get3A_59 = vector.load %arg2[%get3A_56, %get3A_57, %get3A_58] : memref<16x512x136xf32, #tpu.memory_space<vmem>>, vector<1x512x136xf32>
    %get3A_60 = vector.shape_cast %get3A_59 : vector<1x512x136xf32> to vector<512x136xf32>
    %dot_general3A_61 = arith.constant dense<0.000000e+00> : vector<512x256xf32>
    %dot_general3A_62 = tpu.matmul %get3A_60, %get3A_12, %dot_general3A_61 {dimension_numbers = #tpu.dot_dimension_numbers<[1], [0], [0], [1], [0, 0, 1, 1], [], []>, transpose_lhs_hint = false} : vector<512x136xf32>, vector<136x256xf32>, vector<512x256xf32> -> vector<512x256xf32>
    %add3A_63 = arith.addf %dot_general3A_62, %add3A_9 : vector<512x256xf32>
    %gt3A_64 = arith.constant 0.000000e+00 : f32
    %gt3A_65 = vector.broadcast %gt3A_64 : f32 to vector<512x256xf32>
    %gt3A_66 = arith.cmpf ogt, %add3A_63, %gt3A_65 : vector<512x256xf32>
    %mul3A_67 = arith.constant 2.000000e-01 : f32
    %mul3A_68 = vector.broadcast %mul3A_67 : f32 to vector<512x256xf32>
    %mul3A_69 = arith.mulf %mul3A_68, %add3A_63 : vector<512x256xf32>
    %select_n3A_70 = arith.select %gt3A_66, %add3A_63, %mul3A_69 : vector<512x256xi1>, vector<512x256xf32>
    %max3A_71 = arith.maximumf %max3A_55, %select_n3A_70 : vector<512x256xf32>
    %get3A_72 = arith.constant 4 : index
    %get3A_73 = arith.constant 0 : index
    %get3A_74 = arith.constant 0 : index
    %get3A_75 = vector.load %arg2[%get3A_72, %get3A_73, %get3A_74] : memref<16x512x136xf32, #tpu.memory_space<vmem>>, vector<1x512x136xf32>
    %get3A_76 = vector.shape_cast %get3A_75 : vector<1x512x136xf32> to vector<512x136xf32>
    %dot_general3A_77 = arith.constant dense<0.000000e+00> : vector<512x256xf32>
    %dot_general3A_78 = tpu.matmul %get3A_76, %get3A_12, %dot_general3A_77 {dimension_numbers = #tpu.dot_dimension_numbers<[1], [0], [0], [1], [0, 0, 1, 1], [], []>, transpose_lhs_hint = false} : vector<512x136xf32>, vector<136x256xf32>, vector<512x256xf32> -> vector<512x256xf32>
    %add3A_79 = arith.addf %dot_general3A_78, %add3A_9 : vector<512x256xf32>
    %gt3A_80 = arith.constant 0.000000e+00 : f32
    %gt3A_81 = vector.broadcast %gt3A_80 : f32 to vector<512x256xf32>
    %gt3A_82 = arith.cmpf ogt, %add3A_79, %gt3A_81 : vector<512x256xf32>
    %mul3A_83 = arith.constant 2.000000e-01 : f32
    %mul3A_84 = vector.broadcast %mul3A_83 : f32 to vector<512x256xf32>
    %mul3A_85 = arith.mulf %mul3A_84, %add3A_79 : vector<512x256xf32>
    %select_n3A_86 = arith.select %gt3A_82, %add3A_79, %mul3A_85 : vector<512x256xi1>, vector<512x256xf32>
    %max3A_87 = arith.maximumf %max3A_71, %select_n3A_86 : vector<512x256xf32>
    %get3A_88 = arith.constant 5 : index
    %get3A_89 = arith.constant 0 : index
    %get3A_90 = arith.constant 0 : index
    %get3A_91 = vector.load %arg2[%get3A_88, %get3A_89, %get3A_90] : memref<16x512x136xf32, #tpu.memory_space<vmem>>, vector<1x512x136xf32>
    %get3A_92 = vector.shape_cast %get3A_91 : vector<1x512x136xf32> to vector<512x136xf32>
    %dot_general3A_93 = arith.constant dense<0.000000e+00> : vector<512x256xf32>
    %dot_general3A_94 = tpu.matmul %get3A_92, %get3A_12, %dot_general3A_93 {dimension_numbers = #tpu.dot_dimension_numbers<[1], [0], [0], [1], [0, 0, 1, 1], [], []>, transpose_lhs_hint = false} : vector<512x136xf32>, vector<136x256xf32>, vector<512x256xf32> -> vector<512x256xf32>
    %add3A_95 = arith.addf %dot_general3A_94, %add3A_9 : vector<512x256xf32>
    %gt3A_96 = arith.constant 0.000000e+00 : f32
    %gt3A_97 = vector.broadcast %gt3A_96 : f32 to vector<512x256xf32>
    %gt3A_98 = arith.cmpf ogt, %add3A_95, %gt3A_97 : vector<512x256xf32>
    %mul3A_99 = arith.constant 2.000000e-01 : f32
    %mul3A_100 = vector.broadcast %mul3A_99 : f32 to vector<512x256xf32>
    %mul3A_101 = arith.mulf %mul3A_100, %add3A_95 : vector<512x256xf32>
    %select_n3A_102 = arith.select %gt3A_98, %add3A_95, %mul3A_101 : vector<512x256xi1>, vector<512x256xf32>
    %max3A_103 = arith.maximumf %max3A_87, %select_n3A_102 : vector<512x256xf32>
    %get3A_104 = arith.constant 6 : index
    %get3A_105 = arith.constant 0 : index
    %get3A_106 = arith.constant 0 : index
    %get3A_107 = vector.load %arg2[%get3A_104, %get3A_105, %get3A_106] : memref<16x512x136xf32, #tpu.memory_space<vmem>>, vector<1x512x136xf32>
    %get3A_108 = vector.shape_cast %get3A_107 : vector<1x512x136xf32> to vector<512x136xf32>
    %dot_general3A_109 = arith.constant dense<0.000000e+00> : vector<512x256xf32>
    %dot_general3A_110 = tpu.matmul %get3A_108, %get3A_12, %dot_general3A_109 {dimension_numbers = #tpu.dot_dimension_numbers<[1], [0], [0], [1], [0, 0, 1, 1], [], []>, transpose_lhs_hint = false} : vector<512x136xf32>, vector<136x256xf32>, vector<512x256xf32> -> vector<512x256xf32>
    %add3A_111 = arith.addf %dot_general3A_110, %add3A_9 : vector<512x256xf32>
    %gt3A_112 = arith.constant 0.000000e+00 : f32
    %gt3A_113 = vector.broadcast %gt3A_112 : f32 to vector<512x256xf32>
    %gt3A_114 = arith.cmpf ogt, %add3A_111, %gt3A_113 : vector<512x256xf32>
    %mul3A_115 = arith.constant 2.000000e-01 : f32
    %mul3A_116 = vector.broadcast %mul3A_115 : f32 to vector<512x256xf32>
    %mul3A_117 = arith.mulf %mul3A_116, %add3A_111 : vector<512x256xf32>
    %select_n3A_118 = arith.select %gt3A_114, %add3A_111, %mul3A_117 : vector<512x256xi1>, vector<512x256xf32>
    %max3A_119 = arith.maximumf %max3A_103, %select_n3A_118 : vector<512x256xf32>
    %get3A_120 = arith.constant 7 : index
    %get3A_121 = arith.constant 0 : index
    %get3A_122 = arith.constant 0 : index
    %get3A_123 = vector.load %arg2[%get3A_120, %get3A_121, %get3A_122] : memref<16x512x136xf32, #tpu.memory_space<vmem>>, vector<1x512x136xf32>
    %get3A_124 = vector.shape_cast %get3A_123 : vector<1x512x136xf32> to vector<512x136xf32>
    %dot_general3A_125 = arith.constant dense<0.000000e+00> : vector<512x256xf32>
    %dot_general3A_126 = tpu.matmul %get3A_124, %get3A_12, %dot_general3A_125 {dimension_numbers = #tpu.dot_dimension_numbers<[1], [0], [0], [1], [0, 0, 1, 1], [], []>, transpose_lhs_hint = false} : vector<512x136xf32>, vector<136x256xf32>, vector<512x256xf32> -> vector<512x256xf32>
    %add3A_127 = arith.addf %dot_general3A_126, %add3A_9 : vector<512x256xf32>
    %gt3A_128 = arith.constant 0.000000e+00 : f32
    %gt3A_129 = vector.broadcast %gt3A_128 : f32 to vector<512x256xf32>
    %gt3A_130 = arith.cmpf ogt, %add3A_127, %gt3A_129 : vector<512x256xf32>
    %mul3A_131 = arith.constant 2.000000e-01 : f32
    %mul3A_132 = vector.broadcast %mul3A_131 : f32 to vector<512x256xf32>
    %mul3A_133 = arith.mulf %mul3A_132, %add3A_127 : vector<512x256xf32>
    %select_n3A_134 = arith.select %gt3A_130, %add3A_127, %mul3A_133 : vector<512x256xi1>, vector<512x256xf32>
    %max3A_135 = arith.maximumf %max3A_119, %select_n3A_134 : vector<512x256xf32>
    %get3A_136 = arith.constant 8 : index
    %get3A_137 = arith.constant 0 : index
    %get3A_138 = arith.constant 0 : index
    %get3A_139 = vector.load %arg2[%get3A_136, %get3A_137, %get3A_138] : memref<16x512x136xf32, #tpu.memory_space<vmem>>, vector<1x512x136xf32>
    %get3A_140 = vector.shape_cast %get3A_139 : vector<1x512x136xf32> to vector<512x136xf32>
    %dot_general3A_141 = arith.constant dense<0.000000e+00> : vector<512x256xf32>
    %dot_general3A_142 = tpu.matmul %get3A_140, %get3A_12, %dot_general3A_141 {dimension_numbers = #tpu.dot_dimension_numbers<[1], [0], [0], [1], [0, 0, 1, 1], [], []>, transpose_lhs_hint = false} : vector<512x136xf32>, vector<136x256xf32>, vector<512x256xf32> -> vector<512x256xf32>
    %add3A_143 = arith.addf %dot_general3A_142, %add3A_9 : vector<512x256xf32>
    %gt3A_144 = arith.constant 0.000000e+00 : f32
    %gt3A_145 = vector.broadcast %gt3A_144 : f32 to vector<512x256xf32>
    %gt3A_146 = arith.cmpf ogt, %add3A_143, %gt3A_145 : vector<512x256xf32>
    %mul3A_147 = arith.constant 2.000000e-01 : f32
    %mul3A_148 = vector.broadcast %mul3A_147 : f32 to vector<512x256xf32>
    %mul3A_149 = arith.mulf %mul3A_148, %add3A_143 : vector<512x256xf32>
    %select_n3A_150 = arith.select %gt3A_146, %add3A_143, %mul3A_149 : vector<512x256xi1>, vector<512x256xf32>
    %max3A_151 = arith.maximumf %max3A_135, %select_n3A_150 : vector<512x256xf32>
    %get3A_152 = arith.constant 9 : index
    %get3A_153 = arith.constant 0 : index
    %get3A_154 = arith.constant 0 : index
    %get3A_155 = vector.load %arg2[%get3A_152, %get3A_153, %get3A_154] : memref<16x512x136xf32, #tpu.memory_space<vmem>>, vector<1x512x136xf32>
    %get3A_156 = vector.shape_cast %get3A_155 : vector<1x512x136xf32> to vector<512x136xf32>
    %dot_general3A_157 = arith.constant dense<0.000000e+00> : vector<512x256xf32>
    %dot_general3A_158 = tpu.matmul %get3A_156, %get3A_12, %dot_general3A_157 {dimension_numbers = #tpu.dot_dimension_numbers<[1], [0], [0], [1], [0, 0, 1, 1], [], []>, transpose_lhs_hint = false} : vector<512x136xf32>, vector<136x256xf32>, vector<512x256xf32> -> vector<512x256xf32>
    %add3A_159 = arith.addf %dot_general3A_158, %add3A_9 : vector<512x256xf32>
    %gt3A_160 = arith.constant 0.000000e+00 : f32
    %gt3A_161 = vector.broadcast %gt3A_160 : f32 to vector<512x256xf32>
    %gt3A_162 = arith.cmpf ogt, %add3A_159, %gt3A_161 : vector<512x256xf32>
    %mul3A_163 = arith.constant 2.000000e-01 : f32
    %mul3A_164 = vector.broadcast %mul3A_163 : f32 to vector<512x256xf32>
    %mul3A_165 = arith.mulf %mul3A_164, %add3A_159 : vector<512x256xf32>
    %select_n3A_166 = arith.select %gt3A_162, %add3A_159, %mul3A_165 : vector<512x256xi1>, vector<512x256xf32>
    %max3A_167 = arith.maximumf %max3A_151, %select_n3A_166 : vector<512x256xf32>
    %get3A_168 = arith.constant 10 : index
    %get3A_169 = arith.constant 0 : index
    %get3A_170 = arith.constant 0 : index
    %get3A_171 = vector.load %arg2[%get3A_168, %get3A_169, %get3A_170] : memref<16x512x136xf32, #tpu.memory_space<vmem>>, vector<1x512x136xf32>
    %get3A_172 = vector.shape_cast %get3A_171 : vector<1x512x136xf32> to vector<512x136xf32>
    %dot_general3A_173 = arith.constant dense<0.000000e+00> : vector<512x256xf32>
    %dot_general3A_174 = tpu.matmul %get3A_172, %get3A_12, %dot_general3A_173 {dimension_numbers = #tpu.dot_dimension_numbers<[1], [0], [0], [1], [0, 0, 1, 1], [], []>, transpose_lhs_hint = false} : vector<512x136xf32>, vector<136x256xf32>, vector<512x256xf32> -> vector<512x256xf32>
    %add3A_175 = arith.addf %dot_general3A_174, %add3A_9 : vector<512x256xf32>
    %gt3A_176 = arith.constant 0.000000e+00 : f32
    %gt3A_177 = vector.broadcast %gt3A_176 : f32 to vector<512x256xf32>
    %gt3A_178 = arith.cmpf ogt, %add3A_175, %gt3A_177 : vector<512x256xf32>
    %mul3A_179 = arith.constant 2.000000e-01 : f32
    %mul3A_180 = vector.broadcast %mul3A_179 : f32 to vector<512x256xf32>
    %mul3A_181 = arith.mulf %mul3A_180, %add3A_175 : vector<512x256xf32>
    %select_n3A_182 = arith.select %gt3A_178, %add3A_175, %mul3A_181 : vector<512x256xi1>, vector<512x256xf32>
    %max3A_183 = arith.maximumf %max3A_167, %select_n3A_182 : vector<512x256xf32>
    %get3A_184 = arith.constant 11 : index
    %get3A_185 = arith.constant 0 : index
    %get3A_186 = arith.constant 0 : index
    %get3A_187 = vector.load %arg2[%get3A_184, %get3A_185, %get3A_186] : memref<16x512x136xf32, #tpu.memory_space<vmem>>, vector<1x512x136xf32>
    %get3A_188 = vector.shape_cast %get3A_187 : vector<1x512x136xf32> to vector<512x136xf32>
    %dot_general3A_189 = arith.constant dense<0.000000e+00> : vector<512x256xf32>
    %dot_general3A_190 = tpu.matmul %get3A_188, %get3A_12, %dot_general3A_189 {dimension_numbers = #tpu.dot_dimension_numbers<[1], [0], [0], [1], [0, 0, 1, 1], [], []>, transpose_lhs_hint = false} : vector<512x136xf32>, vector<136x256xf32>, vector<512x256xf32> -> vector<512x256xf32>
    %add3A_191 = arith.addf %dot_general3A_190, %add3A_9 : vector<512x256xf32>
    %gt3A_192 = arith.constant 0.000000e+00 : f32
    %gt3A_193 = vector.broadcast %gt3A_192 : f32 to vector<512x256xf32>
    %gt3A_194 = arith.cmpf ogt, %add3A_191, %gt3A_193 : vector<512x256xf32>
    %mul3A_195 = arith.constant 2.000000e-01 : f32
    %mul3A_196 = vector.broadcast %mul3A_195 : f32 to vector<512x256xf32>
    %mul3A_197 = arith.mulf %mul3A_196, %add3A_191 : vector<512x256xf32>
    %select_n3A_198 = arith.select %gt3A_194, %add3A_191, %mul3A_197 : vector<512x256xi1>, vector<512x256xf32>
    %max3A_199 = arith.maximumf %max3A_183, %select_n3A_198 : vector<512x256xf32>
    %get3A_200 = arith.constant 12 : index
    %get3A_201 = arith.constant 0 : index
    %get3A_202 = arith.constant 0 : index
    %get3A_203 = vector.load %arg2[%get3A_200, %get3A_201, %get3A_202] : memref<16x512x136xf32, #tpu.memory_space<vmem>>, vector<1x512x136xf32>
    %get3A_204 = vector.shape_cast %get3A_203 : vector<1x512x136xf32> to vector<512x136xf32>
    %dot_general3A_205 = arith.constant dense<0.000000e+00> : vector<512x256xf32>
    %dot_general3A_206 = tpu.matmul %get3A_204, %get3A_12, %dot_general3A_205 {dimension_numbers = #tpu.dot_dimension_numbers<[1], [0], [0], [1], [0, 0, 1, 1], [], []>, transpose_lhs_hint = false} : vector<512x136xf32>, vector<136x256xf32>, vector<512x256xf32> -> vector<512x256xf32>
    %add3A_207 = arith.addf %dot_general3A_206, %add3A_9 : vector<512x256xf32>
    %gt3A_208 = arith.constant 0.000000e+00 : f32
    %gt3A_209 = vector.broadcast %gt3A_208 : f32 to vector<512x256xf32>
    %gt3A_210 = arith.cmpf ogt, %add3A_207, %gt3A_209 : vector<512x256xf32>
    %mul3A_211 = arith.constant 2.000000e-01 : f32
    %mul3A_212 = vector.broadcast %mul3A_211 : f32 to vector<512x256xf32>
    %mul3A_213 = arith.mulf %mul3A_212, %add3A_207 : vector<512x256xf32>
    %select_n3A_214 = arith.select %gt3A_210, %add3A_207, %mul3A_213 : vector<512x256xi1>, vector<512x256xf32>
    %max3A_215 = arith.maximumf %max3A_199, %select_n3A_214 : vector<512x256xf32>
    %get3A_216 = arith.constant 13 : index
    %get3A_217 = arith.constant 0 : index
    %get3A_218 = arith.constant 0 : index
    %get3A_219 = vector.load %arg2[%get3A_216, %get3A_217, %get3A_218] : memref<16x512x136xf32, #tpu.memory_space<vmem>>, vector<1x512x136xf32>
    %get3A_220 = vector.shape_cast %get3A_219 : vector<1x512x136xf32> to vector<512x136xf32>
    %dot_general3A_221 = arith.constant dense<0.000000e+00> : vector<512x256xf32>
    %dot_general3A_222 = tpu.matmul %get3A_220, %get3A_12, %dot_general3A_221 {dimension_numbers = #tpu.dot_dimension_numbers<[1], [0], [0], [1], [0, 0, 1, 1], [], []>, transpose_lhs_hint = false} : vector<512x136xf32>, vector<136x256xf32>, vector<512x256xf32> -> vector<512x256xf32>
    %add3A_223 = arith.addf %dot_general3A_222, %add3A_9 : vector<512x256xf32>
    %gt3A_224 = arith.constant 0.000000e+00 : f32
    %gt3A_225 = vector.broadcast %gt3A_224 : f32 to vector<512x256xf32>
    %gt3A_226 = arith.cmpf ogt, %add3A_223, %gt3A_225 : vector<512x256xf32>
    %mul3A_227 = arith.constant 2.000000e-01 : f32
    %mul3A_228 = vector.broadcast %mul3A_227 : f32 to vector<512x256xf32>
    %mul3A_229 = arith.mulf %mul3A_228, %add3A_223 : vector<512x256xf32>
    %select_n3A_230 = arith.select %gt3A_226, %add3A_223, %mul3A_229 : vector<512x256xi1>, vector<512x256xf32>
    %max3A_231 = arith.maximumf %max3A_215, %select_n3A_230 : vector<512x256xf32>
    %get3A_232 = arith.constant 14 : index
    %get3A_233 = arith.constant 0 : index
    %get3A_234 = arith.constant 0 : index
    %get3A_235 = vector.load %arg2[%get3A_232, %get3A_233, %get3A_234] : memref<16x512x136xf32, #tpu.memory_space<vmem>>, vector<1x512x136xf32>
    %get3A_236 = vector.shape_cast %get3A_235 : vector<1x512x136xf32> to vector<512x136xf32>
    %dot_general3A_237 = arith.constant dense<0.000000e+00> : vector<512x256xf32>
    %dot_general3A_238 = tpu.matmul %get3A_236, %get3A_12, %dot_general3A_237 {dimension_numbers = #tpu.dot_dimension_numbers<[1], [0], [0], [1], [0, 0, 1, 1], [], []>, transpose_lhs_hint = false} : vector<512x136xf32>, vector<136x256xf32>, vector<512x256xf32> -> vector<512x256xf32>
    %add3A_239 = arith.addf %dot_general3A_238, %add3A_9 : vector<512x256xf32>
    %gt3A_240 = arith.constant 0.000000e+00 : f32
    %gt3A_241 = vector.broadcast %gt3A_240 : f32 to vector<512x256xf32>
    %gt3A_242 = arith.cmpf ogt, %add3A_239, %gt3A_241 : vector<512x256xf32>
    %mul3A_243 = arith.constant 2.000000e-01 : f32
    %mul3A_244 = vector.broadcast %mul3A_243 : f32 to vector<512x256xf32>
    %mul3A_245 = arith.mulf %mul3A_244, %add3A_239 : vector<512x256xf32>
    %select_n3A_246 = arith.select %gt3A_242, %add3A_239, %mul3A_245 : vector<512x256xi1>, vector<512x256xf32>
    %max3A_247 = arith.maximumf %max3A_231, %select_n3A_246 : vector<512x256xf32>
    %get3A_248 = arith.constant 15 : index
    %get3A_249 = arith.constant 0 : index
    %get3A_250 = arith.constant 0 : index
    %get3A_251 = vector.load %arg2[%get3A_248, %get3A_249, %get3A_250] : memref<16x512x136xf32, #tpu.memory_space<vmem>>, vector<1x512x136xf32>
    %get3A_252 = vector.shape_cast %get3A_251 : vector<1x512x136xf32> to vector<512x136xf32>
    %dot_general3A_253 = arith.constant dense<0.000000e+00> : vector<512x256xf32>
    %dot_general3A_254 = tpu.matmul %get3A_252, %get3A_12, %dot_general3A_253 {dimension_numbers = #tpu.dot_dimension_numbers<[1], [0], [0], [1], [0, 0, 1, 1], [], []>, transpose_lhs_hint = false} : vector<512x136xf32>, vector<136x256xf32>, vector<512x256xf32> -> vector<512x256xf32>
    %add3A_255 = arith.addf %dot_general3A_254, %add3A_9 : vector<512x256xf32>
    %gt3A_256 = arith.constant 0.000000e+00 : f32
    %gt3A_257 = vector.broadcast %gt3A_256 : f32 to vector<512x256xf32>
    %gt3A_258 = arith.cmpf ogt, %add3A_255, %gt3A_257 : vector<512x256xf32>
    %mul3A_259 = arith.constant 2.000000e-01 : f32
    %mul3A_260 = vector.broadcast %mul3A_259 : f32 to vector<512x256xf32>
    %mul3A_261 = arith.mulf %mul3A_260, %add3A_255 : vector<512x256xf32>
    %select_n3A_262 = arith.select %gt3A_258, %add3A_255, %mul3A_261 : vector<512x256xi1>, vector<512x256xf32>
    %max3A_263 = arith.maximumf %max3A_247, %select_n3A_262 : vector<512x256xf32>
    %swap3A = arith.constant 0 : index
    %swap3A_264 = arith.constant 0 : index
    %swap3A_265 = vector.load %arg6[%swap3A, %swap3A_264] : memref<512x256xf32, #tpu.memory_space<vmem>>, vector<512x256xf32>
    tpu.vector_store %arg6[%swap3A, %swap3A_264], %max3A_263 {strides = array<i32>} : memref<512x256xf32, #tpu.memory_space<vmem>>, vector<512x256xf32>,
    return
  }
  func.func @transform_0(%arg0: i32) -> (i32, i32) {
    %c0_i32 = arith.constant 0 : i32
    %c0_i32_0 = arith.constant 0 : i32
    return %arg0, %c0_i32 : i32, i32
  }
  func.func @transform_1(%arg0: i32) -> (i32, i32, i32) {
    %c0_i32 = arith.constant 0 : i32
    %c0_i32_0 = arith.constant 0 : i32
    %c0_i32_1 = arith.constant 0 : i32
    return %c0_i32, %arg0, %c0_i32_0 : i32, i32, i32
  }
  func.func @transform_2(%arg0: i32) -> (i32, i32) {
    %c0_i32 = arith.constant 0 : i32
    %c0_i32_0 = arith.constant 0 : i32
    %c0_i32_1 = arith.constant 0 : i32
    return %c0_i32, %c0_i32_0 : i32, i32
  }
  func.func @transform_3(%arg0: i32) -> (i32, i32) {
    %c0_i32 = arith.constant 0 : i32
    %c0_i32_0 = arith.constant 0 : i32
    %c0_i32_1 = arith.constant 0 : i32
    return %c0_i32, %c0_i32_0 : i32, i32
  }
  func.func @transform_4(%arg0: i32) -> (i32, i32) {
    %c0_i32 = arith.constant 0 : i32
    %c0_i32_0 = arith.constant 0 : i32
    %c0_i32_1 = arith.constant 0 : i32
    return %c0_i32, %c0_i32_0 : i32, i32
  }
  func.func @transform_5(%arg0: i32) -> (i32, i32) {
    %c0_i32 = arith.constant 0 : i32
    %c0_i32_0 = arith.constant 0 : i32
    return %arg0, %c0_i32 : i32, i32
  }
}

module attributes {stable_mosaic.version = 14 : i64} {
  func.func @body(%arg0: i32, %arg1: memref<512x256xf32, #tpu.memory_space<vmem>>, %arg2: memref<512x512xf32, #tpu.memory_space<vmem>>, %arg3: memref<256x512xf32, #tpu.memory_space<vmem>>, %arg4: memref<1x512xf32, #tpu.memory_space<vmem>>, %arg5: memref<512x1xf32, #tpu.memory_space<vmem>>, %arg6: memref<1x1xf32, #tpu.memory_space<vmem>>, %arg7: memref<512x512xf32, #tpu.memory_space<vmem>>, %arg8: memref<512x1xf32, #tpu.memory_space<vmem>>) attributes {dimension_semantics = [#tpu.dimension_semantics<arbitrary>], iteration_bounds = array<i64: 2>, scalar_prefetch = 0 : i64, scratch_operands = 0 : i64, tpu.core_type = #tpu.core_type<tc>, window_params = [{transform_indices = @transform_0, window_bounds = array<i64: 512, 256>}, {transform_indices = @transform_1, window_bounds = array<i64: 512, 512>}, {pipeline_mode = #tpu.pipeline_mode<synchronous>, transform_indices = @transform_2, window_bounds = array<i64: 256, 512>}, {pipeline_mode = #tpu.pipeline_mode<synchronous>, transform_indices = @transform_3, window_bounds = array<i64: 1, 512>}, {pipeline_mode = #tpu.pipeline_mode<synchronous>, transform_indices = @transform_4, window_bounds = array<i64: 512, 1>}, {pipeline_mode = #tpu.pipeline_mode<synchronous>, transform_indices = @transform_5, window_bounds = array<i64: 1, 1>}, {transform_indices = @transform_6, window_bounds = array<i64: 512, 512>}, {transform_indices = @transform_7, window_bounds = array<i64: 512, 1>}]} {
    %get3A = arith.constant 0 : index
    %get3A_0 = arith.constant 0 : index
    %get3A_1 = vector.load %arg1[%get3A, %get3A_0] : memref<512x256xf32, #tpu.memory_space<vmem>>, vector<512x256xf32>
    %get3A_2 = arith.constant 0 : index
    %get3A_3 = arith.constant 0 : index
    %get3A_4 = vector.load %arg3[%get3A_2, %get3A_3] : memref<256x512xf32, #tpu.memory_space<vmem>>, vector<256x512xf32>
    %dot_general3A = arith.constant dense<0.000000e+00> : vector<512x512xf32>
    %dot_general3A_5 = tpu.matmul %get3A_1, %get3A_4, %dot_general3A {dimension_numbers = #tpu.dot_dimension_numbers<[1], [0], [0], [1], [0, 0, 1, 1], [], []>, transpose_lhs_hint = false} : vector<512x256xf32>, vector<256x512xf32>, vector<512x512xf32> -> vector<512x512xf32>
    %get3A_6 = arith.constant 0 : index
    %get3A_7 = arith.constant 0 : index
    %get3A_8 = vector.load %arg4[%get3A_6, %get3A_7] : memref<1x512xf32, #tpu.memory_space<vmem>>, vector<1x512xf32>
    %add3A = vector.broadcast %get3A_8 : vector<1x512xf32> to vector<512x512xf32>
    %add3A_9 = arith.addf %dot_general3A_5, %add3A : vector<512x512xf32>
    %get3A_10 = arith.constant 0 : index
    %get3A_11 = arith.constant 0 : index
    %get3A_12 = vector.load %arg2[%get3A_10, %get3A_11] : memref<512x512xf32, #tpu.memory_space<vmem>>, vector<512x512xf32>
    %add3A_13 = arith.addf %add3A_9, %get3A_12 : vector<512x512xf32>
    %gt3A = arith.constant 0.000000e+00 : f32
    %gt3A_14 = vector.broadcast %gt3A : f32 to vector<512x512xf32>
    %gt3A_15 = arith.cmpf ogt, %add3A_13, %gt3A_14 : vector<512x512xf32>
    %mul3A = arith.constant 2.000000e-01 : f32
    %mul3A_16 = vector.broadcast %mul3A : f32 to vector<512x512xf32>
    %mul3A_17 = arith.mulf %mul3A_16, %add3A_13 : vector<512x512xf32>
    %select_n3A = arith.select %gt3A_15, %add3A_13, %mul3A_17 : vector<512x512xi1>, vector<512x512xf32>
    %swap3A = arith.constant 0 : index
    %swap3A_18 = arith.constant 0 : index
    %swap3A_19 = vector.load %arg7[%swap3A, %swap3A_18] : memref<512x512xf32, #tpu.memory_space<vmem>>, vector<512x512xf32>
    tpu.vector_store %arg7[%swap3A, %swap3A_18], %select_n3A {strides = array<i32>} : memref<512x512xf32, #tpu.memory_space<vmem>>, vector<512x512xf32>,
    %get3A_20 = arith.constant 0 : index
    %get3A_21 = arith.constant 0 : index
    %get3A_22 = vector.load %arg5[%get3A_20, %get3A_21] : memref<512x1xf32, #tpu.memory_space<vmem>>, vector<512x1xf32>
    %dot_general3A_23 = arith.constant dense<0.000000e+00> : vector<512x1xf32>
    %dot_general3A_24 = tpu.matmul %select_n3A, %get3A_22, %dot_general3A_23 {dimension_numbers = #tpu.dot_dimension_numbers<[1], [0], [0], [1], [0, 0, 1, 1], [], []>, transpose_lhs_hint = false} : vector<512x512xf32>, vector<512x1xf32>, vector<512x1xf32> -> vector<512x1xf32>
    %get3A_25 = arith.constant 0 : index
    %get3A_26 = arith.constant 0 : index
    %get3A_27 = vector.load %arg6[%get3A_25, %get3A_26] : memref<1x1xf32, #tpu.memory_space<vmem>>, vector<1x1xf32>
    %get3A_28 = vector.extract %get3A_27[0, 0] : f32 from vector<1x1xf32>
    %div3A = vector.broadcast %get3A_28 : f32 to vector<512x1xf32>
    %div3A_29 = arith.divf %dot_general3A_24, %div3A : vector<512x1xf32>
    %swap3A_30 = arith.constant 0 : index
    %swap3A_31 = arith.constant 0 : index
    %swap3A_32 = vector.load %arg8[%swap3A_30, %swap3A_31] : memref<512x1xf32, #tpu.memory_space<vmem>>, vector<512x1xf32>
    tpu.vector_store %arg8[%swap3A_30, %swap3A_31], %div3A_29 {strides = array<i32>} : memref<512x1xf32, #tpu.memory_space<vmem>>, vector<512x1xf32>,
    return
  }
  func.func @transform_0(%arg0: i32) -> (i32, i32) {
    %c0_i32 = arith.constant 0 : i32
    %c0_i32_0 = arith.constant 0 : i32
    return %arg0, %c0_i32 : i32, i32
  }
  func.func @transform_1(%arg0: i32) -> (i32, i32) {
    %c0_i32 = arith.constant 0 : i32
    %c0_i32_0 = arith.constant 0 : i32
    return %arg0, %c0_i32 : i32, i32
  }
  func.func @transform_2(%arg0: i32) -> (i32, i32) {
    %c0_i32 = arith.constant 0 : i32
    %c0_i32_0 = arith.constant 0 : i32
    %c0_i32_1 = arith.constant 0 : i32
    return %c0_i32, %c0_i32_0 : i32, i32
  }
  func.func @transform_3(%arg0: i32) -> (i32, i32) {
    %c0_i32 = arith.constant 0 : i32
    %c0_i32_0 = arith.constant 0 : i32
    %c0_i32_1 = arith.constant 0 : i32
    return %c0_i32, %c0_i32_0 : i32, i32
  }
  func.func @transform_4(%arg0: i32) -> (i32, i32) {
    %c0_i32 = arith.constant 0 : i32
    %c0_i32_0 = arith.constant 0 : i32
    %c0_i32_1 = arith.constant 0 : i32
    return %c0_i32, %c0_i32_0 : i32, i32
  }
  func.func @transform_5(%arg0: i32) -> (i32, i32) {
    %c0_i32 = arith.constant 0 : i32
    %c0_i32_0 = arith.constant 0 : i32
    %c0_i32_1 = arith.constant 0 : i32
    return %c0_i32, %c0_i32_0 : i32, i32
  }
  func.func @transform_6(%arg0: i32) -> (i32, i32) {
    %c0_i32 = arith.constant 0 : i32
    %c0_i32_0 = arith.constant 0 : i32
    return %arg0, %c0_i32 : i32, i32
  }
  func.func @transform_7(%arg0: i32) -> (i32, i32) {
    %c0_i32 = arith.constant 0 : i32
    %c0_i32_0 = arith.constant 0 : i32
    return %arg0, %c0_i32 : i32, i32
  }
}

module attributes {stable_mosaic.version = 14 : i64} {
  func.func @body(%arg0: i32, %arg1: memref<256x1xi32, #tpu.memory_space<vmem>>, %arg2: memref<625x516xf32, #tpu.memory_space<vmem>>, %arg3: memref<256x516xf32, #tpu.memory_space<vmem>>) attributes {dimension_semantics = [#tpu.dimension_semantics<arbitrary>], iteration_bounds = array<i64: 1>, scalar_prefetch = 0 : i64, scratch_operands = 0 : i64, tpu.core_type = #tpu.core_type<tc>, window_params = [{transform_indices = @transform_0, window_bounds = array<i64: 256, 1>}, {pipeline_mode = #tpu.pipeline_mode<synchronous>, transform_indices = @transform_1, window_bounds = array<i64: 625, 516>}, {transform_indices = @transform_2, window_bounds = array<i64: 256, 516>}]} {
    %get3A = arith.constant 0 : index
    %get3A_0 = arith.constant 0 : index
    %get3A_1 = vector.load %arg1[%get3A, %get3A_0] : memref<256x1xi32, #tpu.memory_space<vmem>>, vector<256x1xi32>
    %iota3A = tpu.iota {dimensions = array<i32: 1>} : vector<256x625xi32>
    %eq3A = vector.broadcast %get3A_1 : vector<256x1xi32> to vector<256x625xi32>
    %eq3A_2 = arith.cmpi eq, %iota3A, %eq3A : vector<256x625xi32>
    %convert_element_type3A = arith.extui %eq3A_2 : vector<256x625xi1> to vector<256x625xi32>
    %convert_element_type3A_3 = arith.sitofp %convert_element_type3A : vector<256x625xi32> to vector<256x625xf32>
    %get3A_4 = arith.constant 0 : index
    %get3A_5 = arith.constant 0 : index
    %get3A_6 = vector.load %arg2[%get3A_4, %get3A_5] : memref<625x516xf32, #tpu.memory_space<vmem>>, vector<625x516xf32>
    %dot_general3A = arith.constant dense<0.000000e+00> : vector<256x516xf32>
    %dot_general3A_7 = tpu.matmul %convert_element_type3A_3, %get3A_6, %dot_general3A {dimension_numbers = #tpu.dot_dimension_numbers<[1], [0], [0], [1], [0, 0, 1, 1], [], []>, transpose_lhs_hint = false} : vector<256x625xf32>, vector<625x516xf32>, vector<256x516xf32> -> vector<256x516xf32>
    %swap3A = arith.constant 0 : index
    %swap3A_8 = arith.constant 0 : index
    %swap3A_9 = vector.load %arg3[%swap3A, %swap3A_8] : memref<256x516xf32, #tpu.memory_space<vmem>>, vector<256x516xf32>
    tpu.vector_store %arg3[%swap3A, %swap3A_8], %dot_general3A_7 {strides = array<i32>} : memref<256x516xf32, #tpu.memory_space<vmem>>, vector<256x516xf32>,
    return
  }
  func.func @transform_0(%arg0: i32) -> (i32, i32) {
    %c0_i32 = arith.constant 0 : i32
    %c0_i32_0 = arith.constant 0 : i32
    return %arg0, %c0_i32 : i32, i32
  }
  func.func @transform_1(%arg0: i32) -> (i32, i32) {
    %c0_i32 = arith.constant 0 : i32
    %c0_i32_0 = arith.constant 0 : i32
    %c0_i32_1 = arith.constant 0 : i32
    return %c0_i32, %c0_i32_0 : i32, i32
  }
  func.func @transform_2(%arg0: i32) -> (i32, i32) {
    %c0_i32 = arith.constant 0 : i32
    %c0_i32_0 = arith.constant 0 : i32
    return %arg0, %c0_i32 : i32, i32
  }
}

module attributes {stable_mosaic.version = 14 : i64} {
  func.func @body(%arg0: i32, %arg1: memref<157x512xf32, #tpu.memory_space<vmem>>, %arg2: memref<157x1xf32, #tpu.memory_space<vmem>>, %arg3: memref<512x256xf32, #tpu.memory_space<vmem>>, %arg4: memref<1x256xf32, #tpu.memory_space<vmem>>, %arg5: memref<256x128xf32, #tpu.memory_space<vmem>>, %arg6: memref<1x128xf32, #tpu.memory_space<vmem>>, %arg7: memref<128x40xf32, #tpu.memory_space<vmem>>, %arg8: memref<1x40xf32, #tpu.memory_space<vmem>>, %arg9: memref<1x40xf32, #tpu.memory_space<vmem>>) attributes {dimension_semantics = [#tpu.dimension_semantics<arbitrary>], iteration_bounds = array<i64: 1>, scalar_prefetch = 0 : i64, scratch_operands = 0 : i64, tpu.core_type = #tpu.core_type<tc>, window_params = [{pipeline_mode = #tpu.pipeline_mode<synchronous>, transform_indices = @transform_0, window_bounds = array<i64: 157, 512>}, {pipeline_mode = #tpu.pipeline_mode<synchronous>, transform_indices = @transform_1, window_bounds = array<i64: 157, 1>}, {pipeline_mode = #tpu.pipeline_mode<synchronous>, transform_indices = @transform_2, window_bounds = array<i64: 512, 256>}, {pipeline_mode = #tpu.pipeline_mode<synchronous>, transform_indices = @transform_3, window_bounds = array<i64: 1, 256>}, {pipeline_mode = #tpu.pipeline_mode<synchronous>, transform_indices = @transform_4, window_bounds = array<i64: 256, 128>}, {pipeline_mode = #tpu.pipeline_mode<synchronous>, transform_indices = @transform_5, window_bounds = array<i64: 1, 128>}, {pipeline_mode = #tpu.pipeline_mode<synchronous>, transform_indices = @transform_6, window_bounds = array<i64: 128, 40>}, {pipeline_mode = #tpu.pipeline_mode<synchronous>, transform_indices = @transform_7, window_bounds = array<i64: 1, 40>}, {pipeline_mode = #tpu.pipeline_mode<synchronous>, transform_indices = @transform_8, window_bounds = array<i64: 1, 40>}]} {
    %get3A = arith.constant 0 : index
    %get3A_0 = arith.constant 0 : index
    %get3A_1 = vector.load %arg1[%get3A, %get3A_0] : memref<157x512xf32, #tpu.memory_space<vmem>>, vector<157x512xf32>
    %get3A_2 = arith.constant 0 : index
    %get3A_3 = arith.constant 0 : index
    %get3A_4 = vector.load %arg2[%get3A_2, %get3A_3] : memref<157x1xf32, #tpu.memory_space<vmem>>, vector<157x1xf32>
    %tanh3A = math.tanh %get3A_4 : vector<157x1xf32>
    %mul3A = vector.broadcast %tanh3A : vector<157x1xf32> to vector<157x512xf32>
    %mul3A_5 = arith.mulf %get3A_1, %mul3A : vector<157x512xf32>
    %get3A_6 = arith.constant 0 : index
    %get3A_7 = arith.constant 0 : index
    %get3A_8 = vector.load %arg3[%get3A_6, %get3A_7] : memref<512x256xf32, #tpu.memory_space<vmem>>, vector<512x256xf32>
    %dot_general3A = arith.constant dense<0.000000e+00> : vector<157x256xf32>
    %dot_general3A_9 = tpu.matmul %mul3A_5, %get3A_8, %dot_general3A {dimension_numbers = #tpu.dot_dimension_numbers<[1], [0], [0], [1], [0, 0, 1, 1], [], []>, transpose_lhs_hint = false} : vector<157x512xf32>, vector<512x256xf32>, vector<157x256xf32> -> vector<157x256xf32>
    %get3A_10 = arith.constant 0 : index
    %get3A_11 = arith.constant 0 : index
    %get3A_12 = vector.load %arg4[%get3A_10, %get3A_11] : memref<1x256xf32, #tpu.memory_space<vmem>>, vector<1x256xf32>
    %add3A = vector.broadcast %get3A_12 : vector<1x256xf32> to vector<157x256xf32>
    %add3A_13 = arith.addf %dot_general3A_9, %add3A : vector<157x256xf32>
    %gt3A = arith.constant 0.000000e+00 : f32
    %gt3A_14 = vector.broadcast %gt3A : f32 to vector<157x256xf32>
    %gt3A_15 = arith.cmpf ogt, %add3A_13, %gt3A_14 : vector<157x256xf32>
    %mul3A_16 = arith.constant 2.000000e-01 : f32
    %mul3A_17 = vector.broadcast %mul3A_16 : f32 to vector<157x256xf32>
    %mul3A_18 = arith.mulf %mul3A_17, %add3A_13 : vector<157x256xf32>
    %select_n3A = arith.select %gt3A_15, %add3A_13, %mul3A_18 : vector<157x256xi1>, vector<157x256xf32>
    %reduce_max3A = arith.constant dense<0xFF800000> : vector<256xf32>
    %reduce_max3A_19 = vector.multi_reduction <maximumf>, %select_n3A, %reduce_max3A [0] : vector<157x256xf32> to vector<256xf32>
    %broadcast_in_dim3A = vector.shape_cast %reduce_max3A_19 : vector<256xf32> to vector<1x256xf32>
    %get3A_20 = arith.constant 0 : index
    %get3A_21 = arith.constant 0 : index
    %get3A_22 = vector.load %arg5[%get3A_20, %get3A_21] : memref<256x128xf32, #tpu.memory_space<vmem>>, vector<256x128xf32>
    %dot_general3A_23 = arith.constant dense<0.000000e+00> : vector<1x128xf32>
    %dot_general3A_24 = tpu.matmul %broadcast_in_dim3A, %get3A_22, %dot_general3A_23 {dimension_numbers = #tpu.dot_dimension_numbers<[1], [0], [0], [1], [0, 0, 1, 1], [], []>, transpose_lhs_hint = false} : vector<1x256xf32>, vector<256x128xf32>, vector<1x128xf32> -> vector<1x128xf32>
    %get3A_25 = arith.constant 0 : index
    %get3A_26 = arith.constant 0 : index
    %get3A_27 = vector.load %arg6[%get3A_25, %get3A_26] : memref<1x128xf32, #tpu.memory_space<vmem>>, vector<1x128xf32>
    %add3A_28 = arith.addf %dot_general3A_24, %get3A_27 : vector<1x128xf32>
    %gt3A_29 = arith.constant 0.000000e+00 : f32
    %gt3A_30 = vector.broadcast %gt3A_29 : f32 to vector<1x128xf32>
    %gt3A_31 = arith.cmpf ogt, %add3A_28, %gt3A_30 : vector<1x128xf32>
    %mul3A_32 = arith.constant 2.000000e-01 : f32
    %mul3A_33 = vector.broadcast %mul3A_32 : f32 to vector<1x128xf32>
    %mul3A_34 = arith.mulf %mul3A_33, %add3A_28 : vector<1x128xf32>
    %select_n3A_35 = arith.select %gt3A_31, %add3A_28, %mul3A_34 : vector<1x128xi1>, vector<1x128xf32>
    %get3A_36 = arith.constant 0 : index
    %get3A_37 = arith.constant 0 : index
    %get3A_38 = vector.load %arg7[%get3A_36, %get3A_37] : memref<128x40xf32, #tpu.memory_space<vmem>>, vector<128x40xf32>
    %dot_general3A_39 = arith.constant dense<0.000000e+00> : vector<1x40xf32>
    %dot_general3A_40 = tpu.matmul %select_n3A_35, %get3A_38, %dot_general3A_39 {dimension_numbers = #tpu.dot_dimension_numbers<[1], [0], [0], [1], [0, 0, 1, 1], [], []>, transpose_lhs_hint = false} : vector<1x128xf32>, vector<128x40xf32>, vector<1x40xf32> -> vector<1x40xf32>
    %get3A_41 = arith.constant 0 : index
    %get3A_42 = arith.constant 0 : index
    %get3A_43 = vector.load %arg8[%get3A_41, %get3A_42] : memref<1x40xf32, #tpu.memory_space<vmem>>, vector<1x40xf32>
    %add3A_44 = arith.addf %dot_general3A_40, %get3A_43 : vector<1x40xf32>
    %swap3A = arith.constant 0 : index
    %swap3A_45 = arith.constant 0 : index
    %swap3A_46 = vector.load %arg9[%swap3A, %swap3A_45] : memref<1x40xf32, #tpu.memory_space<vmem>>, vector<1x40xf32>
    tpu.vector_store %arg9[%swap3A, %swap3A_45], %add3A_44 {strides = array<i32>} : memref<1x40xf32, #tpu.memory_space<vmem>>, vector<1x40xf32>,
    return
  }
  func.func @transform_0(%arg0: i32) -> (i32, i32) {
    %c0_i32 = arith.constant 0 : i32
    %c0_i32_0 = arith.constant 0 : i32
    %c0_i32_1 = arith.constant 0 : i32
    return %c0_i32, %c0_i32_0 : i32, i32
  }
  func.func @transform_1(%arg0: i32) -> (i32, i32) {
    %c0_i32 = arith.constant 0 : i32
    %c0_i32_0 = arith.constant 0 : i32
    %c0_i32_1 = arith.constant 0 : i32
    return %c0_i32, %c0_i32_0 : i32, i32
  }
  func.func @transform_2(%arg0: i32) -> (i32, i32) {
    %c0_i32 = arith.constant 0 : i32
    %c0_i32_0 = arith.constant 0 : i32
    %c0_i32_1 = arith.constant 0 : i32
    return %c0_i32, %c0_i32_0 : i32, i32
  }
  func.func @transform_3(%arg0: i32) -> (i32, i32) {
    %c0_i32 = arith.constant 0 : i32
    %c0_i32_0 = arith.constant 0 : i32
    %c0_i32_1 = arith.constant 0 : i32
    return %c0_i32, %c0_i32_0 : i32, i32
  }
  func.func @transform_4(%arg0: i32) -> (i32, i32) {
    %c0_i32 = arith.constant 0 : i32
    %c0_i32_0 = arith.constant 0 : i32
    %c0_i32_1 = arith.constant 0 : i32
    return %c0_i32, %c0_i32_0 : i32, i32
  }
  func.func @transform_5(%arg0: i32) -> (i32, i32) {
    %c0_i32 = arith.constant 0 : i32
    %c0_i32_0 = arith.constant 0 : i32
    %c0_i32_1 = arith.constant 0 : i32
    return %c0_i32, %c0_i32_0 : i32, i32
  }
  func.func @transform_6(%arg0: i32) -> (i32, i32) {
    %c0_i32 = arith.constant 0 : i32
    %c0_i32_0 = arith.constant 0 : i32
    %c0_i32_1 = arith.constant 0 : i32
    return %c0_i32, %c0_i32_0 : i32, i32
  }
  func.func @transform_7(%arg0: i32) -> (i32, i32) {
    %c0_i32 = arith.constant 0 : i32
    %c0_i32_0 = arith.constant 0 : i32
    %c0_i32_1 = arith.constant 0 : i32
    return %c0_i32, %c0_i32_0 : i32, i32
  }
  func.func @transform_8(%arg0: i32) -> (i32, i32) {
    %c0_i32 = arith.constant 0 : i32
    %c0_i32_0 = arith.constant 0 : i32
    %c0_i32_1 = arith.constant 0 : i32
    return %c0_i32, %c0_i32_0 : i32, i32
  }
}

</mosaic_0001>

<sc_bundles>
// kernel: kernel.35.cloned.1.call-start
scs
__scs_entry_jumppad:
0x0: {  	(pc) =	sbr.rel $0x88, $3  }
0x1: {  	(tag) =	ssettag $0x0;
	lr =	simm.s32 $0x1  }
0x2: {  	[smem:$0x3F6B] =	sst lr;
	_ =	strace $0xD0000000  }
0x3: {  	_ = 	snop  }
0x4: {  	_ = 	snop  }
0x5: {  	_ = 	snop  }
0x6: {  	_ = 	snop  }
0x7: {  	_ = 	snop  }
__scs_overlays_trampoline_lowered:
0x8: {  	[smem:$0x3F7A] =	sst s0  }
0x9: {  	[smem:$0x3F7B] =	sst s1  }
0xa: {  	[smem:$0x3F7C] =	sst s2  }
0xb: {  	[smem:$0x3F7D] =	sst s3  }
0xc: {  	[smem:$0x3F7E] =	sst s4  }
0xd: {  	[smem:$0x3F7F] =	sst s5  }
0xe: {  	[smem:$0x3F80] =	sst s6  }
0xf: {  	[smem:$0x3F81] =	sst s7  }
0x10: {  	[smem:$0x3F82] =	sst s8  }
0x11: {  	[smem:$0x3F83] =	sst s9;
	s0 =	simm.s32 @!p0 $0x0  }
0x12: {  	s1 =	sld [smem:$0x3F69];
	s0 =	simm.s32 @p0 $0x1  }
0x13: {  	[smem:$0x3F84] =	sst s0;
	s0 =	simm.s32 @!p1 $0x0  }
0x14: {  	s2 =	sld [smem:$0x3F68];
	s0 =	simm.s32 @p1 $0x1  }
0x15: {  	[smem:$0x3F85] =	sst s0;
	s0 =	simm.s32 @!p2 $0x0  }
0x16: {  	s3 =	sld [smem:$0x3FDB];
	s0 =	simm.s32 @p2 $0x1  }
0x17: {  	s4 =	simm.s32 $0x1BF5;
	[smem:$0x3F87] =	sst s0  }
0x18: {  	s0 =	sld [smem:$0x3F6A];
	_ =	swait.ge [sflag:s4], $0x0  }
0x19: {  	s7 =	sld [smem:$0x3F6B]  }
0x1a: {  	s8 =	sadd.s32 $0xFFFFE003, lr  }
0x1b: {  	s9 =	sadd.s32 $0xFFFFFEF7, lr;
	s5 =	simm.s32 $0xFFFFFFFF;
	p2 =	slt.u32 s8, $0xFFFFF086  }
0x1c: {  	p1 =	slt.u32 s9, $0xF7A;
	s5 =	simm.s32 @!p2 $0x0  }
0x1d: {  	s5 =	simm.s32 @p1 $0x1;
	p0 =	seq.s32 s7, s2  }
0x1e: {  	s7 =	smul.u32 @!p0 $0xF7A, s2;
	p2 =	seq.s32 @!p0 s5, $0x0  }
0x1f: {  	s9 =	smul.u32 $0xF7A, s1;
	s8 =	simm.s32 @!p0 $0x1BF5;
	p2 =	por !p2, p0  }
0x20: {  	[sflag:s8] =	ssyncset.s32 @!p0 $0xFFFFF086;
	s6 =	sadd.s32 @!p0 s3, s7;
	s7 =	simm.s32 @!p0 $0x108  }
0x21: {  	s3 =	sadd.s32 s3, s9;
	s6 =	sadd.s32 @!p0 $0x88, s6;
	s7 =	simm.s32 @p2 $0x1082  }
0x22: {  	[simem:s7], [sflag:s8] =	dma.local @!p0 [hbm:s6], $0xF7A  }
0x23: {  	s9 =	sor.u32 $0xD0000000, s2;
	s6 =	simm.s32 $0x108;
	_ =	swait.ge @!p0 [sflag:s8], $0x0  }
0x24: {  	s3 =	sadd.s32 $0x88, s3;
	s6 =	simm.s32 @!p1 $0x1082;
	[sflag:s4] =	ssyncset.s32 $0xFFFFF086  }
0x25: {  	[simem:s6], [sflag:s4] =	dma.local [hbm:s3], $0xF7A  }
0x26: {  	[smem:$0x3F6B] =	sst s1;
	(tag) =	ssettag s2;
	_ =	strace s9  }
0x27: {  	s1 =	sld [smem:$0x3F7B]  }
0x28: {  	s2 =	sld [smem:$0x3F7C]  }
0x29: {  	s4 =	sld [smem:$0x3F7E]  }
0x2a: {  	p0 =	seq.s32 s5, $0x0;
	s5 =	sld [smem:$0x3F7F]  }
0x2b: {  	s6 =	sld [smem:$0x3F80]  }
0x2c: {  	s7 =	sld [smem:$0x3F81]  }
0x2d: {  	s3 =	simm.s32 $0x108;
	s8 =	sld [smem:$0x3F82]  }
0x2e: {  	s3 =	simm.s32 @!p0 $0x1082;
	s9 =	sld [smem:$0x3F83]  }
0x2f: {  	lr =	sadd.s32 s0, s3;
	s0 =	sld [smem:$0x3F7A]  }
0x30: {  	s3 =	sld [smem:$0x3F7D]  }
0x31: {  	[smem:$0x3F86] =	sst s10  }
0x32: {  	s10 =	sld [smem:$0x3F84];
	_ =	sdelay $0x3  }
0x33: {  	p0 =	seq.s32 s10, $0x1;
	s10 =	sld [smem:$0x3F86];
	_ =	sdelay $0x3  }
0x34: {  	[smem:$0x3F86] =	sst s10  }
0x35: {  	s10 =	sld [smem:$0x3F85];
	_ =	sdelay $0x3  }
0x36: {  	p1 =	seq.s32 s10, $0x1;
	s10 =	sld [smem:$0x3F86];
	_ =	sdelay $0x3  }
0x37: {  	[smem:$0x3F86] =	sst s10  }
0x38: {  	s10 =	sld [smem:$0x3F87]  }
0x39: {  	_ = 	snop;
	(pc) =	sbr.ind lr, $3  }
0x3a: {  	_ = 	snop  }
0x3b: {  	_ = 	snop  }
0x3c: {  	p2 =	seq.s32 s10, $0x1;
	s10 =	sld [smem:$0x3F86]  }
0x3d: {  	_ =	shalt  }
0x3e: {  	_ =	shalt  }
0x3f: {  	_ =	shalt  }
0x40: {  	_ =	shalt  }
0x41: {  	_ =	shalt  }
0x42: {  	_ =	shalt  }
0x43: {  	_ =	shalt  }
0x44: {  	_ =	shalt  }
0x45: {  	_ =	shalt  }
0x46: {  	_ =	shalt  }
0x47: {  	_ =	shalt  }
0x48: {  	_ =	shalt  }
0x49: {  	_ =	shalt  }
0x4a: {  	_ =	shalt  }
0x4b: {  	_ =	shalt  }
0x4c: {  	_ =	shalt  }
0x4d: {  	_ =	shalt  }
0x4e: {  	_ =	shalt  }
0x4f: {  	_ =	shalt  }
0x50: {  	_ =	shalt  }
0x51: {  	_ =	shalt  }
0x52: {  	_ =	shalt  }
0x53: {  	_ =	shalt  }
0x54: {  	_ =	shalt  }
0x55: {  	_ =	shalt  }
0x56: {  	_ =	shalt  }
0x57: {  	_ =	shalt  }
0x58: {  	_ =	shalt  }
0x59: {  	_ =	shalt  }
0x5a: {  	_ =	shalt  }
0x5b: {  	_ =	shalt  }
0x5c: {  	_ =	shalt  }
0x5d: {  	_ =	shalt  }
0x5e: {  	_ =	shalt  }
0x5f: {  	_ =	shalt  }
0x60: {  	_ =	shalt  }
0x61: {  	_ =	shalt  }
0x62: {  	_ =	shalt  }
0x63: {  	_ =	shalt  }
0x64: {  	_ =	shalt  }
0x65: {  	_ =	shalt  }
0x66: {  	_ =	shalt  }
0x67: {  	_ =	shalt  }
0x68: {  	_ =	shalt  }
0x69: {  	_ =	shalt  }
0x6a: {  	_ =	shalt  }
0x6b: {  	_ =	shalt  }
0x6c: {  	_ =	shalt  }
0x6d: {  	_ =	shalt  }
0x6e: {  	_ =	shalt  }
0x6f: {  	_ =	shalt  }
0x70: {  	_ =	shalt  }
0x71: {  	_ =	shalt  }
0x72: {  	_ =	shalt  }
0x73: {  	_ =	shalt  }
0x74: {  	_ =	shalt  }
0x75: {  	_ =	shalt  }
0x76: {  	_ =	shalt  }
0x77: {  	_ =	shalt  }
0x78: {  	_ =	shalt  }
0x79: {  	_ =	shalt  }
0x7a: {  	_ =	shalt  }
0x7b: {  	_ =	shalt  }
0x7c: {  	_ =	shalt  }
0x7d: {  	_ =	shalt  }
0x7e: {  	_ =	shalt  }
0x7f: {  	_ =	shalt  }
0x80: {  	_ =	shalt  }
0x81: {  	_ =	shalt  }
0x82: {  	_ =	shalt  }
0x83: {  	_ =	shalt  }
0x84: {  	_ =	shalt  }
0x85: {  	_ =	shalt  }
0x86: {  	_ =	shalt  }
0x87: {  	_ =	shalt  }
.Lfunc_end0:
.L_simem_size_0:
called_computation_lowered:
.L_overlay_start_0:
0x88: {  	s2 =	sld [smem:$0x3FD9]  }
0x89: {  	s3 =	sld [smem:$0x3FFE];
	_ =	sdelay $0x1  }
0x8a: {  	s1 =	srdreg.scid  }
0x8b: {  	s0 =	sand.u32 $0x1, s1  }
0x8c: {  	s16 =	sshll.u32 s0, $0xA;
	s2 =	sadd.s32 s3, s2  }
0x8d: {  	s2 =	sadd.s32 s2, s16  }
0x8e: {  	[smem:$0x3F92] =	sst s2  }
0x8f: {  	_ = 	snop  }
0x90: {  	(tm) =	ssettm $0x1  }
0x91: {  	s17 =	sld [smem:$0x3FFB];
	_ =	sdelay $0x3  }
0x92: {  	_ =	strace s17  }
0x93: {  	s2 =	sld [smem:$0x3FFC];
	_ =	sdelay $0x3  }
0x94: {  	_ =	strace s2  }
0x95: {  	s2 =	sld [smem:$0x3FFD];
	_ =	sdelay $0x3  }
0x96: {  	_ =	strace s2  }
0x97: {  	_ =	strace $0x8FFFFFFF  }
0x98: {  	s18 =	sld [smem:$0x3FDB];
	_ =	sdelay $0x1  }
0x99: {  	s19 =	simm.s32 $_scs_section_size  }
0x9a: {  	s4 =	simm.s32 $_size__tile_overlayer_lowered;
	s5 =	simm.s32 $_tile_overlayer_lowered  }
0x9b: {  	s22 =	simm.s32 $0x1BFF;
	s21 =	sshll.u32 s5, $0x1;
	s2 =	sadd.s32 s19, s18  }
0x9c: {  	s6 =	simm.s32 $0x0;
	s20 =	sshll.u32 s4, $0x1;
	s4 =	sadd.s32 s21, s2  }
0x9d: {  	[timem:s6], [sflag:s22] =	dma.local [hbm:s4], s20  }
0x9e: {  	_ =	swait.ge [sflag:s22], s20  }
0x9f: {  	s3 =	ssub.s32 $0x0, s20;
	[sflag:s22] =	ssyncset.done $0x0  }
0xa0: {  	[sflag:s22] =	ssyncadd.s32 s3;
	_ =	sdelay $0x1  }
0xa1: {  	s23 =	simm.s32 $0x1B8B  }
0xa2: {  	_ =	swait.ge [sflag:s23], $0x1  }
0xa3: {  	[sflag:s23] =	ssyncset.done $0x0  }
0xa4: {  	s25 =	simm.s32 $0x1B8E;
	s24 =	sld [smem:$0x3FFE];
	[sflag:s23] =	ssyncadd.s32 $0xFFFFFFFF  }
0xa5: {  	s26 =	simm.s32 $execute0_lowered;
	[smem:$0x3FD2] =	sst s25  }
0xa6: {  	s4 =	sshll.u32 s26, $0x1;
	_ =	strace $0x80000046;
	[dreg:$0x1] =	wrdreg $0xFFFFFFFF  }
0xa7: {  	s28 =	simm.s32 $_size_execute0_lowered;
	s2 =	sadd.s32 s2, s4;
	[dreg:$0x0] =	wrdreg $0x0  }
0xa8: {  	s4 =	sshll.u32 s28, $0x1;
	[dreg:$0x2] =	wrdreg s2  }
0xa9: {  	[dreg:$0x3] =	wrdreg s4  }
0xaa: {  	[dreg:$0x4] =	wrdreg $0xC0  }
0xab: {  	_ =	task [dreg:s6], $0x5FFFF  }
0xac: {  	[dreg:$0x1] =	wrdreg $0xFFFFFFFF  }
0xad: {  	[dreg:$0x0] =	wrdreg $0x60  }
0xae: {  	[dreg:$0x2] =	wrdreg s24  }
0xaf: {  	[dreg:$0x3] =	wrdreg $0x9  }
0xb0: {  	_ =	task.clear_ibuf [dreg:s6], $0x4FFFF;
	_ =	strace $0x90000046  }
0xb1: {  	s29 =	simm.s32 $0x9;
	_ =	strace $0x80000048  }
0xb2: {  	_ =	swait.ge [sflag:s29], $0x1  }
0xb3: {  	[sflag:s29] =	ssyncadd.s32 $0xFFFFFFFF  }
0xb4: {  	_ =	strace $0x90000048  }
0xb5: {  	_ =	sfence  }
0xb6: {  	s30 =	sld [smem:$0x0];
	_ =	sdelay $0x2  }
0xb7: {  	s31 =	sshll.u32 s1, $0xD;
	s1 =	sshrl.u32 s1, $0x2  }
0xb8: {  	s3 =	sand.u32 $0x4000, s31;
	s1 =	sadd.s32 s1, s30  }
0xb9: {  	s0 =	sor.u32 s3, s0;
	s1 =	sshll.u32 s1, $0x11  }
0xba: {  	s0 =	sor.u32 s1, s0  }
0xbb: {  	s0 =	sadd.s32 $0x8F2B, s0  }
0xbc: {  	[sflag:s0] =	ssyncadd.remote.s32 $0x1  }
0xbd: {  	_ =	sfence.sel $0xFFFF  }
0xbe: {  	[dreg:$0x0] =	wrdreg $0xFFFFFFFF;
	(pc) =	sbr.abs _section_cstart, $3  }
0xbf: {  	[dreg:$0x1] =	wrdreg $0xFFFFFFFF  }
0xc0: {  	_ =	task.clear_ibuf [dreg:s6], $0x2FFFF;
	_ =	strace $0x9FFFFFFF  }
0xc1: {  	(tm) =	ssettm $0x7FFFFFFF  }
tec
execute0_lowered:
.L_overlay_start_1:
0x0: {  	(tag) =	ssettag $0x1  }
0x1: {  	s1 =	srdreg.scid  }
0x2: {  	s0 =	stileid.u32;
	s4 =	rddreg [dreg:$0x0]  }
0x3: {  	s2 =	simm.s32 $0x0;
	s12 =	simm.s32 $0x9400;
	s13 =	simm.s32 $0x1  }
0x4: {  	s14 =	simm.s32 $0x2;
	s15 =	simm.s32 $0x3;
	s16 =	simm.s32 $0x4  }
0x5: {  	s17 =	simm.s32 $0x0;
	s5 =	sand.u32 $0x1, s1;
	s1 =	rddreg [dreg:$0x1]  }
0x6: {  	s3 =	sshll.u32 s0, $0x1;
	[smem:$0x7FF] =	sst s2;
	s10 =	smul.u32 $0x28000, s0  }
0x7: {  	s11 =	sadd.s32 $0x53C00, s4;
	s6 =	sor.u32 s5, s3;
	s31 =	smul.u32 $0x14000, s5  }
0x8: {  	_ =	strace $0x80000047;
	s8 =	ssub.s32 $0x2, s5;
	s7 =	smul.u32 $0x1400, s6  }
0x9: {  	s3 =	sadd.s32 $0x27A00, s4;
	s6 =	smul.u32 $0x14000, s6;
	s9 =	sshrl.u32 s8, $0x1  }
0xa: {  	s10 =	sadd.s32 s10, s11;
	s8 =	ssub.s32 s8, s9;
	s9 =	simm.s32 $0x5  }
0xb: {  	s7 =	sshrl.u32 s7, $0x3;
	s5 =	sadd.s32 s11, s6;
	s6 =	smax.u32 s8, $0x1  }
0xc: {  	s8 =	sadd.s32 s31, s10;
	s10 =	simm.s32 $0x100;
	s7 =	sadd.s32 s7, s4  }
0xd: {  	s11 =	simm.s32 $0x1400;
	s4 =	sadd.s32 $0x4EC00, s7;
	s7 =	sadd.s32 $0x1000, s5  }
.LBB2_1:
0xe: {  	[tilespmem:s2], [sflag:$0x5] =	stream.linear.gather [hbm4b:s4+s2], $0x1400, $0x38;
	[tilespmem:$0x11400] =	vst v63  }
0xf: {  	_ =	swait.ge [sflag:s9], $0x1400  }
0x10: {  	[sflag:s9] =	ssyncset.done $0x0  }
0x11: {  	[sflag:s9] =	ssyncadd.s32 $0xFFFFEC00  }
0x12: {  	[tilespmem:s11], [sflag:$0x1] =	stream.indirect.gather [hbm4b:s3+s10], $0x80, s2, s10, $0xb8;
	[tilespmem:$0x11400] =	vst v63  }
0x13: {  	_ = 	snop  }
0x14: {  	[tilespmem:s12], [sflag:$0x2] =	stream.indirect.gather [hbm4b:s3+s10], $0x80, s10, s10, $0xb8;
	[tilespmem:$0x11400] =	vst v63  }
0x15: {  	_ =	swait.ge [sflag:s13], $0x8000  }
0x16: {  	[sflag:s13] =	ssyncset.done $0x0  }
0x17: {  	[sflag:s13] =	ssyncadd.s32 $0xFFFF8000  }
0x18: {  	[hbm4b:s5+s2] =	stream.linear.scatter [tilespmem:s11], [sflag:$0x3], $0x8000, $0x38;
	[tilespmem:$0x11400] =	vst v63  }
0x19: {  	_ =	swait.ge [sflag:s14], $0x8000  }
0x1a: {  	[sflag:s14] =	ssyncset.done $0x0  }
0x1b: {  	[sflag:s14] =	ssyncadd.s32 $0xFFFF8000  }
0x1c: {  	[hbm4b:s7+s2] =	stream.linear.scatter [tilespmem:s12], [sflag:$0x4], $0x8000, $0x38;
	[tilespmem:$0x11400] =	vst v63  }
0x1d: {  	_ =	swait.ge [sflag:s15], $0x8000  }
0x1e: {  	[sflag:s15] =	ssyncset.done $0x0  }
0x1f: {  	s18 =	simm.s32 $0x200;
	[sflag:s15] =	ssyncadd.s32 $0xFFFF8000  }
0x20: {  	[tilespmem:s11], [sflag:$0x1] =	stream.indirect.gather [hbm4b:s3+s10], $0x80, s18, s10, $0xb8;
	[tilespmem:$0x11400] =	vst v63  }
0x21: {  	_ =	swait.ge [sflag:s16], $0x8000  }
0x22: {  	[sflag:s16] =	ssyncset.done $0x0  }
0x23: {  	s30 =	simm.s32 $0x300;
	[sflag:s16] =	ssyncadd.s32 $0xFFFF8000  }
0x24: {  	[tilespmem:s12], [sflag:$0x2] =	stream.indirect.gather [hbm4b:s3+s10], $0x80, s30, s10, $0xb8;
	[tilespmem:$0x11400] =	vst v63  }
0x25: {  	_ =	swait.ge [sflag:s13], $0x8000  }
0x26: {  	s19 =	sadd.s32 $0x0, s8;
	[sflag:s13] =	ssyncset.done $0x0  }
0x27: {  	s31 =	sadd.s32 $0x2000, s19;
	[sflag:s13] =	ssyncadd.s32 $0xFFFF8000  }
0x28: {  	[hbm4b:s31+s2] =	stream.linear.scatter [tilespmem:s11], [sflag:$0x3], $0x8000, $0x38;
	[tilespmem:$0x11400] =	vst v63  }
0x29: {  	_ =	swait.ge [sflag:s14], $0x8000  }
0x2a: {  	s20 =	sadd.s32 $0x3000, s19;
	[sflag:s14] =	ssyncset.done $0x0  }
0x2b: {  	s19 =	simm.s32 $0x400;
	s18 =	simm.s32 $0x2000;
	[sflag:s14] =	ssyncadd.s32 $0xFFFF8000  }
.LBB2_2:
0x2c: {  	[hbm4b:s20+s2] =	stream.linear.scatter [tilespmem:s12], [sflag:$0x4], $0x8000, $0x38;
	[tilespmem:$0x11400] =	vst v63  }
0x2d: {  	s20 =	smov.u32 s18  }
0x2e: {  	p0 =	sne.s32 s18, $0x10000;
	s18 =	sadd.s32 $0x2000, s18;
	_ =	swait.ge [sflag:s15], $0x8000  }
0x2f: {  	[sflag:s15] =	ssyncset.done $0x0  }
0x30: {  	[sflag:s15] =	ssyncadd.s32 $0xFFFF8000  }
0x31: {  	[tilespmem:s11], [sflag:$0x1] =	stream.indirect.gather [hbm4b:s3+s10], $0x80, s19, s10, $0xb8;
	[tilespmem:$0x11400] =	vst v63  }
0x32: {  	_ =	swait.ge [sflag:s16], $0x8000  }
0x33: {  	[sflag:s16] =	ssyncset.done $0x0  }
0x34: {  	s21 =	sadd.s32 $0x100, s19;
	[sflag:s16] =	ssyncadd.s32 $0xFFFF8000  }
0x35: {  	[tilespmem:s12], [sflag:$0x2] =	stream.indirect.gather [hbm4b:s3+s10], $0x80, s21, s10, $0xb8;
	[tilespmem:$0x11400] =	vst v63  }
0x36: {  	_ =	swait.ge [sflag:s13], $0x8000  }
0x37: {  	s20 =	sadd.s32 s20, s8;
	[sflag:s13] =	ssyncset.done $0x0  }
.Ltmp0:
0x38: {  	s21 =	sadd.s32 $0x2000, s20;
	[sflag:s13] =	ssyncadd.s32 $0xFFFF8000;
	(pc) =	sbr.rel @p0 .LBB2_2-.Ltmp0, $4  }
0x39: {  	[hbm4b:s21+s2] =	stream.linear.scatter [tilespmem:s11], [sflag:$0x3], $0x8000, $0x38;
	[tilespmem:$0x11400] =	vst v63  }
0x3a: {  	_ =	swait.ge [sflag:s14], $0x8000  }
0x3b: {  	[sflag:s14] =	ssyncset.done $0x0  }
0x3c: {  	s19 =	sadd.s32 $0x200, s19;
	s20 =	sadd.s32 $0x3000, s20;
	[sflag:s14] =	ssyncadd.s32 $0xFFFF8000  }
0x3d: {  	[hbm4b:s20+s2] =	stream.linear.scatter [tilespmem:s12], [sflag:$0x4], $0x8000, $0x38;
	[tilespmem:$0x11400] =	vst v63  }
0x3e: {  	s17 =	sadd.s32 $0x1, s17  }
0x3f: {  	_ =	swait.ge [sflag:s15], $0x8000;
	p0 =	sne.s32 s17, s6  }
.Ltmp1:
0x40: {  	[sflag:s15] =	ssyncset.done $0x0;
	(pc) =	sbr.rel @p0 .LBB2_1-.Ltmp1, $4  }
0x41: {  	[sflag:s15] =	ssyncadd.s32 $0xFFFF8000  }
0x42: {  	_ =	swait.ge [sflag:s16], $0x8000  }
0x43: {  	[sflag:s16] =	ssyncset.done $0x0  }
0x44: {  	[sflag:s16] =	ssyncadd.s32 $0xFFFF8000  }
0x45: {  	_ =	sfence.sel $0x180000  }
0x46: {  	[bflag:$0x0] =	sbarrier.arrive $0xFFFF  }
0x47: {  	p0 =	sne.s32 s0, $0x0;
	_ =	strace $0x90000047  }
0x48: {  	s0 =	sadd.s32 @!p0 $0x100000, s1;
	[bflag:$0x2] =	sbarrier.arrive $0xFFFF  }
0x49: {  	[sflag:s0] =	ssyncadd.tile.s32 @!p0 $0x1;
	_ =	shalt  }
.Lfunc_end2:
_tile_overlayer_lowered:
.L_overlay_start_2:
0x4a: {  	(tag) =	ssettag $0x2  }
0x4b: {  	s0 =	rddreg [dreg:$0x0];
	s2 =	stileid.u32  }
0x4c: {  	s1 =	rddreg [dreg:$0x1];
	p0 =	sne.s32 s2, $0x0  }
0x4d: {  	s3 =	rddreg [dreg:$0x2];
	[bflag:$0x3] =	sbarrier.arrive $0xFFFF;
	s2 =	simm.s32 @!p0 $0x1C05  }
0x4e: {  	[timem:s3], [sflag:s2] =	dma.local @!p0 [hbm:s0], s1  }
0x4f: {  	s0 =	simm.s32 @!p0 $0x5  }
0x50: {  	_ =	swait.ge @!p0 [sflag:s0], s1  }
0x51: {  	s1 =	ssub.s32 @!p0 $0x0, s1;
	[sflag:s0] =	ssyncset.done @!p0 $0x0  }
0x52: {  	[sflag:s0] =	ssyncadd.s32 @!p0 s1  }
0x53: {  	[bflag:$0x3] =	sbarrier.arrive $0xFFFF  }
0x54: {  	_ =	shalt  }

// kernel: kernel.38.cloned.1.call-start
scs
__scs_entry_jumppad:
0x0: {  	(pc) =	sbr.rel $0x88, $3  }
0x1: {  	(tag) =	ssettag $0x0;
	lr =	simm.s32 $0x1  }
0x2: {  	[smem:$0x3F6B] =	sst lr;
	_ =	strace $0xD0000000  }
0x3: {  	_ = 	snop  }
0x4: {  	_ = 	snop  }
0x5: {  	_ = 	snop  }
0x6: {  	_ = 	snop  }
0x7: {  	_ = 	snop  }
__scs_overlays_trampoline_lowered:
0x8: {  	[smem:$0x3F7A] =	sst s0  }
0x9: {  	[smem:$0x3F7B] =	sst s1  }
0xa: {  	[smem:$0x3F7C] =	sst s2  }
0xb: {  	[smem:$0x3F7D] =	sst s3  }
0xc: {  	[smem:$0x3F7E] =	sst s4  }
0xd: {  	[smem:$0x3F7F] =	sst s5  }
0xe: {  	[smem:$0x3F80] =	sst s6  }
0xf: {  	[smem:$0x3F81] =	sst s7  }
0x10: {  	[smem:$0x3F82] =	sst s8  }
0x11: {  	[smem:$0x3F83] =	sst s9;
	s0 =	simm.s32 @!p0 $0x0  }
0x12: {  	s1 =	sld [smem:$0x3F69];
	s0 =	simm.s32 @p0 $0x1  }
0x13: {  	[smem:$0x3F84] =	sst s0;
	s0 =	simm.s32 @!p1 $0x0  }
0x14: {  	s2 =	sld [smem:$0x3F68];
	s0 =	simm.s32 @p1 $0x1  }
0x15: {  	[smem:$0x3F85] =	sst s0;
	s0 =	simm.s32 @!p2 $0x0  }
0x16: {  	s3 =	sld [smem:$0x3FDB];
	s0 =	simm.s32 @p2 $0x1  }
0x17: {  	s4 =	simm.s32 $0x1BF5;
	[smem:$0x3F87] =	sst s0  }
0x18: {  	s0 =	sld [smem:$0x3F6A];
	_ =	swait.ge [sflag:s4], $0x0  }
0x19: {  	s7 =	sld [smem:$0x3F6B]  }
0x1a: {  	s8 =	sadd.s32 $0xFFFFE003, lr  }
0x1b: {  	s9 =	sadd.s32 $0xFFFFFEF7, lr;
	s5 =	simm.s32 $0xFFFFFFFF;
	p2 =	slt.u32 s8, $0xFFFFF086  }
0x1c: {  	p1 =	slt.u32 s9, $0xF7A;
	s5 =	simm.s32 @!p2 $0x0  }
0x1d: {  	s5 =	simm.s32 @p1 $0x1;
	p0 =	seq.s32 s7, s2  }
0x1e: {  	s7 =	smul.u32 @!p0 $0xF7A, s2;
	p2 =	seq.s32 @!p0 s5, $0x0  }
0x1f: {  	s9 =	smul.u32 $0xF7A, s1;
	s8 =	simm.s32 @!p0 $0x1BF5;
	p2 =	por !p2, p0  }
0x20: {  	[sflag:s8] =	ssyncset.s32 @!p0 $0xFFFFF086;
	s6 =	sadd.s32 @!p0 s3, s7;
	s7 =	simm.s32 @!p0 $0x108  }
0x21: {  	s3 =	sadd.s32 s3, s9;
	s6 =	sadd.s32 @!p0 $0x88, s6;
	s7 =	simm.s32 @p2 $0x1082  }
0x22: {  	[simem:s7], [sflag:s8] =	dma.local @!p0 [hbm:s6], $0xF7A  }
0x23: {  	s9 =	sor.u32 $0xD0000000, s2;
	s6 =	simm.s32 $0x108;
	_ =	swait.ge @!p0 [sflag:s8], $0x0  }
0x24: {  	s3 =	sadd.s32 $0x88, s3;
	s6 =	simm.s32 @!p1 $0x1082;
	[sflag:s4] =	ssyncset.s32 $0xFFFFF086  }
0x25: {  	[simem:s6], [sflag:s4] =	dma.local [hbm:s3], $0xF7A  }
0x26: {  	[smem:$0x3F6B] =	sst s1;
	(tag) =	ssettag s2;
	_ =	strace s9  }
0x27: {  	s1 =	sld [smem:$0x3F7B]  }
0x28: {  	s2 =	sld [smem:$0x3F7C]  }
0x29: {  	s4 =	sld [smem:$0x3F7E]  }
0x2a: {  	p0 =	seq.s32 s5, $0x0;
	s5 =	sld [smem:$0x3F7F]  }
0x2b: {  	s6 =	sld [smem:$0x3F80]  }
0x2c: {  	s7 =	sld [smem:$0x3F81]  }
0x2d: {  	s3 =	simm.s32 $0x108;
	s8 =	sld [smem:$0x3F82]  }
0x2e: {  	s3 =	simm.s32 @!p0 $0x1082;
	s9 =	sld [smem:$0x3F83]  }
0x2f: {  	lr =	sadd.s32 s0, s3;
	s0 =	sld [smem:$0x3F7A]  }
0x30: {  	s3 =	sld [smem:$0x3F7D]  }
0x31: {  	[smem:$0x3F86] =	sst s10  }
0x32: {  	s10 =	sld [smem:$0x3F84];
	_ =	sdelay $0x3  }
0x33: {  	p0 =	seq.s32 s10, $0x1;
	s10 =	sld [smem:$0x3F86];
	_ =	sdelay $0x3  }
0x34: {  	[smem:$0x3F86] =	sst s10  }
0x35: {  	s10 =	sld [smem:$0x3F85];
	_ =	sdelay $0x3  }
0x36: {  	p1 =	seq.s32 s10, $0x1;
	s10 =	sld [smem:$0x3F86];
	_ =	sdelay $0x3  }
0x37: {  	[smem:$0x3F86] =	sst s10  }
0x38: {  	s10 =	sld [smem:$0x3F87]  }
0x39: {  	_ = 	snop;
	(pc) =	sbr.ind lr, $3  }
0x3a: {  	_ = 	snop  }
0x3b: {  	_ = 	snop  }
0x3c: {  	p2 =	seq.s32 s10, $0x1;
	s10 =	sld [smem:$0x3F86]  }
0x3d: {  	_ =	shalt  }
0x3e: {  	_ =	shalt  }
0x3f: {  	_ =	shalt  }
0x40: {  	_ =	shalt  }
0x41: {  	_ =	shalt  }
0x42: {  	_ =	shalt  }
0x43: {  	_ =	shalt  }
0x44: {  	_ =	shalt  }
0x45: {  	_ =	shalt  }
0x46: {  	_ =	shalt  }
0x47: {  	_ =	shalt  }
0x48: {  	_ =	shalt  }
0x49: {  	_ =	shalt  }
0x4a: {  	_ =	shalt  }
0x4b: {  	_ =	shalt  }
0x4c: {  	_ =	shalt  }
0x4d: {  	_ =	shalt  }
0x4e: {  	_ =	shalt  }
0x4f: {  	_ =	shalt  }
0x50: {  	_ =	shalt  }
0x51: {  	_ =	shalt  }
0x52: {  	_ =	shalt  }
0x53: {  	_ =	shalt  }
0x54: {  	_ =	shalt  }
0x55: {  	_ =	shalt  }
0x56: {  	_ =	shalt  }
0x57: {  	_ =	shalt  }
0x58: {  	_ =	shalt  }
0x59: {  	_ =	shalt  }
0x5a: {  	_ =	shalt  }
0x5b: {  	_ =	shalt  }
0x5c: {  	_ =	shalt  }
0x5d: {  	_ =	shalt  }
0x5e: {  	_ =	shalt  }
0x5f: {  	_ =	shalt  }
0x60: {  	_ =	shalt  }
0x61: {  	_ =	shalt  }
0x62: {  	_ =	shalt  }
0x63: {  	_ =	shalt  }
0x64: {  	_ =	shalt  }
0x65: {  	_ =	shalt  }
0x66: {  	_ =	shalt  }
0x67: {  	_ =	shalt  }
0x68: {  	_ =	shalt  }
0x69: {  	_ =	shalt  }
0x6a: {  	_ =	shalt  }
0x6b: {  	_ =	shalt  }
0x6c: {  	_ =	shalt  }
0x6d: {  	_ =	shalt  }
0x6e: {  	_ =	shalt  }
0x6f: {  	_ =	shalt  }
0x70: {  	_ =	shalt  }
0x71: {  	_ =	shalt  }
0x72: {  	_ =	shalt  }
0x73: {  	_ =	shalt  }
0x74: {  	_ =	shalt  }
0x75: {  	_ =	shalt  }
0x76: {  	_ =	shalt  }
0x77: {  	_ =	shalt  }
0x78: {  	_ =	shalt  }
0x79: {  	_ =	shalt  }
0x7a: {  	_ =	shalt  }
0x7b: {  	_ =	shalt  }
0x7c: {  	_ =	shalt  }
0x7d: {  	_ =	shalt  }
0x7e: {  	_ =	shalt  }
0x7f: {  	_ =	shalt  }
0x80: {  	_ =	shalt  }
0x81: {  	_ =	shalt  }
0x82: {  	_ =	shalt  }
0x83: {  	_ =	shalt  }
0x84: {  	_ =	shalt  }
0x85: {  	_ =	shalt  }
0x86: {  	_ =	shalt  }
0x87: {  	_ =	shalt  }
.Lfunc_end0:
.L_simem_size_0:
called_computation.1_lowered:
.L_overlay_start_0:
0x88: {  	s2 =	sld [smem:$0x3FD9]  }
0x89: {  	s3 =	sld [smem:$0x3FFE];
	_ =	sdelay $0x1  }
0x8a: {  	s1 =	srdreg.scid  }
0x8b: {  	s0 =	sand.u32 $0x1, s1  }
0x8c: {  	s16 =	sshll.u32 s0, $0xA;
	s2 =	sadd.s32 s3, s2  }
0x8d: {  	s2 =	sadd.s32 s2, s16  }
0x8e: {  	[smem:$0x3F92] =	sst s2  }
0x8f: {  	_ = 	snop  }
0x90: {  	(tm) =	ssettm $0x1  }
0x91: {  	s17 =	sld [smem:$0x3FFB];
	_ =	sdelay $0x3  }
0x92: {  	_ =	strace s17  }
0x93: {  	s2 =	sld [smem:$0x3FFC];
	_ =	sdelay $0x3  }
0x94: {  	_ =	strace s2  }
0x95: {  	s2 =	sld [smem:$0x3FFD];
	_ =	sdelay $0x3  }
0x96: {  	_ =	strace s2  }
0x97: {  	_ =	strace $0x8FFFFFFF  }
0x98: {  	s18 =	sld [smem:$0x3FDB];
	_ =	sdelay $0x1  }
0x99: {  	s19 =	simm.s32 $_scs_section_size  }
0x9a: {  	s4 =	simm.s32 $_size__tile_overlayer_lowered;
	s5 =	simm.s32 $_tile_overlayer_lowered  }
0x9b: {  	s22 =	simm.s32 $0x1BFF;
	s21 =	sshll.u32 s5, $0x1;
	s2 =	sadd.s32 s19, s18  }
0x9c: {  	s6 =	simm.s32 $0x0;
	s20 =	sshll.u32 s4, $0x1;
	s4 =	sadd.s32 s21, s2  }
0x9d: {  	[timem:s6], [sflag:s22] =	dma.local [hbm:s4], s20  }
0x9e: {  	_ =	swait.ge [sflag:s22], s20  }
0x9f: {  	s3 =	ssub.s32 $0x0, s20;
	[sflag:s22] =	ssyncset.done $0x0  }
0xa0: {  	[sflag:s22] =	ssyncadd.s32 s3;
	_ =	sdelay $0x1  }
0xa1: {  	s23 =	simm.s32 $0x1B8B  }
0xa2: {  	_ =	swait.ge [sflag:s23], $0x1  }
0xa3: {  	[sflag:s23] =	ssyncset.done $0x0  }
0xa4: {  	s25 =	simm.s32 $0x1B8E;
	s24 =	sld [smem:$0x3FFE];
	[sflag:s23] =	ssyncadd.s32 $0xFFFFFFFF  }
0xa5: {  	s26 =	simm.s32 $execute0_lowered;
	[smem:$0x3FD2] =	sst s25  }
0xa6: {  	s4 =	sshll.u32 s26, $0x1;
	_ =	strace $0x80000049;
	[dreg:$0x1] =	wrdreg $0xFFFFFFFF  }
0xa7: {  	s28 =	simm.s32 $_size_execute0_lowered;
	s2 =	sadd.s32 s2, s4;
	[dreg:$0x0] =	wrdreg $0x0  }
0xa8: {  	s4 =	sshll.u32 s28, $0x1;
	[dreg:$0x2] =	wrdreg s2  }
0xa9: {  	[dreg:$0x3] =	wrdreg s4  }
0xaa: {  	[dreg:$0x4] =	wrdreg $0xC0  }
0xab: {  	_ =	task [dreg:s6], $0x5FFFF  }
0xac: {  	[dreg:$0x1] =	wrdreg $0xFFFFFFFF  }
0xad: {  	[dreg:$0x0] =	wrdreg $0x60  }
0xae: {  	[dreg:$0x2] =	wrdreg s24  }
0xaf: {  	[dreg:$0x3] =	wrdreg $0x9  }
0xb0: {  	_ =	task.clear_ibuf [dreg:s6], $0x4FFFF;
	_ =	strace $0x90000049  }
0xb1: {  	s29 =	simm.s32 $0x9;
	_ =	strace $0x8000004B  }
0xb2: {  	_ =	swait.ge [sflag:s29], $0x1  }
0xb3: {  	[sflag:s29] =	ssyncadd.s32 $0xFFFFFFFF  }
0xb4: {  	_ =	strace $0x9000004B  }
0xb5: {  	_ =	sfence  }
0xb6: {  	s30 =	sld [smem:$0x0];
	_ =	sdelay $0x2  }
0xb7: {  	s31 =	sshll.u32 s1, $0xD;
	s1 =	sshrl.u32 s1, $0x2  }
0xb8: {  	s3 =	sand.u32 $0x4000, s31;
	s1 =	sadd.s32 s1, s30  }
0xb9: {  	s0 =	sor.u32 s3, s0;
	s1 =	sshll.u32 s1, $0x11  }
0xba: {  	s0 =	sor.u32 s1, s0  }
0xbb: {  	s0 =	sadd.s32 $0x8F2B, s0  }
0xbc: {  	[sflag:s0] =	ssyncadd.remote.s32 $0x1  }
0xbd: {  	_ =	sfence.sel $0xFFFF  }
0xbe: {  	[dreg:$0x0] =	wrdreg $0xFFFFFFFF;
	(pc) =	sbr.abs _section_cstart, $3  }
0xbf: {  	[dreg:$0x1] =	wrdreg $0xFFFFFFFF  }
0xc0: {  	_ =	task.clear_ibuf [dreg:s6], $0x2FFFF;
	_ =	strace $0x9FFFFFFF  }
0xc1: {  	(tm) =	ssettm $0x7FFFFFFF  }
tec
execute0_lowered:
.L_overlay_start_1:
0x0: {  	(tag) =	ssettag $0x1  }
0x1: {  	s1 =	srdreg.scid  }
0x2: {  	s0 =	stileid.u32;
	s4 =	rddreg [dreg:$0x0]  }
0x3: {  	s2 =	simm.s32 $0x0;
	s12 =	simm.s32 $0x9400;
	s13 =	simm.s32 $0x1  }
0x4: {  	s14 =	simm.s32 $0x2;
	s15 =	simm.s32 $0x3;
	s16 =	simm.s32 $0x4  }
0x5: {  	s17 =	simm.s32 $0x0;
	s5 =	sand.u32 $0x1, s1;
	s1 =	rddreg [dreg:$0x1]  }
0x6: {  	s3 =	sshll.u32 s0, $0x1;
	[smem:$0x7FF] =	sst s2;
	s10 =	smul.u32 $0x28000, s0  }
0x7: {  	s11 =	sadd.s32 $0x53C00, s4;
	s6 =	sor.u32 s5, s3;
	s31 =	smul.u32 $0x14000, s5  }
0x8: {  	_ =	strace $0x8000004A;
	s8 =	ssub.s32 $0x2, s5;
	s7 =	smul.u32 $0x1400, s6  }
0x9: {  	s3 =	sadd.s32 $0x27A00, s4;
	s6 =	smul.u32 $0x14000, s6;
	s9 =	sshrl.u32 s8, $0x1  }
0xa: {  	s10 =	sadd.s32 s10, s11;
	s8 =	ssub.s32 s8, s9;
	s9 =	simm.s32 $0x5  }
0xb: {  	s7 =	sshrl.u32 s7, $0x3;
	s5 =	sadd.s32 s11, s6;
	s6 =	smax.u32 s8, $0x1  }
0xc: {  	s8 =	sadd.s32 s31, s10;
	s10 =	simm.s32 $0x100;
	s7 =	sadd.s32 s7, s4  }
0xd: {  	s11 =	simm.s32 $0x1400;
	s4 =	sadd.s32 $0x4EC00, s7;
	s7 =	sadd.s32 $0x1000, s5  }
.LBB2_1:
0xe: {  	[tilespmem:s2], [sflag:$0x5] =	stream.linear.gather [hbm4b:s4+s2], $0x1400, $0x38;
	[tilespmem:$0x11400] =	vst v63  }
0xf: {  	_ =	swait.ge [sflag:s9], $0x1400  }
0x10: {  	[sflag:s9] =	ssyncset.done $0x0  }
0x11: {  	[sflag:s9] =	ssyncadd.s32 $0xFFFFEC00  }
0x12: {  	[tilespmem:s11], [sflag:$0x1] =	stream.indirect.gather [hbm4b:s3+s10], $0x80, s2, s10, $0xb8;
	[tilespmem:$0x11400] =	vst v63  }
0x13: {  	_ = 	snop  }
0x14: {  	[tilespmem:s12], [sflag:$0x2] =	stream.indirect.gather [hbm4b:s3+s10], $0x80, s10, s10, $0xb8;
	[tilespmem:$0x11400] =	vst v63  }
0x15: {  	_ =	swait.ge [sflag:s13], $0x8000  }
0x16: {  	[sflag:s13] =	ssyncset.done $0x0  }
0x17: {  	[sflag:s13] =	ssyncadd.s32 $0xFFFF8000  }
0x18: {  	[hbm4b:s5+s2] =	stream.linear.scatter [tilespmem:s11], [sflag:$0x3], $0x8000, $0x38;
	[tilespmem:$0x11400] =	vst v63  }
0x19: {  	_ =	swait.ge [sflag:s14], $0x8000  }
0x1a: {  	[sflag:s14] =	ssyncset.done $0x0  }
0x1b: {  	[sflag:s14] =	ssyncadd.s32 $0xFFFF8000  }
0x1c: {  	[hbm4b:s7+s2] =	stream.linear.scatter [tilespmem:s12], [sflag:$0x4], $0x8000, $0x38;
	[tilespmem:$0x11400] =	vst v63  }
0x1d: {  	_ =	swait.ge [sflag:s15], $0x8000  }
0x1e: {  	[sflag:s15] =	ssyncset.done $0x0  }
0x1f: {  	s18 =	simm.s32 $0x200;
	[sflag:s15] =	ssyncadd.s32 $0xFFFF8000  }
0x20: {  	[tilespmem:s11], [sflag:$0x1] =	stream.indirect.gather [hbm4b:s3+s10], $0x80, s18, s10, $0xb8;
	[tilespmem:$0x11400] =	vst v63  }
0x21: {  	_ =	swait.ge [sflag:s16], $0x8000  }
0x22: {  	[sflag:s16] =	ssyncset.done $0x0  }
0x23: {  	s30 =	simm.s32 $0x300;
	[sflag:s16] =	ssyncadd.s32 $0xFFFF8000  }
0x24: {  	[tilespmem:s12], [sflag:$0x2] =	stream.indirect.gather [hbm4b:s3+s10], $0x80, s30, s10, $0xb8;
	[tilespmem:$0x11400] =	vst v63  }
0x25: {  	_ =	swait.ge [sflag:s13], $0x8000  }
0x26: {  	s19 =	sadd.s32 $0x0, s8;
	[sflag:s13] =	ssyncset.done $0x0  }
0x27: {  	s31 =	sadd.s32 $0x2000, s19;
	[sflag:s13] =	ssyncadd.s32 $0xFFFF8000  }
0x28: {  	[hbm4b:s31+s2] =	stream.linear.scatter [tilespmem:s11], [sflag:$0x3], $0x8000, $0x38;
	[tilespmem:$0x11400] =	vst v63  }
0x29: {  	_ =	swait.ge [sflag:s14], $0x8000  }
0x2a: {  	s20 =	sadd.s32 $0x3000, s19;
	[sflag:s14] =	ssyncset.done $0x0  }
0x2b: {  	s19 =	simm.s32 $0x400;
	s18 =	simm.s32 $0x2000;
	[sflag:s14] =	ssyncadd.s32 $0xFFFF8000  }
.LBB2_2:
0x2c: {  	[hbm4b:s20+s2] =	stream.linear.scatter [tilespmem:s12], [sflag:$0x4], $0x8000, $0x38;
	[tilespmem:$0x11400] =	vst v63  }
0x2d: {  	s20 =	smov.u32 s18  }
0x2e: {  	p0 =	sne.s32 s18, $0x10000;
	s18 =	sadd.s32 $0x2000, s18;
	_ =	swait.ge [sflag:s15], $0x8000  }
0x2f: {  	[sflag:s15] =	ssyncset.done $0x0  }
0x30: {  	[sflag:s15] =	ssyncadd.s32 $0xFFFF8000  }
0x31: {  	[tilespmem:s11], [sflag:$0x1] =	stream.indirect.gather [hbm4b:s3+s10], $0x80, s19, s10, $0xb8;
	[tilespmem:$0x11400] =	vst v63  }
0x32: {  	_ =	swait.ge [sflag:s16], $0x8000  }
0x33: {  	[sflag:s16] =	ssyncset.done $0x0  }
0x34: {  	s21 =	sadd.s32 $0x100, s19;
	[sflag:s16] =	ssyncadd.s32 $0xFFFF8000  }
0x35: {  	[tilespmem:s12], [sflag:$0x2] =	stream.indirect.gather [hbm4b:s3+s10], $0x80, s21, s10, $0xb8;
	[tilespmem:$0x11400] =	vst v63  }
0x36: {  	_ =	swait.ge [sflag:s13], $0x8000  }
0x37: {  	s20 =	sadd.s32 s20, s8;
	[sflag:s13] =	ssyncset.done $0x0  }
.Ltmp0:
0x38: {  	s21 =	sadd.s32 $0x2000, s20;
	[sflag:s13] =	ssyncadd.s32 $0xFFFF8000;
	(pc) =	sbr.rel @p0 .LBB2_2-.Ltmp0, $4  }
0x39: {  	[hbm4b:s21+s2] =	stream.linear.scatter [tilespmem:s11], [sflag:$0x3], $0x8000, $0x38;
	[tilespmem:$0x11400] =	vst v63  }
0x3a: {  	_ =	swait.ge [sflag:s14], $0x8000  }
0x3b: {  	[sflag:s14] =	ssyncset.done $0x0  }
0x3c: {  	s19 =	sadd.s32 $0x200, s19;
	s20 =	sadd.s32 $0x3000, s20;
	[sflag:s14] =	ssyncadd.s32 $0xFFFF8000  }
0x3d: {  	[hbm4b:s20+s2] =	stream.linear.scatter [tilespmem:s12], [sflag:$0x4], $0x8000, $0x38;
	[tilespmem:$0x11400] =	vst v63  }
0x3e: {  	s17 =	sadd.s32 $0x1, s17  }
0x3f: {  	_ =	swait.ge [sflag:s15], $0x8000;
	p0 =	sne.s32 s17, s6  }
.Ltmp1:
0x40: {  	[sflag:s15] =	ssyncset.done $0x0;
	(pc) =	sbr.rel @p0 .LBB2_1-.Ltmp1, $4  }
0x41: {  	[sflag:s15] =	ssyncadd.s32 $0xFFFF8000  }
0x42: {  	_ =	swait.ge [sflag:s16], $0x8000  }
0x43: {  	[sflag:s16] =	ssyncset.done $0x0  }
0x44: {  	[sflag:s16] =	ssyncadd.s32 $0xFFFF8000  }
0x45: {  	_ =	sfence.sel $0x180000  }
0x46: {  	[bflag:$0x0] =	sbarrier.arrive $0xFFFF  }
0x47: {  	p0 =	sne.s32 s0, $0x0;
	_ =	strace $0x9000004A  }
0x48: {  	s0 =	sadd.s32 @!p0 $0x100000, s1;
	[bflag:$0x2] =	sbarrier.arrive $0xFFFF  }
0x49: {  	[sflag:s0] =	ssyncadd.tile.s32 @!p0 $0x1;
	_ =	shalt  }
.Lfunc_end2:
_tile_overlayer_lowered:
.L_overlay_start_2:
0x4a: {  	(tag) =	ssettag $0x2  }
0x4b: {  	s0 =	rddreg [dreg:$0x0];
	s2 =	stileid.u32  }
0x4c: {  	s1 =	rddreg [dreg:$0x1];
	p0 =	sne.s32 s2, $0x0  }
0x4d: {  	s3 =	rddreg [dreg:$0x2];
	[bflag:$0x3] =	sbarrier.arrive $0xFFFF;
	s2 =	simm.s32 @!p0 $0x1C05  }
0x4e: {  	[timem:s3], [sflag:s2] =	dma.local @!p0 [hbm:s0], s1  }
0x4f: {  	s0 =	simm.s32 @!p0 $0x5  }
0x50: {  	_ =	swait.ge @!p0 [sflag:s0], s1  }
0x51: {  	s1 =	ssub.s32 @!p0 $0x0, s1;
	[sflag:s0] =	ssyncset.done @!p0 $0x0  }
0x52: {  	[sflag:s0] =	ssyncadd.s32 @!p0 s1  }
0x53: {  	[bflag:$0x3] =	sbarrier.arrive $0xFFFF  }
0x54: {  	_ =	shalt  }

// kernel: kernel.41.cloned.1.call-start
scs
__scs_entry_jumppad:
0x0: {  	(pc) =	sbr.rel $0x88, $3  }
0x1: {  	(tag) =	ssettag $0x0;
	lr =	simm.s32 $0x1  }
0x2: {  	[smem:$0x3F6B] =	sst lr;
	_ =	strace $0xD0000000  }
0x3: {  	_ = 	snop  }
0x4: {  	_ = 	snop  }
0x5: {  	_ = 	snop  }
0x6: {  	_ = 	snop  }
0x7: {  	_ = 	snop  }
__scs_overlays_trampoline_lowered:
0x8: {  	[smem:$0x3F7A] =	sst s0  }
0x9: {  	[smem:$0x3F7B] =	sst s1  }
0xa: {  	[smem:$0x3F7C] =	sst s2  }
0xb: {  	[smem:$0x3F7D] =	sst s3  }
0xc: {  	[smem:$0x3F7E] =	sst s4  }
0xd: {  	[smem:$0x3F7F] =	sst s5  }
0xe: {  	[smem:$0x3F80] =	sst s6  }
0xf: {  	[smem:$0x3F81] =	sst s7  }
0x10: {  	[smem:$0x3F82] =	sst s8  }
0x11: {  	[smem:$0x3F83] =	sst s9;
	s0 =	simm.s32 @!p0 $0x0  }
0x12: {  	s1 =	sld [smem:$0x3F69];
	s0 =	simm.s32 @p0 $0x1  }
0x13: {  	[smem:$0x3F84] =	sst s0;
	s0 =	simm.s32 @!p1 $0x0  }
0x14: {  	s2 =	sld [smem:$0x3F68];
	s0 =	simm.s32 @p1 $0x1  }
0x15: {  	[smem:$0x3F85] =	sst s0;
	s0 =	simm.s32 @!p2 $0x0  }
0x16: {  	s3 =	sld [smem:$0x3FDB];
	s0 =	simm.s32 @p2 $0x1  }
0x17: {  	s4 =	simm.s32 $0x1BF5;
	[smem:$0x3F87] =	sst s0  }
0x18: {  	s0 =	sld [smem:$0x3F6A];
	_ =	swait.ge [sflag:s4], $0x0  }
0x19: {  	s7 =	sld [smem:$0x3F6B]  }
0x1a: {  	s8 =	sadd.s32 $0xFFFFE003, lr  }
0x1b: {  	s9 =	sadd.s32 $0xFFFFFEF7, lr;
	s5 =	simm.s32 $0xFFFFFFFF;
	p2 =	slt.u32 s8, $0xFFFFF086  }
0x1c: {  	p1 =	slt.u32 s9, $0xF7A;
	s5 =	simm.s32 @!p2 $0x0  }
0x1d: {  	s5 =	simm.s32 @p1 $0x1;
	p0 =	seq.s32 s7, s2  }
0x1e: {  	s7 =	smul.u32 @!p0 $0xF7A, s2;
	p2 =	seq.s32 @!p0 s5, $0x0  }
0x1f: {  	s9 =	smul.u32 $0xF7A, s1;
	s8 =	simm.s32 @!p0 $0x1BF5;
	p2 =	por !p2, p0  }
0x20: {  	[sflag:s8] =	ssyncset.s32 @!p0 $0xFFFFF086;
	s6 =	sadd.s32 @!p0 s3, s7;
	s7 =	simm.s32 @!p0 $0x108  }
0x21: {  	s3 =	sadd.s32 s3, s9;
	s6 =	sadd.s32 @!p0 $0x88, s6;
	s7 =	simm.s32 @p2 $0x1082  }
0x22: {  	[simem:s7], [sflag:s8] =	dma.local @!p0 [hbm:s6], $0xF7A  }
0x23: {  	s9 =	sor.u32 $0xD0000000, s2;
	s6 =	simm.s32 $0x108;
	_ =	swait.ge @!p0 [sflag:s8], $0x0  }
0x24: {  	s3 =	sadd.s32 $0x88, s3;
	s6 =	simm.s32 @!p1 $0x1082;
	[sflag:s4] =	ssyncset.s32 $0xFFFFF086  }
0x25: {  	[simem:s6], [sflag:s4] =	dma.local [hbm:s3], $0xF7A  }
0x26: {  	[smem:$0x3F6B] =	sst s1;
	(tag) =	ssettag s2;
	_ =	strace s9  }
0x27: {  	s1 =	sld [smem:$0x3F7B]  }
0x28: {  	s2 =	sld [smem:$0x3F7C]  }
0x29: {  	s4 =	sld [smem:$0x3F7E]  }
0x2a: {  	p0 =	seq.s32 s5, $0x0;
	s5 =	sld [smem:$0x3F7F]  }
0x2b: {  	s6 =	sld [smem:$0x3F80]  }
0x2c: {  	s7 =	sld [smem:$0x3F81]  }
0x2d: {  	s3 =	simm.s32 $0x108;
	s8 =	sld [smem:$0x3F82]  }
0x2e: {  	s3 =	simm.s32 @!p0 $0x1082;
	s9 =	sld [smem:$0x3F83]  }
0x2f: {  	lr =	sadd.s32 s0, s3;
	s0 =	sld [smem:$0x3F7A]  }
0x30: {  	s3 =	sld [smem:$0x3F7D]  }
0x31: {  	[smem:$0x3F86] =	sst s10  }
0x32: {  	s10 =	sld [smem:$0x3F84];
	_ =	sdelay $0x3  }
0x33: {  	p0 =	seq.s32 s10, $0x1;
	s10 =	sld [smem:$0x3F86];
	_ =	sdelay $0x3  }
0x34: {  	[smem:$0x3F86] =	sst s10  }
0x35: {  	s10 =	sld [smem:$0x3F85];
	_ =	sdelay $0x3  }
0x36: {  	p1 =	seq.s32 s10, $0x1;
	s10 =	sld [smem:$0x3F86];
	_ =	sdelay $0x3  }
0x37: {  	[smem:$0x3F86] =	sst s10  }
0x38: {  	s10 =	sld [smem:$0x3F87]  }
0x39: {  	_ = 	snop;
	(pc) =	sbr.ind lr, $3  }
0x3a: {  	_ = 	snop  }
0x3b: {  	_ = 	snop  }
0x3c: {  	p2 =	seq.s32 s10, $0x1;
	s10 =	sld [smem:$0x3F86]  }
0x3d: {  	_ =	shalt  }
0x3e: {  	_ =	shalt  }
0x3f: {  	_ =	shalt  }
0x40: {  	_ =	shalt  }
0x41: {  	_ =	shalt  }
0x42: {  	_ =	shalt  }
0x43: {  	_ =	shalt  }
0x44: {  	_ =	shalt  }
0x45: {  	_ =	shalt  }
0x46: {  	_ =	shalt  }
0x47: {  	_ =	shalt  }
0x48: {  	_ =	shalt  }
0x49: {  	_ =	shalt  }
0x4a: {  	_ =	shalt  }
0x4b: {  	_ =	shalt  }
0x4c: {  	_ =	shalt  }
0x4d: {  	_ =	shalt  }
0x4e: {  	_ =	shalt  }
0x4f: {  	_ =	shalt  }
0x50: {  	_ =	shalt  }
0x51: {  	_ =	shalt  }
0x52: {  	_ =	shalt  }
0x53: {  	_ =	shalt  }
0x54: {  	_ =	shalt  }
0x55: {  	_ =	shalt  }
0x56: {  	_ =	shalt  }
0x57: {  	_ =	shalt  }
0x58: {  	_ =	shalt  }
0x59: {  	_ =	shalt  }
0x5a: {  	_ =	shalt  }
0x5b: {  	_ =	shalt  }
0x5c: {  	_ =	shalt  }
0x5d: {  	_ =	shalt  }
0x5e: {  	_ =	shalt  }
0x5f: {  	_ =	shalt  }
0x60: {  	_ =	shalt  }
0x61: {  	_ =	shalt  }
0x62: {  	_ =	shalt  }
0x63: {  	_ =	shalt  }
0x64: {  	_ =	shalt  }
0x65: {  	_ =	shalt  }
0x66: {  	_ =	shalt  }
0x67: {  	_ =	shalt  }
0x68: {  	_ =	shalt  }
0x69: {  	_ =	shalt  }
0x6a: {  	_ =	shalt  }
0x6b: {  	_ =	shalt  }
0x6c: {  	_ =	shalt  }
0x6d: {  	_ =	shalt  }
0x6e: {  	_ =	shalt  }
0x6f: {  	_ =	shalt  }
0x70: {  	_ =	shalt  }
0x71: {  	_ =	shalt  }
0x72: {  	_ =	shalt  }
0x73: {  	_ =	shalt  }
0x74: {  	_ =	shalt  }
0x75: {  	_ =	shalt  }
0x76: {  	_ =	shalt  }
0x77: {  	_ =	shalt  }
0x78: {  	_ =	shalt  }
0x79: {  	_ =	shalt  }
0x7a: {  	_ =	shalt  }
0x7b: {  	_ =	shalt  }
0x7c: {  	_ =	shalt  }
0x7d: {  	_ =	shalt  }
0x7e: {  	_ =	shalt  }
0x7f: {  	_ =	shalt  }
0x80: {  	_ =	shalt  }
0x81: {  	_ =	shalt  }
0x82: {  	_ =	shalt  }
0x83: {  	_ =	shalt  }
0x84: {  	_ =	shalt  }
0x85: {  	_ =	shalt  }
0x86: {  	_ =	shalt  }
0x87: {  	_ =	shalt  }
.Lfunc_end0:
.L_simem_size_0:
called_computation.2_lowered:
.L_overlay_start_0:
0x88: {  	s2 =	sld [smem:$0x3FD9]  }
0x89: {  	s3 =	sld [smem:$0x3FFE];
	_ =	sdelay $0x1  }
0x8a: {  	s1 =	srdreg.scid  }
0x8b: {  	s0 =	sand.u32 $0x1, s1  }
0x8c: {  	s16 =	sshll.u32 s0, $0xA;
	s2 =	sadd.s32 s3, s2  }
0x8d: {  	s2 =	sadd.s32 s2, s16  }
0x8e: {  	[smem:$0x3F92] =	sst s2  }
0x8f: {  	_ = 	snop  }
0x90: {  	(tm) =	ssettm $0x1  }
0x91: {  	s17 =	sld [smem:$0x3FFB];
	_ =	sdelay $0x3  }
0x92: {  	_ =	strace s17  }
0x93: {  	s2 =	sld [smem:$0x3FFC];
	_ =	sdelay $0x3  }
0x94: {  	_ =	strace s2  }
0x95: {  	s2 =	sld [smem:$0x3FFD];
	_ =	sdelay $0x3  }
0x96: {  	_ =	strace s2  }
0x97: {  	_ =	strace $0x8FFFFFFF  }
0x98: {  	s18 =	sld [smem:$0x3FDB];
	_ =	sdelay $0x1  }
0x99: {  	s19 =	simm.s32 $_scs_section_size  }
0x9a: {  	s4 =	simm.s32 $_size__tile_overlayer_lowered;
	s5 =	simm.s32 $_tile_overlayer_lowered  }
0x9b: {  	s22 =	simm.s32 $0x1BFF;
	s21 =	sshll.u32 s5, $0x1;
	s2 =	sadd.s32 s19, s18  }
0x9c: {  	s6 =	simm.s32 $0x0;
	s20 =	sshll.u32 s4, $0x1;
	s4 =	sadd.s32 s21, s2  }
0x9d: {  	[timem:s6], [sflag:s22] =	dma.local [hbm:s4], s20  }
0x9e: {  	_ =	swait.ge [sflag:s22], s20  }
0x9f: {  	s3 =	ssub.s32 $0x0, s20;
	[sflag:s22] =	ssyncset.done $0x0  }
0xa0: {  	[sflag:s22] =	ssyncadd.s32 s3;
	_ =	sdelay $0x1  }
0xa1: {  	s23 =	simm.s32 $0x1B8B  }
0xa2: {  	_ =	swait.ge [sflag:s23], $0x1  }
0xa3: {  	[sflag:s23] =	ssyncset.done $0x0  }
0xa4: {  	s25 =	simm.s32 $0x1B8E;
	s24 =	sld [smem:$0x3FFE];
	[sflag:s23] =	ssyncadd.s32 $0xFFFFFFFF  }
0xa5: {  	s26 =	simm.s32 $execute0_lowered;
	[smem:$0x3FD2] =	sst s25  }
0xa6: {  	s4 =	sshll.u32 s26, $0x1;
	_ =	strace $0x8000004C;
	[dreg:$0x1] =	wrdreg $0xFFFFFFFF  }
0xa7: {  	s28 =	simm.s32 $_size_execute0_lowered;
	s2 =	sadd.s32 s2, s4;
	[dreg:$0x0] =	wrdreg $0x0  }
0xa8: {  	s4 =	sshll.u32 s28, $0x1;
	[dreg:$0x2] =	wrdreg s2  }
0xa9: {  	[dreg:$0x3] =	wrdreg s4  }
0xaa: {  	[dreg:$0x4] =	wrdreg $0xC0  }
0xab: {  	_ =	task [dreg:s6], $0x5FFFF  }
0xac: {  	[dreg:$0x1] =	wrdreg $0xFFFFFFFF  }
0xad: {  	[dreg:$0x0] =	wrdreg $0x60  }
0xae: {  	[dreg:$0x2] =	wrdreg s24  }
0xaf: {  	[dreg:$0x3] =	wrdreg $0x9  }
0xb0: {  	_ =	task.clear_ibuf [dreg:s6], $0x4FFFF;
	_ =	strace $0x9000004C  }
0xb1: {  	s29 =	simm.s32 $0x9;
	_ =	strace $0x8000004E  }
0xb2: {  	_ =	swait.ge [sflag:s29], $0x1  }
0xb3: {  	[sflag:s29] =	ssyncadd.s32 $0xFFFFFFFF  }
0xb4: {  	_ =	strace $0x9000004E  }
0xb5: {  	_ =	sfence  }
0xb6: {  	s30 =	sld [smem:$0x0];
	_ =	sdelay $0x2  }
0xb7: {  	s31 =	sshll.u32 s1, $0xD;
	s1 =	sshrl.u32 s1, $0x2  }
0xb8: {  	s3 =	sand.u32 $0x4000, s31;
	s1 =	sadd.s32 s1, s30  }
0xb9: {  	s0 =	sor.u32 s3, s0;
	s1 =	sshll.u32 s1, $0x11  }
0xba: {  	s0 =	sor.u32 s1, s0  }
0xbb: {  	s0 =	sadd.s32 $0x8F2B, s0  }
0xbc: {  	[sflag:s0] =	ssyncadd.remote.s32 $0x1  }
0xbd: {  	_ =	sfence.sel $0xFFFF  }
0xbe: {  	[dreg:$0x0] =	wrdreg $0xFFFFFFFF;
	(pc) =	sbr.abs _section_cstart, $3  }
0xbf: {  	[dreg:$0x1] =	wrdreg $0xFFFFFFFF  }
0xc0: {  	_ =	task.clear_ibuf [dreg:s6], $0x2FFFF;
	_ =	strace $0x9FFFFFFF  }
0xc1: {  	(tm) =	ssettm $0x7FFFFFFF  }
tec
execute0_lowered:
.L_overlay_start_1:
0x0: {  	(tag) =	ssettag $0x1  }
0x1: {  	s1 =	srdreg.scid;
	s0 =	stileid.u32  }
0x2: {  	s30 =	sand.u32 $0x1, s1;
	s26 =	sshll.u32 s0, $0x1  }
0x3: {  	s7 =	sor.u32 s30, s26  }
0x4: {  	s3 =	smul.u32 $0x140, s7  }
0x5: {  	s9 =	rddreg [dreg:$0x0]  }
0x6: {  	s2 =	simm.s32 $0x0;
	s3 =	sadd.s32 s3, s9  }
0x7: {  	[smem:$0x7FF] =	sst s2;
	s3 =	sadd.s32 $0x14200, s3  }
0x8: {  	_ =	strace $0x8000004D;
	[dreg:$0x2] =	wrdreg s3  }
0x9: {  	s3 =	simm.s32 $0x5;
	s4 =	rddreg [dreg:$0x2]  }
0xa: {  	[tilespmem:s2], [sflag:$0x5] =	stream.linear.gather [hbm4b:s4+s2], $0xA00, $0x38;
	[tilespmem:$0x10A00] =	vst v63  }
0xb: {  	_ =	swait.ge [sflag:s3], $0xA00  }
0xc: {  	s5 =	simm.s32 $0x100;
	[sflag:s3] =	ssyncset.done $0x0  }
0xd: {  	s6 =	simm.s32 $0xA00;
	s4 =	sadd.s32 $0x800, s9;
	[sflag:s3] =	ssyncadd.s32 $0xFFFFF600  }
0xe: {  	[tilespmem:s6], [sflag:$0x1] =	stream.indirect.gather [hbm4b:s4+s5], $0x80, s2, s5, $0xb8;
	[tilespmem:$0x10A00] =	vst v63  }
0xf: {  	s8 =	simm.s32 $0x1;
	s10 =	smul.u32 $0xA000, s7;
	s7 =	simm.s32 $0x8A00  }
0x10: {  	[tilespmem:s7], [sflag:$0x2] =	stream.indirect.gather [hbm4b:s4+s5], $0x80, s5, s5, $0xb8;
	[tilespmem:$0x10A00] =	vst v63  }
0x11: {  	_ =	swait.ge [sflag:s8], $0x8000  }
0x12: {  	s31 =	sadd.s32 s10, s9;
	[sflag:s8] =	ssyncset.done $0x0  }
0x13: {  	s10 =	simm.s32 $0x2;
	s9 =	sadd.s32 $0x16A00, s31;
	[sflag:s8] =	ssyncadd.s32 $0xFFFF8000  }
0x14: {  	[hbm4b:s9+s2] =	stream.linear.scatter [tilespmem:s6], [sflag:$0x3], $0x8000, $0x38;
	[tilespmem:$0x10A00] =	vst v63  }
0x15: {  	_ =	swait.ge [sflag:s10], $0x8000  }
0x16: {  	[sflag:s10] =	ssyncset.done $0x0  }
0x17: {  	s12 =	simm.s32 $0x3;
	s11 =	sadd.s32 $0x17A00, s31;
	[sflag:s10] =	ssyncadd.s32 $0xFFFF8000  }
0x18: {  	[hbm4b:s11+s2] =	stream.linear.scatter [tilespmem:s7], [sflag:$0x4], $0x8000, $0x38;
	[tilespmem:$0x10A00] =	vst v63  }
0x19: {  	_ =	swait.ge [sflag:s12], $0x8000  }
0x1a: {  	[sflag:s12] =	ssyncset.done $0x0  }
0x1b: {  	s14 =	simm.s32 $0x200;
	s13 =	simm.s32 $0x4;
	[sflag:s12] =	ssyncadd.s32 $0xFFFF8000  }
0x1c: {  	[tilespmem:s6], [sflag:$0x1] =	stream.indirect.gather [hbm4b:s4+s5], $0x80, s14, s5, $0xb8;
	[tilespmem:$0x10A00] =	vst v63  }
0x1d: {  	_ =	swait.ge [sflag:s13], $0x8000  }
0x1e: {  	[sflag:s13] =	ssyncset.done $0x0  }
0x1f: {  	s15 =	simm.s32 $0x300;
	[sflag:s13] =	ssyncadd.s32 $0xFFFF8000  }
0x20: {  	[tilespmem:s7], [sflag:$0x2] =	stream.indirect.gather [hbm4b:s4+s5], $0x80, s15, s5, $0xb8;
	[tilespmem:$0x10A00] =	vst v63  }
0x21: {  	_ =	swait.ge [sflag:s8], $0x8000  }
0x22: {  	[sflag:s8] =	ssyncset.done $0x0  }
0x23: {  	s16 =	sadd.s32 $0x18A00, s31;
	[sflag:s8] =	ssyncadd.s32 $0xFFFF8000  }
0x24: {  	[hbm4b:s16+s2] =	stream.linear.scatter [tilespmem:s6], [sflag:$0x3], $0x8000, $0x38;
	[tilespmem:$0x10A00] =	vst v63  }
0x25: {  	_ =	swait.ge [sflag:s10], $0x8000  }
0x26: {  	[sflag:s10] =	ssyncset.done $0x0  }
0x27: {  	s17 =	sadd.s32 $0x19A00, s31;
	[sflag:s10] =	ssyncadd.s32 $0xFFFF8000  }
0x28: {  	[hbm4b:s17+s2] =	stream.linear.scatter [tilespmem:s7], [sflag:$0x4], $0x8000, $0x38;
	[tilespmem:$0x10A00] =	vst v63  }
0x29: {  	_ =	swait.ge [sflag:s12], $0x8000  }
0x2a: {  	[sflag:s12] =	ssyncset.done $0x0  }
0x2b: {  	s18 =	simm.s32 $0x400;
	[sflag:s12] =	ssyncadd.s32 $0xFFFF8000  }
0x2c: {  	[tilespmem:s6], [sflag:$0x1] =	stream.indirect.gather [hbm4b:s4+s5], $0x80, s18, s5, $0xb8;
	[tilespmem:$0x10A00] =	vst v63  }
0x2d: {  	_ =	swait.ge [sflag:s13], $0x8000  }
0x2e: {  	[sflag:s13] =	ssyncset.done $0x0  }
0x2f: {  	s19 =	simm.s32 $0x500;
	[sflag:s13] =	ssyncadd.s32 $0xFFFF8000  }
0x30: {  	[tilespmem:s7], [sflag:$0x2] =	stream.indirect.gather [hbm4b:s4+s5], $0x80, s19, s5, $0xb8;
	[tilespmem:$0x10A00] =	vst v63  }
0x31: {  	_ =	swait.ge [sflag:s8], $0x8000  }
0x32: {  	[sflag:s8] =	ssyncset.done $0x0  }
0x33: {  	s20 =	sadd.s32 $0x1AA00, s31;
	[sflag:s8] =	ssyncadd.s32 $0xFFFF8000  }
0x34: {  	[hbm4b:s20+s2] =	stream.linear.scatter [tilespmem:s6], [sflag:$0x3], $0x8000, $0x38;
	[tilespmem:$0x10A00] =	vst v63  }
0x35: {  	_ =	swait.ge [sflag:s10], $0x8000  }
0x36: {  	[sflag:s10] =	ssyncset.done $0x0  }
0x37: {  	s21 =	sadd.s32 $0x1BA00, s31;
	[sflag:s10] =	ssyncadd.s32 $0xFFFF8000  }
0x38: {  	[hbm4b:s21+s2] =	stream.linear.scatter [tilespmem:s7], [sflag:$0x4], $0x8000, $0x38;
	[tilespmem:$0x10A00] =	vst v63  }
0x39: {  	_ =	swait.ge [sflag:s12], $0x8000  }
0x3a: {  	[sflag:s12] =	ssyncset.done $0x0  }
0x3b: {  	s22 =	simm.s32 $0x600;
	[sflag:s12] =	ssyncadd.s32 $0xFFFF8000  }
0x3c: {  	[tilespmem:s6], [sflag:$0x1] =	stream.indirect.gather [hbm4b:s4+s5], $0x80, s22, s5, $0xb8;
	[tilespmem:$0x10A00] =	vst v63  }
0x3d: {  	_ =	swait.ge [sflag:s13], $0x8000  }
0x3e: {  	[sflag:s13] =	ssyncset.done $0x0  }
0x3f: {  	s23 =	simm.s32 $0x700;
	[sflag:s13] =	ssyncadd.s32 $0xFFFF8000  }
0x40: {  	[tilespmem:s7], [sflag:$0x2] =	stream.indirect.gather [hbm4b:s4+s5], $0x80, s23, s5, $0xb8;
	[tilespmem:$0x10A00] =	vst v63  }
0x41: {  	_ =	swait.ge [sflag:s8], $0x8000  }
0x42: {  	[sflag:s8] =	ssyncset.done $0x0  }
0x43: {  	s24 =	sadd.s32 $0x1CA00, s31;
	[sflag:s8] =	ssyncadd.s32 $0xFFFF8000  }
0x44: {  	[hbm4b:s24+s2] =	stream.linear.scatter [tilespmem:s6], [sflag:$0x3], $0x8000, $0x38;
	[tilespmem:$0x10A00] =	vst v63  }
0x45: {  	_ =	swait.ge [sflag:s10], $0x8000  }
0x46: {  	[sflag:s10] =	ssyncset.done $0x0  }
0x47: {  	s25 =	sadd.s32 $0x1DA00, s31;
	[sflag:s10] =	ssyncadd.s32 $0xFFFF8000  }
0x48: {  	[hbm4b:s25+s2] =	stream.linear.scatter [tilespmem:s7], [sflag:$0x4], $0x8000, $0x38;
	[tilespmem:$0x10A00] =	vst v63  }
0x49: {  	_ =	swait.ge [sflag:s12], $0x8000  }
0x4a: {  	[sflag:s12] =	ssyncset.done $0x0  }
0x4b: {  	s26 =	simm.s32 $0x800;
	[sflag:s12] =	ssyncadd.s32 $0xFFFF8000  }
0x4c: {  	[tilespmem:s6], [sflag:$0x1] =	stream.indirect.gather [hbm4b:s4+s5], $0x80, s26, s5, $0xb8;
	[tilespmem:$0x10A00] =	vst v63  }
0x4d: {  	_ =	swait.ge [sflag:s13], $0x8000  }
0x4e: {  	[sflag:s13] =	ssyncset.done $0x0  }
0x4f: {  	s28 =	simm.s32 $0x900;
	[sflag:s13] =	ssyncadd.s32 $0xFFFF8000  }
0x50: {  	[tilespmem:s7], [sflag:$0x2] =	stream.indirect.gather [hbm4b:s4+s5], $0x80, s28, s5, $0xb8;
	[tilespmem:$0x10A00] =	vst v63  }
0x51: {  	_ =	swait.ge [sflag:s8], $0x8000  }
0x52: {  	s1 =	ssub.s32 $0x2, s30;
	s29 =	sadd.s32 $0x1EA00, s31;
	[sflag:s8] =	ssyncset.done $0x0  }
0x53: {  	s30 =	sadd.s32 $0x1FA00, s31;
	s31 =	sshrl.u32 s1, $0x1;
	[sflag:s8] =	ssyncadd.s32 $0xFFFF8000  }
0x54: {  	[hbm4b:s29+s2] =	stream.linear.scatter [tilespmem:s6], [sflag:$0x3], $0x8000, $0x38;
	[tilespmem:$0x10A00] =	vst v63  }
0x55: {  	s1 =	ssub.s32 s1, s31;
	_ =	swait.ge [sflag:s10], $0x8000  }
0x56: {  	s1 =	smax.u32 s1, $0x1;
	[sflag:s10] =	ssyncset.done $0x0  }
0x57: {  	p0 =	sne.s32 s1, $0x1;
	[sflag:s10] =	ssyncadd.s32 $0xFFFF8000  }
0x58: {  	[hbm4b:s30+s2] =	stream.linear.scatter [tilespmem:s7], [sflag:$0x4], $0x8000, $0x38;
	[tilespmem:$0x10A00] =	vst v63  }
.Ltmp0:
0x59: {  	_ =	swait.ge [sflag:s12], $0x8000;
	(pc) =	sbr.rel @!p0 .LBB2_2-.Ltmp0, $4  }
0x5a: {  	[sflag:s12] =	ssyncset.done $0x0  }
0x5b: {  	[sflag:s12] =	ssyncadd.s32 $0xFFFF8000  }
0x5c: {  	_ =	swait.ge [sflag:s13], $0x8000  }
0x5d: {  	s31 =	sadd.s32 $0xFFFFFFFF, s1;
	[sflag:s13] =	ssyncset.done $0x0  }
.LBB2_1:
0x5e: {  	s1 =	rddreg [dreg:$0x2];
	[sflag:s13] =	ssyncadd.s32 $0xFFFF8000  }
0x5f: {  	[tilespmem:s2], [sflag:$0x5] =	stream.linear.gather [hbm4b:s1+s2], $0xA00, $0x38;
	[tilespmem:$0x10A00] =	vst v63  }
0x60: {  	_ =	swait.ge [sflag:s3], $0xA00  }
0x61: {  	[sflag:s3] =	ssyncset.done $0x0  }
0x62: {  	[sflag:s3] =	ssyncadd.s32 $0xFFFFF600  }
0x63: {  	[tilespmem:s6], [sflag:$0x1] =	stream.indirect.gather [hbm4b:s4+s5], $0x80, s2, s5, $0xb8;
	[tilespmem:$0x10A00] =	vst v63  }
0x64: {  	_ = 	snop  }
0x65: {  	[tilespmem:s7], [sflag:$0x2] =	stream.indirect.gather [hbm4b:s4+s5], $0x80, s5, s5, $0xb8;
	[tilespmem:$0x10A00] =	vst v63  }
0x66: {  	_ =	swait.ge [sflag:s8], $0x8000  }
0x67: {  	[sflag:s8] =	ssyncset.done $0x0  }
0x68: {  	[sflag:s8] =	ssyncadd.s32 $0xFFFF8000  }
0x69: {  	[hbm4b:s9+s2] =	stream.linear.scatter [tilespmem:s6], [sflag:$0x3], $0x8000, $0x38;
	[tilespmem:$0x10A00] =	vst v63  }
0x6a: {  	_ =	swait.ge [sflag:s10], $0x8000  }
0x6b: {  	[sflag:s10] =	ssyncset.done $0x0  }
0x6c: {  	[sflag:s10] =	ssyncadd.s32 $0xFFFF8000  }
0x6d: {  	[hbm4b:s11+s2] =	stream.linear.scatter [tilespmem:s7], [sflag:$0x4], $0x8000, $0x38;
	[tilespmem:$0x10A00] =	vst v63  }
0x6e: {  	_ =	swait.ge [sflag:s12], $0x8000  }
0x6f: {  	[sflag:s12] =	ssyncset.done $0x0  }
0x70: {  	[sflag:s12] =	ssyncadd.s32 $0xFFFF8000  }
0x71: {  	[tilespmem:s6], [sflag:$0x1] =	stream.indirect.gather [hbm4b:s4+s5], $0x80, s14, s5, $0xb8;
	[tilespmem:$0x10A00] =	vst v63  }
0x72: {  	_ =	swait.ge [sflag:s13], $0x8000  }
0x73: {  	[sflag:s13] =	ssyncset.done $0x0  }
0x74: {  	[sflag:s13] =	ssyncadd.s32 $0xFFFF8000  }
0x75: {  	[tilespmem:s7], [sflag:$0x2] =	stream.indirect.gather [hbm4b:s4+s5], $0x80, s15, s5, $0xb8;
	[tilespmem:$0x10A00] =	vst v63  }
0x76: {  	_ =	swait.ge [sflag:s8], $0x8000  }
0x77: {  	[sflag:s8] =	ssyncset.done $0x0  }
0x78: {  	[sflag:s8] =	ssyncadd.s32 $0xFFFF8000  }
0x79: {  	[hbm4b:s16+s2] =	stream.linear.scatter [tilespmem:s6], [sflag:$0x3], $0x8000, $0x38;
	[tilespmem:$0x10A00] =	vst v63  }
0x7a: {  	_ =	swait.ge [sflag:s10], $0x8000  }
0x7b: {  	[sflag:s10] =	ssyncset.done $0x0  }
0x7c: {  	[sflag:s10] =	ssyncadd.s32 $0xFFFF8000  }
0x7d: {  	[hbm4b:s17+s2] =	stream.linear.scatter [tilespmem:s7], [sflag:$0x4], $0x8000, $0x38;
	[tilespmem:$0x10A00] =	vst v63  }
0x7e: {  	_ =	swait.ge [sflag:s12], $0x8000  }
0x7f: {  	[sflag:s12] =	ssyncset.done $0x0  }
0x80: {  	[sflag:s12] =	ssyncadd.s32 $0xFFFF8000  }
0x81: {  	[tilespmem:s6], [sflag:$0x1] =	stream.indirect.gather [hbm4b:s4+s5], $0x80, s18, s5, $0xb8;
	[tilespmem:$0x10A00] =	vst v63  }
0x82: {  	_ =	swait.ge [sflag:s13], $0x8000  }
0x83: {  	[sflag:s13] =	ssyncset.done $0x0  }
0x84: {  	[sflag:s13] =	ssyncadd.s32 $0xFFFF8000  }
0x85: {  	[tilespmem:s7], [sflag:$0x2] =	stream.indirect.gather [hbm4b:s4+s5], $0x80, s19, s5, $0xb8;
	[tilespmem:$0x10A00] =	vst v63  }
0x86: {  	_ =	swait.ge [sflag:s8], $0x8000  }
0x87: {  	[sflag:s8] =	ssyncset.done $0x0  }
0x88: {  	[sflag:s8] =	ssyncadd.s32 $0xFFFF8000  }
0x89: {  	[hbm4b:s20+s2] =	stream.linear.scatter [tilespmem:s6], [sflag:$0x3], $0x8000, $0x38;
	[tilespmem:$0x10A00] =	vst v63  }
0x8a: {  	_ =	swait.ge [sflag:s10], $0x8000  }
0x8b: {  	[sflag:s10] =	ssyncset.done $0x0  }
0x8c: {  	[sflag:s10] =	ssyncadd.s32 $0xFFFF8000  }
0x8d: {  	[hbm4b:s21+s2] =	stream.linear.scatter [tilespmem:s7], [sflag:$0x4], $0x8000, $0x38;
	[tilespmem:$0x10A00] =	vst v63  }
0x8e: {  	_ =	swait.ge [sflag:s12], $0x8000  }
0x8f: {  	[sflag:s12] =	ssyncset.done $0x0  }
0x90: {  	[sflag:s12] =	ssyncadd.s32 $0xFFFF8000  }
0x91: {  	[tilespmem:s6], [sflag:$0x1] =	stream.indirect.gather [hbm4b:s4+s5], $0x80, s22, s5, $0xb8;
	[tilespmem:$0x10A00] =	vst v63  }
0x92: {  	_ =	swait.ge [sflag:s13], $0x8000  }
0x93: {  	[sflag:s13] =	ssyncset.done $0x0  }
0x94: {  	[sflag:s13] =	ssyncadd.s32 $0xFFFF8000  }
0x95: {  	[tilespmem:s7], [sflag:$0x2] =	stream.indirect.gather [hbm4b:s4+s5], $0x80, s23, s5, $0xb8;
	[tilespmem:$0x10A00] =	vst v63  }
0x96: {  	_ =	swait.ge [sflag:s8], $0x8000  }
0x97: {  	[sflag:s8] =	ssyncset.done $0x0  }
0x98: {  	[sflag:s8] =	ssyncadd.s32 $0xFFFF8000  }
0x99: {  	[hbm4b:s24+s2] =	stream.linear.scatter [tilespmem:s6], [sflag:$0x3], $0x8000, $0x38;
	[tilespmem:$0x10A00] =	vst v63  }
0x9a: {  	_ =	swait.ge [sflag:s10], $0x8000  }
0x9b: {  	[sflag:s10] =	ssyncset.done $0x0  }
0x9c: {  	[sflag:s10] =	ssyncadd.s32 $0xFFFF8000  }
0x9d: {  	[hbm4b:s25+s2] =	stream.linear.scatter [tilespmem:s7], [sflag:$0x4], $0x8000, $0x38;
	[tilespmem:$0x10A00] =	vst v63  }
0x9e: {  	_ =	swait.ge [sflag:s12], $0x8000  }
0x9f: {  	[sflag:s12] =	ssyncset.done $0x0  }
0xa0: {  	[sflag:s12] =	ssyncadd.s32 $0xFFFF8000  }
0xa1: {  	[tilespmem:s6], [sflag:$0x1] =	stream.indirect.gather [hbm4b:s4+s5], $0x80, s26, s5, $0xb8;
	[tilespmem:$0x10A00] =	vst v63  }
0xa2: {  	_ =	swait.ge [sflag:s13], $0x8000  }
0xa3: {  	[sflag:s13] =	ssyncset.done $0x0  }
0xa4: {  	[sflag:s13] =	ssyncadd.s32 $0xFFFF8000  }
0xa5: {  	[tilespmem:s7], [sflag:$0x2] =	stream.indirect.gather [hbm4b:s4+s5], $0x80, s28, s5, $0xb8;
	[tilespmem:$0x10A00] =	vst v63  }
0xa6: {  	_ =	swait.ge [sflag:s8], $0x8000  }
0xa7: {  	[sflag:s8] =	ssyncset.done $0x0  }
0xa8: {  	[sflag:s8] =	ssyncadd.s32 $0xFFFF8000  }
0xa9: {  	[hbm4b:s29+s2] =	stream.linear.scatter [tilespmem:s6], [sflag:$0x3], $0x8000, $0x38;
	[tilespmem:$0x10A00] =	vst v63  }
0xaa: {  	_ =	swait.ge [sflag:s10], $0x8000  }
0xab: {  	[sflag:s10] =	ssyncset.done $0x0  }
0xac: {  	p0 =	sne.s32 s31, $0x1;
	[sflag:s10] =	ssyncadd.s32 $0xFFFF8000  }
0xad: {  	[hbm4b:s30+s2] =	stream.linear.scatter [tilespmem:s7], [sflag:$0x4], $0x8000, $0x38;
	[tilespmem:$0x10A00] =	vst v63  }
.Ltmp1:
0xae: {  	_ =	swait.ge [sflag:s12], $0x8000;
	(pc) =	sbr.rel @p0 .LBB2_1-.Ltmp1, $4  }
0xaf: {  	[sflag:s12] =	ssyncset.done $0x0  }
0xb0: {  	[sflag:s12] =	ssyncadd.s32 $0xFFFF8000  }
0xb1: {  	_ =	swait.ge [sflag:s13], $0x8000  }
0xb2: {  	s31 =	sadd.s32 $0xFFFFFFFF, s31;
	[sflag:s13] =	ssyncset.done $0x0  }
.LBB2_2:
0xb3: {  	[sflag:s13] =	ssyncadd.s32 $0xFFFF8000  }
0xb4: {  	_ =	sfence.sel $0x180000  }
0xb5: {  	[bflag:$0x0] =	sbarrier.arrive $0xFFFF  }
0xb6: {  	_ =	strace $0x9000004D  }
0xb7: {  	[bflag:$0x2] =	sbarrier.arrive $0xFFFF  }
0xb8: {  	p0 =	sne.s32 s0, $0x0;
	s0 =	rddreg [dreg:$0x1]  }
0xb9: {  	s0 =	sadd.s32 @!p0 $0x100000, s0  }
0xba: {  	[sflag:s0] =	ssyncadd.tile.s32 @!p0 $0x1;
	_ =	shalt  }
.Lfunc_end2:
_tile_overlayer_lowered:
.L_overlay_start_2:
0xbb: {  	(tag) =	ssettag $0x2  }
0xbc: {  	s0 =	rddreg [dreg:$0x0];
	s2 =	stileid.u32  }
0xbd: {  	s1 =	rddreg [dreg:$0x1];
	p0 =	sne.s32 s2, $0x0  }
0xbe: {  	s3 =	rddreg [dreg:$0x2];
	[bflag:$0x3] =	sbarrier.arrive $0xFFFF;
	s2 =	simm.s32 @!p0 $0x1C05  }
0xbf: {  	[timem:s3], [sflag:s2] =	dma.local @!p0 [hbm:s0], s1  }
0xc0: {  	s0 =	simm.s32 @!p0 $0x5  }
0xc1: {  	_ =	swait.ge @!p0 [sflag:s0], s1  }
0xc2: {  	s1 =	ssub.s32 @!p0 $0x0, s1;
	[sflag:s0] =	ssyncset.done @!p0 $0x0  }
0xc3: {  	[sflag:s0] =	ssyncadd.s32 @!p0 s1  }
0xc4: {  	[bflag:$0x3] =	sbarrier.arrive $0xFFFF  }
0xc5: {  	_ =	shalt  }

// kernel: kernel.44.cloned.1.call-start
scs
__scs_entry_jumppad:
0x0: {  	(pc) =	sbr.rel $0x88, $3  }
0x1: {  	(tag) =	ssettag $0x0;
	lr =	simm.s32 $0x1  }
0x2: {  	[smem:$0x3F6B] =	sst lr;
	_ =	strace $0xD0000000  }
0x3: {  	_ = 	snop  }
0x4: {  	_ = 	snop  }
0x5: {  	_ = 	snop  }
0x6: {  	_ = 	snop  }
0x7: {  	_ = 	snop  }
__scs_overlays_trampoline_lowered:
0x8: {  	[smem:$0x3F7A] =	sst s0  }
0x9: {  	[smem:$0x3F7B] =	sst s1  }
0xa: {  	[smem:$0x3F7C] =	sst s2  }
0xb: {  	[smem:$0x3F7D] =	sst s3  }
0xc: {  	[smem:$0x3F7E] =	sst s4  }
0xd: {  	[smem:$0x3F7F] =	sst s5  }
0xe: {  	[smem:$0x3F80] =	sst s6  }
0xf: {  	[smem:$0x3F81] =	sst s7  }
0x10: {  	[smem:$0x3F82] =	sst s8  }
0x11: {  	[smem:$0x3F83] =	sst s9;
	s0 =	simm.s32 @!p0 $0x0  }
0x12: {  	s1 =	sld [smem:$0x3F69];
	s0 =	simm.s32 @p0 $0x1  }
0x13: {  	[smem:$0x3F84] =	sst s0;
	s0 =	simm.s32 @!p1 $0x0  }
0x14: {  	s2 =	sld [smem:$0x3F68];
	s0 =	simm.s32 @p1 $0x1  }
0x15: {  	[smem:$0x3F85] =	sst s0;
	s0 =	simm.s32 @!p2 $0x0  }
0x16: {  	s3 =	sld [smem:$0x3FDB];
	s0 =	simm.s32 @p2 $0x1  }
0x17: {  	s4 =	simm.s32 $0x1BF5;
	[smem:$0x3F87] =	sst s0  }
0x18: {  	s0 =	sld [smem:$0x3F6A];
	_ =	swait.ge [sflag:s4], $0x0  }
0x19: {  	s7 =	sld [smem:$0x3F6B]  }
0x1a: {  	s8 =	sadd.s32 $0xFFFFE003, lr  }
0x1b: {  	s9 =	sadd.s32 $0xFFFFFEF7, lr;
	s5 =	simm.s32 $0xFFFFFFFF;
	p2 =	slt.u32 s8, $0xFFFFF086  }
0x1c: {  	p1 =	slt.u32 s9, $0xF7A;
	s5 =	simm.s32 @!p2 $0x0  }
0x1d: {  	s5 =	simm.s32 @p1 $0x1;
	p0 =	seq.s32 s7, s2  }
0x1e: {  	s7 =	smul.u32 @!p0 $0xF7A, s2;
	p2 =	seq.s32 @!p0 s5, $0x0  }
0x1f: {  	s9 =	smul.u32 $0xF7A, s1;
	s8 =	simm.s32 @!p0 $0x1BF5;
	p2 =	por !p2, p0  }
0x20: {  	[sflag:s8] =	ssyncset.s32 @!p0 $0xFFFFF086;
	s6 =	sadd.s32 @!p0 s3, s7;
	s7 =	simm.s32 @!p0 $0x108  }
0x21: {  	s3 =	sadd.s32 s3, s9;
	s6 =	sadd.s32 @!p0 $0x88, s6;
	s7 =	simm.s32 @p2 $0x1082  }
0x22: {  	[simem:s7], [sflag:s8] =	dma.local @!p0 [hbm:s6], $0xF7A  }
0x23: {  	s9 =	sor.u32 $0xD0000000, s2;
	s6 =	simm.s32 $0x108;
	_ =	swait.ge @!p0 [sflag:s8], $0x0  }
0x24: {  	s3 =	sadd.s32 $0x88, s3;
	s6 =	simm.s32 @!p1 $0x1082;
	[sflag:s4] =	ssyncset.s32 $0xFFFFF086  }
0x25: {  	[simem:s6], [sflag:s4] =	dma.local [hbm:s3], $0xF7A  }
0x26: {  	[smem:$0x3F6B] =	sst s1;
	(tag) =	ssettag s2;
	_ =	strace s9  }
0x27: {  	s1 =	sld [smem:$0x3F7B]  }
0x28: {  	s2 =	sld [smem:$0x3F7C]  }
0x29: {  	s4 =	sld [smem:$0x3F7E]  }
0x2a: {  	p0 =	seq.s32 s5, $0x0;
	s5 =	sld [smem:$0x3F7F]  }
0x2b: {  	s6 =	sld [smem:$0x3F80]  }
0x2c: {  	s7 =	sld [smem:$0x3F81]  }
0x2d: {  	s3 =	simm.s32 $0x108;
	s8 =	sld [smem:$0x3F82]  }
0x2e: {  	s3 =	simm.s32 @!p0 $0x1082;
	s9 =	sld [smem:$0x3F83]  }
0x2f: {  	lr =	sadd.s32 s0, s3;
	s0 =	sld [smem:$0x3F7A]  }
0x30: {  	s3 =	sld [smem:$0x3F7D]  }
0x31: {  	[smem:$0x3F86] =	sst s10  }
0x32: {  	s10 =	sld [smem:$0x3F84];
	_ =	sdelay $0x3  }
0x33: {  	p0 =	seq.s32 s10, $0x1;
	s10 =	sld [smem:$0x3F86];
	_ =	sdelay $0x3  }
0x34: {  	[smem:$0x3F86] =	sst s10  }
0x35: {  	s10 =	sld [smem:$0x3F85];
	_ =	sdelay $0x3  }
0x36: {  	p1 =	seq.s32 s10, $0x1;
	s10 =	sld [smem:$0x3F86];
	_ =	sdelay $0x3  }
0x37: {  	[smem:$0x3F86] =	sst s10  }
0x38: {  	s10 =	sld [smem:$0x3F87]  }
0x39: {  	_ = 	snop;
	(pc) =	sbr.ind lr, $3  }
0x3a: {  	_ = 	snop  }
0x3b: {  	_ = 	snop  }
0x3c: {  	p2 =	seq.s32 s10, $0x1;
	s10 =	sld [smem:$0x3F86]  }
0x3d: {  	_ =	shalt  }
0x3e: {  	_ =	shalt  }
0x3f: {  	_ =	shalt  }
0x40: {  	_ =	shalt  }
0x41: {  	_ =	shalt  }
0x42: {  	_ =	shalt  }
0x43: {  	_ =	shalt  }
0x44: {  	_ =	shalt  }
0x45: {  	_ =	shalt  }
0x46: {  	_ =	shalt  }
0x47: {  	_ =	shalt  }
0x48: {  	_ =	shalt  }
0x49: {  	_ =	shalt  }
0x4a: {  	_ =	shalt  }
0x4b: {  	_ =	shalt  }
0x4c: {  	_ =	shalt  }
0x4d: {  	_ =	shalt  }
0x4e: {  	_ =	shalt  }
0x4f: {  	_ =	shalt  }
0x50: {  	_ =	shalt  }
0x51: {  	_ =	shalt  }
0x52: {  	_ =	shalt  }
0x53: {  	_ =	shalt  }
0x54: {  	_ =	shalt  }
0x55: {  	_ =	shalt  }
0x56: {  	_ =	shalt  }
0x57: {  	_ =	shalt  }
0x58: {  	_ =	shalt  }
0x59: {  	_ =	shalt  }
0x5a: {  	_ =	shalt  }
0x5b: {  	_ =	shalt  }
0x5c: {  	_ =	shalt  }
0x5d: {  	_ =	shalt  }
0x5e: {  	_ =	shalt  }
0x5f: {  	_ =	shalt  }
0x60: {  	_ =	shalt  }
0x61: {  	_ =	shalt  }
0x62: {  	_ =	shalt  }
0x63: {  	_ =	shalt  }
0x64: {  	_ =	shalt  }
0x65: {  	_ =	shalt  }
0x66: {  	_ =	shalt  }
0x67: {  	_ =	shalt  }
0x68: {  	_ =	shalt  }
0x69: {  	_ =	shalt  }
0x6a: {  	_ =	shalt  }
0x6b: {  	_ =	shalt  }
0x6c: {  	_ =	shalt  }
0x6d: {  	_ =	shalt  }
0x6e: {  	_ =	shalt  }
0x6f: {  	_ =	shalt  }
0x70: {  	_ =	shalt  }
0x71: {  	_ =	shalt  }
0x72: {  	_ =	shalt  }
0x73: {  	_ =	shalt  }
0x74: {  	_ =	shalt  }
0x75: {  	_ =	shalt  }
0x76: {  	_ =	shalt  }
0x77: {  	_ =	shalt  }
0x78: {  	_ =	shalt  }
0x79: {  	_ =	shalt  }
0x7a: {  	_ =	shalt  }
0x7b: {  	_ =	shalt  }
0x7c: {  	_ =	shalt  }
0x7d: {  	_ =	shalt  }
0x7e: {  	_ =	shalt  }
0x7f: {  	_ =	shalt  }
0x80: {  	_ =	shalt  }
0x81: {  	_ =	shalt  }
0x82: {  	_ =	shalt  }
0x83: {  	_ =	shalt  }
0x84: {  	_ =	shalt  }
0x85: {  	_ =	shalt  }
0x86: {  	_ =	shalt  }
0x87: {  	_ =	shalt  }
.Lfunc_end0:
.L_simem_size_0:
called_computation.3_lowered:
.L_overlay_start_0:
0x88: {  	s2 =	sld [smem:$0x3FD9]  }
0x89: {  	s3 =	sld [smem:$0x3FFE];
	_ =	sdelay $0x1  }
0x8a: {  	s1 =	srdreg.scid  }
0x8b: {  	s0 =	sand.u32 $0x1, s1  }
0x8c: {  	s16 =	sshll.u32 s0, $0xA;
	s2 =	sadd.s32 s3, s2  }
0x8d: {  	s2 =	sadd.s32 s2, s16  }
0x8e: {  	[smem:$0x3F92] =	sst s2  }
0x8f: {  	_ = 	snop  }
0x90: {  	(tm) =	ssettm $0x1  }
0x91: {  	s17 =	sld [smem:$0x3FFB];
	_ =	sdelay $0x3  }
0x92: {  	_ =	strace s17  }
0x93: {  	s2 =	sld [smem:$0x3FFC];
	_ =	sdelay $0x3  }
0x94: {  	_ =	strace s2  }
0x95: {  	s2 =	sld [smem:$0x3FFD];
	_ =	sdelay $0x3  }
0x96: {  	_ =	strace s2  }
0x97: {  	_ =	strace $0x8FFFFFFF  }
0x98: {  	s18 =	sld [smem:$0x3FDB];
	_ =	sdelay $0x1  }
0x99: {  	s19 =	simm.s32 $_scs_section_size  }
0x9a: {  	s4 =	simm.s32 $_size__tile_overlayer_lowered;
	s5 =	simm.s32 $_tile_overlayer_lowered  }
0x9b: {  	s22 =	simm.s32 $0x1BFF;
	s21 =	sshll.u32 s5, $0x1;
	s2 =	sadd.s32 s19, s18  }
0x9c: {  	s6 =	simm.s32 $0x0;
	s20 =	sshll.u32 s4, $0x1;
	s4 =	sadd.s32 s21, s2  }
0x9d: {  	[timem:s6], [sflag:s22] =	dma.local [hbm:s4], s20  }
0x9e: {  	_ =	swait.ge [sflag:s22], s20  }
0x9f: {  	s3 =	ssub.s32 $0x0, s20;
	[sflag:s22] =	ssyncset.done $0x0  }
0xa0: {  	[sflag:s22] =	ssyncadd.s32 s3;
	_ =	sdelay $0x1  }
0xa1: {  	s23 =	simm.s32 $0x1B8B  }
0xa2: {  	_ =	swait.ge [sflag:s23], $0x1  }
0xa3: {  	[sflag:s23] =	ssyncset.done $0x0  }
0xa4: {  	s25 =	simm.s32 $0x1B8E;
	s24 =	sld [smem:$0x3FFE];
	[sflag:s23] =	ssyncadd.s32 $0xFFFFFFFF  }
0xa5: {  	s26 =	simm.s32 $execute0_lowered;
	[smem:$0x3FD2] =	sst s25  }
0xa6: {  	s4 =	sshll.u32 s26, $0x1;
	_ =	strace $0x8000004F;
	[dreg:$0x1] =	wrdreg $0xFFFFFFFF  }
0xa7: {  	s28 =	simm.s32 $_size_execute0_lowered;
	s2 =	sadd.s32 s2, s4;
	[dreg:$0x0] =	wrdreg $0x0  }
0xa8: {  	s4 =	sshll.u32 s28, $0x1;
	[dreg:$0x2] =	wrdreg s2  }
0xa9: {  	[dreg:$0x3] =	wrdreg s4  }
0xaa: {  	[dreg:$0x4] =	wrdreg $0xC0  }
0xab: {  	_ =	task [dreg:s6], $0x5FFFF  }
0xac: {  	[dreg:$0x1] =	wrdreg $0xFFFFFFFF  }
0xad: {  	[dreg:$0x0] =	wrdreg $0x60  }
0xae: {  	[dreg:$0x2] =	wrdreg s24  }
0xaf: {  	[dreg:$0x3] =	wrdreg $0x9  }
0xb0: {  	_ =	task.clear_ibuf [dreg:s6], $0x4FFFF;
	_ =	strace $0x9000004F  }
0xb1: {  	s29 =	simm.s32 $0x9;
	_ =	strace $0x80000051  }
0xb2: {  	_ =	swait.ge [sflag:s29], $0x1  }
0xb3: {  	[sflag:s29] =	ssyncadd.s32 $0xFFFFFFFF  }
0xb4: {  	_ =	strace $0x90000051  }
0xb5: {  	_ =	sfence  }
0xb6: {  	s30 =	sld [smem:$0x0];
	_ =	sdelay $0x2  }
0xb7: {  	s31 =	sshll.u32 s1, $0xD;
	s1 =	sshrl.u32 s1, $0x2  }
0xb8: {  	s3 =	sand.u32 $0x4000, s31;
	s1 =	sadd.s32 s1, s30  }
0xb9: {  	s0 =	sor.u32 s3, s0;
	s1 =	sshll.u32 s1, $0x11  }
0xba: {  	s0 =	sor.u32 s1, s0  }
0xbb: {  	s0 =	sadd.s32 $0x8F2B, s0  }
0xbc: {  	[sflag:s0] =	ssyncadd.remote.s32 $0x1  }
0xbd: {  	_ =	sfence.sel $0xFFFF  }
0xbe: {  	[dreg:$0x0] =	wrdreg $0xFFFFFFFF;
	(pc) =	sbr.abs _section_cstart, $3  }
0xbf: {  	[dreg:$0x1] =	wrdreg $0xFFFFFFFF  }
0xc0: {  	_ =	task.clear_ibuf [dreg:s6], $0x2FFFF;
	_ =	strace $0x9FFFFFFF  }
0xc1: {  	(tm) =	ssettm $0x7FFFFFFF  }
tec
execute0_lowered:
.L_overlay_start_1:
0x0: {  	(tag) =	ssettag $0x1  }
0x1: {  	s1 =	srdreg.scid;
	s0 =	stileid.u32  }
0x2: {  	s30 =	sand.u32 $0x1, s1;
	s26 =	sshll.u32 s0, $0x1  }
0x3: {  	s7 =	sor.u32 s30, s26  }
0x4: {  	s3 =	smul.u32 $0x140, s7  }
0x5: {  	s9 =	rddreg [dreg:$0x0]  }
0x6: {  	s2 =	simm.s32 $0x0;
	s3 =	sadd.s32 s3, s9  }
0x7: {  	[smem:$0x7FF] =	sst s2;
	s3 =	sadd.s32 $0x14200, s3  }
0x8: {  	_ =	strace $0x80000050;
	[dreg:$0x2] =	wrdreg s3  }
0x9: {  	s3 =	simm.s32 $0x5;
	s4 =	rddreg [dreg:$0x2]  }
0xa: {  	[tilespmem:s2], [sflag:$0x5] =	stream.linear.gather [hbm4b:s4+s2], $0xA00, $0x38;
	[tilespmem:$0x10A00] =	vst v63  }
0xb: {  	_ =	swait.ge [sflag:s3], $0xA00  }
0xc: {  	s5 =	simm.s32 $0x100;
	[sflag:s3] =	ssyncset.done $0x0  }
0xd: {  	s6 =	simm.s32 $0xA00;
	s4 =	sadd.s32 $0x800, s9;
	[sflag:s3] =	ssyncadd.s32 $0xFFFFF600  }
0xe: {  	[tilespmem:s6], [sflag:$0x1] =	stream.indirect.gather [hbm4b:s4+s5], $0x80, s2, s5, $0xb8;
	[tilespmem:$0x10A00] =	vst v63  }
0xf: {  	s8 =	simm.s32 $0x1;
	s10 =	smul.u32 $0xA000, s7;
	s7 =	simm.s32 $0x8A00  }
0x10: {  	[tilespmem:s7], [sflag:$0x2] =	stream.indirect.gather [hbm4b:s4+s5], $0x80, s5, s5, $0xb8;
	[tilespmem:$0x10A00] =	vst v63  }
0x11: {  	_ =	swait.ge [sflag:s8], $0x8000  }
0x12: {  	s31 =	sadd.s32 s10, s9;
	[sflag:s8] =	ssyncset.done $0x0  }
0x13: {  	s10 =	simm.s32 $0x2;
	s9 =	sadd.s32 $0x16A00, s31;
	[sflag:s8] =	ssyncadd.s32 $0xFFFF8000  }
0x14: {  	[hbm4b:s9+s2] =	stream.linear.scatter [tilespmem:s6], [sflag:$0x3], $0x8000, $0x38;
	[tilespmem:$0x10A00] =	vst v63  }
0x15: {  	_ =	swait.ge [sflag:s10], $0x8000  }
0x16: {  	[sflag:s10] =	ssyncset.done $0x0  }
0x17: {  	s12 =	simm.s32 $0x3;
	s11 =	sadd.s32 $0x17A00, s31;
	[sflag:s10] =	ssyncadd.s32 $0xFFFF8000  }
0x18: {  	[hbm4b:s11+s2] =	stream.linear.scatter [tilespmem:s7], [sflag:$0x4], $0x8000, $0x38;
	[tilespmem:$0x10A00] =	vst v63  }
0x19: {  	_ =	swait.ge [sflag:s12], $0x8000  }
0x1a: {  	[sflag:s12] =	ssyncset.done $0x0  }
0x1b: {  	s14 =	simm.s32 $0x200;
	s13 =	simm.s32 $0x4;
	[sflag:s12] =	ssyncadd.s32 $0xFFFF8000  }
0x1c: {  	[tilespmem:s6], [sflag:$0x1] =	stream.indirect.gather [hbm4b:s4+s5], $0x80, s14, s5, $0xb8;
	[tilespmem:$0x10A00] =	vst v63  }
0x1d: {  	_ =	swait.ge [sflag:s13], $0x8000  }
0x1e: {  	[sflag:s13] =	ssyncset.done $0x0  }
0x1f: {  	s15 =	simm.s32 $0x300;
	[sflag:s13] =	ssyncadd.s32 $0xFFFF8000  }
0x20: {  	[tilespmem:s7], [sflag:$0x2] =	stream.indirect.gather [hbm4b:s4+s5], $0x80, s15, s5, $0xb8;
	[tilespmem:$0x10A00] =	vst v63  }
0x21: {  	_ =	swait.ge [sflag:s8], $0x8000  }
0x22: {  	[sflag:s8] =	ssyncset.done $0x0  }
0x23: {  	s16 =	sadd.s32 $0x18A00, s31;
	[sflag:s8] =	ssyncadd.s32 $0xFFFF8000  }
0x24: {  	[hbm4b:s16+s2] =	stream.linear.scatter [tilespmem:s6], [sflag:$0x3], $0x8000, $0x38;
	[tilespmem:$0x10A00] =	vst v63  }
0x25: {  	_ =	swait.ge [sflag:s10], $0x8000  }
0x26: {  	[sflag:s10] =	ssyncset.done $0x0  }
0x27: {  	s17 =	sadd.s32 $0x19A00, s31;
	[sflag:s10] =	ssyncadd.s32 $0xFFFF8000  }
0x28: {  	[hbm4b:s17+s2] =	stream.linear.scatter [tilespmem:s7], [sflag:$0x4], $0x8000, $0x38;
	[tilespmem:$0x10A00] =	vst v63  }
0x29: {  	_ =	swait.ge [sflag:s12], $0x8000  }
0x2a: {  	[sflag:s12] =	ssyncset.done $0x0  }
0x2b: {  	s18 =	simm.s32 $0x400;
	[sflag:s12] =	ssyncadd.s32 $0xFFFF8000  }
0x2c: {  	[tilespmem:s6], [sflag:$0x1] =	stream.indirect.gather [hbm4b:s4+s5], $0x80, s18, s5, $0xb8;
	[tilespmem:$0x10A00] =	vst v63  }
0x2d: {  	_ =	swait.ge [sflag:s13], $0x8000  }
0x2e: {  	[sflag:s13] =	ssyncset.done $0x0  }
0x2f: {  	s19 =	simm.s32 $0x500;
	[sflag:s13] =	ssyncadd.s32 $0xFFFF8000  }
0x30: {  	[tilespmem:s7], [sflag:$0x2] =	stream.indirect.gather [hbm4b:s4+s5], $0x80, s19, s5, $0xb8;
	[tilespmem:$0x10A00] =	vst v63  }
0x31: {  	_ =	swait.ge [sflag:s8], $0x8000  }
0x32: {  	[sflag:s8] =	ssyncset.done $0x0  }
0x33: {  	s20 =	sadd.s32 $0x1AA00, s31;
	[sflag:s8] =	ssyncadd.s32 $0xFFFF8000  }
0x34: {  	[hbm4b:s20+s2] =	stream.linear.scatter [tilespmem:s6], [sflag:$0x3], $0x8000, $0x38;
	[tilespmem:$0x10A00] =	vst v63  }
0x35: {  	_ =	swait.ge [sflag:s10], $0x8000  }
0x36: {  	[sflag:s10] =	ssyncset.done $0x0  }
0x37: {  	s21 =	sadd.s32 $0x1BA00, s31;
	[sflag:s10] =	ssyncadd.s32 $0xFFFF8000  }
0x38: {  	[hbm4b:s21+s2] =	stream.linear.scatter [tilespmem:s7], [sflag:$0x4], $0x8000, $0x38;
	[tilespmem:$0x10A00] =	vst v63  }
0x39: {  	_ =	swait.ge [sflag:s12], $0x8000  }
0x3a: {  	[sflag:s12] =	ssyncset.done $0x0  }
0x3b: {  	s22 =	simm.s32 $0x600;
	[sflag:s12] =	ssyncadd.s32 $0xFFFF8000  }
0x3c: {  	[tilespmem:s6], [sflag:$0x1] =	stream.indirect.gather [hbm4b:s4+s5], $0x80, s22, s5, $0xb8;
	[tilespmem:$0x10A00] =	vst v63  }
0x3d: {  	_ =	swait.ge [sflag:s13], $0x8000  }
0x3e: {  	[sflag:s13] =	ssyncset.done $0x0  }
0x3f: {  	s23 =	simm.s32 $0x700;
	[sflag:s13] =	ssyncadd.s32 $0xFFFF8000  }
0x40: {  	[tilespmem:s7], [sflag:$0x2] =	stream.indirect.gather [hbm4b:s4+s5], $0x80, s23, s5, $0xb8;
	[tilespmem:$0x10A00] =	vst v63  }
0x41: {  	_ =	swait.ge [sflag:s8], $0x8000  }
0x42: {  	[sflag:s8] =	ssyncset.done $0x0  }
0x43: {  	s24 =	sadd.s32 $0x1CA00, s31;
	[sflag:s8] =	ssyncadd.s32 $0xFFFF8000  }
0x44: {  	[hbm4b:s24+s2] =	stream.linear.scatter [tilespmem:s6], [sflag:$0x3], $0x8000, $0x38;
	[tilespmem:$0x10A00] =	vst v63  }
0x45: {  	_ =	swait.ge [sflag:s10], $0x8000  }
0x46: {  	[sflag:s10] =	ssyncset.done $0x0  }
0x47: {  	s25 =	sadd.s32 $0x1DA00, s31;
	[sflag:s10] =	ssyncadd.s32 $0xFFFF8000  }
0x48: {  	[hbm4b:s25+s2] =	stream.linear.scatter [tilespmem:s7], [sflag:$0x4], $0x8000, $0x38;
	[tilespmem:$0x10A00] =	vst v63  }
0x49: {  	_ =	swait.ge [sflag:s12], $0x8000  }
0x4a: {  	[sflag:s12] =	ssyncset.done $0x0  }
0x4b: {  	s26 =	simm.s32 $0x800;
	[sflag:s12] =	ssyncadd.s32 $0xFFFF8000  }
0x4c: {  	[tilespmem:s6], [sflag:$0x1] =	stream.indirect.gather [hbm4b:s4+s5], $0x80, s26, s5, $0xb8;
	[tilespmem:$0x10A00] =	vst v63  }
0x4d: {  	_ =	swait.ge [sflag:s13], $0x8000  }
0x4e: {  	[sflag:s13] =	ssyncset.done $0x0  }
0x4f: {  	s28 =	simm.s32 $0x900;
	[sflag:s13] =	ssyncadd.s32 $0xFFFF8000  }
0x50: {  	[tilespmem:s7], [sflag:$0x2] =	stream.indirect.gather [hbm4b:s4+s5], $0x80, s28, s5, $0xb8;
	[tilespmem:$0x10A00] =	vst v63  }
0x51: {  	_ =	swait.ge [sflag:s8], $0x8000  }
0x52: {  	s1 =	ssub.s32 $0x2, s30;
	s29 =	sadd.s32 $0x1EA00, s31;
	[sflag:s8] =	ssyncset.done $0x0  }
0x53: {  	s30 =	sadd.s32 $0x1FA00, s31;
	s31 =	sshrl.u32 s1, $0x1;
	[sflag:s8] =	ssyncadd.s32 $0xFFFF8000  }
0x54: {  	[hbm4b:s29+s2] =	stream.linear.scatter [tilespmem:s6], [sflag:$0x3], $0x8000, $0x38;
	[tilespmem:$0x10A00] =	vst v63  }
0x55: {  	s1 =	ssub.s32 s1, s31;
	_ =	swait.ge [sflag:s10], $0x8000  }
0x56: {  	s1 =	smax.u32 s1, $0x1;
	[sflag:s10] =	ssyncset.done $0x0  }
0x57: {  	p0 =	sne.s32 s1, $0x1;
	[sflag:s10] =	ssyncadd.s32 $0xFFFF8000  }
0x58: {  	[hbm4b:s30+s2] =	stream.linear.scatter [tilespmem:s7], [sflag:$0x4], $0x8000, $0x38;
	[tilespmem:$0x10A00] =	vst v63  }
.Ltmp0:
0x59: {  	_ =	swait.ge [sflag:s12], $0x8000;
	(pc) =	sbr.rel @!p0 .LBB2_2-.Ltmp0, $4  }
0x5a: {  	[sflag:s12] =	ssyncset.done $0x0  }
0x5b: {  	[sflag:s12] =	ssyncadd.s32 $0xFFFF8000  }
0x5c: {  	_ =	swait.ge [sflag:s13], $0x8000  }
0x5d: {  	s31 =	sadd.s32 $0xFFFFFFFF, s1;
	[sflag:s13] =	ssyncset.done $0x0  }
.LBB2_1:
0x5e: {  	s1 =	rddreg [dreg:$0x2];
	[sflag:s13] =	ssyncadd.s32 $0xFFFF8000  }
0x5f: {  	[tilespmem:s2], [sflag:$0x5] =	stream.linear.gather [hbm4b:s1+s2], $0xA00, $0x38;
	[tilespmem:$0x10A00] =	vst v63  }
0x60: {  	_ =	swait.ge [sflag:s3], $0xA00  }
0x61: {  	[sflag:s3] =	ssyncset.done $0x0  }
0x62: {  	[sflag:s3] =	ssyncadd.s32 $0xFFFFF600  }
0x63: {  	[tilespmem:s6], [sflag:$0x1] =	stream.indirect.gather [hbm4b:s4+s5], $0x80, s2, s5, $0xb8;
	[tilespmem:$0x10A00] =	vst v63  }
0x64: {  	_ = 	snop  }
0x65: {  	[tilespmem:s7], [sflag:$0x2] =	stream.indirect.gather [hbm4b:s4+s5], $0x80, s5, s5, $0xb8;
	[tilespmem:$0x10A00] =	vst v63  }
0x66: {  	_ =	swait.ge [sflag:s8], $0x8000  }
0x67: {  	[sflag:s8] =	ssyncset.done $0x0  }
0x68: {  	[sflag:s8] =	ssyncadd.s32 $0xFFFF8000  }
0x69: {  	[hbm4b:s9+s2] =	stream.linear.scatter [tilespmem:s6], [sflag:$0x3], $0x8000, $0x38;
	[tilespmem:$0x10A00] =	vst v63  }
0x6a: {  	_ =	swait.ge [sflag:s10], $0x8000  }
0x6b: {  	[sflag:s10] =	ssyncset.done $0x0  }
0x6c: {  	[sflag:s10] =	ssyncadd.s32 $0xFFFF8000  }
0x6d: {  	[hbm4b:s11+s2] =	stream.linear.scatter [tilespmem:s7], [sflag:$0x4], $0x8000, $0x38;
	[tilespmem:$0x10A00] =	vst v63  }
0x6e: {  	_ =	swait.ge [sflag:s12], $0x8000  }
0x6f: {  	[sflag:s12] =	ssyncset.done $0x0  }
0x70: {  	[sflag:s12] =	ssyncadd.s32 $0xFFFF8000  }
0x71: {  	[tilespmem:s6], [sflag:$0x1] =	stream.indirect.gather [hbm4b:s4+s5], $0x80, s14, s5, $0xb8;
	[tilespmem:$0x10A00] =	vst v63  }
0x72: {  	_ =	swait.ge [sflag:s13], $0x8000  }
0x73: {  	[sflag:s13] =	ssyncset.done $0x0  }
0x74: {  	[sflag:s13] =	ssyncadd.s32 $0xFFFF8000  }
0x75: {  	[tilespmem:s7], [sflag:$0x2] =	stream.indirect.gather [hbm4b:s4+s5], $0x80, s15, s5, $0xb8;
	[tilespmem:$0x10A00] =	vst v63  }
0x76: {  	_ =	swait.ge [sflag:s8], $0x8000  }
0x77: {  	[sflag:s8] =	ssyncset.done $0x0  }
0x78: {  	[sflag:s8] =	ssyncadd.s32 $0xFFFF8000  }
0x79: {  	[hbm4b:s16+s2] =	stream.linear.scatter [tilespmem:s6], [sflag:$0x3], $0x8000, $0x38;
	[tilespmem:$0x10A00] =	vst v63  }
0x7a: {  	_ =	swait.ge [sflag:s10], $0x8000  }
0x7b: {  	[sflag:s10] =	ssyncset.done $0x0  }
0x7c: {  	[sflag:s10] =	ssyncadd.s32 $0xFFFF8000  }
0x7d: {  	[hbm4b:s17+s2] =	stream.linear.scatter [tilespmem:s7], [sflag:$0x4], $0x8000, $0x38;
	[tilespmem:$0x10A00] =	vst v63  }
0x7e: {  	_ =	swait.ge [sflag:s12], $0x8000  }
0x7f: {  	[sflag:s12] =	ssyncset.done $0x0  }
0x80: {  	[sflag:s12] =	ssyncadd.s32 $0xFFFF8000  }
0x81: {  	[tilespmem:s6], [sflag:$0x1] =	stream.indirect.gather [hbm4b:s4+s5], $0x80, s18, s5, $0xb8;
	[tilespmem:$0x10A00] =	vst v63  }
0x82: {  	_ =	swait.ge [sflag:s13], $0x8000  }
0x83: {  	[sflag:s13] =	ssyncset.done $0x0  }
0x84: {  	[sflag:s13] =	ssyncadd.s32 $0xFFFF8000  }
0x85: {  	[tilespmem:s7], [sflag:$0x2] =	stream.indirect.gather [hbm4b:s4+s5], $0x80, s19, s5, $0xb8;
	[tilespmem:$0x10A00] =	vst v63  }
0x86: {  	_ =	swait.ge [sflag:s8], $0x8000  }
0x87: {  	[sflag:s8] =	ssyncset.done $0x0  }
0x88: {  	[sflag:s8] =	ssyncadd.s32 $0xFFFF8000  }
0x89: {  	[hbm4b:s20+s2] =	stream.linear.scatter [tilespmem:s6], [sflag:$0x3], $0x8000, $0x38;
	[tilespmem:$0x10A00] =	vst v63  }
0x8a: {  	_ =	swait.ge [sflag:s10], $0x8000  }
0x8b: {  	[sflag:s10] =	ssyncset.done $0x0  }
0x8c: {  	[sflag:s10] =	ssyncadd.s32 $0xFFFF8000  }
0x8d: {  	[hbm4b:s21+s2] =	stream.linear.scatter [tilespmem:s7], [sflag:$0x4], $0x8000, $0x38;
	[tilespmem:$0x10A00] =	vst v63  }
0x8e: {  	_ =	swait.ge [sflag:s12], $0x8000  }
0x8f: {  	[sflag:s12] =	ssyncset.done $0x0  }
0x90: {  	[sflag:s12] =	ssyncadd.s32 $0xFFFF8000  }
0x91: {  	[tilespmem:s6], [sflag:$0x1] =	stream.indirect.gather [hbm4b:s4+s5], $0x80, s22, s5, $0xb8;
	[tilespmem:$0x10A00] =	vst v63  }
0x92: {  	_ =	swait.ge [sflag:s13], $0x8000  }
0x93: {  	[sflag:s13] =	ssyncset.done $0x0  }
0x94: {  	[sflag:s13] =	ssyncadd.s32 $0xFFFF8000  }
0x95: {  	[tilespmem:s7], [sflag:$0x2] =	stream.indirect.gather [hbm4b:s4+s5], $0x80, s23, s5, $0xb8;
	[tilespmem:$0x10A00] =	vst v63  }
0x96: {  	_ =	swait.ge [sflag:s8], $0x8000  }
0x97: {  	[sflag:s8] =	ssyncset.done $0x0  }
0x98: {  	[sflag:s8] =	ssyncadd.s32 $0xFFFF8000  }
0x99: {  	[hbm4b:s24+s2] =	stream.linear.scatter [tilespmem:s6], [sflag:$0x3], $0x8000, $0x38;
	[tilespmem:$0x10A00] =	vst v63  }
0x9a: {  	_ =	swait.ge [sflag:s10], $0x8000  }
0x9b: {  	[sflag:s10] =	ssyncset.done $0x0  }
0x9c: {  	[sflag:s10] =	ssyncadd.s32 $0xFFFF8000  }
0x9d: {  	[hbm4b:s25+s2] =	stream.linear.scatter [tilespmem:s7], [sflag:$0x4], $0x8000, $0x38;
	[tilespmem:$0x10A00] =	vst v63  }
0x9e: {  	_ =	swait.ge [sflag:s12], $0x8000  }
0x9f: {  	[sflag:s12] =	ssyncset.done $0x0  }
0xa0: {  	[sflag:s12] =	ssyncadd.s32 $0xFFFF8000  }
0xa1: {  	[tilespmem:s6], [sflag:$0x1] =	stream.indirect.gather [hbm4b:s4+s5], $0x80, s26, s5, $0xb8;
	[tilespmem:$0x10A00] =	vst v63  }
0xa2: {  	_ =	swait.ge [sflag:s13], $0x8000  }
0xa3: {  	[sflag:s13] =	ssyncset.done $0x0  }
0xa4: {  	[sflag:s13] =	ssyncadd.s32 $0xFFFF8000  }
0xa5: {  	[tilespmem:s7], [sflag:$0x2] =	stream.indirect.gather [hbm4b:s4+s5], $0x80, s28, s5, $0xb8;
	[tilespmem:$0x10A00] =	vst v63  }
0xa6: {  	_ =	swait.ge [sflag:s8], $0x8000  }
0xa7: {  	[sflag:s8] =	ssyncset.done $0x0  }
0xa8: {  	[sflag:s8] =	ssyncadd.s32 $0xFFFF8000  }
0xa9: {  	[hbm4b:s29+s2] =	stream.linear.scatter [tilespmem:s6], [sflag:$0x3], $0x8000, $0x38;
	[tilespmem:$0x10A00] =	vst v63  }
0xaa: {  	_ =	swait.ge [sflag:s10], $0x8000  }
0xab: {  	[sflag:s10] =	ssyncset.done $0x0  }
0xac: {  	p0 =	sne.s32 s31, $0x1;
	[sflag:s10] =	ssyncadd.s32 $0xFFFF8000  }
0xad: {  	[hbm4b:s30+s2] =	stream.linear.scatter [tilespmem:s7], [sflag:$0x4], $0x8000, $0x38;
	[tilespmem:$0x10A00] =	vst v63  }
.Ltmp1:
0xae: {  	_ =	swait.ge [sflag:s12], $0x8000;
	(pc) =	sbr.rel @p0 .LBB2_1-.Ltmp1, $4  }
0xaf: {  	[sflag:s12] =	ssyncset.done $0x0  }
0xb0: {  	[sflag:s12] =	ssyncadd.s32 $0xFFFF8000  }
0xb1: {  	_ =	swait.ge [sflag:s13], $0x8000  }
0xb2: {  	s31 =	sadd.s32 $0xFFFFFFFF, s31;
	[sflag:s13] =	ssyncset.done $0x0  }
.LBB2_2:
0xb3: {  	[sflag:s13] =	ssyncadd.s32 $0xFFFF8000  }
0xb4: {  	_ =	sfence.sel $0x180000  }
0xb5: {  	[bflag:$0x0] =	sbarrier.arrive $0xFFFF  }
0xb6: {  	_ =	strace $0x90000050  }
0xb7: {  	[bflag:$0x2] =	sbarrier.arrive $0xFFFF  }
0xb8: {  	p0 =	sne.s32 s0, $0x0;
	s0 =	rddreg [dreg:$0x1]  }
0xb9: {  	s0 =	sadd.s32 @!p0 $0x100000, s0  }
0xba: {  	[sflag:s0] =	ssyncadd.tile.s32 @!p0 $0x1;
	_ =	shalt  }
.Lfunc_end2:
_tile_overlayer_lowered:
.L_overlay_start_2:
0xbb: {  	(tag) =	ssettag $0x2  }
0xbc: {  	s0 =	rddreg [dreg:$0x0];
	s2 =	stileid.u32  }
0xbd: {  	s1 =	rddreg [dreg:$0x1];
	p0 =	sne.s32 s2, $0x0  }
0xbe: {  	s3 =	rddreg [dreg:$0x2];
	[bflag:$0x3] =	sbarrier.arrive $0xFFFF;
	s2 =	simm.s32 @!p0 $0x1C05  }
0xbf: {  	[timem:s3], [sflag:s2] =	dma.local @!p0 [hbm:s0], s1  }
0xc0: {  	s0 =	simm.s32 @!p0 $0x5  }
0xc1: {  	_ =	swait.ge @!p0 [sflag:s0], s1  }
0xc2: {  	s1 =	ssub.s32 @!p0 $0x0, s1;
	[sflag:s0] =	ssyncset.done @!p0 $0x0  }
0xc3: {  	[sflag:s0] =	ssyncadd.s32 @!p0 s1  }
0xc4: {  	[bflag:$0x3] =	sbarrier.arrive $0xFFFF  }
0xc5: {  	_ =	shalt  }

</sc_bundles>
